<compile_context>
chip_gen: v7x
topology: tpu7x:2x2x1
jax: 0.10.2.dev20260603
libtpu: 0.0.44.dev20260713+nightly
codegen_flags: <defaults>
</compile_context>

<pallas_src>
import functools

import jax
import jax.numpy as jnp
from jax import lax
from jax.experimental import pallas as pl
from jax.experimental.pallas import tpu as pltpu
from jax.experimental.pallas import tpu_sc as plsc

_N = 10000
_E2 = 320000
_EU = 160000
_DH = 128
_HD = 64
_DE = 16
_G = 16

_NC = 2
_NS = 16
_NW = _NC * _NS
_CH = 128

_KB = 4
_SB = _KB * _CH

_S2 = 40
_PW2 = _S2 * _SB
_E2P = _NS * _PW2

_KA = 8
_SA = _KA * _CH
_S1 = 5
_PW1 = _S1 * _SA
_E1P = _NW * _PW1

_RPT = 632
_NPAD = _NS * _RPT
_WA = 32

_BR = 1000
_NB = _N // _BR

_mesh = plsc.VectorSubcoreMesh(core_axis_name="c", subcore_axis_name="s")


@functools.partial(
    pl.kernel,
    out_type=jax.ShapeDtypeStruct((_NC * _NPAD, _WA), jnp.float32),
    mesh=_mesh,
    scratch_types=[
        pltpu.VMEM_SHARED((_NPAD, _WA), jnp.float32),
        pltpu.VMEM((_KA, _CH), jnp.int32),
        pltpu.VMEM((_KA, _CH), jnp.int32),
        pltpu.VMEM((_SA, _WA), jnp.float32),
        pltpu.SemaphoreType.DMA,
    ],
    compiler_params=pltpu.CompilerParams(use_tc_tiling_on_sc=False),
)
def _sc_edge_attr_deg(ea_h, de_h, do_h, z_h, out_h, acc_sh, de_v, do_v,
                      ea_v, sem):
    cid = lax.axis_index("c")
    sid = lax.axis_index("s")
    wid = sid * _NC + cid
    r0 = sid * _RPT
    pltpu.sync_copy(z_h, acc_sh.at[pl.ds(r0, _RPT)])
    plsc.subcore_barrier()

    def step(g, carry):
        base = wid * _PW1 + g * _SA
        rb = wid * (_PW1 // _CH) + g * _KA
        pltpu.sync_copy(ea_h.at[pl.ds(base, _SA)], ea_v)
        pltpu.sync_copy(de_h.at[pl.ds(rb, _KA)], de_v)
        pltpu.sync_copy(do_h.at[pl.ds(rb, _KA)], do_v)
        descs = (
            [pltpu.async_copy(ea_v.at[pl.ds(j * _CH, _CH)],
                              acc_sh.at[de_v.at[j]], sem, add=True)
             for j in range(_KA)]
            + [pltpu.async_copy(ea_v.at[pl.ds(j * _CH, _CH)],
                                acc_sh.at[do_v.at[j]], sem, add=True)
               for j in range(_KA)])
        for d in descs:
            d.wait()
        return carry

    lax.fori_loop(0, _S1, step, 0)
    plsc.subcore_barrier()
    pltpu.sync_copy(acc_sh.at[pl.ds(r0, _RPT)],
                    out_h.at[pl.ds(cid * _NPAD + r0, _RPT)])


@functools.partial(
    pl.kernel,
    out_type=jax.ShapeDtypeStruct((_NC * _NPAD, _HD), jnp.bfloat16),
    mesh=_mesh,
    scratch_types=[
        pltpu.VMEM_SHARED((_NPAD, _HD), jnp.bfloat16),
        pltpu.VMEM((_KB, _CH), jnp.int32),
        pltpu.VMEM((_KB, _CH), jnp.int32),
        pltpu.VMEM((_KB, _CH), jnp.int32),
        pltpu.VMEM((_KB, _CH), jnp.int32),
        pltpu.VMEM((_KB, _CH, _HD), jnp.bfloat16),
        pltpu.VMEM((_KB, _CH, _HD), jnp.bfloat16),
        pltpu.SemaphoreType.DMA,
        pltpu.SemaphoreType.DMA,
        pltpu.SemaphoreType.DMA,
    ],
    compiler_params=pltpu.CompilerParams(use_tc_tiling_on_sc=False),
)
def _sc_gather_scatter(table_h, src_h, dst_h, z_h, out_h, acc_sh,
                       src_a, dst_a, src_b, dst_b, rows_a, rows_b,
                       gsem, ssem, isem):
    cid = lax.axis_index("c")
    sid = lax.axis_index("s")
    r0 = sid * _RPT
    pltpu.sync_copy(z_h, acc_sh.at[pl.ds(r0, _RPT)])
    plsc.subcore_barrier()

    cbase = cid * (_E2P // _CH)
    tbase = sid * (_PW2 // _CH)

    def load_idx(g, sv, dv):
        rb = tbase + g * _KB
        da = pltpu.async_copy(src_h.at[pl.ds(cbase + rb, _KB)], sv, isem)
        db = pltpu.async_copy(dst_h.at[pl.ds(rb, _KB)], dv, isem)
        return da, db

    def fire_gathers(sv, rows):
        for j in range(_KB):
            pltpu.async_copy(table_h.at[sv.at[j]], rows.at[j], gsem)

    def drain_gathers(sv, rows):
        for j in range(_KB):
            pltpu.make_async_copy(table_h.at[sv.at[j]], rows.at[j],
                                  gsem).wait()

    def fire_scatters(dv, rows):
        for j in range(_KB):
            pltpu.async_copy(rows.at[j], acc_sh.at[dv.at[j]], ssem, add=True)

    def drain_scatters(dv, rows):
        for j in range(_KB):
            pltpu.make_async_copy(rows.at[j], acc_sh.at[dv.at[j]],
                                  ssem).wait()

    da, db = load_idx(0, src_a, dst_a)
    da.wait()
    db.wait()
    fire_gathers(src_a, rows_a)

    def step(i, carry):
        drain_gathers(src_a, rows_a)

        @pl.when(i > 0)
        def _():
            drain_scatters(dst_b, rows_b)

        da, db = load_idx(2 * i + 1, src_b, dst_b)
        fire_scatters(dst_a, rows_a)
        da.wait()
        db.wait()
        fire_gathers(src_b, rows_b)

        drain_gathers(src_b, rows_b)
        drain_scatters(dst_a, rows_a)

        @pl.when(i < _S2 // 2 - 1)
        def _():
            da2, db2 = load_idx(2 * i + 2, src_a, dst_a)
            fire_scatters(dst_b, rows_b)
            da2.wait()
            db2.wait()
            fire_gathers(src_a, rows_a)

        @pl.when(i == _S2 // 2 - 1)
        def _():
            fire_scatters(dst_b, rows_b)

        return carry

    lax.fori_loop(0, _S2 // 2, step, 0)
    drain_scatters(dst_b, rows_b)
    plsc.subcore_barrier()
    pltpu.sync_copy(acc_sh.at[pl.ds(r0, _RPT)],
                    out_h.at[pl.ds(cid * _NPAD + r0, _RPT)])


def _tc_pre_body(x_r, wg_r, acca_r, we_r, wl_r, be_r, bl_r,
                 hs_r, hsf_r, dinv_r, base2_r):
    acc = acca_r[0] + acca_r[1]
    cnt = acc[:, 16:17] + 1.0
    dinv = lax.rsqrt(cnt)
    h = jnp.dot(x_r[...], wg_r[...], preferred_element_type=jnp.float32)
    hs = h * dinv
    hsb = hs.astype(jnp.bfloat16)
    hs_r[0] = hsb[:, :_HD]
    hs_r[1] = hsb[:, _HD:]
    hsf_r[...] = hs
    dinv_r[...] = jnp.broadcast_to(dinv, (_BR, _DH))
    wl = wl_r[...]
    wl_bot = wl[_DH:, :]
    m = jnp.dot(we_r[...], wl_bot, preferred_element_type=jnp.float32)
    cvec = jnp.dot(be_r[...], wl_bot,
                   preferred_element_type=jnp.float32) + bl_r[...]
    svec = jnp.sum(m, axis=0, keepdims=True)
    base2_r[...] = (jnp.dot(acc[:, :_DE], m, preferred_element_type=jnp.float32)
                    + cnt * cvec + svec)


def _tc_pre(x, wg, acca, we, wl, be2, bl2):
    return pl.pallas_call(
        _tc_pre_body,
        grid=(_NB,),
        in_specs=[
            pl.BlockSpec((_BR, _DH), lambda i: (i, 0)),
            pl.BlockSpec((_DH, _DH), lambda i: (0, 0)),
            pl.BlockSpec((_NC, _BR, _WA), lambda i: (0, i, 0)),
            pl.BlockSpec((_DE, _DH), lambda i: (0, 0)),
            pl.BlockSpec((2 * _DH, _DH), lambda i: (0, 0)),
            pl.BlockSpec((1, _DH), lambda i: (0, 0)),
            pl.BlockSpec((1, _DH), lambda i: (0, 0)),
        ],
        out_specs=[
            pl.BlockSpec((_NC, _BR, _HD), lambda i: (0, i, 0)),
            pl.BlockSpec((_BR, _DH), lambda i: (i, 0)),
            pl.BlockSpec((_BR, _DH), lambda i: (i, 0)),
            pl.BlockSpec((_BR, _DH), lambda i: (i, 0)),
        ],
        out_shape=[
            jax.ShapeDtypeStruct((_NC, _N, _HD), jnp.bfloat16),
            jax.ShapeDtypeStruct((_N, _DH), jnp.float32),
            jax.ShapeDtypeStruct((_N, _DH), jnp.float32),
            jax.ShapeDtypeStruct((_N, _DH), jnp.float32),
        ],
    )(x, wg, acca, we, wl, be2, bl2)


def _tc_mid_body(acc1_r, hsf_r, dinv_r, wl_r, bg_r, t_r, tf_r):
    acc1 = jnp.concatenate([acc1_r[0], acc1_r[1]],
                           axis=1).astype(jnp.float32)
    pre = dinv_r[...] * (acc1 + hsf_r[...]) + bg_r[...]
    out1 = jnp.maximum(pre, 0.0)
    wl_top = wl_r[...][:_DH, :]
    t = jnp.dot(out1, wl_top, preferred_element_type=jnp.float32)
    tb = t.astype(jnp.bfloat16)
    t_r[0] = tb[:, :_HD]
    t_r[1] = tb[:, _HD:]
    tf_r[...] = t


def _tc_mid(acc1, hsf, dinvb, wl, bg2):
    return pl.pallas_call(
        _tc_mid_body,
        grid=(_NB,),
        in_specs=[
            pl.BlockSpec((_NC, _BR, _HD), lambda i: (0, i, 0)),
            pl.BlockSpec((_BR, _DH), lambda i: (i, 0)),
            pl.BlockSpec((_BR, _DH), lambda i: (i, 0)),
            pl.BlockSpec((2 * _DH, _DH), lambda i: (0, 0)),
            pl.BlockSpec((1, _DH), lambda i: (0, 0)),
        ],
        out_specs=[
            pl.BlockSpec((_NC, _BR, _HD), lambda i: (0, i, 0)),
            pl.BlockSpec((_BR, _DH), lambda i: (i, 0)),
        ],
        out_shape=[
            jax.ShapeDtypeStruct((_NC, _N, _HD), jnp.bfloat16),
            jax.ShapeDtypeStruct((_N, _DH), jnp.float32),
        ],
    )(acc1, hsf, dinvb, wl, bg2)


def _tc_post_body(acc2_r, t_r, base2_r, batch_r, wo_r, bo_r, out_r,
                  seg_acc, cnt_acc):
    i = pl.program_id(0)
    acc2 = jnp.concatenate([acc2_r[0], acc2_r[1]],
                           axis=1).astype(jnp.float32)
    out2 = jnp.maximum(acc2 + t_r[...] + base2_r[...], 0.0)
    oh = (lax.broadcasted_iota(jnp.int32, (_G, _BR), 0)
          == batch_r[0]).astype(jnp.float32)

    @pl.when(i == 0)
    def _():
        seg_acc[...] = jnp.zeros((_G, _DH), jnp.float32)
        cnt_acc[...] = jnp.zeros((_G, _DH), jnp.float32)

    seg_acc[...] += jnp.dot(oh, out2, preferred_element_type=jnp.float32)
    cnt_acc[...] += jnp.broadcast_to(
        jnp.sum(oh, axis=1, keepdims=True), (_G, _DH))
    pooled = seg_acc[...] / jnp.maximum(cnt_acc[...], 1.0)
    out_r[...] = jnp.dot(pooled, wo_r[...],
                         preferred_element_type=jnp.float32) + bo_r[...]


def _tc_post(acc2, tf, base2, batchr, wo, bo2):
    return pl.pallas_call(
        _tc_post_body,
        grid=(_NB,),
        in_specs=[
            pl.BlockSpec((_NC, _BR, _HD), lambda i: (0, i, 0)),
            pl.BlockSpec((_BR, _DH), lambda i: (i, 0)),
            pl.BlockSpec((_BR, _DH), lambda i: (i, 0)),
            pl.BlockSpec((1, 1, _BR), lambda i: (i, 0, 0)),
            pl.BlockSpec((_DH, _DH), lambda i: (0, 0)),
            pl.BlockSpec((1, _DH), lambda i: (0, 0)),
        ],
        out_specs=pl.BlockSpec((_G, _DH), lambda i: (0, 0)),
        out_shape=jax.ShapeDtypeStruct((_G, _DH), jnp.float32),
        scratch_shapes=[
            pltpu.VMEM((_G, _DH), jnp.float32),
            pltpu.VMEM((_G, _DH), jnp.float32),
        ],
    )(acc2, tf, base2, batchr, wo, bo2)


def kernel(x, edge_index, edge_attr, batch, Wg, bg, We, be, Wl, bl, Wo, bo):
    src = edge_index[0].astype(jnp.int32)
    dst = edge_index[1].astype(jnp.int32)

    pad2 = _E2P - _E2
    srcp = jnp.concatenate([src, jnp.zeros((pad2,), jnp.int32)])
    dstp = jnp.concatenate([dst, jnp.full((pad2,), _N, jnp.int32)])
    src2 = jnp.concatenate([srcp, srcp + _N]).reshape(2 * _E2P // _CH, _CH)
    dstm = dstp.reshape(_E2P // _CH, _CH)

    de = dst[0::2]
    do = dst[1::2]
    pad1 = _E1P - _EU
    dep = jnp.concatenate(
        [de, jnp.full((pad1,), _N, jnp.int32)]).reshape(_E1P // _CH, _CH)
    dop = jnp.concatenate(
        [do, jnp.full((pad1,), _N, jnp.int32)]).reshape(_E1P // _CH, _CH)
    eap = jnp.concatenate(
        [edge_attr, jnp.ones((_EU, 1), jnp.float32),
         jnp.zeros((_EU, _WA - _DE - 1), jnp.float32)], axis=1)
    eap = jnp.concatenate([eap, jnp.zeros((pad1, _WA), jnp.float32)], axis=0)

    z64 = jnp.zeros((_RPT, _HD), jnp.bfloat16)
    z32 = jnp.zeros((_RPT, _WA), jnp.float32)

    acca = _sc_edge_attr_deg(eap, dep, dop, z32)
    acca = acca.reshape(_NC, _NPAD, _WA)[:, :_N, :]

    be2 = be.reshape(1, _DH)
    bl2 = bl.reshape(1, _DH)
    bg2 = bg.reshape(1, _DH)
    bo2 = bo.reshape(1, _DH)

    hs_s, hsf, dinvb, base2 = _tc_pre(x, Wg, acca, We, Wl, be2, bl2)

    acc1 = _sc_gather_scatter(hs_s.reshape(_NC * _N, _HD), src2, dstm, z64)
    acc1 = acc1.reshape(_NC, _NPAD, _HD)[:, :_N, :]

    t_s, tf = _tc_mid(acc1, hsf, dinvb, Wl, bg2)

    acc2 = _sc_gather_scatter(t_s.reshape(_NC * _N, _HD), src2, dstm, z64)
    acc2 = acc2.reshape(_NC, _NPAD, _HD)[:, :_N, :]

    batchr = batch.astype(jnp.int32).reshape(_NB, 1, _BR)
    return _tc_post(acc2, tf, base2, batchr, Wo, bo2)

# --- scband reference (transcript-rebuilt; emitter-appended) ---
"""Pipeline reference for scband-graph-encoder-42013370089719 (READ-ONLY COPY).

The authoritative reference and input builder live on the scoring server;
editing this copy changes nothing except your own understanding.
"""

import jax, jax.numpy as jnp
import numpy as np

N = 10000
E_UNI = 160000
D_V = 128
D_E = 16
D_H = 128
D_OUT = 128
NUM_GRAPHS = 16


def _linear_params(k, fan_in, fan_out):
    bound = 1.0 / np.sqrt(fan_in)
    k1, k2 = jax.random.split(k)
    W = jax.random.uniform(k1, (fan_in, fan_out), minval=-bound, maxval=bound, dtype=jnp.float32)
    b = jax.random.uniform(k2, (fan_out,), minval=-bound, maxval=bound, dtype=jnp.float32)
    return W, b


def setup_inputs(seed: int = 0) -> dict:
    key = jax.random.key(seed)
    ks = jax.random.split(key, 8)
    x = jax.random.normal(ks[0], (N, D_V), dtype=jnp.float32)
    edge_index = jax.random.randint(ks[1], (2, 2 * E_UNI), 0, N)
    edge_attr = jax.random.normal(ks[2], (E_UNI, D_E), dtype=jnp.float32)
    batch = jnp.sort(jax.random.randint(ks[3], (N,), 0, NUM_GRAPHS))
    Wg, bg = _linear_params(ks[4], D_V, D_H)
    We, be = _linear_params(ks[5], D_E, D_H)
    Wl, bl = _linear_params(ks[6], 2 * D_H, D_H)
    Wo, bo = _linear_params(ks[7], D_H, D_OUT)
    return {"x": x, "edge_index": edge_index, "edge_attr": edge_attr, "batch": batch,
            "Wg": Wg, "bg": bg, "We": We, "be": be, "Wl": Wl, "bl": bl, "Wo": Wo, "bo": bo}


def reference(x, edge_index, edge_attr, batch, Wg, bg, We, be, Wl, bl, Wo, bo):
    n = x.shape[0]
    loop = jnp.arange(n, dtype=edge_index.dtype)
    src = jnp.concatenate([edge_index[0], loop])
    dst = jnp.concatenate([edge_index[1], loop])
    # --- GCNConv(d_v -> d_h) with symmetric normalization and self loops ---
    deg = jnp.zeros((n,), dtype=x.dtype).at[dst].add(1.0)
    dinv = jnp.where(deg > 0, 1.0 / jnp.sqrt(jnp.maximum(deg, 1e-12)), 0.0)
    norm = dinv[src] * dinv[dst]
    h = x @ Wg
    out1 = jnp.zeros((n, D_H), dtype=x.dtype).at[dst].add(h[src] * norm[:, None]) + bg
    out1 = jax.nn.relu(out1)
    # --- EdgeGCN: duplicate edge_attr for both directions, add self loops (fill=1.0) ---
    ea = jnp.repeat(edge_attr, 2, axis=0)  # matches edge_attr.repeat(1,2).reshape(2E, d_e)
    ea_full = jnp.concatenate([ea, jnp.ones((n, D_E), dtype=x.dtype)], axis=0)
    edge_feat = ea_full @ We + be
    x_j = out1[src]
    msg = jnp.concatenate([x_j, edge_feat], axis=-1) @ Wl + bl
    out2 = jnp.zeros((n, D_H), dtype=x.dtype).at[dst].add(msg)  # aggr='add'
    out2 = jax.nn.relu(out2)
    # --- global_mean_pool over batch ---
    seg_sum = jax.ops.segment_sum(out2, batch, num_segments=NUM_GRAPHS)
    cnt = jax.ops.segment_sum(jnp.ones((n,), dtype=x.dtype), batch, num_segments=NUM_GRAPHS)
    pooled = seg_sum / jnp.maximum(cnt, 1.0)[:, None]
    # --- final linear ---
    return pooled @ Wo + bo

if __name__ == "__main__":
    import jax
    _d = setup_inputs()
    print(jax.jit(kernel)(*tuple(_d.values())))

</pallas_src>

<mosaic_0001>
#map = affine_map<(d0, d1) -> (0, 0)>
module attributes {stable_mosaic.version = 14 : i64} {
  func.func @_sc_gather_scatter(%arg0: i32, %arg1: i32, %arg2: memref<20000x64xbf16, #tpu.memory_space<hbm>>, %arg3: memref<5120x128xi32, #tpu.memory_space<hbm>>, %arg4: memref<2560x128xi32, #tpu.memory_space<hbm>>, %arg5: memref<632x64xbf16, #tpu.memory_space<hbm>>, %arg6: memref<20224x64xbf16, #tpu.memory_space<hbm>>, %arg7: memref<10112x64xbf16, #tpu.memory_space<vmem_shared>>, %arg8: memref<4x128xi32, #tpu.memory_space<vmem>>, %arg9: memref<4x128xi32, #tpu.memory_space<vmem>>, %arg10: memref<4x128xi32, #tpu.memory_space<vmem>>, %arg11: memref<4x128xi32, #tpu.memory_space<vmem>>, %arg12: memref<4x128x64xbf16, #tpu.memory_space<vmem>>, %arg13: memref<4x128x64xbf16, #tpu.memory_space<vmem>>, %arg14: memref<!tpu.dma_semaphore, #tpu.memory_space<semaphore_mem>>, %arg15: memref<!tpu.dma_semaphore, #tpu.memory_space<semaphore_mem>>, %arg16: memref<!tpu.dma_semaphore, #tpu.memory_space<semaphore_mem>>) attributes {dimension_semantics = [#tpu.dimension_semantics<core_parallel>, #tpu.dimension_semantics<subcore_parallel>], iteration_bounds = array<i64: 2, 16>, scalar_prefetch = 0 : i64, scratch_operands = 10 : i64, tpu.core_type = #tpu.core_type<sc_vector_subcore>, window_params = [{transform_indices = #map}, {transform_indices = #map}, {transform_indices = #map}, {transform_indices = #map}, {transform_indices = #map}]} {
    %mul3A = arith.constant 632 : i32
    %mul3A_0 = arith.muli %arg1, %mul3A : i32
    "tpu.region"() ({
      %run_scoped3A = tpu.sem_alloc : memref<!tpu.dma_semaphore, #tpu.memory_space<semaphore_mem>>
      %dma_start3A_126 = arith.constant 0 : i32
      %dma_start3A_127 = tpu.memref_slice %arg7[%mul3A_0, %dma_start3A_126] : memref<10112x64xbf16, #tpu.memory_space<vmem_shared>> -> memref<632x64xbf16, #tpu.memory_space<vmem_shared>>
      tpu.enqueue_dma source(%arg5 : memref<632x64xbf16, #tpu.memory_space<hbm>>) target(%dma_start3A_127 : memref<632x64xbf16, #tpu.memory_space<vmem_shared>>) target_semaphore(%run_scoped3A : memref<!tpu.dma_semaphore, #tpu.memory_space<semaphore_mem>>)
      %dma_wait3A_128 = arith.constant 0 : i32
      %dma_wait3A_129 = tpu.memref_slice %arg7[%mul3A_0, %dma_wait3A_128] : memref<10112x64xbf16, #tpu.memory_space<vmem_shared>> -> memref<632x64xbf16, #tpu.memory_space<vmem_shared>>
      tpu.wait_dma2 semaphore(%run_scoped3A : memref<!tpu.dma_semaphore, #tpu.memory_space<semaphore_mem>>) src(%arg5 : memref<632x64xbf16, #tpu.memory_space<hbm>>) dst(%dma_wait3A_129 : memref<632x64xbf16, #tpu.memory_space<vmem_shared>>)
      tpu.yield
    }) : () -> ()
    %barrier3A = arith.constant 0 : index
    tpu.barrier barrier_id(%barrier3A)
    %mul3A_1 = arith.constant 2560 : i32
    %mul3A_2 = arith.muli %arg0, %mul3A_1 : i32
    %mul3A_3 = arith.constant 160 : i32
    %mul3A_4 = arith.muli %arg1, %mul3A_3 : i32
    %add3A = arith.constant 0 : i32
    %add3A_5 = arith.addi %mul3A_4, %add3A : i32
    %add3A_6 = arith.addi %mul3A_2, %add3A_5 : i32
    %dma_start3A = arith.constant 0 : i32
    %dma_start3A_7 = tpu.memref_slice %arg3[%add3A_6, %dma_start3A] : memref<5120x128xi32, #tpu.memory_space<hbm>> -> memref<4x128xi32, #tpu.memory_space<hbm>>
    %dma_start3A_8 = arith.constant 0 : i32
    %dma_start3A_9 = tpu.memref_slice %arg3[%add3A_6, %dma_start3A_8] : memref<5120x128xi32, #tpu.memory_space<hbm>> -> memref<4x128xi32, #tpu.memory_space<hbm>>
    tpu.enqueue_dma source(%dma_start3A_9 : memref<4x128xi32, #tpu.memory_space<hbm>>) target(%arg8 : memref<4x128xi32, #tpu.memory_space<vmem>>) target_semaphore(%arg16 : memref<!tpu.dma_semaphore, #tpu.memory_space<semaphore_mem>>)
    %dma_start3A_10 = arith.constant 0 : i32
    %dma_start3A_11 = tpu.memref_slice %arg4[%add3A_5, %dma_start3A_10] : memref<2560x128xi32, #tpu.memory_space<hbm>> -> memref<4x128xi32, #tpu.memory_space<hbm>>
    %dma_start3A_12 = arith.constant 0 : i32
    %dma_start3A_13 = tpu.memref_slice %arg4[%add3A_5, %dma_start3A_12] : memref<2560x128xi32, #tpu.memory_space<hbm>> -> memref<4x128xi32, #tpu.memory_space<hbm>>
    tpu.enqueue_dma source(%dma_start3A_13 : memref<4x128xi32, #tpu.memory_space<hbm>>) target(%arg9 : memref<4x128xi32, #tpu.memory_space<vmem>>) target_semaphore(%arg16 : memref<!tpu.dma_semaphore, #tpu.memory_space<semaphore_mem>>)
    %dma_wait3A = arith.constant 0 : i32
    %dma_wait3A_14 = tpu.memref_slice %arg3[%add3A_6, %dma_wait3A] : memref<5120x128xi32, #tpu.memory_space<hbm>> -> memref<4x128xi32, #tpu.memory_space<hbm>>
    %dma_wait3A_15 = arith.constant 0 : i32
    %dma_wait3A_16 = tpu.memref_slice %arg3[%add3A_6, %dma_wait3A_15] : memref<5120x128xi32, #tpu.memory_space<hbm>> -> memref<4x128xi32, #tpu.memory_space<hbm>>
    tpu.wait_dma2 semaphore(%arg16 : memref<!tpu.dma_semaphore, #tpu.memory_space<semaphore_mem>>) src(%dma_wait3A_16 : memref<4x128xi32, #tpu.memory_space<hbm>>) dst(%arg8 : memref<4x128xi32, #tpu.memory_space<vmem>>)
    %dma_wait3A_17 = arith.constant 0 : i32
    %dma_wait3A_18 = tpu.memref_slice %arg4[%add3A_5, %dma_wait3A_17] : memref<2560x128xi32, #tpu.memory_space<hbm>> -> memref<4x128xi32, #tpu.memory_space<hbm>>
    %dma_wait3A_19 = arith.constant 0 : i32
    %dma_wait3A_20 = tpu.memref_slice %arg4[%add3A_5, %dma_wait3A_19] : memref<2560x128xi32, #tpu.memory_space<hbm>> -> memref<4x128xi32, #tpu.memory_space<hbm>>
    tpu.wait_dma2 semaphore(%arg16 : memref<!tpu.dma_semaphore, #tpu.memory_space<semaphore_mem>>) src(%dma_wait3A_20 : memref<4x128xi32, #tpu.memory_space<hbm>>) dst(%arg9 : memref<4x128xi32, #tpu.memory_space<vmem>>)
    %dma_start3A_21 = arith.constant 0 : i32
    %dma_start3A_22 = arith.constant 0 : i32
    %dma_start3A_23 = arith.constant 0 : i32
    %dma_start3A_24 = arith.constant 0 : i32
    %dma_start3A_25 = tpu.memref_slice %arg12[%dma_start3A_22, %dma_start3A_23, %dma_start3A_24] : memref<4x128x64xbf16, #tpu.memory_space<vmem>> -> memref<1x128x64xbf16, #tpu.memory_space<vmem>>
    %dma_start3A_26 = tpu.memref_squeeze %dma_start3A_25 : memref<1x128x64xbf16, #tpu.memory_space<vmem>> -> memref<128x64xbf16, #tpu.memory_space<vmem>>
    %dma_start3A_27 = arith.constant 0 : i32
    %dma_start3A_28 = tpu.memref_slice %arg8[%dma_start3A_21, %dma_start3A_27] : memref<4x128xi32, #tpu.memory_space<vmem>> -> memref<1x128xi32, #tpu.memory_space<vmem>>
    %dma_start3A_29 = tpu.memref_squeeze %dma_start3A_28 : memref<1x128xi32, #tpu.memory_space<vmem>> -> memref<128xi32, #tpu.memory_space<vmem>>
    %dma_start3A_30 = arith.constant 0 : i32
    %dma_start3A_31 = arith.constant 0 : i32
    %dma_start3A_32 = tpu.memref_slice %arg2[%dma_start3A_30, %dma_start3A_31] : memref<20000x64xbf16, #tpu.memory_space<hbm>> -> memref<20000x64xbf16, #tpu.memory_space<hbm>>
    tpu.enqueue_indirect_dma source(%dma_start3A_32 : memref<20000x64xbf16, #tpu.memory_space<hbm>>) target(%dma_start3A_26 : memref<128x64xbf16, #tpu.memory_space<vmem>>) offsets(%dma_start3A_29 : memref<128xi32, #tpu.memory_space<vmem>>) semaphore(%arg14 : memref<!tpu.dma_semaphore, #tpu.memory_space<semaphore_mem>>)
    %dma_start3A_33 = arith.constant 1 : i32
    %dma_start3A_34 = arith.constant 1 : i32
    %dma_start3A_35 = arith.constant 0 : i32
    %dma_start3A_36 = arith.constant 0 : i32
    %dma_start3A_37 = tpu.memref_slice %arg12[%dma_start3A_34, %dma_start3A_35, %dma_start3A_36] : memref<4x128x64xbf16, #tpu.memory_space<vmem>> -> memref<1x128x64xbf16, #tpu.memory_space<vmem>>
    %dma_start3A_38 = tpu.memref_squeeze %dma_start3A_37 : memref<1x128x64xbf16, #tpu.memory_space<vmem>> -> memref<128x64xbf16, #tpu.memory_space<vmem>>
    %dma_start3A_39 = arith.constant 0 : i32
    %dma_start3A_40 = tpu.memref_slice %arg8[%dma_start3A_33, %dma_start3A_39] : memref<4x128xi32, #tpu.memory_space<vmem>> -> memref<1x128xi32, #tpu.memory_space<vmem>>
    %dma_start3A_41 = tpu.memref_squeeze %dma_start3A_40 : memref<1x128xi32, #tpu.memory_space<vmem>> -> memref<128xi32, #tpu.memory_space<vmem>>
    %dma_start3A_42 = arith.constant 0 : i32
    %dma_start3A_43 = arith.constant 0 : i32
    %dma_start3A_44 = tpu.memref_slice %arg2[%dma_start3A_42, %dma_start3A_43] : memref<20000x64xbf16, #tpu.memory_space<hbm>> -> memref<20000x64xbf16, #tpu.memory_space<hbm>>
    tpu.enqueue_indirect_dma source(%dma_start3A_44 : memref<20000x64xbf16, #tpu.memory_space<hbm>>) target(%dma_start3A_38 : memref<128x64xbf16, #tpu.memory_space<vmem>>) offsets(%dma_start3A_41 : memref<128xi32, #tpu.memory_space<vmem>>) semaphore(%arg14 : memref<!tpu.dma_semaphore, #tpu.memory_space<semaphore_mem>>)
    %dma_start3A_45 = arith.constant 2 : i32
    %dma_start3A_46 = arith.constant 2 : i32
    %dma_start3A_47 = arith.constant 0 : i32
    %dma_start3A_48 = arith.constant 0 : i32
    %dma_start3A_49 = tpu.memref_slice %arg12[%dma_start3A_46, %dma_start3A_47, %dma_start3A_48] : memref<4x128x64xbf16, #tpu.memory_space<vmem>> -> memref<1x128x64xbf16, #tpu.memory_space<vmem>>
    %dma_start3A_50 = tpu.memref_squeeze %dma_start3A_49 : memref<1x128x64xbf16, #tpu.memory_space<vmem>> -> memref<128x64xbf16, #tpu.memory_space<vmem>>
    %dma_start3A_51 = arith.constant 0 : i32
    %dma_start3A_52 = tpu.memref_slice %arg8[%dma_start3A_45, %dma_start3A_51] : memref<4x128xi32, #tpu.memory_space<vmem>> -> memref<1x128xi32, #tpu.memory_space<vmem>>
    %dma_start3A_53 = tpu.memref_squeeze %dma_start3A_52 : memref<1x128xi32, #tpu.memory_space<vmem>> -> memref<128xi32, #tpu.memory_space<vmem>>
    %dma_start3A_54 = arith.constant 0 : i32
    %dma_start3A_55 = arith.constant 0 : i32
    %dma_start3A_56 = tpu.memref_slice %arg2[%dma_start3A_54, %dma_start3A_55] : memref<20000x64xbf16, #tpu.memory_space<hbm>> -> memref<20000x64xbf16, #tpu.memory_space<hbm>>
    tpu.enqueue_indirect_dma source(%dma_start3A_56 : memref<20000x64xbf16, #tpu.memory_space<hbm>>) target(%dma_start3A_50 : memref<128x64xbf16, #tpu.memory_space<vmem>>) offsets(%dma_start3A_53 : memref<128xi32, #tpu.memory_space<vmem>>) semaphore(%arg14 : memref<!tpu.dma_semaphore, #tpu.memory_space<semaphore_mem>>)
    %dma_start3A_57 = arith.constant 3 : i32
    %dma_start3A_58 = arith.constant 3 : i32
    %dma_start3A_59 = arith.constant 0 : i32
    %dma_start3A_60 = arith.constant 0 : i32
    %dma_start3A_61 = tpu.memref_slice %arg12[%dma_start3A_58, %dma_start3A_59, %dma_start3A_60] : memref<4x128x64xbf16, #tpu.memory_space<vmem>> -> memref<1x128x64xbf16, #tpu.memory_space<vmem>>
    %dma_start3A_62 = tpu.memref_squeeze %dma_start3A_61 : memref<1x128x64xbf16, #tpu.memory_space<vmem>> -> memref<128x64xbf16, #tpu.memory_space<vmem>>
    %dma_start3A_63 = arith.constant 0 : i32
    %dma_start3A_64 = tpu.memref_slice %arg8[%dma_start3A_57, %dma_start3A_63] : memref<4x128xi32, #tpu.memory_space<vmem>> -> memref<1x128xi32, #tpu.memory_space<vmem>>
    %dma_start3A_65 = tpu.memref_squeeze %dma_start3A_64 : memref<1x128xi32, #tpu.memory_space<vmem>> -> memref<128xi32, #tpu.memory_space<vmem>>
    %dma_start3A_66 = arith.constant 0 : i32
    %dma_start3A_67 = arith.constant 0 : i32
    %dma_start3A_68 = tpu.memref_slice %arg2[%dma_start3A_66, %dma_start3A_67] : memref<20000x64xbf16, #tpu.memory_space<hbm>> -> memref<20000x64xbf16, #tpu.memory_space<hbm>>
    tpu.enqueue_indirect_dma source(%dma_start3A_68 : memref<20000x64xbf16, #tpu.memory_space<hbm>>) target(%dma_start3A_62 : memref<128x64xbf16, #tpu.memory_space<vmem>>) offsets(%dma_start3A_65 : memref<128xi32, #tpu.memory_space<vmem>>) semaphore(%arg14 : memref<!tpu.dma_semaphore, #tpu.memory_space<semaphore_mem>>)
    %scan3A = arith.constant 0 : i32
    %scan3A_69 = arith.constant 0 : i32
    %scan3A_70 = arith.constant 20 : i32
    %scan3A_71 = arith.addi %scan3A_69, %scan3A_70 : i32
    %scan3A_72 = arith.constant 1 : i32
    scf.for %scan3A_126 = %scan3A_69 to %scan3A_71 step %scan3A_72  : i32 {
      %dma_wait3A_127 = arith.constant 0 : i32
      %dma_wait3A_128 = arith.constant 0 : i32
      %dma_wait3A_129 = arith.constant 0 : i32
      %dma_wait3A_130 = arith.constant 0 : i32
      %dma_wait3A_131 = tpu.memref_slice %arg12[%dma_wait3A_128, %dma_wait3A_129, %dma_wait3A_130] : memref<4x128x64xbf16, #tpu.memory_space<vmem>> -> memref<1x128x64xbf16, #tpu.memory_space<vmem>>
      %dma_wait3A_132 = tpu.memref_squeeze %dma_wait3A_131 : memref<1x128x64xbf16, #tpu.memory_space<vmem>> -> memref<128x64xbf16, #tpu.memory_space<vmem>>
      %dma_wait3A_133 = arith.constant 0 : i32
      %dma_wait3A_134 = tpu.memref_slice %arg8[%dma_wait3A_127, %dma_wait3A_133] : memref<4x128xi32, #tpu.memory_space<vmem>> -> memref<1x128xi32, #tpu.memory_space<vmem>>
      %dma_wait3A_135 = tpu.memref_squeeze %dma_wait3A_134 : memref<1x128xi32, #tpu.memory_space<vmem>> -> memref<128xi32, #tpu.memory_space<vmem>>
      %dma_wait3A_136 = arith.constant 0 : i32
      %dma_wait3A_137 = arith.constant 0 : i32
      %dma_wait3A_138 = tpu.memref_slice %arg2[%dma_wait3A_136, %dma_wait3A_137] : memref<20000x64xbf16, #tpu.memory_space<hbm>> -> memref<20000x64xbf16, #tpu.memory_space<hbm>>
      tpu.wait_indirect_dma semaphore(%arg14 : memref<!tpu.dma_semaphore, #tpu.memory_space<semaphore_mem>>) src(%dma_wait3A_138 : memref<20000x64xbf16, #tpu.memory_space<hbm>>) dst(%dma_wait3A_132 : memref<128x64xbf16, #tpu.memory_space<vmem>>)
      %dma_wait3A_139 = arith.constant 1 : i32
      %dma_wait3A_140 = arith.constant 1 : i32
      %dma_wait3A_141 = arith.constant 0 : i32
      %dma_wait3A_142 = arith.constant 0 : i32
      %dma_wait3A_143 = tpu.memref_slice %arg12[%dma_wait3A_140, %dma_wait3A_141, %dma_wait3A_142] : memref<4x128x64xbf16, #tpu.memory_space<vmem>> -> memref<1x128x64xbf16, #tpu.memory_space<vmem>>
      %dma_wait3A_144 = tpu.memref_squeeze %dma_wait3A_143 : memref<1x128x64xbf16, #tpu.memory_space<vmem>> -> memref<128x64xbf16, #tpu.memory_space<vmem>>
      %dma_wait3A_145 = arith.constant 0 : i32
      %dma_wait3A_146 = tpu.memref_slice %arg8[%dma_wait3A_139, %dma_wait3A_145] : memref<4x128xi32, #tpu.memory_space<vmem>> -> memref<1x128xi32, #tpu.memory_space<vmem>>
      %dma_wait3A_147 = tpu.memref_squeeze %dma_wait3A_146 : memref<1x128xi32, #tpu.memory_space<vmem>> -> memref<128xi32, #tpu.memory_space<vmem>>
      %dma_wait3A_148 = arith.constant 0 : i32
      %dma_wait3A_149 = arith.constant 0 : i32
      %dma_wait3A_150 = tpu.memref_slice %arg2[%dma_wait3A_148, %dma_wait3A_149] : memref<20000x64xbf16, #tpu.memory_space<hbm>> -> memref<20000x64xbf16, #tpu.memory_space<hbm>>
      tpu.wait_indirect_dma semaphore(%arg14 : memref<!tpu.dma_semaphore, #tpu.memory_space<semaphore_mem>>) src(%dma_wait3A_150 : memref<20000x64xbf16, #tpu.memory_space<hbm>>) dst(%dma_wait3A_144 : memref<128x64xbf16, #tpu.memory_space<vmem>>)
      %dma_wait3A_151 = arith.constant 2 : i32
      %dma_wait3A_152 = arith.constant 2 : i32
      %dma_wait3A_153 = arith.constant 0 : i32
      %dma_wait3A_154 = arith.constant 0 : i32
      %dma_wait3A_155 = tpu.memref_slice %arg12[%dma_wait3A_152, %dma_wait3A_153, %dma_wait3A_154] : memref<4x128x64xbf16, #tpu.memory_space<vmem>> -> memref<1x128x64xbf16, #tpu.memory_space<vmem>>
      %dma_wait3A_156 = tpu.memref_squeeze %dma_wait3A_155 : memref<1x128x64xbf16, #tpu.memory_space<vmem>> -> memref<128x64xbf16, #tpu.memory_space<vmem>>
      %dma_wait3A_157 = arith.constant 0 : i32
      %dma_wait3A_158 = tpu.memref_slice %arg8[%dma_wait3A_151, %dma_wait3A_157] : memref<4x128xi32, #tpu.memory_space<vmem>> -> memref<1x128xi32, #tpu.memory_space<vmem>>
      %dma_wait3A_159 = tpu.memref_squeeze %dma_wait3A_158 : memref<1x128xi32, #tpu.memory_space<vmem>> -> memref<128xi32, #tpu.memory_space<vmem>>
      %dma_wait3A_160 = arith.constant 0 : i32
      %dma_wait3A_161 = arith.constant 0 : i32
      %dma_wait3A_162 = tpu.memref_slice %arg2[%dma_wait3A_160, %dma_wait3A_161] : memref<20000x64xbf16, #tpu.memory_space<hbm>> -> memref<20000x64xbf16, #tpu.memory_space<hbm>>
      tpu.wait_indirect_dma semaphore(%arg14 : memref<!tpu.dma_semaphore, #tpu.memory_space<semaphore_mem>>) src(%dma_wait3A_162 : memref<20000x64xbf16, #tpu.memory_space<hbm>>) dst(%dma_wait3A_156 : memref<128x64xbf16, #tpu.memory_space<vmem>>)
      %dma_wait3A_163 = arith.constant 3 : i32
      %dma_wait3A_164 = arith.constant 3 : i32
      %dma_wait3A_165 = arith.constant 0 : i32
      %dma_wait3A_166 = arith.constant 0 : i32
      %dma_wait3A_167 = tpu.memref_slice %arg12[%dma_wait3A_164, %dma_wait3A_165, %dma_wait3A_166] : memref<4x128x64xbf16, #tpu.memory_space<vmem>> -> memref<1x128x64xbf16, #tpu.memory_space<vmem>>
      %dma_wait3A_168 = tpu.memref_squeeze %dma_wait3A_167 : memref<1x128x64xbf16, #tpu.memory_space<vmem>> -> memref<128x64xbf16, #tpu.memory_space<vmem>>
      %dma_wait3A_169 = arith.constant 0 : i32
      %dma_wait3A_170 = tpu.memref_slice %arg8[%dma_wait3A_163, %dma_wait3A_169] : memref<4x128xi32, #tpu.memory_space<vmem>> -> memref<1x128xi32, #tpu.memory_space<vmem>>
      %dma_wait3A_171 = tpu.memref_squeeze %dma_wait3A_170 : memref<1x128xi32, #tpu.memory_space<vmem>> -> memref<128xi32, #tpu.memory_space<vmem>>
      %dma_wait3A_172 = arith.constant 0 : i32
      %dma_wait3A_173 = arith.constant 0 : i32
      %dma_wait3A_174 = tpu.memref_slice %arg2[%dma_wait3A_172, %dma_wait3A_173] : memref<20000x64xbf16, #tpu.memory_space<hbm>> -> memref<20000x64xbf16, #tpu.memory_space<hbm>>
      tpu.wait_indirect_dma semaphore(%arg14 : memref<!tpu.dma_semaphore, #tpu.memory_space<semaphore_mem>>) src(%dma_wait3A_174 : memref<20000x64xbf16, #tpu.memory_space<hbm>>) dst(%dma_wait3A_168 : memref<128x64xbf16, #tpu.memory_space<vmem>>)
      %gt3A = arith.constant 0 : i32
      %gt3A_175 = arith.cmpi sgt, %scan3A_126, %gt3A : i32
      %convert_element_type3A = arith.extui %gt3A_175 : i1 to i32
      %cond3A = arith.constant 0 : i32
      %cond3A_176 = arith.cmpi ne, %convert_element_type3A, %cond3A : i32
      scf.if %cond3A_176 {
        %dma_wait3A_401 = arith.constant 0 : i32
        %dma_wait3A_402 = arith.constant 0 : i32
        %dma_wait3A_403 = arith.constant 0 : i32
        %dma_wait3A_404 = arith.constant 0 : i32
        %dma_wait3A_405 = tpu.memref_slice %arg13[%dma_wait3A_401, %dma_wait3A_403, %dma_wait3A_404] : memref<4x128x64xbf16, #tpu.memory_space<vmem>> -> memref<1x128x64xbf16, #tpu.memory_space<vmem>>
        %dma_wait3A_406 = tpu.memref_squeeze %dma_wait3A_405 : memref<1x128x64xbf16, #tpu.memory_space<vmem>> -> memref<128x64xbf16, #tpu.memory_space<vmem>>
        %dma_wait3A_407 = arith.constant 0 : i32
        %dma_wait3A_408 = tpu.memref_slice %arg11[%dma_wait3A_402, %dma_wait3A_407] : memref<4x128xi32, #tpu.memory_space<vmem>> -> memref<1x128xi32, #tpu.memory_space<vmem>>
        %dma_wait3A_409 = tpu.memref_squeeze %dma_wait3A_408 : memref<1x128xi32, #tpu.memory_space<vmem>> -> memref<128xi32, #tpu.memory_space<vmem>>
        %dma_wait3A_410 = arith.constant 0 : i32
        %dma_wait3A_411 = arith.constant 0 : i32
        %dma_wait3A_412 = tpu.memref_slice %arg7[%dma_wait3A_410, %dma_wait3A_411] : memref<10112x64xbf16, #tpu.memory_space<vmem_shared>> -> memref<10112x64xbf16, #tpu.memory_space<vmem_shared>>
        tpu.wait_indirect_dma semaphore(%arg15 : memref<!tpu.dma_semaphore, #tpu.memory_space<semaphore_mem>>) src(%dma_wait3A_406 : memref<128x64xbf16, #tpu.memory_space<vmem>>) dst(%dma_wait3A_412 : memref<10112x64xbf16, #tpu.memory_space<vmem_shared>>)
        %dma_wait3A_413 = arith.constant 1 : i32
        %dma_wait3A_414 = arith.constant 1 : i32
        %dma_wait3A_415 = arith.constant 0 : i32
        %dma_wait3A_416 = arith.constant 0 : i32
        %dma_wait3A_417 = tpu.memref_slice %arg13[%dma_wait3A_413, %dma_wait3A_415, %dma_wait3A_416] : memref<4x128x64xbf16, #tpu.memory_space<vmem>> -> memref<1x128x64xbf16, #tpu.memory_space<vmem>>
        %dma_wait3A_418 = tpu.memref_squeeze %dma_wait3A_417 : memref<1x128x64xbf16, #tpu.memory_space<vmem>> -> memref<128x64xbf16, #tpu.memory_space<vmem>>
        %dma_wait3A_419 = arith.constant 0 : i32
        %dma_wait3A_420 = tpu.memref_slice %arg11[%dma_wait3A_414, %dma_wait3A_419] : memref<4x128xi32, #tpu.memory_space<vmem>> -> memref<1x128xi32, #tpu.memory_space<vmem>>
        %dma_wait3A_421 = tpu.memref_squeeze %dma_wait3A_420 : memref<1x128xi32, #tpu.memory_space<vmem>> -> memref<128xi32, #tpu.memory_space<vmem>>
        %dma_wait3A_422 = arith.constant 0 : i32
        %dma_wait3A_423 = arith.constant 0 : i32
        %dma_wait3A_424 = tpu.memref_slice %arg7[%dma_wait3A_422, %dma_wait3A_423] : memref<10112x64xbf16, #tpu.memory_space<vmem_shared>> -> memref<10112x64xbf16, #tpu.memory_space<vmem_shared>>
        tpu.wait_indirect_dma semaphore(%arg15 : memref<!tpu.dma_semaphore, #tpu.memory_space<semaphore_mem>>) src(%dma_wait3A_418 : memref<128x64xbf16, #tpu.memory_space<vmem>>) dst(%dma_wait3A_424 : memref<10112x64xbf16, #tpu.memory_space<vmem_shared>>)
        %dma_wait3A_425 = arith.constant 2 : i32
        %dma_wait3A_426 = arith.constant 2 : i32
        %dma_wait3A_427 = arith.constant 0 : i32
        %dma_wait3A_428 = arith.constant 0 : i32
        %dma_wait3A_429 = tpu.memref_slice %arg13[%dma_wait3A_425, %dma_wait3A_427, %dma_wait3A_428] : memref<4x128x64xbf16, #tpu.memory_space<vmem>> -> memref<1x128x64xbf16, #tpu.memory_space<vmem>>
        %dma_wait3A_430 = tpu.memref_squeeze %dma_wait3A_429 : memref<1x128x64xbf16, #tpu.memory_space<vmem>> -> memref<128x64xbf16, #tpu.memory_space<vmem>>
        %dma_wait3A_431 = arith.constant 0 : i32
        %dma_wait3A_432 = tpu.memref_slice %arg11[%dma_wait3A_426, %dma_wait3A_431] : memref<4x128xi32, #tpu.memory_space<vmem>> -> memref<1x128xi32, #tpu.memory_space<vmem>>
        %dma_wait3A_433 = tpu.memref_squeeze %dma_wait3A_432 : memref<1x128xi32, #tpu.memory_space<vmem>> -> memref<128xi32, #tpu.memory_space<vmem>>
        %dma_wait3A_434 = arith.constant 0 : i32
        %dma_wait3A_435 = arith.constant 0 : i32
        %dma_wait3A_436 = tpu.memref_slice %arg7[%dma_wait3A_434, %dma_wait3A_435] : memref<10112x64xbf16, #tpu.memory_space<vmem_shared>> -> memref<10112x64xbf16, #tpu.memory_space<vmem_shared>>
        tpu.wait_indirect_dma semaphore(%arg15 : memref<!tpu.dma_semaphore, #tpu.memory_space<semaphore_mem>>) src(%dma_wait3A_430 : memref<128x64xbf16, #tpu.memory_space<vmem>>) dst(%dma_wait3A_436 : memref<10112x64xbf16, #tpu.memory_space<vmem_shared>>)
        %dma_wait3A_437 = arith.constant 3 : i32
        %dma_wait3A_438 = arith.constant 3 : i32
        %dma_wait3A_439 = arith.constant 0 : i32
        %dma_wait3A_440 = arith.constant 0 : i32
        %dma_wait3A_441 = tpu.memref_slice %arg13[%dma_wait3A_437, %dma_wait3A_439, %dma_wait3A_440] : memref<4x128x64xbf16, #tpu.memory_space<vmem>> -> memref<1x128x64xbf16, #tpu.memory_space<vmem>>
        %dma_wait3A_442 = tpu.memref_squeeze %dma_wait3A_441 : memref<1x128x64xbf16, #tpu.memory_space<vmem>> -> memref<128x64xbf16, #tpu.memory_space<vmem>>
        %dma_wait3A_443 = arith.constant 0 : i32
        %dma_wait3A_444 = tpu.memref_slice %arg11[%dma_wait3A_438, %dma_wait3A_443] : memref<4x128xi32, #tpu.memory_space<vmem>> -> memref<1x128xi32, #tpu.memory_space<vmem>>
        %dma_wait3A_445 = tpu.memref_squeeze %dma_wait3A_444 : memref<1x128xi32, #tpu.memory_space<vmem>> -> memref<128xi32, #tpu.memory_space<vmem>>
        %dma_wait3A_446 = arith.constant 0 : i32
        %dma_wait3A_447 = arith.constant 0 : i32
        %dma_wait3A_448 = tpu.memref_slice %arg7[%dma_wait3A_446, %dma_wait3A_447] : memref<10112x64xbf16, #tpu.memory_space<vmem_shared>> -> memref<10112x64xbf16, #tpu.memory_space<vmem_shared>>
        tpu.wait_indirect_dma semaphore(%arg15 : memref<!tpu.dma_semaphore, #tpu.memory_space<semaphore_mem>>) src(%dma_wait3A_442 : memref<128x64xbf16, #tpu.memory_space<vmem>>) dst(%dma_wait3A_448 : memref<10112x64xbf16, #tpu.memory_space<vmem_shared>>)
      } else {
      }
      %mul3A_177 = arith.constant 2 : i32
      %mul3A_178 = arith.muli %mul3A_177, %scan3A_126 : i32
      %add3A_179 = arith.constant 1 : i32
      %add3A_180 = arith.addi %mul3A_178, %add3A_179 : i32
      %mul3A_181 = arith.constant 4 : i32
      %mul3A_182 = arith.muli %add3A_180, %mul3A_181 : i32
      %add3A_183 = arith.addi %mul3A_4, %mul3A_182 : i32
      %add3A_184 = arith.addi %mul3A_2, %add3A_183 : i32
      %dma_start3A_185 = arith.constant 0 : i32
      %dma_start3A_186 = tpu.memref_slice %arg3[%add3A_184, %dma_start3A_185] : memref<5120x128xi32, #tpu.memory_space<hbm>> -> memref<4x128xi32, #tpu.memory_space<hbm>>
      %dma_start3A_187 = arith.constant 0 : i32
      %dma_start3A_188 = tpu.memref_slice %arg3[%add3A_184, %dma_start3A_187] : memref<5120x128xi32, #tpu.memory_space<hbm>> -> memref<4x128xi32, #tpu.memory_space<hbm>>
      tpu.enqueue_dma source(%dma_start3A_188 : memref<4x128xi32, #tpu.memory_space<hbm>>) target(%arg10 : memref<4x128xi32, #tpu.memory_space<vmem>>) target_semaphore(%arg16 : memref<!tpu.dma_semaphore, #tpu.memory_space<semaphore_mem>>)
      %dma_start3A_189 = arith.constant 0 : i32
      %dma_start3A_190 = tpu.memref_slice %arg4[%add3A_183, %dma_start3A_189] : memref<2560x128xi32, #tpu.memory_space<hbm>> -> memref<4x128xi32, #tpu.memory_space<hbm>>
      %dma_start3A_191 = arith.constant 0 : i32
      %dma_start3A_192 = tpu.memref_slice %arg4[%add3A_183, %dma_start3A_191] : memref<2560x128xi32, #tpu.memory_space<hbm>> -> memref<4x128xi32, #tpu.memory_space<hbm>>
      tpu.enqueue_dma source(%dma_start3A_192 : memref<4x128xi32, #tpu.memory_space<hbm>>) target(%arg11 : memref<4x128xi32, #tpu.memory_space<vmem>>) target_semaphore(%arg16 : memref<!tpu.dma_semaphore, #tpu.memory_space<semaphore_mem>>)
      %dma_start3A_193 = arith.constant 0 : i32
      %dma_start3A_194 = arith.constant 0 : i32
      %dma_start3A_195 = arith.constant 0 : i32
      %dma_start3A_196 = arith.constant 0 : i32
      %dma_start3A_197 = tpu.memref_slice %arg12[%dma_start3A_193, %dma_start3A_195, %dma_start3A_196] : memref<4x128x64xbf16, #tpu.memory_space<vmem>> -> memref<1x128x64xbf16, #tpu.memory_space<vmem>>
      %dma_start3A_198 = tpu.memref_squeeze %dma_start3A_197 : memref<1x128x64xbf16, #tpu.memory_space<vmem>> -> memref<128x64xbf16, #tpu.memory_space<vmem>>
      %dma_start3A_199 = arith.constant 0 : i32
      %dma_start3A_200 = tpu.memref_slice %arg9[%dma_start3A_194, %dma_start3A_199] : memref<4x128xi32, #tpu.memory_space<vmem>> -> memref<1x128xi32, #tpu.memory_space<vmem>>
      %dma_start3A_201 = tpu.memref_squeeze %dma_start3A_200 : memref<1x128xi32, #tpu.memory_space<vmem>> -> memref<128xi32, #tpu.memory_space<vmem>>
      %dma_start3A_202 = arith.constant 0 : i32
      %dma_start3A_203 = arith.constant 0 : i32
      %dma_start3A_204 = tpu.memref_slice %arg7[%dma_start3A_202, %dma_start3A_203] : memref<10112x64xbf16, #tpu.memory_space<vmem_shared>> -> memref<10112x64xbf16, #tpu.memory_space<vmem_shared>>
      tpu.enqueue_indirect_dma source(%dma_start3A_198 : memref<128x64xbf16, #tpu.memory_space<vmem>>) target(%dma_start3A_204 : memref<10112x64xbf16, #tpu.memory_space<vmem_shared>>) offsets(%dma_start3A_201 : memref<128xi32, #tpu.memory_space<vmem>>) semaphore(%arg15 : memref<!tpu.dma_semaphore, #tpu.memory_space<semaphore_mem>>) {add = true}
      %dma_start3A_205 = arith.constant 1 : i32
      %dma_start3A_206 = arith.constant 1 : i32
      %dma_start3A_207 = arith.constant 0 : i32
      %dma_start3A_208 = arith.constant 0 : i32
      %dma_start3A_209 = tpu.memref_slice %arg12[%dma_start3A_205, %dma_start3A_207, %dma_start3A_208] : memref<4x128x64xbf16, #tpu.memory_space<vmem>> -> memref<1x128x64xbf16, #tpu.memory_space<vmem>>
      %dma_start3A_210 = tpu.memref_squeeze %dma_start3A_209 : memref<1x128x64xbf16, #tpu.memory_space<vmem>> -> memref<128x64xbf16, #tpu.memory_space<vmem>>
      %dma_start3A_211 = arith.constant 0 : i32
      %dma_start3A_212 = tpu.memref_slice %arg9[%dma_start3A_206, %dma_start3A_211] : memref<4x128xi32, #tpu.memory_space<vmem>> -> memref<1x128xi32, #tpu.memory_space<vmem>>
      %dma_start3A_213 = tpu.memref_squeeze %dma_start3A_212 : memref<1x128xi32, #tpu.memory_space<vmem>> -> memref<128xi32, #tpu.memory_space<vmem>>
      %dma_start3A_214 = arith.constant 0 : i32
      %dma_start3A_215 = arith.constant 0 : i32
      %dma_start3A_216 = tpu.memref_slice %arg7[%dma_start3A_214, %dma_start3A_215] : memref<10112x64xbf16, #tpu.memory_space<vmem_shared>> -> memref<10112x64xbf16, #tpu.memory_space<vmem_shared>>
      tpu.enqueue_indirect_dma source(%dma_start3A_210 : memref<128x64xbf16, #tpu.memory_space<vmem>>) target(%dma_start3A_216 : memref<10112x64xbf16, #tpu.memory_space<vmem_shared>>) offsets(%dma_start3A_213 : memref<128xi32, #tpu.memory_space<vmem>>) semaphore(%arg15 : memref<!tpu.dma_semaphore, #tpu.memory_space<semaphore_mem>>) {add = true}
      %dma_start3A_217 = arith.constant 2 : i32
      %dma_start3A_218 = arith.constant 2 : i32
      %dma_start3A_219 = arith.constant 0 : i32
      %dma_start3A_220 = arith.constant 0 : i32
      %dma_start3A_221 = tpu.memref_slice %arg12[%dma_start3A_217, %dma_start3A_219, %dma_start3A_220] : memref<4x128x64xbf16, #tpu.memory_space<vmem>> -> memref<1x128x64xbf16, #tpu.memory_space<vmem>>
      %dma_start3A_222 = tpu.memref_squeeze %dma_start3A_221 : memref<1x128x64xbf16, #tpu.memory_space<vmem>> -> memref<128x64xbf16, #tpu.memory_space<vmem>>
      %dma_start3A_223 = arith.constant 0 : i32
      %dma_start3A_224 = tpu.memref_slice %arg9[%dma_start3A_218, %dma_start3A_223] : memref<4x128xi32, #tpu.memory_space<vmem>> -> memref<1x128xi32, #tpu.memory_space<vmem>>
      %dma_start3A_225 = tpu.memref_squeeze %dma_start3A_224 : memref<1x128xi32, #tpu.memory_space<vmem>> -> memref<128xi32, #tpu.memory_space<vmem>>
      %dma_start3A_226 = arith.constant 0 : i32
      %dma_start3A_227 = arith.constant 0 : i32
      %dma_start3A_228 = tpu.memref_slice %arg7[%dma_start3A_226, %dma_start3A_227] : memref<10112x64xbf16, #tpu.memory_space<vmem_shared>> -> memref<10112x64xbf16, #tpu.memory_space<vmem_shared>>
      tpu.enqueue_indirect_dma source(%dma_start3A_222 : memref<128x64xbf16, #tpu.memory_space<vmem>>) target(%dma_start3A_228 : memref<10112x64xbf16, #tpu.memory_space<vmem_shared>>) offsets(%dma_start3A_225 : memref<128xi32, #tpu.memory_space<vmem>>) semaphore(%arg15 : memref<!tpu.dma_semaphore, #tpu.memory_space<semaphore_mem>>) {add = true}
      %dma_start3A_229 = arith.constant 3 : i32
      %dma_start3A_230 = arith.constant 3 : i32
      %dma_start3A_231 = arith.constant 0 : i32
      %dma_start3A_232 = arith.constant 0 : i32
      %dma_start3A_233 = tpu.memref_slice %arg12[%dma_start3A_229, %dma_start3A_231, %dma_start3A_232] : memref<4x128x64xbf16, #tpu.memory_space<vmem>> -> memref<1x128x64xbf16, #tpu.memory_space<vmem>>
      %dma_start3A_234 = tpu.memref_squeeze %dma_start3A_233 : memref<1x128x64xbf16, #tpu.memory_space<vmem>> -> memref<128x64xbf16, #tpu.memory_space<vmem>>
      %dma_start3A_235 = arith.constant 0 : i32
      %dma_start3A_236 = tpu.memref_slice %arg9[%dma_start3A_230, %dma_start3A_235] : memref<4x128xi32, #tpu.memory_space<vmem>> -> memref<1x128xi32, #tpu.memory_space<vmem>>
      %dma_start3A_237 = tpu.memref_squeeze %dma_start3A_236 : memref<1x128xi32, #tpu.memory_space<vmem>> -> memref<128xi32, #tpu.memory_space<vmem>>
      %dma_start3A_238 = arith.constant 0 : i32
      %dma_start3A_239 = arith.constant 0 : i32
      %dma_start3A_240 = tpu.memref_slice %arg7[%dma_start3A_238, %dma_start3A_239] : memref<10112x64xbf16, #tpu.memory_space<vmem_shared>> -> memref<10112x64xbf16, #tpu.memory_space<vmem_shared>>
      tpu.enqueue_indirect_dma source(%dma_start3A_234 : memref<128x64xbf16, #tpu.memory_space<vmem>>) target(%dma_start3A_240 : memref<10112x64xbf16, #tpu.memory_space<vmem_shared>>) offsets(%dma_start3A_237 : memref<128xi32, #tpu.memory_space<vmem>>) semaphore(%arg15 : memref<!tpu.dma_semaphore, #tpu.memory_space<semaphore_mem>>) {add = true}
      %dma_wait3A_241 = arith.constant 0 : i32
      %dma_wait3A_242 = tpu.memref_slice %arg3[%add3A_184, %dma_wait3A_241] : memref<5120x128xi32, #tpu.memory_space<hbm>> -> memref<4x128xi32, #tpu.memory_space<hbm>>
      %dma_wait3A_243 = arith.constant 0 : i32
      %dma_wait3A_244 = tpu.memref_slice %arg3[%add3A_184, %dma_wait3A_243] : memref<5120x128xi32, #tpu.memory_space<hbm>> -> memref<4x128xi32, #tpu.memory_space<hbm>>
      tpu.wait_dma2 semaphore(%arg16 : memref<!tpu.dma_semaphore, #tpu.memory_space<semaphore_mem>>) src(%dma_wait3A_244 : memref<4x128xi32, #tpu.memory_space<hbm>>) dst(%arg10 : memref<4x128xi32, #tpu.memory_space<vmem>>)
      %dma_wait3A_245 = arith.constant 0 : i32
      %dma_wait3A_246 = tpu.memref_slice %arg4[%add3A_183, %dma_wait3A_245] : memref<2560x128xi32, #tpu.memory_space<hbm>> -> memref<4x128xi32, #tpu.memory_space<hbm>>
      %dma_wait3A_247 = arith.constant 0 : i32
      %dma_wait3A_248 = tpu.memref_slice %arg4[%add3A_183, %dma_wait3A_247] : memref<2560x128xi32, #tpu.memory_space<hbm>> -> memref<4x128xi32, #tpu.memory_space<hbm>>
      tpu.wait_dma2 semaphore(%arg16 : memref<!tpu.dma_semaphore, #tpu.memory_space<semaphore_mem>>) src(%dma_wait3A_248 : memref<4x128xi32, #tpu.memory_space<hbm>>) dst(%arg11 : memref<4x128xi32, #tpu.memory_space<vmem>>)
      %dma_start3A_249 = arith.constant 0 : i32
      %dma_start3A_250 = arith.constant 0 : i32
      %dma_start3A_251 = arith.constant 0 : i32
      %dma_start3A_252 = arith.constant 0 : i32
      %dma_start3A_253 = tpu.memref_slice %arg13[%dma_start3A_250, %dma_start3A_251, %dma_start3A_252] : memref<4x128x64xbf16, #tpu.memory_space<vmem>> -> memref<1x128x64xbf16, #tpu.memory_space<vmem>>
      %dma_start3A_254 = tpu.memref_squeeze %dma_start3A_253 : memref<1x128x64xbf16, #tpu.memory_space<vmem>> -> memref<128x64xbf16, #tpu.memory_space<vmem>>
      %dma_start3A_255 = arith.constant 0 : i32
      %dma_start3A_256 = tpu.memref_slice %arg10[%dma_start3A_249, %dma_start3A_255] : memref<4x128xi32, #tpu.memory_space<vmem>> -> memref<1x128xi32, #tpu.memory_space<vmem>>
      %dma_start3A_257 = tpu.memref_squeeze %dma_start3A_256 : memref<1x128xi32, #tpu.memory_space<vmem>> -> memref<128xi32, #tpu.memory_space<vmem>>
      %dma_start3A_258 = arith.constant 0 : i32
      %dma_start3A_259 = arith.constant 0 : i32
      %dma_start3A_260 = tpu.memref_slice %arg2[%dma_start3A_258, %dma_start3A_259] : memref<20000x64xbf16, #tpu.memory_space<hbm>> -> memref<20000x64xbf16, #tpu.memory_space<hbm>>
      tpu.enqueue_indirect_dma source(%dma_start3A_260 : memref<20000x64xbf16, #tpu.memory_space<hbm>>) target(%dma_start3A_254 : memref<128x64xbf16, #tpu.memory_space<vmem>>) offsets(%dma_start3A_257 : memref<128xi32, #tpu.memory_space<vmem>>) semaphore(%arg14 : memref<!tpu.dma_semaphore, #tpu.memory_space<semaphore_mem>>)
      %dma_start3A_261 = arith.constant 1 : i32
      %dma_start3A_262 = arith.constant 1 : i32
      %dma_start3A_263 = arith.constant 0 : i32
      %dma_start3A_264 = arith.constant 0 : i32
      %dma_start3A_265 = tpu.memref_slice %arg13[%dma_start3A_262, %dma_start3A_263, %dma_start3A_264] : memref<4x128x64xbf16, #tpu.memory_space<vmem>> -> memref<1x128x64xbf16, #tpu.memory_space<vmem>>
      %dma_start3A_266 = tpu.memref_squeeze %dma_start3A_265 : memref<1x128x64xbf16, #tpu.memory_space<vmem>> -> memref<128x64xbf16, #tpu.memory_space<vmem>>
      %dma_start3A_267 = arith.constant 0 : i32
      %dma_start3A_268 = tpu.memref_slice %arg10[%dma_start3A_261, %dma_start3A_267] : memref<4x128xi32, #tpu.memory_space<vmem>> -> memref<1x128xi32, #tpu.memory_space<vmem>>
      %dma_start3A_269 = tpu.memref_squeeze %dma_start3A_268 : memref<1x128xi32, #tpu.memory_space<vmem>> -> memref<128xi32, #tpu.memory_space<vmem>>
      %dma_start3A_270 = arith.constant 0 : i32
      %dma_start3A_271 = arith.constant 0 : i32
      %dma_start3A_272 = tpu.memref_slice %arg2[%dma_start3A_270, %dma_start3A_271] : memref<20000x64xbf16, #tpu.memory_space<hbm>> -> memref<20000x64xbf16, #tpu.memory_space<hbm>>
      tpu.enqueue_indirect_dma source(%dma_start3A_272 : memref<20000x64xbf16, #tpu.memory_space<hbm>>) target(%dma_start3A_266 : memref<128x64xbf16, #tpu.memory_space<vmem>>) offsets(%dma_start3A_269 : memref<128xi32, #tpu.memory_space<vmem>>) semaphore(%arg14 : memref<!tpu.dma_semaphore, #tpu.memory_space<semaphore_mem>>)
      %dma_start3A_273 = arith.constant 2 : i32
      %dma_start3A_274 = arith.constant 2 : i32
      %dma_start3A_275 = arith.constant 0 : i32
      %dma_start3A_276 = arith.constant 0 : i32
      %dma_start3A_277 = tpu.memref_slice %arg13[%dma_start3A_274, %dma_start3A_275, %dma_start3A_276] : memref<4x128x64xbf16, #tpu.memory_space<vmem>> -> memref<1x128x64xbf16, #tpu.memory_space<vmem>>
      %dma_start3A_278 = tpu.memref_squeeze %dma_start3A_277 : memref<1x128x64xbf16, #tpu.memory_space<vmem>> -> memref<128x64xbf16, #tpu.memory_space<vmem>>
      %dma_start3A_279 = arith.constant 0 : i32
      %dma_start3A_280 = tpu.memref_slice %arg10[%dma_start3A_273, %dma_start3A_279] : memref<4x128xi32, #tpu.memory_space<vmem>> -> memref<1x128xi32, #tpu.memory_space<vmem>>
      %dma_start3A_281 = tpu.memref_squeeze %dma_start3A_280 : memref<1x128xi32, #tpu.memory_space<vmem>> -> memref<128xi32, #tpu.memory_space<vmem>>
      %dma_start3A_282 = arith.constant 0 : i32
      %dma_start3A_283 = arith.constant 0 : i32
      %dma_start3A_284 = tpu.memref_slice %arg2[%dma_start3A_282, %dma_start3A_283] : memref<20000x64xbf16, #tpu.memory_space<hbm>> -> memref<20000x64xbf16, #tpu.memory_space<hbm>>
      tpu.enqueue_indirect_dma source(%dma_start3A_284 : memref<20000x64xbf16, #tpu.memory_space<hbm>>) target(%dma_start3A_278 : memref<128x64xbf16, #tpu.memory_space<vmem>>) offsets(%dma_start3A_281 : memref<128xi32, #tpu.memory_space<vmem>>) semaphore(%arg14 : memref<!tpu.dma_semaphore, #tpu.memory_space<semaphore_mem>>)
      %dma_start3A_285 = arith.constant 3 : i32
      %dma_start3A_286 = arith.constant 3 : i32
      %dma_start3A_287 = arith.constant 0 : i32
      %dma_start3A_288 = arith.constant 0 : i32
      %dma_start3A_289 = tpu.memref_slice %arg13[%dma_start3A_286, %dma_start3A_287, %dma_start3A_288] : memref<4x128x64xbf16, #tpu.memory_space<vmem>> -> memref<1x128x64xbf16, #tpu.memory_space<vmem>>
      %dma_start3A_290 = tpu.memref_squeeze %dma_start3A_289 : memref<1x128x64xbf16, #tpu.memory_space<vmem>> -> memref<128x64xbf16, #tpu.memory_space<vmem>>
      %dma_start3A_291 = arith.constant 0 : i32
      %dma_start3A_292 = tpu.memref_slice %arg10[%dma_start3A_285, %dma_start3A_291] : memref<4x128xi32, #tpu.memory_space<vmem>> -> memref<1x128xi32, #tpu.memory_space<vmem>>
      %dma_start3A_293 = tpu.memref_squeeze %dma_start3A_292 : memref<1x128xi32, #tpu.memory_space<vmem>> -> memref<128xi32, #tpu.memory_space<vmem>>
      %dma_start3A_294 = arith.constant 0 : i32
      %dma_start3A_295 = arith.constant 0 : i32
      %dma_start3A_296 = tpu.memref_slice %arg2[%dma_start3A_294, %dma_start3A_295] : memref<20000x64xbf16, #tpu.memory_space<hbm>> -> memref<20000x64xbf16, #tpu.memory_space<hbm>>
      tpu.enqueue_indirect_dma source(%dma_start3A_296 : memref<20000x64xbf16, #tpu.memory_space<hbm>>) target(%dma_start3A_290 : memref<128x64xbf16, #tpu.memory_space<vmem>>) offsets(%dma_start3A_293 : memref<128xi32, #tpu.memory_space<vmem>>) semaphore(%arg14 : memref<!tpu.dma_semaphore, #tpu.memory_space<semaphore_mem>>)
      %dma_wait3A_297 = arith.constant 0 : i32
      %dma_wait3A_298 = arith.constant 0 : i32
      %dma_wait3A_299 = arith.constant 0 : i32
      %dma_wait3A_300 = arith.constant 0 : i32
      %dma_wait3A_301 = tpu.memref_slice %arg13[%dma_wait3A_298, %dma_wait3A_299, %dma_wait3A_300] : memref<4x128x64xbf16, #tpu.memory_space<vmem>> -> memref<1x128x64xbf16, #tpu.memory_space<vmem>>
      %dma_wait3A_302 = tpu.memref_squeeze %dma_wait3A_301 : memref<1x128x64xbf16, #tpu.memory_space<vmem>> -> memref<128x64xbf16, #tpu.memory_space<vmem>>
      %dma_wait3A_303 = arith.constant 0 : i32
      %dma_wait3A_304 = tpu.memref_slice %arg10[%dma_wait3A_297, %dma_wait3A_303] : memref<4x128xi32, #tpu.memory_space<vmem>> -> memref<1x128xi32, #tpu.memory_space<vmem>>
      %dma_wait3A_305 = tpu.memref_squeeze %dma_wait3A_304 : memref<1x128xi32, #tpu.memory_space<vmem>> -> memref<128xi32, #tpu.memory_space<vmem>>
      %dma_wait3A_306 = arith.constant 0 : i32
      %dma_wait3A_307 = arith.constant 0 : i32
      %dma_wait3A_308 = tpu.memref_slice %arg2[%dma_wait3A_306, %dma_wait3A_307] : memref<20000x64xbf16, #tpu.memory_space<hbm>> -> memref<20000x64xbf16, #tpu.memory_space<hbm>>
      tpu.wait_indirect_dma semaphore(%arg14 : memref<!tpu.dma_semaphore, #tpu.memory_space<semaphore_mem>>) src(%dma_wait3A_308 : memref<20000x64xbf16, #tpu.memory_space<hbm>>) dst(%dma_wait3A_302 : memref<128x64xbf16, #tpu.memory_space<vmem>>)
      %dma_wait3A_309 = arith.constant 1 : i32
      %dma_wait3A_310 = arith.constant 1 : i32
      %dma_wait3A_311 = arith.constant 0 : i32
      %dma_wait3A_312 = arith.constant 0 : i32
      %dma_wait3A_313 = tpu.memref_slice %arg13[%dma_wait3A_310, %dma_wait3A_311, %dma_wait3A_312] : memref<4x128x64xbf16, #tpu.memory_space<vmem>> -> memref<1x128x64xbf16, #tpu.memory_space<vmem>>
      %dma_wait3A_314 = tpu.memref_squeeze %dma_wait3A_313 : memref<1x128x64xbf16, #tpu.memory_space<vmem>> -> memref<128x64xbf16, #tpu.memory_space<vmem>>
      %dma_wait3A_315 = arith.constant 0 : i32
      %dma_wait3A_316 = tpu.memref_slice %arg10[%dma_wait3A_309, %dma_wait3A_315] : memref<4x128xi32, #tpu.memory_space<vmem>> -> memref<1x128xi32, #tpu.memory_space<vmem>>
      %dma_wait3A_317 = tpu.memref_squeeze %dma_wait3A_316 : memref<1x128xi32, #tpu.memory_space<vmem>> -> memref<128xi32, #tpu.memory_space<vmem>>
      %dma_wait3A_318 = arith.constant 0 : i32
      %dma_wait3A_319 = arith.constant 0 : i32
      %dma_wait3A_320 = tpu.memref_slice %arg2[%dma_wait3A_318, %dma_wait3A_319] : memref<20000x64xbf16, #tpu.memory_space<hbm>> -> memref<20000x64xbf16, #tpu.memory_space<hbm>>
      tpu.wait_indirect_dma semaphore(%arg14 : memref<!tpu.dma_semaphore, #tpu.memory_space<semaphore_mem>>) src(%dma_wait3A_320 : memref<20000x64xbf16, #tpu.memory_space<hbm>>) dst(%dma_wait3A_314 : memref<128x64xbf16, #tpu.memory_space<vmem>>)
      %dma_wait3A_321 = arith.constant 2 : i32
      %dma_wait3A_322 = arith.constant 2 : i32
      %dma_wait3A_323 = arith.constant 0 : i32
      %dma_wait3A_324 = arith.constant 0 : i32
      %dma_wait3A_325 = tpu.memref_slice %arg13[%dma_wait3A_322, %dma_wait3A_323, %dma_wait3A_324] : memref<4x128x64xbf16, #tpu.memory_space<vmem>> -> memref<1x128x64xbf16, #tpu.memory_space<vmem>>
      %dma_wait3A_326 = tpu.memref_squeeze %dma_wait3A_325 : memref<1x128x64xbf16, #tpu.memory_space<vmem>> -> memref<128x64xbf16, #tpu.memory_space<vmem>>
      %dma_wait3A_327 = arith.constant 0 : i32
      %dma_wait3A_328 = tpu.memref_slice %arg10[%dma_wait3A_321, %dma_wait3A_327] : memref<4x128xi32, #tpu.memory_space<vmem>> -> memref<1x128xi32, #tpu.memory_space<vmem>>
      %dma_wait3A_329 = tpu.memref_squeeze %dma_wait3A_328 : memref<1x128xi32, #tpu.memory_space<vmem>> -> memref<128xi32, #tpu.memory_space<vmem>>
      %dma_wait3A_330 = arith.constant 0 : i32
      %dma_wait3A_331 = arith.constant 0 : i32
      %dma_wait3A_332 = tpu.memref_slice %arg2[%dma_wait3A_330, %dma_wait3A_331] : memref<20000x64xbf16, #tpu.memory_space<hbm>> -> memref<20000x64xbf16, #tpu.memory_space<hbm>>
      tpu.wait_indirect_dma semaphore(%arg14 : memref<!tpu.dma_semaphore, #tpu.memory_space<semaphore_mem>>) src(%dma_wait3A_332 : memref<20000x64xbf16, #tpu.memory_space<hbm>>) dst(%dma_wait3A_326 : memref<128x64xbf16, #tpu.memory_space<vmem>>)
      %dma_wait3A_333 = arith.constant 3 : i32
      %dma_wait3A_334 = arith.constant 3 : i32
      %dma_wait3A_335 = arith.constant 0 : i32
      %dma_wait3A_336 = arith.constant 0 : i32
      %dma_wait3A_337 = tpu.memref_slice %arg13[%dma_wait3A_334, %dma_wait3A_335, %dma_wait3A_336] : memref<4x128x64xbf16, #tpu.memory_space<vmem>> -> memref<1x128x64xbf16, #tpu.memory_space<vmem>>
      %dma_wait3A_338 = tpu.memref_squeeze %dma_wait3A_337 : memref<1x128x64xbf16, #tpu.memory_space<vmem>> -> memref<128x64xbf16, #tpu.memory_space<vmem>>
      %dma_wait3A_339 = arith.constant 0 : i32
      %dma_wait3A_340 = tpu.memref_slice %arg10[%dma_wait3A_333, %dma_wait3A_339] : memref<4x128xi32, #tpu.memory_space<vmem>> -> memref<1x128xi32, #tpu.memory_space<vmem>>
      %dma_wait3A_341 = tpu.memref_squeeze %dma_wait3A_340 : memref<1x128xi32, #tpu.memory_space<vmem>> -> memref<128xi32, #tpu.memory_space<vmem>>
      %dma_wait3A_342 = arith.constant 0 : i32
      %dma_wait3A_343 = arith.constant 0 : i32
      %dma_wait3A_344 = tpu.memref_slice %arg2[%dma_wait3A_342, %dma_wait3A_343] : memref<20000x64xbf16, #tpu.memory_space<hbm>> -> memref<20000x64xbf16, #tpu.memory_space<hbm>>
      tpu.wait_indirect_dma semaphore(%arg14 : memref<!tpu.dma_semaphore, #tpu.memory_space<semaphore_mem>>) src(%dma_wait3A_344 : memref<20000x64xbf16, #tpu.memory_space<hbm>>) dst(%dma_wait3A_338 : memref<128x64xbf16, #tpu.memory_space<vmem>>)
      %dma_wait3A_345 = arith.constant 0 : i32
      %dma_wait3A_346 = arith.constant 0 : i32
      %dma_wait3A_347 = arith.constant 0 : i32
      %dma_wait3A_348 = arith.constant 0 : i32
      %dma_wait3A_349 = tpu.memref_slice %arg12[%dma_wait3A_345, %dma_wait3A_347, %dma_wait3A_348] : memref<4x128x64xbf16, #tpu.memory_space<vmem>> -> memref<1x128x64xbf16, #tpu.memory_space<vmem>>
      %dma_wait3A_350 = tpu.memref_squeeze %dma_wait3A_349 : memref<1x128x64xbf16, #tpu.memory_space<vmem>> -> memref<128x64xbf16, #tpu.memory_space<vmem>>
      %dma_wait3A_351 = arith.constant 0 : i32
      %dma_wait3A_352 = tpu.memref_slice %arg9[%dma_wait3A_346, %dma_wait3A_351] : memref<4x128xi32, #tpu.memory_space<vmem>> -> memref<1x128xi32, #tpu.memory_space<vmem>>
      %dma_wait3A_353 = tpu.memref_squeeze %dma_wait3A_352 : memref<1x128xi32, #tpu.memory_space<vmem>> -> memref<128xi32, #tpu.memory_space<vmem>>
      %dma_wait3A_354 = arith.constant 0 : i32
      %dma_wait3A_355 = arith.constant 0 : i32
      %dma_wait3A_356 = tpu.memref_slice %arg7[%dma_wait3A_354, %dma_wait3A_355] : memref<10112x64xbf16, #tpu.memory_space<vmem_shared>> -> memref<10112x64xbf16, #tpu.memory_space<vmem_shared>>
      tpu.wait_indirect_dma semaphore(%arg15 : memref<!tpu.dma_semaphore, #tpu.memory_space<semaphore_mem>>) src(%dma_wait3A_350 : memref<128x64xbf16, #tpu.memory_space<vmem>>) dst(%dma_wait3A_356 : memref<10112x64xbf16, #tpu.memory_space<vmem_shared>>)
      %dma_wait3A_357 = arith.constant 1 : i32
      %dma_wait3A_358 = arith.constant 1 : i32
      %dma_wait3A_359 = arith.constant 0 : i32
      %dma_wait3A_360 = arith.constant 0 : i32
      %dma_wait3A_361 = tpu.memref_slice %arg12[%dma_wait3A_357, %dma_wait3A_359, %dma_wait3A_360] : memref<4x128x64xbf16, #tpu.memory_space<vmem>> -> memref<1x128x64xbf16, #tpu.memory_space<vmem>>
      %dma_wait3A_362 = tpu.memref_squeeze %dma_wait3A_361 : memref<1x128x64xbf16, #tpu.memory_space<vmem>> -> memref<128x64xbf16, #tpu.memory_space<vmem>>
      %dma_wait3A_363 = arith.constant 0 : i32
      %dma_wait3A_364 = tpu.memref_slice %arg9[%dma_wait3A_358, %dma_wait3A_363] : memref<4x128xi32, #tpu.memory_space<vmem>> -> memref<1x128xi32, #tpu.memory_space<vmem>>
      %dma_wait3A_365 = tpu.memref_squeeze %dma_wait3A_364 : memref<1x128xi32, #tpu.memory_space<vmem>> -> memref<128xi32, #tpu.memory_space<vmem>>
      %dma_wait3A_366 = arith.constant 0 : i32
      %dma_wait3A_367 = arith.constant 0 : i32
      %dma_wait3A_368 = tpu.memref_slice %arg7[%dma_wait3A_366, %dma_wait3A_367] : memref<10112x64xbf16, #tpu.memory_space<vmem_shared>> -> memref<10112x64xbf16, #tpu.memory_space<vmem_shared>>
      tpu.wait_indirect_dma semaphore(%arg15 : memref<!tpu.dma_semaphore, #tpu.memory_space<semaphore_mem>>) src(%dma_wait3A_362 : memref<128x64xbf16, #tpu.memory_space<vmem>>) dst(%dma_wait3A_368 : memref<10112x64xbf16, #tpu.memory_space<vmem_shared>>)
      %dma_wait3A_369 = arith.constant 2 : i32
      %dma_wait3A_370 = arith.constant 2 : i32
      %dma_wait3A_371 = arith.constant 0 : i32
      %dma_wait3A_372 = arith.constant 0 : i32
      %dma_wait3A_373 = tpu.memref_slice %arg12[%dma_wait3A_369, %dma_wait3A_371, %dma_wait3A_372] : memref<4x128x64xbf16, #tpu.memory_space<vmem>> -> memref<1x128x64xbf16, #tpu.memory_space<vmem>>
      %dma_wait3A_374 = tpu.memref_squeeze %dma_wait3A_373 : memref<1x128x64xbf16, #tpu.memory_space<vmem>> -> memref<128x64xbf16, #tpu.memory_space<vmem>>
      %dma_wait3A_375 = arith.constant 0 : i32
      %dma_wait3A_376 = tpu.memref_slice %arg9[%dma_wait3A_370, %dma_wait3A_375] : memref<4x128xi32, #tpu.memory_space<vmem>> -> memref<1x128xi32, #tpu.memory_space<vmem>>
      %dma_wait3A_377 = tpu.memref_squeeze %dma_wait3A_376 : memref<1x128xi32, #tpu.memory_space<vmem>> -> memref<128xi32, #tpu.memory_space<vmem>>
      %dma_wait3A_378 = arith.constant 0 : i32
      %dma_wait3A_379 = arith.constant 0 : i32
      %dma_wait3A_380 = tpu.memref_slice %arg7[%dma_wait3A_378, %dma_wait3A_379] : memref<10112x64xbf16, #tpu.memory_space<vmem_shared>> -> memref<10112x64xbf16, #tpu.memory_space<vmem_shared>>
      tpu.wait_indirect_dma semaphore(%arg15 : memref<!tpu.dma_semaphore, #tpu.memory_space<semaphore_mem>>) src(%dma_wait3A_374 : memref<128x64xbf16, #tpu.memory_space<vmem>>) dst(%dma_wait3A_380 : memref<10112x64xbf16, #tpu.memory_space<vmem_shared>>)
      %dma_wait3A_381 = arith.constant 3 : i32
      %dma_wait3A_382 = arith.constant 3 : i32
      %dma_wait3A_383 = arith.constant 0 : i32
      %dma_wait3A_384 = arith.constant 0 : i32
      %dma_wait3A_385 = tpu.memref_slice %arg12[%dma_wait3A_381, %dma_wait3A_383, %dma_wait3A_384] : memref<4x128x64xbf16, #tpu.memory_space<vmem>> -> memref<1x128x64xbf16, #tpu.memory_space<vmem>>
      %dma_wait3A_386 = tpu.memref_squeeze %dma_wait3A_385 : memref<1x128x64xbf16, #tpu.memory_space<vmem>> -> memref<128x64xbf16, #tpu.memory_space<vmem>>
      %dma_wait3A_387 = arith.constant 0 : i32
      %dma_wait3A_388 = tpu.memref_slice %arg9[%dma_wait3A_382, %dma_wait3A_387] : memref<4x128xi32, #tpu.memory_space<vmem>> -> memref<1x128xi32, #tpu.memory_space<vmem>>
      %dma_wait3A_389 = tpu.memref_squeeze %dma_wait3A_388 : memref<1x128xi32, #tpu.memory_space<vmem>> -> memref<128xi32, #tpu.memory_space<vmem>>
      %dma_wait3A_390 = arith.constant 0 : i32
      %dma_wait3A_391 = arith.constant 0 : i32
      %dma_wait3A_392 = tpu.memref_slice %arg7[%dma_wait3A_390, %dma_wait3A_391] : memref<10112x64xbf16, #tpu.memory_space<vmem_shared>> -> memref<10112x64xbf16, #tpu.memory_space<vmem_shared>>
      tpu.wait_indirect_dma semaphore(%arg15 : memref<!tpu.dma_semaphore, #tpu.memory_space<semaphore_mem>>) src(%dma_wait3A_386 : memref<128x64xbf16, #tpu.memory_space<vmem>>) dst(%dma_wait3A_392 : memref<10112x64xbf16, #tpu.memory_space<vmem_shared>>)
      %lt3A = arith.constant 19 : i32
      %lt3A_393 = arith.cmpi slt, %scan3A_126, %lt3A : i32
      %convert_element_type3A_394 = arith.extui %lt3A_393 : i1 to i32
      %cond3A_395 = arith.constant 0 : i32
      %cond3A_396 = arith.cmpi ne, %convert_element_type3A_394, %cond3A_395 : i32
      scf.if %cond3A_396 {
        %mul3A_401 = arith.constant 2 : i32
        %mul3A_402 = arith.muli %mul3A_401, %scan3A_126 : i32
        %add3A_403 = arith.constant 2 : i32
        %add3A_404 = arith.addi %mul3A_402, %add3A_403 : i32
        %mul3A_405 = arith.constant 4 : i32
        %mul3A_406 = arith.muli %add3A_404, %mul3A_405 : i32
        %add3A_407 = arith.addi %mul3A_4, %mul3A_406 : i32
        %add3A_408 = arith.addi %mul3A_2, %add3A_407 : i32
        %dma_start3A_409 = arith.constant 0 : i32
        %dma_start3A_410 = tpu.memref_slice %arg3[%add3A_408, %dma_start3A_409] : memref<5120x128xi32, #tpu.memory_space<hbm>> -> memref<4x128xi32, #tpu.memory_space<hbm>>
        %dma_start3A_411 = arith.constant 0 : i32
        %dma_start3A_412 = tpu.memref_slice %arg3[%add3A_408, %dma_start3A_411] : memref<5120x128xi32, #tpu.memory_space<hbm>> -> memref<4x128xi32, #tpu.memory_space<hbm>>
        tpu.enqueue_dma source(%dma_start3A_412 : memref<4x128xi32, #tpu.memory_space<hbm>>) target(%arg8 : memref<4x128xi32, #tpu.memory_space<vmem>>) target_semaphore(%arg16 : memref<!tpu.dma_semaphore, #tpu.memory_space<semaphore_mem>>)
        %dma_start3A_413 = arith.constant 0 : i32
        %dma_start3A_414 = tpu.memref_slice %arg4[%add3A_407, %dma_start3A_413] : memref<2560x128xi32, #tpu.memory_space<hbm>> -> memref<4x128xi32, #tpu.memory_space<hbm>>
        %dma_start3A_415 = arith.constant 0 : i32
        %dma_start3A_416 = tpu.memref_slice %arg4[%add3A_407, %dma_start3A_415] : memref<2560x128xi32, #tpu.memory_space<hbm>> -> memref<4x128xi32, #tpu.memory_space<hbm>>
        tpu.enqueue_dma source(%dma_start3A_416 : memref<4x128xi32, #tpu.memory_space<hbm>>) target(%arg9 : memref<4x128xi32, #tpu.memory_space<vmem>>) target_semaphore(%arg16 : memref<!tpu.dma_semaphore, #tpu.memory_space<semaphore_mem>>)
        %dma_start3A_417 = arith.constant 0 : i32
        %dma_start3A_418 = arith.constant 0 : i32
        %dma_start3A_419 = arith.constant 0 : i32
        %dma_start3A_420 = arith.constant 0 : i32
        %dma_start3A_421 = tpu.memref_slice %arg13[%dma_start3A_417, %dma_start3A_419, %dma_start3A_420] : memref<4x128x64xbf16, #tpu.memory_space<vmem>> -> memref<1x128x64xbf16, #tpu.memory_space<vmem>>
        %dma_start3A_422 = tpu.memref_squeeze %dma_start3A_421 : memref<1x128x64xbf16, #tpu.memory_space<vmem>> -> memref<128x64xbf16, #tpu.memory_space<vmem>>
        %dma_start3A_423 = arith.constant 0 : i32
        %dma_start3A_424 = tpu.memref_slice %arg11[%dma_start3A_418, %dma_start3A_423] : memref<4x128xi32, #tpu.memory_space<vmem>> -> memref<1x128xi32, #tpu.memory_space<vmem>>
        %dma_start3A_425 = tpu.memref_squeeze %dma_start3A_424 : memref<1x128xi32, #tpu.memory_space<vmem>> -> memref<128xi32, #tpu.memory_space<vmem>>
        %dma_start3A_426 = arith.constant 0 : i32
        %dma_start3A_427 = arith.constant 0 : i32
        %dma_start3A_428 = tpu.memref_slice %arg7[%dma_start3A_426, %dma_start3A_427] : memref<10112x64xbf16, #tpu.memory_space<vmem_shared>> -> memref<10112x64xbf16, #tpu.memory_space<vmem_shared>>
        tpu.enqueue_indirect_dma source(%dma_start3A_422 : memref<128x64xbf16, #tpu.memory_space<vmem>>) target(%dma_start3A_428 : memref<10112x64xbf16, #tpu.memory_space<vmem_shared>>) offsets(%dma_start3A_425 : memref<128xi32, #tpu.memory_space<vmem>>) semaphore(%arg15 : memref<!tpu.dma_semaphore, #tpu.memory_space<semaphore_mem>>) {add = true}
        %dma_start3A_429 = arith.constant 1 : i32
        %dma_start3A_430 = arith.constant 1 : i32
        %dma_start3A_431 = arith.constant 0 : i32
        %dma_start3A_432 = arith.constant 0 : i32
        %dma_start3A_433 = tpu.memref_slice %arg13[%dma_start3A_429, %dma_start3A_431, %dma_start3A_432] : memref<4x128x64xbf16, #tpu.memory_space<vmem>> -> memref<1x128x64xbf16, #tpu.memory_space<vmem>>
        %dma_start3A_434 = tpu.memref_squeeze %dma_start3A_433 : memref<1x128x64xbf16, #tpu.memory_space<vmem>> -> memref<128x64xbf16, #tpu.memory_space<vmem>>
        %dma_start3A_435 = arith.constant 0 : i32
        %dma_start3A_436 = tpu.memref_slice %arg11[%dma_start3A_430, %dma_start3A_435] : memref<4x128xi32, #tpu.memory_space<vmem>> -> memref<1x128xi32, #tpu.memory_space<vmem>>
        %dma_start3A_437 = tpu.memref_squeeze %dma_start3A_436 : memref<1x128xi32, #tpu.memory_space<vmem>> -> memref<128xi32, #tpu.memory_space<vmem>>
        %dma_start3A_438 = arith.constant 0 : i32
        %dma_start3A_439 = arith.constant 0 : i32
        %dma_start3A_440 = tpu.memref_slice %arg7[%dma_start3A_438, %dma_start3A_439] : memref<10112x64xbf16, #tpu.memory_space<vmem_shared>> -> memref<10112x64xbf16, #tpu.memory_space<vmem_shared>>
        tpu.enqueue_indirect_dma source(%dma_start3A_434 : memref<128x64xbf16, #tpu.memory_space<vmem>>) target(%dma_start3A_440 : memref<10112x64xbf16, #tpu.memory_space<vmem_shared>>) offsets(%dma_start3A_437 : memref<128xi32, #tpu.memory_space<vmem>>) semaphore(%arg15 : memref<!tpu.dma_semaphore, #tpu.memory_space<semaphore_mem>>) {add = true}
        %dma_start3A_441 = arith.constant 2 : i32
        %dma_start3A_442 = arith.constant 2 : i32
        %dma_start3A_443 = arith.constant 0 : i32
        %dma_start3A_444 = arith.constant 0 : i32
        %dma_start3A_445 = tpu.memref_slice %arg13[%dma_start3A_441, %dma_start3A_443, %dma_start3A_444] : memref<4x128x64xbf16, #tpu.memory_space<vmem>> -> memref<1x128x64xbf16, #tpu.memory_space<vmem>>
        %dma_start3A_446 = tpu.memref_squeeze %dma_start3A_445 : memref<1x128x64xbf16, #tpu.memory_space<vmem>> -> memref<128x64xbf16, #tpu.memory_space<vmem>>
        %dma_start3A_447 = arith.constant 0 : i32
        %dma_start3A_448 = tpu.memref_slice %arg11[%dma_start3A_442, %dma_start3A_447] : memref<4x128xi32, #tpu.memory_space<vmem>> -> memref<1x128xi32, #tpu.memory_space<vmem>>
        %dma_start3A_449 = tpu.memref_squeeze %dma_start3A_448 : memref<1x128xi32, #tpu.memory_space<vmem>> -> memref<128xi32, #tpu.memory_space<vmem>>
        %dma_start3A_450 = arith.constant 0 : i32
        %dma_start3A_451 = arith.constant 0 : i32
        %dma_start3A_452 = tpu.memref_slice %arg7[%dma_start3A_450, %dma_start3A_451] : memref<10112x64xbf16, #tpu.memory_space<vmem_shared>> -> memref<10112x64xbf16, #tpu.memory_space<vmem_shared>>
        tpu.enqueue_indirect_dma source(%dma_start3A_446 : memref<128x64xbf16, #tpu.memory_space<vmem>>) target(%dma_start3A_452 : memref<10112x64xbf16, #tpu.memory_space<vmem_shared>>) offsets(%dma_start3A_449 : memref<128xi32, #tpu.memory_space<vmem>>) semaphore(%arg15 : memref<!tpu.dma_semaphore, #tpu.memory_space<semaphore_mem>>) {add = true}
        %dma_start3A_453 = arith.constant 3 : i32
        %dma_start3A_454 = arith.constant 3 : i32
        %dma_start3A_455 = arith.constant 0 : i32
        %dma_start3A_456 = arith.constant 0 : i32
        %dma_start3A_457 = tpu.memref_slice %arg13[%dma_start3A_453, %dma_start3A_455, %dma_start3A_456] : memref<4x128x64xbf16, #tpu.memory_space<vmem>> -> memref<1x128x64xbf16, #tpu.memory_space<vmem>>
        %dma_start3A_458 = tpu.memref_squeeze %dma_start3A_457 : memref<1x128x64xbf16, #tpu.memory_space<vmem>> -> memref<128x64xbf16, #tpu.memory_space<vmem>>
        %dma_start3A_459 = arith.constant 0 : i32
        %dma_start3A_460 = tpu.memref_slice %arg11[%dma_start3A_454, %dma_start3A_459] : memref<4x128xi32, #tpu.memory_space<vmem>> -> memref<1x128xi32, #tpu.memory_space<vmem>>
        %dma_start3A_461 = tpu.memref_squeeze %dma_start3A_460 : memref<1x128xi32, #tpu.memory_space<vmem>> -> memref<128xi32, #tpu.memory_space<vmem>>
        %dma_start3A_462 = arith.constant 0 : i32
        %dma_start3A_463 = arith.constant 0 : i32
        %dma_start3A_464 = tpu.memref_slice %arg7[%dma_start3A_462, %dma_start3A_463] : memref<10112x64xbf16, #tpu.memory_space<vmem_shared>> -> memref<10112x64xbf16, #tpu.memory_space<vmem_shared>>
        tpu.enqueue_indirect_dma source(%dma_start3A_458 : memref<128x64xbf16, #tpu.memory_space<vmem>>) target(%dma_start3A_464 : memref<10112x64xbf16, #tpu.memory_space<vmem_shared>>) offsets(%dma_start3A_461 : memref<128xi32, #tpu.memory_space<vmem>>) semaphore(%arg15 : memref<!tpu.dma_semaphore, #tpu.memory_space<semaphore_mem>>) {add = true}
        %dma_wait3A_465 = arith.constant 0 : i32
        %dma_wait3A_466 = tpu.memref_slice %arg3[%add3A_408, %dma_wait3A_465] : memref<5120x128xi32, #tpu.memory_space<hbm>> -> memref<4x128xi32, #tpu.memory_space<hbm>>
        %dma_wait3A_467 = arith.constant 0 : i32
        %dma_wait3A_468 = tpu.memref_slice %arg3[%add3A_408, %dma_wait3A_467] : memref<5120x128xi32, #tpu.memory_space<hbm>> -> memref<4x128xi32, #tpu.memory_space<hbm>>
        tpu.wait_dma2 semaphore(%arg16 : memref<!tpu.dma_semaphore, #tpu.memory_space<semaphore_mem>>) src(%dma_wait3A_468 : memref<4x128xi32, #tpu.memory_space<hbm>>) dst(%arg8 : memref<4x128xi32, #tpu.memory_space<vmem>>)
        %dma_wait3A_469 = arith.constant 0 : i32
        %dma_wait3A_470 = tpu.memref_slice %arg4[%add3A_407, %dma_wait3A_469] : memref<2560x128xi32, #tpu.memory_space<hbm>> -> memref<4x128xi32, #tpu.memory_space<hbm>>
        %dma_wait3A_471 = arith.constant 0 : i32
        %dma_wait3A_472 = tpu.memref_slice %arg4[%add3A_407, %dma_wait3A_471] : memref<2560x128xi32, #tpu.memory_space<hbm>> -> memref<4x128xi32, #tpu.memory_space<hbm>>
        tpu.wait_dma2 semaphore(%arg16 : memref<!tpu.dma_semaphore, #tpu.memory_space<semaphore_mem>>) src(%dma_wait3A_472 : memref<4x128xi32, #tpu.memory_space<hbm>>) dst(%arg9 : memref<4x128xi32, #tpu.memory_space<vmem>>)
        %dma_start3A_473 = arith.constant 0 : i32
        %dma_start3A_474 = arith.constant 0 : i32
        %dma_start3A_475 = arith.constant 0 : i32
        %dma_start3A_476 = arith.constant 0 : i32
        %dma_start3A_477 = tpu.memref_slice %arg12[%dma_start3A_474, %dma_start3A_475, %dma_start3A_476] : memref<4x128x64xbf16, #tpu.memory_space<vmem>> -> memref<1x128x64xbf16, #tpu.memory_space<vmem>>
        %dma_start3A_478 = tpu.memref_squeeze %dma_start3A_477 : memref<1x128x64xbf16, #tpu.memory_space<vmem>> -> memref<128x64xbf16, #tpu.memory_space<vmem>>
        %dma_start3A_479 = arith.constant 0 : i32
        %dma_start3A_480 = tpu.memref_slice %arg8[%dma_start3A_473, %dma_start3A_479] : memref<4x128xi32, #tpu.memory_space<vmem>> -> memref<1x128xi32, #tpu.memory_space<vmem>>
        %dma_start3A_481 = tpu.memref_squeeze %dma_start3A_480 : memref<1x128xi32, #tpu.memory_space<vmem>> -> memref<128xi32, #tpu.memory_space<vmem>>
        %dma_start3A_482 = arith.constant 0 : i32
        %dma_start3A_483 = arith.constant 0 : i32
        %dma_start3A_484 = tpu.memref_slice %arg2[%dma_start3A_482, %dma_start3A_483] : memref<20000x64xbf16, #tpu.memory_space<hbm>> -> memref<20000x64xbf16, #tpu.memory_space<hbm>>
        tpu.enqueue_indirect_dma source(%dma_start3A_484 : memref<20000x64xbf16, #tpu.memory_space<hbm>>) target(%dma_start3A_478 : memref<128x64xbf16, #tpu.memory_space<vmem>>) offsets(%dma_start3A_481 : memref<128xi32, #tpu.memory_space<vmem>>) semaphore(%arg14 : memref<!tpu.dma_semaphore, #tpu.memory_space<semaphore_mem>>)
        %dma_start3A_485 = arith.constant 1 : i32
        %dma_start3A_486 = arith.constant 1 : i32
        %dma_start3A_487 = arith.constant 0 : i32
        %dma_start3A_488 = arith.constant 0 : i32
        %dma_start3A_489 = tpu.memref_slice %arg12[%dma_start3A_486, %dma_start3A_487, %dma_start3A_488] : memref<4x128x64xbf16, #tpu.memory_space<vmem>> -> memref<1x128x64xbf16, #tpu.memory_space<vmem>>
        %dma_start3A_490 = tpu.memref_squeeze %dma_start3A_489 : memref<1x128x64xbf16, #tpu.memory_space<vmem>> -> memref<128x64xbf16, #tpu.memory_space<vmem>>
        %dma_start3A_491 = arith.constant 0 : i32
        %dma_start3A_492 = tpu.memref_slice %arg8[%dma_start3A_485, %dma_start3A_491] : memref<4x128xi32, #tpu.memory_space<vmem>> -> memref<1x128xi32, #tpu.memory_space<vmem>>
        %dma_start3A_493 = tpu.memref_squeeze %dma_start3A_492 : memref<1x128xi32, #tpu.memory_space<vmem>> -> memref<128xi32, #tpu.memory_space<vmem>>
        %dma_start3A_494 = arith.constant 0 : i32
        %dma_start3A_495 = arith.constant 0 : i32
        %dma_start3A_496 = tpu.memref_slice %arg2[%dma_start3A_494, %dma_start3A_495] : memref<20000x64xbf16, #tpu.memory_space<hbm>> -> memref<20000x64xbf16, #tpu.memory_space<hbm>>
        tpu.enqueue_indirect_dma source(%dma_start3A_496 : memref<20000x64xbf16, #tpu.memory_space<hbm>>) target(%dma_start3A_490 : memref<128x64xbf16, #tpu.memory_space<vmem>>) offsets(%dma_start3A_493 : memref<128xi32, #tpu.memory_space<vmem>>) semaphore(%arg14 : memref<!tpu.dma_semaphore, #tpu.memory_space<semaphore_mem>>)
        %dma_start3A_497 = arith.constant 2 : i32
        %dma_start3A_498 = arith.constant 2 : i32
        %dma_start3A_499 = arith.constant 0 : i32
        %dma_start3A_500 = arith.constant 0 : i32
        %dma_start3A_501 = tpu.memref_slice %arg12[%dma_start3A_498, %dma_start3A_499, %dma_start3A_500] : memref<4x128x64xbf16, #tpu.memory_space<vmem>> -> memref<1x128x64xbf16, #tpu.memory_space<vmem>>
        %dma_start3A_502 = tpu.memref_squeeze %dma_start3A_501 : memref<1x128x64xbf16, #tpu.memory_space<vmem>> -> memref<128x64xbf16, #tpu.memory_space<vmem>>
        %dma_start3A_503 = arith.constant 0 : i32
        %dma_start3A_504 = tpu.memref_slice %arg8[%dma_start3A_497, %dma_start3A_503] : memref<4x128xi32, #tpu.memory_space<vmem>> -> memref<1x128xi32, #tpu.memory_space<vmem>>
        %dma_start3A_505 = tpu.memref_squeeze %dma_start3A_504 : memref<1x128xi32, #tpu.memory_space<vmem>> -> memref<128xi32, #tpu.memory_space<vmem>>
        %dma_start3A_506 = arith.constant 0 : i32
        %dma_start3A_507 = arith.constant 0 : i32
        %dma_start3A_508 = tpu.memref_slice %arg2[%dma_start3A_506, %dma_start3A_507] : memref<20000x64xbf16, #tpu.memory_space<hbm>> -> memref<20000x64xbf16, #tpu.memory_space<hbm>>
        tpu.enqueue_indirect_dma source(%dma_start3A_508 : memref<20000x64xbf16, #tpu.memory_space<hbm>>) target(%dma_start3A_502 : memref<128x64xbf16, #tpu.memory_space<vmem>>) offsets(%dma_start3A_505 : memref<128xi32, #tpu.memory_space<vmem>>) semaphore(%arg14 : memref<!tpu.dma_semaphore, #tpu.memory_space<semaphore_mem>>)
        %dma_start3A_509 = arith.constant 3 : i32
        %dma_start3A_510 = arith.constant 3 : i32
        %dma_start3A_511 = arith.constant 0 : i32
        %dma_start3A_512 = arith.constant 0 : i32
        %dma_start3A_513 = tpu.memref_slice %arg12[%dma_start3A_510, %dma_start3A_511, %dma_start3A_512] : memref<4x128x64xbf16, #tpu.memory_space<vmem>> -> memref<1x128x64xbf16, #tpu.memory_space<vmem>>
        %dma_start3A_514 = tpu.memref_squeeze %dma_start3A_513 : memref<1x128x64xbf16, #tpu.memory_space<vmem>> -> memref<128x64xbf16, #tpu.memory_space<vmem>>
        %dma_start3A_515 = arith.constant 0 : i32
        %dma_start3A_516 = tpu.memref_slice %arg8[%dma_start3A_509, %dma_start3A_515] : memref<4x128xi32, #tpu.memory_space<vmem>> -> memref<1x128xi32, #tpu.memory_space<vmem>>
        %dma_start3A_517 = tpu.memref_squeeze %dma_start3A_516 : memref<1x128xi32, #tpu.memory_space<vmem>> -> memref<128xi32, #tpu.memory_space<vmem>>
        %dma_start3A_518 = arith.constant 0 : i32
        %dma_start3A_519 = arith.constant 0 : i32
        %dma_start3A_520 = tpu.memref_slice %arg2[%dma_start3A_518, %dma_start3A_519] : memref<20000x64xbf16, #tpu.memory_space<hbm>> -> memref<20000x64xbf16, #tpu.memory_space<hbm>>
        tpu.enqueue_indirect_dma source(%dma_start3A_520 : memref<20000x64xbf16, #tpu.memory_space<hbm>>) target(%dma_start3A_514 : memref<128x64xbf16, #tpu.memory_space<vmem>>) offsets(%dma_start3A_517 : memref<128xi32, #tpu.memory_space<vmem>>) semaphore(%arg14 : memref<!tpu.dma_semaphore, #tpu.memory_space<semaphore_mem>>)
      } else {
      }
      %eq3A = arith.constant 19 : i32
      %eq3A_397 = arith.cmpi eq, %scan3A_126, %eq3A : i32
      %convert_element_type3A_398 = arith.extui %eq3A_397 : i1 to i32
      %cond3A_399 = arith.constant 0 : i32
      %cond3A_400 = arith.cmpi ne, %convert_element_type3A_398, %cond3A_399 : i32
      scf.if %cond3A_400 {
        %dma_start3A_401 = arith.constant 0 : i32
        %dma_start3A_402 = arith.constant 0 : i32
        %dma_start3A_403 = arith.constant 0 : i32
        %dma_start3A_404 = arith.constant 0 : i32
        %dma_start3A_405 = tpu.memref_slice %arg13[%dma_start3A_401, %dma_start3A_403, %dma_start3A_404] : memref<4x128x64xbf16, #tpu.memory_space<vmem>> -> memref<1x128x64xbf16, #tpu.memory_space<vmem>>
        %dma_start3A_406 = tpu.memref_squeeze %dma_start3A_405 : memref<1x128x64xbf16, #tpu.memory_space<vmem>> -> memref<128x64xbf16, #tpu.memory_space<vmem>>
        %dma_start3A_407 = arith.constant 0 : i32
        %dma_start3A_408 = tpu.memref_slice %arg11[%dma_start3A_402, %dma_start3A_407] : memref<4x128xi32, #tpu.memory_space<vmem>> -> memref<1x128xi32, #tpu.memory_space<vmem>>
        %dma_start3A_409 = tpu.memref_squeeze %dma_start3A_408 : memref<1x128xi32, #tpu.memory_space<vmem>> -> memref<128xi32, #tpu.memory_space<vmem>>
        %dma_start3A_410 = arith.constant 0 : i32
        %dma_start3A_411 = arith.constant 0 : i32
        %dma_start3A_412 = tpu.memref_slice %arg7[%dma_start3A_410, %dma_start3A_411] : memref<10112x64xbf16, #tpu.memory_space<vmem_shared>> -> memref<10112x64xbf16, #tpu.memory_space<vmem_shared>>
        tpu.enqueue_indirect_dma source(%dma_start3A_406 : memref<128x64xbf16, #tpu.memory_space<vmem>>) target(%dma_start3A_412 : memref<10112x64xbf16, #tpu.memory_space<vmem_shared>>) offsets(%dma_start3A_409 : memref<128xi32, #tpu.memory_space<vmem>>) semaphore(%arg15 : memref<!tpu.dma_semaphore, #tpu.memory_space<semaphore_mem>>) {add = true}
        %dma_start3A_413 = arith.constant 1 : i32
        %dma_start3A_414 = arith.constant 1 : i32
        %dma_start3A_415 = arith.constant 0 : i32
        %dma_start3A_416 = arith.constant 0 : i32
        %dma_start3A_417 = tpu.memref_slice %arg13[%dma_start3A_413, %dma_start3A_415, %dma_start3A_416] : memref<4x128x64xbf16, #tpu.memory_space<vmem>> -> memref<1x128x64xbf16, #tpu.memory_space<vmem>>
        %dma_start3A_418 = tpu.memref_squeeze %dma_start3A_417 : memref<1x128x64xbf16, #tpu.memory_space<vmem>> -> memref<128x64xbf16, #tpu.memory_space<vmem>>
        %dma_start3A_419 = arith.constant 0 : i32
        %dma_start3A_420 = tpu.memref_slice %arg11[%dma_start3A_414, %dma_start3A_419] : memref<4x128xi32, #tpu.memory_space<vmem>> -> memref<1x128xi32, #tpu.memory_space<vmem>>
        %dma_start3A_421 = tpu.memref_squeeze %dma_start3A_420 : memref<1x128xi32, #tpu.memory_space<vmem>> -> memref<128xi32, #tpu.memory_space<vmem>>
        %dma_start3A_422 = arith.constant 0 : i32
        %dma_start3A_423 = arith.constant 0 : i32
        %dma_start3A_424 = tpu.memref_slice %arg7[%dma_start3A_422, %dma_start3A_423] : memref<10112x64xbf16, #tpu.memory_space<vmem_shared>> -> memref<10112x64xbf16, #tpu.memory_space<vmem_shared>>
        tpu.enqueue_indirect_dma source(%dma_start3A_418 : memref<128x64xbf16, #tpu.memory_space<vmem>>) target(%dma_start3A_424 : memref<10112x64xbf16, #tpu.memory_space<vmem_shared>>) offsets(%dma_start3A_421 : memref<128xi32, #tpu.memory_space<vmem>>) semaphore(%arg15 : memref<!tpu.dma_semaphore, #tpu.memory_space<semaphore_mem>>) {add = true}
        %dma_start3A_425 = arith.constant 2 : i32
        %dma_start3A_426 = arith.constant 2 : i32
        %dma_start3A_427 = arith.constant 0 : i32
        %dma_start3A_428 = arith.constant 0 : i32
        %dma_start3A_429 = tpu.memref_slice %arg13[%dma_start3A_425, %dma_start3A_427, %dma_start3A_428] : memref<4x128x64xbf16, #tpu.memory_space<vmem>> -> memref<1x128x64xbf16, #tpu.memory_space<vmem>>
        %dma_start3A_430 = tpu.memref_squeeze %dma_start3A_429 : memref<1x128x64xbf16, #tpu.memory_space<vmem>> -> memref<128x64xbf16, #tpu.memory_space<vmem>>
        %dma_start3A_431 = arith.constant 0 : i32
        %dma_start3A_432 = tpu.memref_slice %arg11[%dma_start3A_426, %dma_start3A_431] : memref<4x128xi32, #tpu.memory_space<vmem>> -> memref<1x128xi32, #tpu.memory_space<vmem>>
        %dma_start3A_433 = tpu.memref_squeeze %dma_start3A_432 : memref<1x128xi32, #tpu.memory_space<vmem>> -> memref<128xi32, #tpu.memory_space<vmem>>
        %dma_start3A_434 = arith.constant 0 : i32
        %dma_start3A_435 = arith.constant 0 : i32
        %dma_start3A_436 = tpu.memref_slice %arg7[%dma_start3A_434, %dma_start3A_435] : memref<10112x64xbf16, #tpu.memory_space<vmem_shared>> -> memref<10112x64xbf16, #tpu.memory_space<vmem_shared>>
        tpu.enqueue_indirect_dma source(%dma_start3A_430 : memref<128x64xbf16, #tpu.memory_space<vmem>>) target(%dma_start3A_436 : memref<10112x64xbf16, #tpu.memory_space<vmem_shared>>) offsets(%dma_start3A_433 : memref<128xi32, #tpu.memory_space<vmem>>) semaphore(%arg15 : memref<!tpu.dma_semaphore, #tpu.memory_space<semaphore_mem>>) {add = true}
        %dma_start3A_437 = arith.constant 3 : i32
        %dma_start3A_438 = arith.constant 3 : i32
        %dma_start3A_439 = arith.constant 0 : i32
        %dma_start3A_440 = arith.constant 0 : i32
        %dma_start3A_441 = tpu.memref_slice %arg13[%dma_start3A_437, %dma_start3A_439, %dma_start3A_440] : memref<4x128x64xbf16, #tpu.memory_space<vmem>> -> memref<1x128x64xbf16, #tpu.memory_space<vmem>>
        %dma_start3A_442 = tpu.memref_squeeze %dma_start3A_441 : memref<1x128x64xbf16, #tpu.memory_space<vmem>> -> memref<128x64xbf16, #tpu.memory_space<vmem>>
        %dma_start3A_443 = arith.constant 0 : i32
        %dma_start3A_444 = tpu.memref_slice %arg11[%dma_start3A_438, %dma_start3A_443] : memref<4x128xi32, #tpu.memory_space<vmem>> -> memref<1x128xi32, #tpu.memory_space<vmem>>
        %dma_start3A_445 = tpu.memref_squeeze %dma_start3A_444 : memref<1x128xi32, #tpu.memory_space<vmem>> -> memref<128xi32, #tpu.memory_space<vmem>>
        %dma_start3A_446 = arith.constant 0 : i32
        %dma_start3A_447 = arith.constant 0 : i32
        %dma_start3A_448 = tpu.memref_slice %arg7[%dma_start3A_446, %dma_start3A_447] : memref<10112x64xbf16, #tpu.memory_space<vmem_shared>> -> memref<10112x64xbf16, #tpu.memory_space<vmem_shared>>
        tpu.enqueue_indirect_dma source(%dma_start3A_442 : memref<128x64xbf16, #tpu.memory_space<vmem>>) target(%dma_start3A_448 : memref<10112x64xbf16, #tpu.memory_space<vmem_shared>>) offsets(%dma_start3A_445 : memref<128xi32, #tpu.memory_space<vmem>>) semaphore(%arg15 : memref<!tpu.dma_semaphore, #tpu.memory_space<semaphore_mem>>) {add = true}
      } else {
      }
    }
    %scan3A_73 = arith.constant 20 : i32
    %dma_wait3A_74 = arith.constant 0 : i32
    %dma_wait3A_75 = arith.constant 0 : i32
    %dma_wait3A_76 = arith.constant 0 : i32
    %dma_wait3A_77 = arith.constant 0 : i32
    %dma_wait3A_78 = tpu.memref_slice %arg13[%dma_wait3A_74, %dma_wait3A_76, %dma_wait3A_77] : memref<4x128x64xbf16, #tpu.memory_space<vmem>> -> memref<1x128x64xbf16, #tpu.memory_space<vmem>>
    %dma_wait3A_79 = tpu.memref_squeeze %dma_wait3A_78 : memref<1x128x64xbf16, #tpu.memory_space<vmem>> -> memref<128x64xbf16, #tpu.memory_space<vmem>>
    %dma_wait3A_80 = arith.constant 0 : i32
    %dma_wait3A_81 = tpu.memref_slice %arg11[%dma_wait3A_75, %dma_wait3A_80] : memref<4x128xi32, #tpu.memory_space<vmem>> -> memref<1x128xi32, #tpu.memory_space<vmem>>
    %dma_wait3A_82 = tpu.memref_squeeze %dma_wait3A_81 : memref<1x128xi32, #tpu.memory_space<vmem>> -> memref<128xi32, #tpu.memory_space<vmem>>
    %dma_wait3A_83 = arith.constant 0 : i32
    %dma_wait3A_84 = arith.constant 0 : i32
    %dma_wait3A_85 = tpu.memref_slice %arg7[%dma_wait3A_83, %dma_wait3A_84] : memref<10112x64xbf16, #tpu.memory_space<vmem_shared>> -> memref<10112x64xbf16, #tpu.memory_space<vmem_shared>>
    tpu.wait_indirect_dma semaphore(%arg15 : memref<!tpu.dma_semaphore, #tpu.memory_space<semaphore_mem>>) src(%dma_wait3A_79 : memref<128x64xbf16, #tpu.memory_space<vmem>>) dst(%dma_wait3A_85 : memref<10112x64xbf16, #tpu.memory_space<vmem_shared>>)
    %dma_wait3A_86 = arith.constant 1 : i32
    %dma_wait3A_87 = arith.constant 1 : i32
    %dma_wait3A_88 = arith.constant 0 : i32
    %dma_wait3A_89 = arith.constant 0 : i32
    %dma_wait3A_90 = tpu.memref_slice %arg13[%dma_wait3A_86, %dma_wait3A_88, %dma_wait3A_89] : memref<4x128x64xbf16, #tpu.memory_space<vmem>> -> memref<1x128x64xbf16, #tpu.memory_space<vmem>>
    %dma_wait3A_91 = tpu.memref_squeeze %dma_wait3A_90 : memref<1x128x64xbf16, #tpu.memory_space<vmem>> -> memref<128x64xbf16, #tpu.memory_space<vmem>>
    %dma_wait3A_92 = arith.constant 0 : i32
    %dma_wait3A_93 = tpu.memref_slice %arg11[%dma_wait3A_87, %dma_wait3A_92] : memref<4x128xi32, #tpu.memory_space<vmem>> -> memref<1x128xi32, #tpu.memory_space<vmem>>
    %dma_wait3A_94 = tpu.memref_squeeze %dma_wait3A_93 : memref<1x128xi32, #tpu.memory_space<vmem>> -> memref<128xi32, #tpu.memory_space<vmem>>
    %dma_wait3A_95 = arith.constant 0 : i32
    %dma_wait3A_96 = arith.constant 0 : i32
    %dma_wait3A_97 = tpu.memref_slice %arg7[%dma_wait3A_95, %dma_wait3A_96] : memref<10112x64xbf16, #tpu.memory_space<vmem_shared>> -> memref<10112x64xbf16, #tpu.memory_space<vmem_shared>>
    tpu.wait_indirect_dma semaphore(%arg15 : memref<!tpu.dma_semaphore, #tpu.memory_space<semaphore_mem>>) src(%dma_wait3A_91 : memref<128x64xbf16, #tpu.memory_space<vmem>>) dst(%dma_wait3A_97 : memref<10112x64xbf16, #tpu.memory_space<vmem_shared>>)
    %dma_wait3A_98 = arith.constant 2 : i32
    %dma_wait3A_99 = arith.constant 2 : i32
    %dma_wait3A_100 = arith.constant 0 : i32
    %dma_wait3A_101 = arith.constant 0 : i32
    %dma_wait3A_102 = tpu.memref_slice %arg13[%dma_wait3A_98, %dma_wait3A_100, %dma_wait3A_101] : memref<4x128x64xbf16, #tpu.memory_space<vmem>> -> memref<1x128x64xbf16, #tpu.memory_space<vmem>>
    %dma_wait3A_103 = tpu.memref_squeeze %dma_wait3A_102 : memref<1x128x64xbf16, #tpu.memory_space<vmem>> -> memref<128x64xbf16, #tpu.memory_space<vmem>>
    %dma_wait3A_104 = arith.constant 0 : i32
    %dma_wait3A_105 = tpu.memref_slice %arg11[%dma_wait3A_99, %dma_wait3A_104] : memref<4x128xi32, #tpu.memory_space<vmem>> -> memref<1x128xi32, #tpu.memory_space<vmem>>
    %dma_wait3A_106 = tpu.memref_squeeze %dma_wait3A_105 : memref<1x128xi32, #tpu.memory_space<vmem>> -> memref<128xi32, #tpu.memory_space<vmem>>
    %dma_wait3A_107 = arith.constant 0 : i32
    %dma_wait3A_108 = arith.constant 0 : i32
    %dma_wait3A_109 = tpu.memref_slice %arg7[%dma_wait3A_107, %dma_wait3A_108] : memref<10112x64xbf16, #tpu.memory_space<vmem_shared>> -> memref<10112x64xbf16, #tpu.memory_space<vmem_shared>>
    tpu.wait_indirect_dma semaphore(%arg15 : memref<!tpu.dma_semaphore, #tpu.memory_space<semaphore_mem>>) src(%dma_wait3A_103 : memref<128x64xbf16, #tpu.memory_space<vmem>>) dst(%dma_wait3A_109 : memref<10112x64xbf16, #tpu.memory_space<vmem_shared>>)
    %dma_wait3A_110 = arith.constant 3 : i32
    %dma_wait3A_111 = arith.constant 3 : i32
    %dma_wait3A_112 = arith.constant 0 : i32
    %dma_wait3A_113 = arith.constant 0 : i32
    %dma_wait3A_114 = tpu.memref_slice %arg13[%dma_wait3A_110, %dma_wait3A_112, %dma_wait3A_113] : memref<4x128x64xbf16, #tpu.memory_space<vmem>> -> memref<1x128x64xbf16, #tpu.memory_space<vmem>>
    %dma_wait3A_115 = tpu.memref_squeeze %dma_wait3A_114 : memref<1x128x64xbf16, #tpu.memory_space<vmem>> -> memref<128x64xbf16, #tpu.memory_space<vmem>>
    %dma_wait3A_116 = arith.constant 0 : i32
    %dma_wait3A_117 = tpu.memref_slice %arg11[%dma_wait3A_111, %dma_wait3A_116] : memref<4x128xi32, #tpu.memory_space<vmem>> -> memref<1x128xi32, #tpu.memory_space<vmem>>
    %dma_wait3A_118 = tpu.memref_squeeze %dma_wait3A_117 : memref<1x128xi32, #tpu.memory_space<vmem>> -> memref<128xi32, #tpu.memory_space<vmem>>
    %dma_wait3A_119 = arith.constant 0 : i32
    %dma_wait3A_120 = arith.constant 0 : i32
    %dma_wait3A_121 = tpu.memref_slice %arg7[%dma_wait3A_119, %dma_wait3A_120] : memref<10112x64xbf16, #tpu.memory_space<vmem_shared>> -> memref<10112x64xbf16, #tpu.memory_space<vmem_shared>>
    tpu.wait_indirect_dma semaphore(%arg15 : memref<!tpu.dma_semaphore, #tpu.memory_space<semaphore_mem>>) src(%dma_wait3A_115 : memref<128x64xbf16, #tpu.memory_space<vmem>>) dst(%dma_wait3A_121 : memref<10112x64xbf16, #tpu.memory_space<vmem_shared>>)
    %barrier3A_122 = arith.constant 0 : index
    tpu.barrier barrier_id(%barrier3A_122)
    %mul3A_123 = arith.constant 10112 : i32
    %mul3A_124 = arith.muli %arg0, %mul3A_123 : i32
    %add3A_125 = arith.addi %mul3A_124, %mul3A_0 : i32
    "tpu.region"() ({
      %run_scoped3A = tpu.sem_alloc : memref<!tpu.dma_semaphore, #tpu.memory_space<semaphore_mem>>
      %dma_start3A_126 = arith.constant 0 : i32
      %dma_start3A_127 = tpu.memref_slice %arg6[%add3A_125, %dma_start3A_126] : memref<20224x64xbf16, #tpu.memory_space<hbm>> -> memref<632x64xbf16, #tpu.memory_space<hbm>>
      %dma_start3A_128 = arith.constant 0 : i32
      %dma_start3A_129 = tpu.memref_slice %arg7[%mul3A_0, %dma_start3A_128] : memref<10112x64xbf16, #tpu.memory_space<vmem_shared>> -> memref<632x64xbf16, #tpu.memory_space<vmem_shared>>
      tpu.enqueue_dma source(%dma_start3A_129 : memref<632x64xbf16, #tpu.memory_space<vmem_shared>>) target(%dma_start3A_127 : memref<632x64xbf16, #tpu.memory_space<hbm>>) target_semaphore(%run_scoped3A : memref<!tpu.dma_semaphore, #tpu.memory_space<semaphore_mem>>)
      %dma_wait3A_130 = arith.constant 0 : i32
      %dma_wait3A_131 = tpu.memref_slice %arg6[%add3A_125, %dma_wait3A_130] : memref<20224x64xbf16, #tpu.memory_space<hbm>> -> memref<632x64xbf16, #tpu.memory_space<hbm>>
      %dma_wait3A_132 = arith.constant 0 : i32
      %dma_wait3A_133 = tpu.memref_slice %arg7[%mul3A_0, %dma_wait3A_132] : memref<10112x64xbf16, #tpu.memory_space<vmem_shared>> -> memref<632x64xbf16, #tpu.memory_space<vmem_shared>>
      tpu.wait_dma2 semaphore(%run_scoped3A : memref<!tpu.dma_semaphore, #tpu.memory_space<semaphore_mem>>) src(%dma_wait3A_133 : memref<632x64xbf16, #tpu.memory_space<vmem_shared>>) dst(%dma_wait3A_131 : memref<632x64xbf16, #tpu.memory_space<hbm>>)
      tpu.yield
    }) : () -> ()
    return
  }
}

#map = affine_map<(d0, d1) -> (0, 0)>
module attributes {stable_mosaic.version = 14 : i64} {
  func.func @_sc_edge_attr_deg(%arg0: i32, %arg1: i32, %arg2: memref<163840x32xf32, #tpu.memory_space<hbm>>, %arg3: memref<1280x128xi32, #tpu.memory_space<hbm>>, %arg4: memref<1280x128xi32, #tpu.memory_space<hbm>>, %arg5: memref<632x32xf32, #tpu.memory_space<hbm>>, %arg6: memref<20224x32xf32, #tpu.memory_space<hbm>>, %arg7: memref<10112x32xf32, #tpu.memory_space<vmem_shared>>, %arg8: memref<8x128xi32, #tpu.memory_space<vmem>>, %arg9: memref<8x128xi32, #tpu.memory_space<vmem>>, %arg10: memref<1024x32xf32, #tpu.memory_space<vmem>>, %arg11: memref<!tpu.dma_semaphore, #tpu.memory_space<semaphore_mem>>) attributes {dimension_semantics = [#tpu.dimension_semantics<core_parallel>, #tpu.dimension_semantics<subcore_parallel>], iteration_bounds = array<i64: 2, 16>, scalar_prefetch = 0 : i64, scratch_operands = 5 : i64, tpu.core_type = #tpu.core_type<sc_vector_subcore>, window_params = [{transform_indices = #map}, {transform_indices = #map}, {transform_indices = #map}, {transform_indices = #map}, {transform_indices = #map}]} {
    %mul3A = arith.constant 2 : i32
    %mul3A_0 = arith.muli %arg1, %mul3A : i32
    %add3A = arith.addi %mul3A_0, %arg0 : i32
    %mul3A_1 = arith.constant 632 : i32
    %mul3A_2 = arith.muli %arg1, %mul3A_1 : i32
    "tpu.region"() ({
      %run_scoped3A = tpu.sem_alloc : memref<!tpu.dma_semaphore, #tpu.memory_space<semaphore_mem>>
      %dma_start3A = arith.constant 0 : i32
      %dma_start3A_12 = tpu.memref_slice %arg7[%mul3A_2, %dma_start3A] : memref<10112x32xf32, #tpu.memory_space<vmem_shared>> -> memref<632x32xf32, #tpu.memory_space<vmem_shared>>
      tpu.enqueue_dma source(%arg5 : memref<632x32xf32, #tpu.memory_space<hbm>>) target(%dma_start3A_12 : memref<632x32xf32, #tpu.memory_space<vmem_shared>>) target_semaphore(%run_scoped3A : memref<!tpu.dma_semaphore, #tpu.memory_space<semaphore_mem>>)
      %dma_wait3A = arith.constant 0 : i32
      %dma_wait3A_13 = tpu.memref_slice %arg7[%mul3A_2, %dma_wait3A] : memref<10112x32xf32, #tpu.memory_space<vmem_shared>> -> memref<632x32xf32, #tpu.memory_space<vmem_shared>>
      tpu.wait_dma2 semaphore(%run_scoped3A : memref<!tpu.dma_semaphore, #tpu.memory_space<semaphore_mem>>) src(%arg5 : memref<632x32xf32, #tpu.memory_space<hbm>>) dst(%dma_wait3A_13 : memref<632x32xf32, #tpu.memory_space<vmem_shared>>)
      tpu.yield
    }) : () -> ()
    %barrier3A = arith.constant 0 : index
    tpu.barrier barrier_id(%barrier3A)
    %scan3A = arith.constant 0 : i32
    %scan3A_3 = arith.constant 0 : i32
    %scan3A_4 = arith.constant 5 : i32
    %scan3A_5 = arith.addi %scan3A_3, %scan3A_4 : i32
    %scan3A_6 = arith.constant 1 : i32
    scf.for %scan3A_12 = %scan3A_3 to %scan3A_5 step %scan3A_6  : i32 {
      %mul3A_13 = arith.constant 5120 : i32
      %mul3A_14 = arith.muli %add3A, %mul3A_13 : i32
      %mul3A_15 = arith.constant 1024 : i32
      %mul3A_16 = arith.muli %scan3A_12, %mul3A_15 : i32
      %add3A_17 = arith.addi %mul3A_14, %mul3A_16 : i32
      %mul3A_18 = arith.constant 40 : i32
      %mul3A_19 = arith.muli %add3A, %mul3A_18 : i32
      %mul3A_20 = arith.constant 8 : i32
      %mul3A_21 = arith.muli %scan3A_12, %mul3A_20 : i32
      %add3A_22 = arith.addi %mul3A_19, %mul3A_21 : i32
      "tpu.region"() ({
        %run_scoped3A = tpu.sem_alloc : memref<!tpu.dma_semaphore, #tpu.memory_space<semaphore_mem>>
        %dma_start3A_341 = arith.constant 0 : i32
        %dma_start3A_342 = tpu.memref_slice %arg2[%add3A_17, %dma_start3A_341] : memref<163840x32xf32, #tpu.memory_space<hbm>> -> memref<1024x32xf32, #tpu.memory_space<hbm>>
        %dma_start3A_343 = arith.constant 0 : i32
        %dma_start3A_344 = tpu.memref_slice %arg2[%add3A_17, %dma_start3A_343] : memref<163840x32xf32, #tpu.memory_space<hbm>> -> memref<1024x32xf32, #tpu.memory_space<hbm>>
        tpu.enqueue_dma source(%dma_start3A_344 : memref<1024x32xf32, #tpu.memory_space<hbm>>) target(%arg10 : memref<1024x32xf32, #tpu.memory_space<vmem>>) target_semaphore(%run_scoped3A : memref<!tpu.dma_semaphore, #tpu.memory_space<semaphore_mem>>)
        %dma_wait3A_345 = arith.constant 0 : i32
        %dma_wait3A_346 = tpu.memref_slice %arg2[%add3A_17, %dma_wait3A_345] : memref<163840x32xf32, #tpu.memory_space<hbm>> -> memref<1024x32xf32, #tpu.memory_space<hbm>>
        %dma_wait3A_347 = arith.constant 0 : i32
        %dma_wait3A_348 = tpu.memref_slice %arg2[%add3A_17, %dma_wait3A_347] : memref<163840x32xf32, #tpu.memory_space<hbm>> -> memref<1024x32xf32, #tpu.memory_space<hbm>>
        tpu.wait_dma2 semaphore(%run_scoped3A : memref<!tpu.dma_semaphore, #tpu.memory_space<semaphore_mem>>) src(%dma_wait3A_348 : memref<1024x32xf32, #tpu.memory_space<hbm>>) dst(%arg10 : memref<1024x32xf32, #tpu.memory_space<vmem>>)
        tpu.yield
      }) : () -> ()
      "tpu.region"() ({
        %run_scoped3A = tpu.sem_alloc : memref<!tpu.dma_semaphore, #tpu.memory_space<semaphore_mem>>
        %dma_start3A_341 = arith.constant 0 : i32
        %dma_start3A_342 = tpu.memref_slice %arg3[%add3A_22, %dma_start3A_341] : memref<1280x128xi32, #tpu.memory_space<hbm>> -> memref<8x128xi32, #tpu.memory_space<hbm>>
        %dma_start3A_343 = arith.constant 0 : i32
        %dma_start3A_344 = tpu.memref_slice %arg3[%add3A_22, %dma_start3A_343] : memref<1280x128xi32, #tpu.memory_space<hbm>> -> memref<8x128xi32, #tpu.memory_space<hbm>>
        tpu.enqueue_dma source(%dma_start3A_344 : memref<8x128xi32, #tpu.memory_space<hbm>>) target(%arg8 : memref<8x128xi32, #tpu.memory_space<vmem>>) target_semaphore(%run_scoped3A : memref<!tpu.dma_semaphore, #tpu.memory_space<semaphore_mem>>)
        %dma_wait3A_345 = arith.constant 0 : i32
        %dma_wait3A_346 = tpu.memref_slice %arg3[%add3A_22, %dma_wait3A_345] : memref<1280x128xi32, #tpu.memory_space<hbm>> -> memref<8x128xi32, #tpu.memory_space<hbm>>
        %dma_wait3A_347 = arith.constant 0 : i32
        %dma_wait3A_348 = tpu.memref_slice %arg3[%add3A_22, %dma_wait3A_347] : memref<1280x128xi32, #tpu.memory_space<hbm>> -> memref<8x128xi32, #tpu.memory_space<hbm>>
        tpu.wait_dma2 semaphore(%run_scoped3A : memref<!tpu.dma_semaphore, #tpu.memory_space<semaphore_mem>>) src(%dma_wait3A_348 : memref<8x128xi32, #tpu.memory_space<hbm>>) dst(%arg8 : memref<8x128xi32, #tpu.memory_space<vmem>>)
        tpu.yield
      }) : () -> ()
      "tpu.region"() ({
        %run_scoped3A = tpu.sem_alloc : memref<!tpu.dma_semaphore, #tpu.memory_space<semaphore_mem>>
        %dma_start3A_341 = arith.constant 0 : i32
        %dma_start3A_342 = tpu.memref_slice %arg4[%add3A_22, %dma_start3A_341] : memref<1280x128xi32, #tpu.memory_space<hbm>> -> memref<8x128xi32, #tpu.memory_space<hbm>>
        %dma_start3A_343 = arith.constant 0 : i32
        %dma_start3A_344 = tpu.memref_slice %arg4[%add3A_22, %dma_start3A_343] : memref<1280x128xi32, #tpu.memory_space<hbm>> -> memref<8x128xi32, #tpu.memory_space<hbm>>
        tpu.enqueue_dma source(%dma_start3A_344 : memref<8x128xi32, #tpu.memory_space<hbm>>) target(%arg9 : memref<8x128xi32, #tpu.memory_space<vmem>>) target_semaphore(%run_scoped3A : memref<!tpu.dma_semaphore, #tpu.memory_space<semaphore_mem>>)
        %dma_wait3A_345 = arith.constant 0 : i32
        %dma_wait3A_346 = tpu.memref_slice %arg4[%add3A_22, %dma_wait3A_345] : memref<1280x128xi32, #tpu.memory_space<hbm>> -> memref<8x128xi32, #tpu.memory_space<hbm>>
        %dma_wait3A_347 = arith.constant 0 : i32
        %dma_wait3A_348 = tpu.memref_slice %arg4[%add3A_22, %dma_wait3A_347] : memref<1280x128xi32, #tpu.memory_space<hbm>> -> memref<8x128xi32, #tpu.memory_space<hbm>>
        tpu.wait_dma2 semaphore(%run_scoped3A : memref<!tpu.dma_semaphore, #tpu.memory_space<semaphore_mem>>) src(%dma_wait3A_348 : memref<8x128xi32, #tpu.memory_space<hbm>>) dst(%arg9 : memref<8x128xi32, #tpu.memory_space<vmem>>)
        tpu.yield
      }) : () -> ()
      %dma_start3A = arith.constant 0 : i32
      %dma_start3A_23 = arith.constant 0 : i32
      %dma_start3A_24 = arith.constant 0 : i32
      %dma_start3A_25 = tpu.memref_slice %arg10[%dma_start3A_23, %dma_start3A_24] : memref<1024x32xf32, #tpu.memory_space<vmem>> -> memref<128x32xf32, #tpu.memory_space<vmem>>
      %dma_start3A_26 = arith.constant 0 : i32
      %dma_start3A_27 = tpu.memref_slice %arg8[%dma_start3A, %dma_start3A_26] : memref<8x128xi32, #tpu.memory_space<vmem>> -> memref<1x128xi32, #tpu.memory_space<vmem>>
      %dma_start3A_28 = tpu.memref_squeeze %dma_start3A_27 : memref<1x128xi32, #tpu.memory_space<vmem>> -> memref<128xi32, #tpu.memory_space<vmem>>
      %dma_start3A_29 = arith.constant 0 : i32
      %dma_start3A_30 = arith.constant 0 : i32
      %dma_start3A_31 = tpu.memref_slice %arg7[%dma_start3A_29, %dma_start3A_30] : memref<10112x32xf32, #tpu.memory_space<vmem_shared>> -> memref<10112x32xf32, #tpu.memory_space<vmem_shared>>
      tpu.enqueue_indirect_dma source(%dma_start3A_25 : memref<128x32xf32, #tpu.memory_space<vmem>>) target(%dma_start3A_31 : memref<10112x32xf32, #tpu.memory_space<vmem_shared>>) offsets(%dma_start3A_28 : memref<128xi32, #tpu.memory_space<vmem>>) semaphore(%arg11 : memref<!tpu.dma_semaphore, #tpu.memory_space<semaphore_mem>>) {add = true}
      %dma_start3A_32 = arith.constant 1 : i32
      %dma_start3A_33 = arith.constant 128 : i32
      %dma_start3A_34 = arith.constant 0 : i32
      %dma_start3A_35 = tpu.memref_slice %arg10[%dma_start3A_33, %dma_start3A_34] : memref<1024x32xf32, #tpu.memory_space<vmem>> -> memref<128x32xf32, #tpu.memory_space<vmem>>
      %dma_start3A_36 = arith.constant 0 : i32
      %dma_start3A_37 = tpu.memref_slice %arg8[%dma_start3A_32, %dma_start3A_36] : memref<8x128xi32, #tpu.memory_space<vmem>> -> memref<1x128xi32, #tpu.memory_space<vmem>>
      %dma_start3A_38 = tpu.memref_squeeze %dma_start3A_37 : memref<1x128xi32, #tpu.memory_space<vmem>> -> memref<128xi32, #tpu.memory_space<vmem>>
      %dma_start3A_39 = arith.constant 0 : i32
      %dma_start3A_40 = arith.constant 0 : i32
      %dma_start3A_41 = tpu.memref_slice %arg7[%dma_start3A_39, %dma_start3A_40] : memref<10112x32xf32, #tpu.memory_space<vmem_shared>> -> memref<10112x32xf32, #tpu.memory_space<vmem_shared>>
      tpu.enqueue_indirect_dma source(%dma_start3A_35 : memref<128x32xf32, #tpu.memory_space<vmem>>) target(%dma_start3A_41 : memref<10112x32xf32, #tpu.memory_space<vmem_shared>>) offsets(%dma_start3A_38 : memref<128xi32, #tpu.memory_space<vmem>>) semaphore(%arg11 : memref<!tpu.dma_semaphore, #tpu.memory_space<semaphore_mem>>) {add = true}
      %dma_start3A_42 = arith.constant 2 : i32
      %dma_start3A_43 = arith.constant 256 : i32
      %dma_start3A_44 = arith.constant 0 : i32
      %dma_start3A_45 = tpu.memref_slice %arg10[%dma_start3A_43, %dma_start3A_44] : memref<1024x32xf32, #tpu.memory_space<vmem>> -> memref<128x32xf32, #tpu.memory_space<vmem>>
      %dma_start3A_46 = arith.constant 0 : i32
      %dma_start3A_47 = tpu.memref_slice %arg8[%dma_start3A_42, %dma_start3A_46] : memref<8x128xi32, #tpu.memory_space<vmem>> -> memref<1x128xi32, #tpu.memory_space<vmem>>
      %dma_start3A_48 = tpu.memref_squeeze %dma_start3A_47 : memref<1x128xi32, #tpu.memory_space<vmem>> -> memref<128xi32, #tpu.memory_space<vmem>>
      %dma_start3A_49 = arith.constant 0 : i32
      %dma_start3A_50 = arith.constant 0 : i32
      %dma_start3A_51 = tpu.memref_slice %arg7[%dma_start3A_49, %dma_start3A_50] : memref<10112x32xf32, #tpu.memory_space<vmem_shared>> -> memref<10112x32xf32, #tpu.memory_space<vmem_shared>>
      tpu.enqueue_indirect_dma source(%dma_start3A_45 : memref<128x32xf32, #tpu.memory_space<vmem>>) target(%dma_start3A_51 : memref<10112x32xf32, #tpu.memory_space<vmem_shared>>) offsets(%dma_start3A_48 : memref<128xi32, #tpu.memory_space<vmem>>) semaphore(%arg11 : memref<!tpu.dma_semaphore, #tpu.memory_space<semaphore_mem>>) {add = true}
      %dma_start3A_52 = arith.constant 3 : i32
      %dma_start3A_53 = arith.constant 384 : i32
      %dma_start3A_54 = arith.constant 0 : i32
      %dma_start3A_55 = tpu.memref_slice %arg10[%dma_start3A_53, %dma_start3A_54] : memref<1024x32xf32, #tpu.memory_space<vmem>> -> memref<128x32xf32, #tpu.memory_space<vmem>>
      %dma_start3A_56 = arith.constant 0 : i32
      %dma_start3A_57 = tpu.memref_slice %arg8[%dma_start3A_52, %dma_start3A_56] : memref<8x128xi32, #tpu.memory_space<vmem>> -> memref<1x128xi32, #tpu.memory_space<vmem>>
      %dma_start3A_58 = tpu.memref_squeeze %dma_start3A_57 : memref<1x128xi32, #tpu.memory_space<vmem>> -> memref<128xi32, #tpu.memory_space<vmem>>
      %dma_start3A_59 = arith.constant 0 : i32
      %dma_start3A_60 = arith.constant 0 : i32
      %dma_start3A_61 = tpu.memref_slice %arg7[%dma_start3A_59, %dma_start3A_60] : memref<10112x32xf32, #tpu.memory_space<vmem_shared>> -> memref<10112x32xf32, #tpu.memory_space<vmem_shared>>
      tpu.enqueue_indirect_dma source(%dma_start3A_55 : memref<128x32xf32, #tpu.memory_space<vmem>>) target(%dma_start3A_61 : memref<10112x32xf32, #tpu.memory_space<vmem_shared>>) offsets(%dma_start3A_58 : memref<128xi32, #tpu.memory_space<vmem>>) semaphore(%arg11 : memref<!tpu.dma_semaphore, #tpu.memory_space<semaphore_mem>>) {add = true}
      %dma_start3A_62 = arith.constant 4 : i32
      %dma_start3A_63 = arith.constant 512 : i32
      %dma_start3A_64 = arith.constant 0 : i32
      %dma_start3A_65 = tpu.memref_slice %arg10[%dma_start3A_63, %dma_start3A_64] : memref<1024x32xf32, #tpu.memory_space<vmem>> -> memref<128x32xf32, #tpu.memory_space<vmem>>
      %dma_start3A_66 = arith.constant 0 : i32
      %dma_start3A_67 = tpu.memref_slice %arg8[%dma_start3A_62, %dma_start3A_66] : memref<8x128xi32, #tpu.memory_space<vmem>> -> memref<1x128xi32, #tpu.memory_space<vmem>>
      %dma_start3A_68 = tpu.memref_squeeze %dma_start3A_67 : memref<1x128xi32, #tpu.memory_space<vmem>> -> memref<128xi32, #tpu.memory_space<vmem>>
      %dma_start3A_69 = arith.constant 0 : i32
      %dma_start3A_70 = arith.constant 0 : i32
      %dma_start3A_71 = tpu.memref_slice %arg7[%dma_start3A_69, %dma_start3A_70] : memref<10112x32xf32, #tpu.memory_space<vmem_shared>> -> memref<10112x32xf32, #tpu.memory_space<vmem_shared>>
      tpu.enqueue_indirect_dma source(%dma_start3A_65 : memref<128x32xf32, #tpu.memory_space<vmem>>) target(%dma_start3A_71 : memref<10112x32xf32, #tpu.memory_space<vmem_shared>>) offsets(%dma_start3A_68 : memref<128xi32, #tpu.memory_space<vmem>>) semaphore(%arg11 : memref<!tpu.dma_semaphore, #tpu.memory_space<semaphore_mem>>) {add = true}
      %dma_start3A_72 = arith.constant 5 : i32
      %dma_start3A_73 = arith.constant 640 : i32
      %dma_start3A_74 = arith.constant 0 : i32
      %dma_start3A_75 = tpu.memref_slice %arg10[%dma_start3A_73, %dma_start3A_74] : memref<1024x32xf32, #tpu.memory_space<vmem>> -> memref<128x32xf32, #tpu.memory_space<vmem>>
      %dma_start3A_76 = arith.constant 0 : i32
      %dma_start3A_77 = tpu.memref_slice %arg8[%dma_start3A_72, %dma_start3A_76] : memref<8x128xi32, #tpu.memory_space<vmem>> -> memref<1x128xi32, #tpu.memory_space<vmem>>
      %dma_start3A_78 = tpu.memref_squeeze %dma_start3A_77 : memref<1x128xi32, #tpu.memory_space<vmem>> -> memref<128xi32, #tpu.memory_space<vmem>>
      %dma_start3A_79 = arith.constant 0 : i32
      %dma_start3A_80 = arith.constant 0 : i32
      %dma_start3A_81 = tpu.memref_slice %arg7[%dma_start3A_79, %dma_start3A_80] : memref<10112x32xf32, #tpu.memory_space<vmem_shared>> -> memref<10112x32xf32, #tpu.memory_space<vmem_shared>>
      tpu.enqueue_indirect_dma source(%dma_start3A_75 : memref<128x32xf32, #tpu.memory_space<vmem>>) target(%dma_start3A_81 : memref<10112x32xf32, #tpu.memory_space<vmem_shared>>) offsets(%dma_start3A_78 : memref<128xi32, #tpu.memory_space<vmem>>) semaphore(%arg11 : memref<!tpu.dma_semaphore, #tpu.memory_space<semaphore_mem>>) {add = true}
      %dma_start3A_82 = arith.constant 6 : i32
      %dma_start3A_83 = arith.constant 768 : i32
      %dma_start3A_84 = arith.constant 0 : i32
      %dma_start3A_85 = tpu.memref_slice %arg10[%dma_start3A_83, %dma_start3A_84] : memref<1024x32xf32, #tpu.memory_space<vmem>> -> memref<128x32xf32, #tpu.memory_space<vmem>>
      %dma_start3A_86 = arith.constant 0 : i32
      %dma_start3A_87 = tpu.memref_slice %arg8[%dma_start3A_82, %dma_start3A_86] : memref<8x128xi32, #tpu.memory_space<vmem>> -> memref<1x128xi32, #tpu.memory_space<vmem>>
      %dma_start3A_88 = tpu.memref_squeeze %dma_start3A_87 : memref<1x128xi32, #tpu.memory_space<vmem>> -> memref<128xi32, #tpu.memory_space<vmem>>
      %dma_start3A_89 = arith.constant 0 : i32
      %dma_start3A_90 = arith.constant 0 : i32
      %dma_start3A_91 = tpu.memref_slice %arg7[%dma_start3A_89, %dma_start3A_90] : memref<10112x32xf32, #tpu.memory_space<vmem_shared>> -> memref<10112x32xf32, #tpu.memory_space<vmem_shared>>
      tpu.enqueue_indirect_dma source(%dma_start3A_85 : memref<128x32xf32, #tpu.memory_space<vmem>>) target(%dma_start3A_91 : memref<10112x32xf32, #tpu.memory_space<vmem_shared>>) offsets(%dma_start3A_88 : memref<128xi32, #tpu.memory_space<vmem>>) semaphore(%arg11 : memref<!tpu.dma_semaphore, #tpu.memory_space<semaphore_mem>>) {add = true}
      %dma_start3A_92 = arith.constant 7 : i32
      %dma_start3A_93 = arith.constant 896 : i32
      %dma_start3A_94 = arith.constant 0 : i32
      %dma_start3A_95 = tpu.memref_slice %arg10[%dma_start3A_93, %dma_start3A_94] : memref<1024x32xf32, #tpu.memory_space<vmem>> -> memref<128x32xf32, #tpu.memory_space<vmem>>
      %dma_start3A_96 = arith.constant 0 : i32
      %dma_start3A_97 = tpu.memref_slice %arg8[%dma_start3A_92, %dma_start3A_96] : memref<8x128xi32, #tpu.memory_space<vmem>> -> memref<1x128xi32, #tpu.memory_space<vmem>>
      %dma_start3A_98 = tpu.memref_squeeze %dma_start3A_97 : memref<1x128xi32, #tpu.memory_space<vmem>> -> memref<128xi32, #tpu.memory_space<vmem>>
      %dma_start3A_99 = arith.constant 0 : i32
      %dma_start3A_100 = arith.constant 0 : i32
      %dma_start3A_101 = tpu.memref_slice %arg7[%dma_start3A_99, %dma_start3A_100] : memref<10112x32xf32, #tpu.memory_space<vmem_shared>> -> memref<10112x32xf32, #tpu.memory_space<vmem_shared>>
      tpu.enqueue_indirect_dma source(%dma_start3A_95 : memref<128x32xf32, #tpu.memory_space<vmem>>) target(%dma_start3A_101 : memref<10112x32xf32, #tpu.memory_space<vmem_shared>>) offsets(%dma_start3A_98 : memref<128xi32, #tpu.memory_space<vmem>>) semaphore(%arg11 : memref<!tpu.dma_semaphore, #tpu.memory_space<semaphore_mem>>) {add = true}
      %dma_start3A_102 = arith.constant 0 : i32
      %dma_start3A_103 = arith.constant 0 : i32
      %dma_start3A_104 = arith.constant 0 : i32
      %dma_start3A_105 = tpu.memref_slice %arg10[%dma_start3A_103, %dma_start3A_104] : memref<1024x32xf32, #tpu.memory_space<vmem>> -> memref<128x32xf32, #tpu.memory_space<vmem>>
      %dma_start3A_106 = arith.constant 0 : i32
      %dma_start3A_107 = tpu.memref_slice %arg9[%dma_start3A_102, %dma_start3A_106] : memref<8x128xi32, #tpu.memory_space<vmem>> -> memref<1x128xi32, #tpu.memory_space<vmem>>
      %dma_start3A_108 = tpu.memref_squeeze %dma_start3A_107 : memref<1x128xi32, #tpu.memory_space<vmem>> -> memref<128xi32, #tpu.memory_space<vmem>>
      %dma_start3A_109 = arith.constant 0 : i32
      %dma_start3A_110 = arith.constant 0 : i32
      %dma_start3A_111 = tpu.memref_slice %arg7[%dma_start3A_109, %dma_start3A_110] : memref<10112x32xf32, #tpu.memory_space<vmem_shared>> -> memref<10112x32xf32, #tpu.memory_space<vmem_shared>>
      tpu.enqueue_indirect_dma source(%dma_start3A_105 : memref<128x32xf32, #tpu.memory_space<vmem>>) target(%dma_start3A_111 : memref<10112x32xf32, #tpu.memory_space<vmem_shared>>) offsets(%dma_start3A_108 : memref<128xi32, #tpu.memory_space<vmem>>) semaphore(%arg11 : memref<!tpu.dma_semaphore, #tpu.memory_space<semaphore_mem>>) {add = true}
      %dma_start3A_112 = arith.constant 1 : i32
      %dma_start3A_113 = arith.constant 128 : i32
      %dma_start3A_114 = arith.constant 0 : i32
      %dma_start3A_115 = tpu.memref_slice %arg10[%dma_start3A_113, %dma_start3A_114] : memref<1024x32xf32, #tpu.memory_space<vmem>> -> memref<128x32xf32, #tpu.memory_space<vmem>>
      %dma_start3A_116 = arith.constant 0 : i32
      %dma_start3A_117 = tpu.memref_slice %arg9[%dma_start3A_112, %dma_start3A_116] : memref<8x128xi32, #tpu.memory_space<vmem>> -> memref<1x128xi32, #tpu.memory_space<vmem>>
      %dma_start3A_118 = tpu.memref_squeeze %dma_start3A_117 : memref<1x128xi32, #tpu.memory_space<vmem>> -> memref<128xi32, #tpu.memory_space<vmem>>
      %dma_start3A_119 = arith.constant 0 : i32
      %dma_start3A_120 = arith.constant 0 : i32
      %dma_start3A_121 = tpu.memref_slice %arg7[%dma_start3A_119, %dma_start3A_120] : memref<10112x32xf32, #tpu.memory_space<vmem_shared>> -> memref<10112x32xf32, #tpu.memory_space<vmem_shared>>
      tpu.enqueue_indirect_dma source(%dma_start3A_115 : memref<128x32xf32, #tpu.memory_space<vmem>>) target(%dma_start3A_121 : memref<10112x32xf32, #tpu.memory_space<vmem_shared>>) offsets(%dma_start3A_118 : memref<128xi32, #tpu.memory_space<vmem>>) semaphore(%arg11 : memref<!tpu.dma_semaphore, #tpu.memory_space<semaphore_mem>>) {add = true}
      %dma_start3A_122 = arith.constant 2 : i32
      %dma_start3A_123 = arith.constant 256 : i32
      %dma_start3A_124 = arith.constant 0 : i32
      %dma_start3A_125 = tpu.memref_slice %arg10[%dma_start3A_123, %dma_start3A_124] : memref<1024x32xf32, #tpu.memory_space<vmem>> -> memref<128x32xf32, #tpu.memory_space<vmem>>
      %dma_start3A_126 = arith.constant 0 : i32
      %dma_start3A_127 = tpu.memref_slice %arg9[%dma_start3A_122, %dma_start3A_126] : memref<8x128xi32, #tpu.memory_space<vmem>> -> memref<1x128xi32, #tpu.memory_space<vmem>>
      %dma_start3A_128 = tpu.memref_squeeze %dma_start3A_127 : memref<1x128xi32, #tpu.memory_space<vmem>> -> memref<128xi32, #tpu.memory_space<vmem>>
      %dma_start3A_129 = arith.constant 0 : i32
      %dma_start3A_130 = arith.constant 0 : i32
      %dma_start3A_131 = tpu.memref_slice %arg7[%dma_start3A_129, %dma_start3A_130] : memref<10112x32xf32, #tpu.memory_space<vmem_shared>> -> memref<10112x32xf32, #tpu.memory_space<vmem_shared>>
      tpu.enqueue_indirect_dma source(%dma_start3A_125 : memref<128x32xf32, #tpu.memory_space<vmem>>) target(%dma_start3A_131 : memref<10112x32xf32, #tpu.memory_space<vmem_shared>>) offsets(%dma_start3A_128 : memref<128xi32, #tpu.memory_space<vmem>>) semaphore(%arg11 : memref<!tpu.dma_semaphore, #tpu.memory_space<semaphore_mem>>) {add = true}
      %dma_start3A_132 = arith.constant 3 : i32
      %dma_start3A_133 = arith.constant 384 : i32
      %dma_start3A_134 = arith.constant 0 : i32
      %dma_start3A_135 = tpu.memref_slice %arg10[%dma_start3A_133, %dma_start3A_134] : memref<1024x32xf32, #tpu.memory_space<vmem>> -> memref<128x32xf32, #tpu.memory_space<vmem>>
      %dma_start3A_136 = arith.constant 0 : i32
      %dma_start3A_137 = tpu.memref_slice %arg9[%dma_start3A_132, %dma_start3A_136] : memref<8x128xi32, #tpu.memory_space<vmem>> -> memref<1x128xi32, #tpu.memory_space<vmem>>
      %dma_start3A_138 = tpu.memref_squeeze %dma_start3A_137 : memref<1x128xi32, #tpu.memory_space<vmem>> -> memref<128xi32, #tpu.memory_space<vmem>>
      %dma_start3A_139 = arith.constant 0 : i32
      %dma_start3A_140 = arith.constant 0 : i32
      %dma_start3A_141 = tpu.memref_slice %arg7[%dma_start3A_139, %dma_start3A_140] : memref<10112x32xf32, #tpu.memory_space<vmem_shared>> -> memref<10112x32xf32, #tpu.memory_space<vmem_shared>>
      tpu.enqueue_indirect_dma source(%dma_start3A_135 : memref<128x32xf32, #tpu.memory_space<vmem>>) target(%dma_start3A_141 : memref<10112x32xf32, #tpu.memory_space<vmem_shared>>) offsets(%dma_start3A_138 : memref<128xi32, #tpu.memory_space<vmem>>) semaphore(%arg11 : memref<!tpu.dma_semaphore, #tpu.memory_space<semaphore_mem>>) {add = true}
      %dma_start3A_142 = arith.constant 4 : i32
      %dma_start3A_143 = arith.constant 512 : i32
      %dma_start3A_144 = arith.constant 0 : i32
      %dma_start3A_145 = tpu.memref_slice %arg10[%dma_start3A_143, %dma_start3A_144] : memref<1024x32xf32, #tpu.memory_space<vmem>> -> memref<128x32xf32, #tpu.memory_space<vmem>>
      %dma_start3A_146 = arith.constant 0 : i32
      %dma_start3A_147 = tpu.memref_slice %arg9[%dma_start3A_142, %dma_start3A_146] : memref<8x128xi32, #tpu.memory_space<vmem>> -> memref<1x128xi32, #tpu.memory_space<vmem>>
      %dma_start3A_148 = tpu.memref_squeeze %dma_start3A_147 : memref<1x128xi32, #tpu.memory_space<vmem>> -> memref<128xi32, #tpu.memory_space<vmem>>
      %dma_start3A_149 = arith.constant 0 : i32
      %dma_start3A_150 = arith.constant 0 : i32
      %dma_start3A_151 = tpu.memref_slice %arg7[%dma_start3A_149, %dma_start3A_150] : memref<10112x32xf32, #tpu.memory_space<vmem_shared>> -> memref<10112x32xf32, #tpu.memory_space<vmem_shared>>
      tpu.enqueue_indirect_dma source(%dma_start3A_145 : memref<128x32xf32, #tpu.memory_space<vmem>>) target(%dma_start3A_151 : memref<10112x32xf32, #tpu.memory_space<vmem_shared>>) offsets(%dma_start3A_148 : memref<128xi32, #tpu.memory_space<vmem>>) semaphore(%arg11 : memref<!tpu.dma_semaphore, #tpu.memory_space<semaphore_mem>>) {add = true}
      %dma_start3A_152 = arith.constant 5 : i32
      %dma_start3A_153 = arith.constant 640 : i32
      %dma_start3A_154 = arith.constant 0 : i32
      %dma_start3A_155 = tpu.memref_slice %arg10[%dma_start3A_153, %dma_start3A_154] : memref<1024x32xf32, #tpu.memory_space<vmem>> -> memref<128x32xf32, #tpu.memory_space<vmem>>
      %dma_start3A_156 = arith.constant 0 : i32
      %dma_start3A_157 = tpu.memref_slice %arg9[%dma_start3A_152, %dma_start3A_156] : memref<8x128xi32, #tpu.memory_space<vmem>> -> memref<1x128xi32, #tpu.memory_space<vmem>>
      %dma_start3A_158 = tpu.memref_squeeze %dma_start3A_157 : memref<1x128xi32, #tpu.memory_space<vmem>> -> memref<128xi32, #tpu.memory_space<vmem>>
      %dma_start3A_159 = arith.constant 0 : i32
      %dma_start3A_160 = arith.constant 0 : i32
      %dma_start3A_161 = tpu.memref_slice %arg7[%dma_start3A_159, %dma_start3A_160] : memref<10112x32xf32, #tpu.memory_space<vmem_shared>> -> memref<10112x32xf32, #tpu.memory_space<vmem_shared>>
      tpu.enqueue_indirect_dma source(%dma_start3A_155 : memref<128x32xf32, #tpu.memory_space<vmem>>) target(%dma_start3A_161 : memref<10112x32xf32, #tpu.memory_space<vmem_shared>>) offsets(%dma_start3A_158 : memref<128xi32, #tpu.memory_space<vmem>>) semaphore(%arg11 : memref<!tpu.dma_semaphore, #tpu.memory_space<semaphore_mem>>) {add = true}
      %dma_start3A_162 = arith.constant 6 : i32
      %dma_start3A_163 = arith.constant 768 : i32
      %dma_start3A_164 = arith.constant 0 : i32
      %dma_start3A_165 = tpu.memref_slice %arg10[%dma_start3A_163, %dma_start3A_164] : memref<1024x32xf32, #tpu.memory_space<vmem>> -> memref<128x32xf32, #tpu.memory_space<vmem>>
      %dma_start3A_166 = arith.constant 0 : i32
      %dma_start3A_167 = tpu.memref_slice %arg9[%dma_start3A_162, %dma_start3A_166] : memref<8x128xi32, #tpu.memory_space<vmem>> -> memref<1x128xi32, #tpu.memory_space<vmem>>
      %dma_start3A_168 = tpu.memref_squeeze %dma_start3A_167 : memref<1x128xi32, #tpu.memory_space<vmem>> -> memref<128xi32, #tpu.memory_space<vmem>>
      %dma_start3A_169 = arith.constant 0 : i32
      %dma_start3A_170 = arith.constant 0 : i32
      %dma_start3A_171 = tpu.memref_slice %arg7[%dma_start3A_169, %dma_start3A_170] : memref<10112x32xf32, #tpu.memory_space<vmem_shared>> -> memref<10112x32xf32, #tpu.memory_space<vmem_shared>>
      tpu.enqueue_indirect_dma source(%dma_start3A_165 : memref<128x32xf32, #tpu.memory_space<vmem>>) target(%dma_start3A_171 : memref<10112x32xf32, #tpu.memory_space<vmem_shared>>) offsets(%dma_start3A_168 : memref<128xi32, #tpu.memory_space<vmem>>) semaphore(%arg11 : memref<!tpu.dma_semaphore, #tpu.memory_space<semaphore_mem>>) {add = true}
      %dma_start3A_172 = arith.constant 7 : i32
      %dma_start3A_173 = arith.constant 896 : i32
      %dma_start3A_174 = arith.constant 0 : i32
      %dma_start3A_175 = tpu.memref_slice %arg10[%dma_start3A_173, %dma_start3A_174] : memref<1024x32xf32, #tpu.memory_space<vmem>> -> memref<128x32xf32, #tpu.memory_space<vmem>>
      %dma_start3A_176 = arith.constant 0 : i32
      %dma_start3A_177 = tpu.memref_slice %arg9[%dma_start3A_172, %dma_start3A_176] : memref<8x128xi32, #tpu.memory_space<vmem>> -> memref<1x128xi32, #tpu.memory_space<vmem>>
      %dma_start3A_178 = tpu.memref_squeeze %dma_start3A_177 : memref<1x128xi32, #tpu.memory_space<vmem>> -> memref<128xi32, #tpu.memory_space<vmem>>
      %dma_start3A_179 = arith.constant 0 : i32
      %dma_start3A_180 = arith.constant 0 : i32
      %dma_start3A_181 = tpu.memref_slice %arg7[%dma_start3A_179, %dma_start3A_180] : memref<10112x32xf32, #tpu.memory_space<vmem_shared>> -> memref<10112x32xf32, #tpu.memory_space<vmem_shared>>
      tpu.enqueue_indirect_dma source(%dma_start3A_175 : memref<128x32xf32, #tpu.memory_space<vmem>>) target(%dma_start3A_181 : memref<10112x32xf32, #tpu.memory_space<vmem_shared>>) offsets(%dma_start3A_178 : memref<128xi32, #tpu.memory_space<vmem>>) semaphore(%arg11 : memref<!tpu.dma_semaphore, #tpu.memory_space<semaphore_mem>>) {add = true}
      %dma_wait3A = arith.constant 0 : i32
      %dma_wait3A_182 = arith.constant 0 : i32
      %dma_wait3A_183 = arith.constant 0 : i32
      %dma_wait3A_184 = tpu.memref_slice %arg10[%dma_wait3A_182, %dma_wait3A_183] : memref<1024x32xf32, #tpu.memory_space<vmem>> -> memref<128x32xf32, #tpu.memory_space<vmem>>
      %dma_wait3A_185 = arith.constant 0 : i32
      %dma_wait3A_186 = tpu.memref_slice %arg8[%dma_wait3A, %dma_wait3A_185] : memref<8x128xi32, #tpu.memory_space<vmem>> -> memref<1x128xi32, #tpu.memory_space<vmem>>
      %dma_wait3A_187 = tpu.memref_squeeze %dma_wait3A_186 : memref<1x128xi32, #tpu.memory_space<vmem>> -> memref<128xi32, #tpu.memory_space<vmem>>
      %dma_wait3A_188 = arith.constant 0 : i32
      %dma_wait3A_189 = arith.constant 0 : i32
      %dma_wait3A_190 = tpu.memref_slice %arg7[%dma_wait3A_188, %dma_wait3A_189] : memref<10112x32xf32, #tpu.memory_space<vmem_shared>> -> memref<10112x32xf32, #tpu.memory_space<vmem_shared>>
      tpu.wait_indirect_dma semaphore(%arg11 : memref<!tpu.dma_semaphore, #tpu.memory_space<semaphore_mem>>) src(%dma_wait3A_184 : memref<128x32xf32, #tpu.memory_space<vmem>>) dst(%dma_wait3A_190 : memref<10112x32xf32, #tpu.memory_space<vmem_shared>>)
      %dma_wait3A_191 = arith.constant 1 : i32
      %dma_wait3A_192 = arith.constant 128 : i32
      %dma_wait3A_193 = arith.constant 0 : i32
      %dma_wait3A_194 = tpu.memref_slice %arg10[%dma_wait3A_192, %dma_wait3A_193] : memref<1024x32xf32, #tpu.memory_space<vmem>> -> memref<128x32xf32, #tpu.memory_space<vmem>>
      %dma_wait3A_195 = arith.constant 0 : i32
      %dma_wait3A_196 = tpu.memref_slice %arg8[%dma_wait3A_191, %dma_wait3A_195] : memref<8x128xi32, #tpu.memory_space<vmem>> -> memref<1x128xi32, #tpu.memory_space<vmem>>
      %dma_wait3A_197 = tpu.memref_squeeze %dma_wait3A_196 : memref<1x128xi32, #tpu.memory_space<vmem>> -> memref<128xi32, #tpu.memory_space<vmem>>
      %dma_wait3A_198 = arith.constant 0 : i32
      %dma_wait3A_199 = arith.constant 0 : i32
      %dma_wait3A_200 = tpu.memref_slice %arg7[%dma_wait3A_198, %dma_wait3A_199] : memref<10112x32xf32, #tpu.memory_space<vmem_shared>> -> memref<10112x32xf32, #tpu.memory_space<vmem_shared>>
      tpu.wait_indirect_dma semaphore(%arg11 : memref<!tpu.dma_semaphore, #tpu.memory_space<semaphore_mem>>) src(%dma_wait3A_194 : memref<128x32xf32, #tpu.memory_space<vmem>>) dst(%dma_wait3A_200 : memref<10112x32xf32, #tpu.memory_space<vmem_shared>>)
      %dma_wait3A_201 = arith.constant 2 : i32
      %dma_wait3A_202 = arith.constant 256 : i32
      %dma_wait3A_203 = arith.constant 0 : i32
      %dma_wait3A_204 = tpu.memref_slice %arg10[%dma_wait3A_202, %dma_wait3A_203] : memref<1024x32xf32, #tpu.memory_space<vmem>> -> memref<128x32xf32, #tpu.memory_space<vmem>>
      %dma_wait3A_205 = arith.constant 0 : i32
      %dma_wait3A_206 = tpu.memref_slice %arg8[%dma_wait3A_201, %dma_wait3A_205] : memref<8x128xi32, #tpu.memory_space<vmem>> -> memref<1x128xi32, #tpu.memory_space<vmem>>
      %dma_wait3A_207 = tpu.memref_squeeze %dma_wait3A_206 : memref<1x128xi32, #tpu.memory_space<vmem>> -> memref<128xi32, #tpu.memory_space<vmem>>
      %dma_wait3A_208 = arith.constant 0 : i32
      %dma_wait3A_209 = arith.constant 0 : i32
      %dma_wait3A_210 = tpu.memref_slice %arg7[%dma_wait3A_208, %dma_wait3A_209] : memref<10112x32xf32, #tpu.memory_space<vmem_shared>> -> memref<10112x32xf32, #tpu.memory_space<vmem_shared>>
      tpu.wait_indirect_dma semaphore(%arg11 : memref<!tpu.dma_semaphore, #tpu.memory_space<semaphore_mem>>) src(%dma_wait3A_204 : memref<128x32xf32, #tpu.memory_space<vmem>>) dst(%dma_wait3A_210 : memref<10112x32xf32, #tpu.memory_space<vmem_shared>>)
      %dma_wait3A_211 = arith.constant 3 : i32
      %dma_wait3A_212 = arith.constant 384 : i32
      %dma_wait3A_213 = arith.constant 0 : i32
      %dma_wait3A_214 = tpu.memref_slice %arg10[%dma_wait3A_212, %dma_wait3A_213] : memref<1024x32xf32, #tpu.memory_space<vmem>> -> memref<128x32xf32, #tpu.memory_space<vmem>>
      %dma_wait3A_215 = arith.constant 0 : i32
      %dma_wait3A_216 = tpu.memref_slice %arg8[%dma_wait3A_211, %dma_wait3A_215] : memref<8x128xi32, #tpu.memory_space<vmem>> -> memref<1x128xi32, #tpu.memory_space<vmem>>
      %dma_wait3A_217 = tpu.memref_squeeze %dma_wait3A_216 : memref<1x128xi32, #tpu.memory_space<vmem>> -> memref<128xi32, #tpu.memory_space<vmem>>
      %dma_wait3A_218 = arith.constant 0 : i32
      %dma_wait3A_219 = arith.constant 0 : i32
      %dma_wait3A_220 = tpu.memref_slice %arg7[%dma_wait3A_218, %dma_wait3A_219] : memref<10112x32xf32, #tpu.memory_space<vmem_shared>> -> memref<10112x32xf32, #tpu.memory_space<vmem_shared>>
      tpu.wait_indirect_dma semaphore(%arg11 : memref<!tpu.dma_semaphore, #tpu.memory_space<semaphore_mem>>) src(%dma_wait3A_214 : memref<128x32xf32, #tpu.memory_space<vmem>>) dst(%dma_wait3A_220 : memref<10112x32xf32, #tpu.memory_space<vmem_shared>>)
      %dma_wait3A_221 = arith.constant 4 : i32
      %dma_wait3A_222 = arith.constant 512 : i32
      %dma_wait3A_223 = arith.constant 0 : i32
      %dma_wait3A_224 = tpu.memref_slice %arg10[%dma_wait3A_222, %dma_wait3A_223] : memref<1024x32xf32, #tpu.memory_space<vmem>> -> memref<128x32xf32, #tpu.memory_space<vmem>>
      %dma_wait3A_225 = arith.constant 0 : i32
      %dma_wait3A_226 = tpu.memref_slice %arg8[%dma_wait3A_221, %dma_wait3A_225] : memref<8x128xi32, #tpu.memory_space<vmem>> -> memref<1x128xi32, #tpu.memory_space<vmem>>
      %dma_wait3A_227 = tpu.memref_squeeze %dma_wait3A_226 : memref<1x128xi32, #tpu.memory_space<vmem>> -> memref<128xi32, #tpu.memory_space<vmem>>
      %dma_wait3A_228 = arith.constant 0 : i32
      %dma_wait3A_229 = arith.constant 0 : i32
      %dma_wait3A_230 = tpu.memref_slice %arg7[%dma_wait3A_228, %dma_wait3A_229] : memref<10112x32xf32, #tpu.memory_space<vmem_shared>> -> memref<10112x32xf32, #tpu.memory_space<vmem_shared>>
      tpu.wait_indirect_dma semaphore(%arg11 : memref<!tpu.dma_semaphore, #tpu.memory_space<semaphore_mem>>) src(%dma_wait3A_224 : memref<128x32xf32, #tpu.memory_space<vmem>>) dst(%dma_wait3A_230 : memref<10112x32xf32, #tpu.memory_space<vmem_shared>>)
      %dma_wait3A_231 = arith.constant 5 : i32
      %dma_wait3A_232 = arith.constant 640 : i32
      %dma_wait3A_233 = arith.constant 0 : i32
      %dma_wait3A_234 = tpu.memref_slice %arg10[%dma_wait3A_232, %dma_wait3A_233] : memref<1024x32xf32, #tpu.memory_space<vmem>> -> memref<128x32xf32, #tpu.memory_space<vmem>>
      %dma_wait3A_235 = arith.constant 0 : i32
      %dma_wait3A_236 = tpu.memref_slice %arg8[%dma_wait3A_231, %dma_wait3A_235] : memref<8x128xi32, #tpu.memory_space<vmem>> -> memref<1x128xi32, #tpu.memory_space<vmem>>
      %dma_wait3A_237 = tpu.memref_squeeze %dma_wait3A_236 : memref<1x128xi32, #tpu.memory_space<vmem>> -> memref<128xi32, #tpu.memory_space<vmem>>
      %dma_wait3A_238 = arith.constant 0 : i32
      %dma_wait3A_239 = arith.constant 0 : i32
      %dma_wait3A_240 = tpu.memref_slice %arg7[%dma_wait3A_238, %dma_wait3A_239] : memref<10112x32xf32, #tpu.memory_space<vmem_shared>> -> memref<10112x32xf32, #tpu.memory_space<vmem_shared>>
      tpu.wait_indirect_dma semaphore(%arg11 : memref<!tpu.dma_semaphore, #tpu.memory_space<semaphore_mem>>) src(%dma_wait3A_234 : memref<128x32xf32, #tpu.memory_space<vmem>>) dst(%dma_wait3A_240 : memref<10112x32xf32, #tpu.memory_space<vmem_shared>>)
      %dma_wait3A_241 = arith.constant 6 : i32
      %dma_wait3A_242 = arith.constant 768 : i32
      %dma_wait3A_243 = arith.constant 0 : i32
      %dma_wait3A_244 = tpu.memref_slice %arg10[%dma_wait3A_242, %dma_wait3A_243] : memref<1024x32xf32, #tpu.memory_space<vmem>> -> memref<128x32xf32, #tpu.memory_space<vmem>>
      %dma_wait3A_245 = arith.constant 0 : i32
      %dma_wait3A_246 = tpu.memref_slice %arg8[%dma_wait3A_241, %dma_wait3A_245] : memref<8x128xi32, #tpu.memory_space<vmem>> -> memref<1x128xi32, #tpu.memory_space<vmem>>
      %dma_wait3A_247 = tpu.memref_squeeze %dma_wait3A_246 : memref<1x128xi32, #tpu.memory_space<vmem>> -> memref<128xi32, #tpu.memory_space<vmem>>
      %dma_wait3A_248 = arith.constant 0 : i32
      %dma_wait3A_249 = arith.constant 0 : i32
      %dma_wait3A_250 = tpu.memref_slice %arg7[%dma_wait3A_248, %dma_wait3A_249] : memref<10112x32xf32, #tpu.memory_space<vmem_shared>> -> memref<10112x32xf32, #tpu.memory_space<vmem_shared>>
      tpu.wait_indirect_dma semaphore(%arg11 : memref<!tpu.dma_semaphore, #tpu.memory_space<semaphore_mem>>) src(%dma_wait3A_244 : memref<128x32xf32, #tpu.memory_space<vmem>>) dst(%dma_wait3A_250 : memref<10112x32xf32, #tpu.memory_space<vmem_shared>>)
      %dma_wait3A_251 = arith.constant 7 : i32
      %dma_wait3A_252 = arith.constant 896 : i32
      %dma_wait3A_253 = arith.constant 0 : i32
      %dma_wait3A_254 = tpu.memref_slice %arg10[%dma_wait3A_252, %dma_wait3A_253] : memref<1024x32xf32, #tpu.memory_space<vmem>> -> memref<128x32xf32, #tpu.memory_space<vmem>>
      %dma_wait3A_255 = arith.constant 0 : i32
      %dma_wait3A_256 = tpu.memref_slice %arg8[%dma_wait3A_251, %dma_wait3A_255] : memref<8x128xi32, #tpu.memory_space<vmem>> -> memref<1x128xi32, #tpu.memory_space<vmem>>
      %dma_wait3A_257 = tpu.memref_squeeze %dma_wait3A_256 : memref<1x128xi32, #tpu.memory_space<vmem>> -> memref<128xi32, #tpu.memory_space<vmem>>
      %dma_wait3A_258 = arith.constant 0 : i32
      %dma_wait3A_259 = arith.constant 0 : i32
      %dma_wait3A_260 = tpu.memref_slice %arg7[%dma_wait3A_258, %dma_wait3A_259] : memref<10112x32xf32, #tpu.memory_space<vmem_shared>> -> memref<10112x32xf32, #tpu.memory_space<vmem_shared>>
      tpu.wait_indirect_dma semaphore(%arg11 : memref<!tpu.dma_semaphore, #tpu.memory_space<semaphore_mem>>) src(%dma_wait3A_254 : memref<128x32xf32, #tpu.memory_space<vmem>>) dst(%dma_wait3A_260 : memref<10112x32xf32, #tpu.memory_space<vmem_shared>>)
      %dma_wait3A_261 = arith.constant 0 : i32
      %dma_wait3A_262 = arith.constant 0 : i32
      %dma_wait3A_263 = arith.constant 0 : i32
      %dma_wait3A_264 = tpu.memref_slice %arg10[%dma_wait3A_262, %dma_wait3A_263] : memref<1024x32xf32, #tpu.memory_space<vmem>> -> memref<128x32xf32, #tpu.memory_space<vmem>>
      %dma_wait3A_265 = arith.constant 0 : i32
      %dma_wait3A_266 = tpu.memref_slice %arg9[%dma_wait3A_261, %dma_wait3A_265] : memref<8x128xi32, #tpu.memory_space<vmem>> -> memref<1x128xi32, #tpu.memory_space<vmem>>
      %dma_wait3A_267 = tpu.memref_squeeze %dma_wait3A_266 : memref<1x128xi32, #tpu.memory_space<vmem>> -> memref<128xi32, #tpu.memory_space<vmem>>
      %dma_wait3A_268 = arith.constant 0 : i32
      %dma_wait3A_269 = arith.constant 0 : i32
      %dma_wait3A_270 = tpu.memref_slice %arg7[%dma_wait3A_268, %dma_wait3A_269] : memref<10112x32xf32, #tpu.memory_space<vmem_shared>> -> memref<10112x32xf32, #tpu.memory_space<vmem_shared>>
      tpu.wait_indirect_dma semaphore(%arg11 : memref<!tpu.dma_semaphore, #tpu.memory_space<semaphore_mem>>) src(%dma_wait3A_264 : memref<128x32xf32, #tpu.memory_space<vmem>>) dst(%dma_wait3A_270 : memref<10112x32xf32, #tpu.memory_space<vmem_shared>>)
      %dma_wait3A_271 = arith.constant 1 : i32
      %dma_wait3A_272 = arith.constant 128 : i32
      %dma_wait3A_273 = arith.constant 0 : i32
      %dma_wait3A_274 = tpu.memref_slice %arg10[%dma_wait3A_272, %dma_wait3A_273] : memref<1024x32xf32, #tpu.memory_space<vmem>> -> memref<128x32xf32, #tpu.memory_space<vmem>>
      %dma_wait3A_275 = arith.constant 0 : i32
      %dma_wait3A_276 = tpu.memref_slice %arg9[%dma_wait3A_271, %dma_wait3A_275] : memref<8x128xi32, #tpu.memory_space<vmem>> -> memref<1x128xi32, #tpu.memory_space<vmem>>
      %dma_wait3A_277 = tpu.memref_squeeze %dma_wait3A_276 : memref<1x128xi32, #tpu.memory_space<vmem>> -> memref<128xi32, #tpu.memory_space<vmem>>
      %dma_wait3A_278 = arith.constant 0 : i32
      %dma_wait3A_279 = arith.constant 0 : i32
      %dma_wait3A_280 = tpu.memref_slice %arg7[%dma_wait3A_278, %dma_wait3A_279] : memref<10112x32xf32, #tpu.memory_space<vmem_shared>> -> memref<10112x32xf32, #tpu.memory_space<vmem_shared>>
      tpu.wait_indirect_dma semaphore(%arg11 : memref<!tpu.dma_semaphore, #tpu.memory_space<semaphore_mem>>) src(%dma_wait3A_274 : memref<128x32xf32, #tpu.memory_space<vmem>>) dst(%dma_wait3A_280 : memref<10112x32xf32, #tpu.memory_space<vmem_shared>>)
      %dma_wait3A_281 = arith.constant 2 : i32
      %dma_wait3A_282 = arith.constant 256 : i32
      %dma_wait3A_283 = arith.constant 0 : i32
      %dma_wait3A_284 = tpu.memref_slice %arg10[%dma_wait3A_282, %dma_wait3A_283] : memref<1024x32xf32, #tpu.memory_space<vmem>> -> memref<128x32xf32, #tpu.memory_space<vmem>>
      %dma_wait3A_285 = arith.constant 0 : i32
      %dma_wait3A_286 = tpu.memref_slice %arg9[%dma_wait3A_281, %dma_wait3A_285] : memref<8x128xi32, #tpu.memory_space<vmem>> -> memref<1x128xi32, #tpu.memory_space<vmem>>
      %dma_wait3A_287 = tpu.memref_squeeze %dma_wait3A_286 : memref<1x128xi32, #tpu.memory_space<vmem>> -> memref<128xi32, #tpu.memory_space<vmem>>
      %dma_wait3A_288 = arith.constant 0 : i32
      %dma_wait3A_289 = arith.constant 0 : i32
      %dma_wait3A_290 = tpu.memref_slice %arg7[%dma_wait3A_288, %dma_wait3A_289] : memref<10112x32xf32, #tpu.memory_space<vmem_shared>> -> memref<10112x32xf32, #tpu.memory_space<vmem_shared>>
      tpu.wait_indirect_dma semaphore(%arg11 : memref<!tpu.dma_semaphore, #tpu.memory_space<semaphore_mem>>) src(%dma_wait3A_284 : memref<128x32xf32, #tpu.memory_space<vmem>>) dst(%dma_wait3A_290 : memref<10112x32xf32, #tpu.memory_space<vmem_shared>>)
      %dma_wait3A_291 = arith.constant 3 : i32
      %dma_wait3A_292 = arith.constant 384 : i32
      %dma_wait3A_293 = arith.constant 0 : i32
      %dma_wait3A_294 = tpu.memref_slice %arg10[%dma_wait3A_292, %dma_wait3A_293] : memref<1024x32xf32, #tpu.memory_space<vmem>> -> memref<128x32xf32, #tpu.memory_space<vmem>>
      %dma_wait3A_295 = arith.constant 0 : i32
      %dma_wait3A_296 = tpu.memref_slice %arg9[%dma_wait3A_291, %dma_wait3A_295] : memref<8x128xi32, #tpu.memory_space<vmem>> -> memref<1x128xi32, #tpu.memory_space<vmem>>
      %dma_wait3A_297 = tpu.memref_squeeze %dma_wait3A_296 : memref<1x128xi32, #tpu.memory_space<vmem>> -> memref<128xi32, #tpu.memory_space<vmem>>
      %dma_wait3A_298 = arith.constant 0 : i32
      %dma_wait3A_299 = arith.constant 0 : i32
      %dma_wait3A_300 = tpu.memref_slice %arg7[%dma_wait3A_298, %dma_wait3A_299] : memref<10112x32xf32, #tpu.memory_space<vmem_shared>> -> memref<10112x32xf32, #tpu.memory_space<vmem_shared>>
      tpu.wait_indirect_dma semaphore(%arg11 : memref<!tpu.dma_semaphore, #tpu.memory_space<semaphore_mem>>) src(%dma_wait3A_294 : memref<128x32xf32, #tpu.memory_space<vmem>>) dst(%dma_wait3A_300 : memref<10112x32xf32, #tpu.memory_space<vmem_shared>>)
      %dma_wait3A_301 = arith.constant 4 : i32
      %dma_wait3A_302 = arith.constant 512 : i32
      %dma_wait3A_303 = arith.constant 0 : i32
      %dma_wait3A_304 = tpu.memref_slice %arg10[%dma_wait3A_302, %dma_wait3A_303] : memref<1024x32xf32, #tpu.memory_space<vmem>> -> memref<128x32xf32, #tpu.memory_space<vmem>>
      %dma_wait3A_305 = arith.constant 0 : i32
      %dma_wait3A_306 = tpu.memref_slice %arg9[%dma_wait3A_301, %dma_wait3A_305] : memref<8x128xi32, #tpu.memory_space<vmem>> -> memref<1x128xi32, #tpu.memory_space<vmem>>
      %dma_wait3A_307 = tpu.memref_squeeze %dma_wait3A_306 : memref<1x128xi32, #tpu.memory_space<vmem>> -> memref<128xi32, #tpu.memory_space<vmem>>
      %dma_wait3A_308 = arith.constant 0 : i32
      %dma_wait3A_309 = arith.constant 0 : i32
      %dma_wait3A_310 = tpu.memref_slice %arg7[%dma_wait3A_308, %dma_wait3A_309] : memref<10112x32xf32, #tpu.memory_space<vmem_shared>> -> memref<10112x32xf32, #tpu.memory_space<vmem_shared>>
      tpu.wait_indirect_dma semaphore(%arg11 : memref<!tpu.dma_semaphore, #tpu.memory_space<semaphore_mem>>) src(%dma_wait3A_304 : memref<128x32xf32, #tpu.memory_space<vmem>>) dst(%dma_wait3A_310 : memref<10112x32xf32, #tpu.memory_space<vmem_shared>>)
      %dma_wait3A_311 = arith.constant 5 : i32
      %dma_wait3A_312 = arith.constant 640 : i32
      %dma_wait3A_313 = arith.constant 0 : i32
      %dma_wait3A_314 = tpu.memref_slice %arg10[%dma_wait3A_312, %dma_wait3A_313] : memref<1024x32xf32, #tpu.memory_space<vmem>> -> memref<128x32xf32, #tpu.memory_space<vmem>>
      %dma_wait3A_315 = arith.constant 0 : i32
      %dma_wait3A_316 = tpu.memref_slice %arg9[%dma_wait3A_311, %dma_wait3A_315] : memref<8x128xi32, #tpu.memory_space<vmem>> -> memref<1x128xi32, #tpu.memory_space<vmem>>
      %dma_wait3A_317 = tpu.memref_squeeze %dma_wait3A_316 : memref<1x128xi32, #tpu.memory_space<vmem>> -> memref<128xi32, #tpu.memory_space<vmem>>
      %dma_wait3A_318 = arith.constant 0 : i32
      %dma_wait3A_319 = arith.constant 0 : i32
      %dma_wait3A_320 = tpu.memref_slice %arg7[%dma_wait3A_318, %dma_wait3A_319] : memref<10112x32xf32, #tpu.memory_space<vmem_shared>> -> memref<10112x32xf32, #tpu.memory_space<vmem_shared>>
      tpu.wait_indirect_dma semaphore(%arg11 : memref<!tpu.dma_semaphore, #tpu.memory_space<semaphore_mem>>) src(%dma_wait3A_314 : memref<128x32xf32, #tpu.memory_space<vmem>>) dst(%dma_wait3A_320 : memref<10112x32xf32, #tpu.memory_space<vmem_shared>>)
      %dma_wait3A_321 = arith.constant 6 : i32
      %dma_wait3A_322 = arith.constant 768 : i32
      %dma_wait3A_323 = arith.constant 0 : i32
      %dma_wait3A_324 = tpu.memref_slice %arg10[%dma_wait3A_322, %dma_wait3A_323] : memref<1024x32xf32, #tpu.memory_space<vmem>> -> memref<128x32xf32, #tpu.memory_space<vmem>>
      %dma_wait3A_325 = arith.constant 0 : i32
      %dma_wait3A_326 = tpu.memref_slice %arg9[%dma_wait3A_321, %dma_wait3A_325] : memref<8x128xi32, #tpu.memory_space<vmem>> -> memref<1x128xi32, #tpu.memory_space<vmem>>
      %dma_wait3A_327 = tpu.memref_squeeze %dma_wait3A_326 : memref<1x128xi32, #tpu.memory_space<vmem>> -> memref<128xi32, #tpu.memory_space<vmem>>
      %dma_wait3A_328 = arith.constant 0 : i32
      %dma_wait3A_329 = arith.constant 0 : i32
      %dma_wait3A_330 = tpu.memref_slice %arg7[%dma_wait3A_328, %dma_wait3A_329] : memref<10112x32xf32, #tpu.memory_space<vmem_shared>> -> memref<10112x32xf32, #tpu.memory_space<vmem_shared>>
      tpu.wait_indirect_dma semaphore(%arg11 : memref<!tpu.dma_semaphore, #tpu.memory_space<semaphore_mem>>) src(%dma_wait3A_324 : memref<128x32xf32, #tpu.memory_space<vmem>>) dst(%dma_wait3A_330 : memref<10112x32xf32, #tpu.memory_space<vmem_shared>>)
      %dma_wait3A_331 = arith.constant 7 : i32
      %dma_wait3A_332 = arith.constant 896 : i32
      %dma_wait3A_333 = arith.constant 0 : i32
      %dma_wait3A_334 = tpu.memref_slice %arg10[%dma_wait3A_332, %dma_wait3A_333] : memref<1024x32xf32, #tpu.memory_space<vmem>> -> memref<128x32xf32, #tpu.memory_space<vmem>>
      %dma_wait3A_335 = arith.constant 0 : i32
      %dma_wait3A_336 = tpu.memref_slice %arg9[%dma_wait3A_331, %dma_wait3A_335] : memref<8x128xi32, #tpu.memory_space<vmem>> -> memref<1x128xi32, #tpu.memory_space<vmem>>
      %dma_wait3A_337 = tpu.memref_squeeze %dma_wait3A_336 : memref<1x128xi32, #tpu.memory_space<vmem>> -> memref<128xi32, #tpu.memory_space<vmem>>
      %dma_wait3A_338 = arith.constant 0 : i32
      %dma_wait3A_339 = arith.constant 0 : i32
      %dma_wait3A_340 = tpu.memref_slice %arg7[%dma_wait3A_338, %dma_wait3A_339] : memref<10112x32xf32, #tpu.memory_space<vmem_shared>> -> memref<10112x32xf32, #tpu.memory_space<vmem_shared>>
      tpu.wait_indirect_dma semaphore(%arg11 : memref<!tpu.dma_semaphore, #tpu.memory_space<semaphore_mem>>) src(%dma_wait3A_334 : memref<128x32xf32, #tpu.memory_space<vmem>>) dst(%dma_wait3A_340 : memref<10112x32xf32, #tpu.memory_space<vmem_shared>>)
    }
    %scan3A_7 = arith.constant 5 : i32
    %barrier3A_8 = arith.constant 0 : index
    tpu.barrier barrier_id(%barrier3A_8)
    %mul3A_9 = arith.constant 10112 : i32
    %mul3A_10 = arith.muli %arg0, %mul3A_9 : i32
    %add3A_11 = arith.addi %mul3A_10, %mul3A_2 : i32
    "tpu.region"() ({
      %run_scoped3A = tpu.sem_alloc : memref<!tpu.dma_semaphore, #tpu.memory_space<semaphore_mem>>
      %dma_start3A = arith.constant 0 : i32
      %dma_start3A_12 = tpu.memref_slice %arg6[%add3A_11, %dma_start3A] : memref<20224x32xf32, #tpu.memory_space<hbm>> -> memref<632x32xf32, #tpu.memory_space<hbm>>
      %dma_start3A_13 = arith.constant 0 : i32
      %dma_start3A_14 = tpu.memref_slice %arg7[%mul3A_2, %dma_start3A_13] : memref<10112x32xf32, #tpu.memory_space<vmem_shared>> -> memref<632x32xf32, #tpu.memory_space<vmem_shared>>
      tpu.enqueue_dma source(%dma_start3A_14 : memref<632x32xf32, #tpu.memory_space<vmem_shared>>) target(%dma_start3A_12 : memref<632x32xf32, #tpu.memory_space<hbm>>) target_semaphore(%run_scoped3A : memref<!tpu.dma_semaphore, #tpu.memory_space<semaphore_mem>>)
      %dma_wait3A = arith.constant 0 : i32
      %dma_wait3A_15 = tpu.memref_slice %arg6[%add3A_11, %dma_wait3A] : memref<20224x32xf32, #tpu.memory_space<hbm>> -> memref<632x32xf32, #tpu.memory_space<hbm>>
      %dma_wait3A_16 = arith.constant 0 : i32
      %dma_wait3A_17 = tpu.memref_slice %arg7[%mul3A_2, %dma_wait3A_16] : memref<10112x32xf32, #tpu.memory_space<vmem_shared>> -> memref<632x32xf32, #tpu.memory_space<vmem_shared>>
      tpu.wait_dma2 semaphore(%run_scoped3A : memref<!tpu.dma_semaphore, #tpu.memory_space<semaphore_mem>>) src(%dma_wait3A_17 : memref<632x32xf32, #tpu.memory_space<vmem_shared>>) dst(%dma_wait3A_15 : memref<632x32xf32, #tpu.memory_space<hbm>>)
      tpu.yield
    }) : () -> ()
    return
  }
}

#map = affine_map<(d0, d1) -> (0, 0)>
module attributes {stable_mosaic.version = 14 : i64} {
  func.func @_sc_gather_scatter(%arg0: i32, %arg1: i32, %arg2: memref<20000x64xbf16, #tpu.memory_space<hbm>>, %arg3: memref<5120x128xi32, #tpu.memory_space<hbm>>, %arg4: memref<2560x128xi32, #tpu.memory_space<hbm>>, %arg5: memref<632x64xbf16, #tpu.memory_space<hbm>>, %arg6: memref<20224x64xbf16, #tpu.memory_space<hbm>>, %arg7: memref<10112x64xbf16, #tpu.memory_space<vmem_shared>>, %arg8: memref<4x128xi32, #tpu.memory_space<vmem>>, %arg9: memref<4x128xi32, #tpu.memory_space<vmem>>, %arg10: memref<4x128xi32, #tpu.memory_space<vmem>>, %arg11: memref<4x128xi32, #tpu.memory_space<vmem>>, %arg12: memref<4x128x64xbf16, #tpu.memory_space<vmem>>, %arg13: memref<4x128x64xbf16, #tpu.memory_space<vmem>>, %arg14: memref<!tpu.dma_semaphore, #tpu.memory_space<semaphore_mem>>, %arg15: memref<!tpu.dma_semaphore, #tpu.memory_space<semaphore_mem>>, %arg16: memref<!tpu.dma_semaphore, #tpu.memory_space<semaphore_mem>>) attributes {dimension_semantics = [#tpu.dimension_semantics<core_parallel>, #tpu.dimension_semantics<subcore_parallel>], iteration_bounds = array<i64: 2, 16>, scalar_prefetch = 0 : i64, scratch_operands = 10 : i64, tpu.core_type = #tpu.core_type<sc_vector_subcore>, window_params = [{transform_indices = #map}, {transform_indices = #map}, {transform_indices = #map}, {transform_indices = #map}, {transform_indices = #map}]} {
    %mul3A = arith.constant 632 : i32
    %mul3A_0 = arith.muli %arg1, %mul3A : i32
    "tpu.region"() ({
      %run_scoped3A = tpu.sem_alloc : memref<!tpu.dma_semaphore, #tpu.memory_space<semaphore_mem>>
      %dma_start3A_126 = arith.constant 0 : i32
      %dma_start3A_127 = tpu.memref_slice %arg7[%mul3A_0, %dma_start3A_126] : memref<10112x64xbf16, #tpu.memory_space<vmem_shared>> -> memref<632x64xbf16, #tpu.memory_space<vmem_shared>>
      tpu.enqueue_dma source(%arg5 : memref<632x64xbf16, #tpu.memory_space<hbm>>) target(%dma_start3A_127 : memref<632x64xbf16, #tpu.memory_space<vmem_shared>>) target_semaphore(%run_scoped3A : memref<!tpu.dma_semaphore, #tpu.memory_space<semaphore_mem>>)
      %dma_wait3A_128 = arith.constant 0 : i32
      %dma_wait3A_129 = tpu.memref_slice %arg7[%mul3A_0, %dma_wait3A_128] : memref<10112x64xbf16, #tpu.memory_space<vmem_shared>> -> memref<632x64xbf16, #tpu.memory_space<vmem_shared>>
      tpu.wait_dma2 semaphore(%run_scoped3A : memref<!tpu.dma_semaphore, #tpu.memory_space<semaphore_mem>>) src(%arg5 : memref<632x64xbf16, #tpu.memory_space<hbm>>) dst(%dma_wait3A_129 : memref<632x64xbf16, #tpu.memory_space<vmem_shared>>)
      tpu.yield
    }) : () -> ()
    %barrier3A = arith.constant 0 : index
    tpu.barrier barrier_id(%barrier3A)
    %mul3A_1 = arith.constant 2560 : i32
    %mul3A_2 = arith.muli %arg0, %mul3A_1 : i32
    %mul3A_3 = arith.constant 160 : i32
    %mul3A_4 = arith.muli %arg1, %mul3A_3 : i32
    %add3A = arith.constant 0 : i32
    %add3A_5 = arith.addi %mul3A_4, %add3A : i32
    %add3A_6 = arith.addi %mul3A_2, %add3A_5 : i32
    %dma_start3A = arith.constant 0 : i32
    %dma_start3A_7 = tpu.memref_slice %arg3[%add3A_6, %dma_start3A] : memref<5120x128xi32, #tpu.memory_space<hbm>> -> memref<4x128xi32, #tpu.memory_space<hbm>>
    %dma_start3A_8 = arith.constant 0 : i32
    %dma_start3A_9 = tpu.memref_slice %arg3[%add3A_6, %dma_start3A_8] : memref<5120x128xi32, #tpu.memory_space<hbm>> -> memref<4x128xi32, #tpu.memory_space<hbm>>
    tpu.enqueue_dma source(%dma_start3A_9 : memref<4x128xi32, #tpu.memory_space<hbm>>) target(%arg8 : memref<4x128xi32, #tpu.memory_space<vmem>>) target_semaphore(%arg16 : memref<!tpu.dma_semaphore, #tpu.memory_space<semaphore_mem>>)
    %dma_start3A_10 = arith.constant 0 : i32
    %dma_start3A_11 = tpu.memref_slice %arg4[%add3A_5, %dma_start3A_10] : memref<2560x128xi32, #tpu.memory_space<hbm>> -> memref<4x128xi32, #tpu.memory_space<hbm>>
    %dma_start3A_12 = arith.constant 0 : i32
    %dma_start3A_13 = tpu.memref_slice %arg4[%add3A_5, %dma_start3A_12] : memref<2560x128xi32, #tpu.memory_space<hbm>> -> memref<4x128xi32, #tpu.memory_space<hbm>>
    tpu.enqueue_dma source(%dma_start3A_13 : memref<4x128xi32, #tpu.memory_space<hbm>>) target(%arg9 : memref<4x128xi32, #tpu.memory_space<vmem>>) target_semaphore(%arg16 : memref<!tpu.dma_semaphore, #tpu.memory_space<semaphore_mem>>)
    %dma_wait3A = arith.constant 0 : i32
    %dma_wait3A_14 = tpu.memref_slice %arg3[%add3A_6, %dma_wait3A] : memref<5120x128xi32, #tpu.memory_space<hbm>> -> memref<4x128xi32, #tpu.memory_space<hbm>>
    %dma_wait3A_15 = arith.constant 0 : i32
    %dma_wait3A_16 = tpu.memref_slice %arg3[%add3A_6, %dma_wait3A_15] : memref<5120x128xi32, #tpu.memory_space<hbm>> -> memref<4x128xi32, #tpu.memory_space<hbm>>
    tpu.wait_dma2 semaphore(%arg16 : memref<!tpu.dma_semaphore, #tpu.memory_space<semaphore_mem>>) src(%dma_wait3A_16 : memref<4x128xi32, #tpu.memory_space<hbm>>) dst(%arg8 : memref<4x128xi32, #tpu.memory_space<vmem>>)
    %dma_wait3A_17 = arith.constant 0 : i32
    %dma_wait3A_18 = tpu.memref_slice %arg4[%add3A_5, %dma_wait3A_17] : memref<2560x128xi32, #tpu.memory_space<hbm>> -> memref<4x128xi32, #tpu.memory_space<hbm>>
    %dma_wait3A_19 = arith.constant 0 : i32
    %dma_wait3A_20 = tpu.memref_slice %arg4[%add3A_5, %dma_wait3A_19] : memref<2560x128xi32, #tpu.memory_space<hbm>> -> memref<4x128xi32, #tpu.memory_space<hbm>>
    tpu.wait_dma2 semaphore(%arg16 : memref<!tpu.dma_semaphore, #tpu.memory_space<semaphore_mem>>) src(%dma_wait3A_20 : memref<4x128xi32, #tpu.memory_space<hbm>>) dst(%arg9 : memref<4x128xi32, #tpu.memory_space<vmem>>)
    %dma_start3A_21 = arith.constant 0 : i32
    %dma_start3A_22 = arith.constant 0 : i32
    %dma_start3A_23 = arith.constant 0 : i32
    %dma_start3A_24 = arith.constant 0 : i32
    %dma_start3A_25 = tpu.memref_slice %arg12[%dma_start3A_22, %dma_start3A_23, %dma_start3A_24] : memref<4x128x64xbf16, #tpu.memory_space<vmem>> -> memref<1x128x64xbf16, #tpu.memory_space<vmem>>
    %dma_start3A_26 = tpu.memref_squeeze %dma_start3A_25 : memref<1x128x64xbf16, #tpu.memory_space<vmem>> -> memref<128x64xbf16, #tpu.memory_space<vmem>>
    %dma_start3A_27 = arith.constant 0 : i32
    %dma_start3A_28 = tpu.memref_slice %arg8[%dma_start3A_21, %dma_start3A_27] : memref<4x128xi32, #tpu.memory_space<vmem>> -> memref<1x128xi32, #tpu.memory_space<vmem>>
    %dma_start3A_29 = tpu.memref_squeeze %dma_start3A_28 : memref<1x128xi32, #tpu.memory_space<vmem>> -> memref<128xi32, #tpu.memory_space<vmem>>
    %dma_start3A_30 = arith.constant 0 : i32
    %dma_start3A_31 = arith.constant 0 : i32
    %dma_start3A_32 = tpu.memref_slice %arg2[%dma_start3A_30, %dma_start3A_31] : memref<20000x64xbf16, #tpu.memory_space<hbm>> -> memref<20000x64xbf16, #tpu.memory_space<hbm>>
    tpu.enqueue_indirect_dma source(%dma_start3A_32 : memref<20000x64xbf16, #tpu.memory_space<hbm>>) target(%dma_start3A_26 : memref<128x64xbf16, #tpu.memory_space<vmem>>) offsets(%dma_start3A_29 : memref<128xi32, #tpu.memory_space<vmem>>) semaphore(%arg14 : memref<!tpu.dma_semaphore, #tpu.memory_space<semaphore_mem>>)
    %dma_start3A_33 = arith.constant 1 : i32
    %dma_start3A_34 = arith.constant 1 : i32
    %dma_start3A_35 = arith.constant 0 : i32
    %dma_start3A_36 = arith.constant 0 : i32
    %dma_start3A_37 = tpu.memref_slice %arg12[%dma_start3A_34, %dma_start3A_35, %dma_start3A_36] : memref<4x128x64xbf16, #tpu.memory_space<vmem>> -> memref<1x128x64xbf16, #tpu.memory_space<vmem>>
    %dma_start3A_38 = tpu.memref_squeeze %dma_start3A_37 : memref<1x128x64xbf16, #tpu.memory_space<vmem>> -> memref<128x64xbf16, #tpu.memory_space<vmem>>
    %dma_start3A_39 = arith.constant 0 : i32
    %dma_start3A_40 = tpu.memref_slice %arg8[%dma_start3A_33, %dma_start3A_39] : memref<4x128xi32, #tpu.memory_space<vmem>> -> memref<1x128xi32, #tpu.memory_space<vmem>>
    %dma_start3A_41 = tpu.memref_squeeze %dma_start3A_40 : memref<1x128xi32, #tpu.memory_space<vmem>> -> memref<128xi32, #tpu.memory_space<vmem>>
    %dma_start3A_42 = arith.constant 0 : i32
    %dma_start3A_43 = arith.constant 0 : i32
    %dma_start3A_44 = tpu.memref_slice %arg2[%dma_start3A_42, %dma_start3A_43] : memref<20000x64xbf16, #tpu.memory_space<hbm>> -> memref<20000x64xbf16, #tpu.memory_space<hbm>>
    tpu.enqueue_indirect_dma source(%dma_start3A_44 : memref<20000x64xbf16, #tpu.memory_space<hbm>>) target(%dma_start3A_38 : memref<128x64xbf16, #tpu.memory_space<vmem>>) offsets(%dma_start3A_41 : memref<128xi32, #tpu.memory_space<vmem>>) semaphore(%arg14 : memref<!tpu.dma_semaphore, #tpu.memory_space<semaphore_mem>>)
    %dma_start3A_45 = arith.constant 2 : i32
    %dma_start3A_46 = arith.constant 2 : i32
    %dma_start3A_47 = arith.constant 0 : i32
    %dma_start3A_48 = arith.constant 0 : i32
    %dma_start3A_49 = tpu.memref_slice %arg12[%dma_start3A_46, %dma_start3A_47, %dma_start3A_48] : memref<4x128x64xbf16, #tpu.memory_space<vmem>> -> memref<1x128x64xbf16, #tpu.memory_space<vmem>>
    %dma_start3A_50 = tpu.memref_squeeze %dma_start3A_49 : memref<1x128x64xbf16, #tpu.memory_space<vmem>> -> memref<128x64xbf16, #tpu.memory_space<vmem>>
    %dma_start3A_51 = arith.constant 0 : i32
    %dma_start3A_52 = tpu.memref_slice %arg8[%dma_start3A_45, %dma_start3A_51] : memref<4x128xi32, #tpu.memory_space<vmem>> -> memref<1x128xi32, #tpu.memory_space<vmem>>
    %dma_start3A_53 = tpu.memref_squeeze %dma_start3A_52 : memref<1x128xi32, #tpu.memory_space<vmem>> -> memref<128xi32, #tpu.memory_space<vmem>>
    %dma_start3A_54 = arith.constant 0 : i32
    %dma_start3A_55 = arith.constant 0 : i32
    %dma_start3A_56 = tpu.memref_slice %arg2[%dma_start3A_54, %dma_start3A_55] : memref<20000x64xbf16, #tpu.memory_space<hbm>> -> memref<20000x64xbf16, #tpu.memory_space<hbm>>
    tpu.enqueue_indirect_dma source(%dma_start3A_56 : memref<20000x64xbf16, #tpu.memory_space<hbm>>) target(%dma_start3A_50 : memref<128x64xbf16, #tpu.memory_space<vmem>>) offsets(%dma_start3A_53 : memref<128xi32, #tpu.memory_space<vmem>>) semaphore(%arg14 : memref<!tpu.dma_semaphore, #tpu.memory_space<semaphore_mem>>)
    %dma_start3A_57 = arith.constant 3 : i32
    %dma_start3A_58 = arith.constant 3 : i32
    %dma_start3A_59 = arith.constant 0 : i32
    %dma_start3A_60 = arith.constant 0 : i32
    %dma_start3A_61 = tpu.memref_slice %arg12[%dma_start3A_58, %dma_start3A_59, %dma_start3A_60] : memref<4x128x64xbf16, #tpu.memory_space<vmem>> -> memref<1x128x64xbf16, #tpu.memory_space<vmem>>
    %dma_start3A_62 = tpu.memref_squeeze %dma_start3A_61 : memref<1x128x64xbf16, #tpu.memory_space<vmem>> -> memref<128x64xbf16, #tpu.memory_space<vmem>>
    %dma_start3A_63 = arith.constant 0 : i32
    %dma_start3A_64 = tpu.memref_slice %arg8[%dma_start3A_57, %dma_start3A_63] : memref<4x128xi32, #tpu.memory_space<vmem>> -> memref<1x128xi32, #tpu.memory_space<vmem>>
    %dma_start3A_65 = tpu.memref_squeeze %dma_start3A_64 : memref<1x128xi32, #tpu.memory_space<vmem>> -> memref<128xi32, #tpu.memory_space<vmem>>
    %dma_start3A_66 = arith.constant 0 : i32
    %dma_start3A_67 = arith.constant 0 : i32
    %dma_start3A_68 = tpu.memref_slice %arg2[%dma_start3A_66, %dma_start3A_67] : memref<20000x64xbf16, #tpu.memory_space<hbm>> -> memref<20000x64xbf16, #tpu.memory_space<hbm>>
    tpu.enqueue_indirect_dma source(%dma_start3A_68 : memref<20000x64xbf16, #tpu.memory_space<hbm>>) target(%dma_start3A_62 : memref<128x64xbf16, #tpu.memory_space<vmem>>) offsets(%dma_start3A_65 : memref<128xi32, #tpu.memory_space<vmem>>) semaphore(%arg14 : memref<!tpu.dma_semaphore, #tpu.memory_space<semaphore_mem>>)
    %scan3A = arith.constant 0 : i32
    %scan3A_69 = arith.constant 0 : i32
    %scan3A_70 = arith.constant 20 : i32
    %scan3A_71 = arith.addi %scan3A_69, %scan3A_70 : i32
    %scan3A_72 = arith.constant 1 : i32
    scf.for %scan3A_126 = %scan3A_69 to %scan3A_71 step %scan3A_72  : i32 {
      %dma_wait3A_127 = arith.constant 0 : i32
      %dma_wait3A_128 = arith.constant 0 : i32
      %dma_wait3A_129 = arith.constant 0 : i32
      %dma_wait3A_130 = arith.constant 0 : i32
      %dma_wait3A_131 = tpu.memref_slice %arg12[%dma_wait3A_128, %dma_wait3A_129, %dma_wait3A_130] : memref<4x128x64xbf16, #tpu.memory_space<vmem>> -> memref<1x128x64xbf16, #tpu.memory_space<vmem>>
      %dma_wait3A_132 = tpu.memref_squeeze %dma_wait3A_131 : memref<1x128x64xbf16, #tpu.memory_space<vmem>> -> memref<128x64xbf16, #tpu.memory_space<vmem>>
      %dma_wait3A_133 = arith.constant 0 : i32
      %dma_wait3A_134 = tpu.memref_slice %arg8[%dma_wait3A_127, %dma_wait3A_133] : memref<4x128xi32, #tpu.memory_space<vmem>> -> memref<1x128xi32, #tpu.memory_space<vmem>>
      %dma_wait3A_135 = tpu.memref_squeeze %dma_wait3A_134 : memref<1x128xi32, #tpu.memory_space<vmem>> -> memref<128xi32, #tpu.memory_space<vmem>>
      %dma_wait3A_136 = arith.constant 0 : i32
      %dma_wait3A_137 = arith.constant 0 : i32
      %dma_wait3A_138 = tpu.memref_slice %arg2[%dma_wait3A_136, %dma_wait3A_137] : memref<20000x64xbf16, #tpu.memory_space<hbm>> -> memref<20000x64xbf16, #tpu.memory_space<hbm>>
      tpu.wait_indirect_dma semaphore(%arg14 : memref<!tpu.dma_semaphore, #tpu.memory_space<semaphore_mem>>) src(%dma_wait3A_138 : memref<20000x64xbf16, #tpu.memory_space<hbm>>) dst(%dma_wait3A_132 : memref<128x64xbf16, #tpu.memory_space<vmem>>)
      %dma_wait3A_139 = arith.constant 1 : i32
      %dma_wait3A_140 = arith.constant 1 : i32
      %dma_wait3A_141 = arith.constant 0 : i32
      %dma_wait3A_142 = arith.constant 0 : i32
      %dma_wait3A_143 = tpu.memref_slice %arg12[%dma_wait3A_140, %dma_wait3A_141, %dma_wait3A_142] : memref<4x128x64xbf16, #tpu.memory_space<vmem>> -> memref<1x128x64xbf16, #tpu.memory_space<vmem>>
      %dma_wait3A_144 = tpu.memref_squeeze %dma_wait3A_143 : memref<1x128x64xbf16, #tpu.memory_space<vmem>> -> memref<128x64xbf16, #tpu.memory_space<vmem>>
      %dma_wait3A_145 = arith.constant 0 : i32
      %dma_wait3A_146 = tpu.memref_slice %arg8[%dma_wait3A_139, %dma_wait3A_145] : memref<4x128xi32, #tpu.memory_space<vmem>> -> memref<1x128xi32, #tpu.memory_space<vmem>>
      %dma_wait3A_147 = tpu.memref_squeeze %dma_wait3A_146 : memref<1x128xi32, #tpu.memory_space<vmem>> -> memref<128xi32, #tpu.memory_space<vmem>>
      %dma_wait3A_148 = arith.constant 0 : i32
      %dma_wait3A_149 = arith.constant 0 : i32
      %dma_wait3A_150 = tpu.memref_slice %arg2[%dma_wait3A_148, %dma_wait3A_149] : memref<20000x64xbf16, #tpu.memory_space<hbm>> -> memref<20000x64xbf16, #tpu.memory_space<hbm>>
      tpu.wait_indirect_dma semaphore(%arg14 : memref<!tpu.dma_semaphore, #tpu.memory_space<semaphore_mem>>) src(%dma_wait3A_150 : memref<20000x64xbf16, #tpu.memory_space<hbm>>) dst(%dma_wait3A_144 : memref<128x64xbf16, #tpu.memory_space<vmem>>)
      %dma_wait3A_151 = arith.constant 2 : i32
      %dma_wait3A_152 = arith.constant 2 : i32
      %dma_wait3A_153 = arith.constant 0 : i32
      %dma_wait3A_154 = arith.constant 0 : i32
      %dma_wait3A_155 = tpu.memref_slice %arg12[%dma_wait3A_152, %dma_wait3A_153, %dma_wait3A_154] : memref<4x128x64xbf16, #tpu.memory_space<vmem>> -> memref<1x128x64xbf16, #tpu.memory_space<vmem>>
      %dma_wait3A_156 = tpu.memref_squeeze %dma_wait3A_155 : memref<1x128x64xbf16, #tpu.memory_space<vmem>> -> memref<128x64xbf16, #tpu.memory_space<vmem>>
      %dma_wait3A_157 = arith.constant 0 : i32
      %dma_wait3A_158 = tpu.memref_slice %arg8[%dma_wait3A_151, %dma_wait3A_157] : memref<4x128xi32, #tpu.memory_space<vmem>> -> memref<1x128xi32, #tpu.memory_space<vmem>>
      %dma_wait3A_159 = tpu.memref_squeeze %dma_wait3A_158 : memref<1x128xi32, #tpu.memory_space<vmem>> -> memref<128xi32, #tpu.memory_space<vmem>>
      %dma_wait3A_160 = arith.constant 0 : i32
      %dma_wait3A_161 = arith.constant 0 : i32
      %dma_wait3A_162 = tpu.memref_slice %arg2[%dma_wait3A_160, %dma_wait3A_161] : memref<20000x64xbf16, #tpu.memory_space<hbm>> -> memref<20000x64xbf16, #tpu.memory_space<hbm>>
      tpu.wait_indirect_dma semaphore(%arg14 : memref<!tpu.dma_semaphore, #tpu.memory_space<semaphore_mem>>) src(%dma_wait3A_162 : memref<20000x64xbf16, #tpu.memory_space<hbm>>) dst(%dma_wait3A_156 : memref<128x64xbf16, #tpu.memory_space<vmem>>)
      %dma_wait3A_163 = arith.constant 3 : i32
      %dma_wait3A_164 = arith.constant 3 : i32
      %dma_wait3A_165 = arith.constant 0 : i32
      %dma_wait3A_166 = arith.constant 0 : i32
      %dma_wait3A_167 = tpu.memref_slice %arg12[%dma_wait3A_164, %dma_wait3A_165, %dma_wait3A_166] : memref<4x128x64xbf16, #tpu.memory_space<vmem>> -> memref<1x128x64xbf16, #tpu.memory_space<vmem>>
      %dma_wait3A_168 = tpu.memref_squeeze %dma_wait3A_167 : memref<1x128x64xbf16, #tpu.memory_space<vmem>> -> memref<128x64xbf16, #tpu.memory_space<vmem>>
      %dma_wait3A_169 = arith.constant 0 : i32
      %dma_wait3A_170 = tpu.memref_slice %arg8[%dma_wait3A_163, %dma_wait3A_169] : memref<4x128xi32, #tpu.memory_space<vmem>> -> memref<1x128xi32, #tpu.memory_space<vmem>>
      %dma_wait3A_171 = tpu.memref_squeeze %dma_wait3A_170 : memref<1x128xi32, #tpu.memory_space<vmem>> -> memref<128xi32, #tpu.memory_space<vmem>>
      %dma_wait3A_172 = arith.constant 0 : i32
      %dma_wait3A_173 = arith.constant 0 : i32
      %dma_wait3A_174 = tpu.memref_slice %arg2[%dma_wait3A_172, %dma_wait3A_173] : memref<20000x64xbf16, #tpu.memory_space<hbm>> -> memref<20000x64xbf16, #tpu.memory_space<hbm>>
      tpu.wait_indirect_dma semaphore(%arg14 : memref<!tpu.dma_semaphore, #tpu.memory_space<semaphore_mem>>) src(%dma_wait3A_174 : memref<20000x64xbf16, #tpu.memory_space<hbm>>) dst(%dma_wait3A_168 : memref<128x64xbf16, #tpu.memory_space<vmem>>)
      %gt3A = arith.constant 0 : i32
      %gt3A_175 = arith.cmpi sgt, %scan3A_126, %gt3A : i32
      %convert_element_type3A = arith.extui %gt3A_175 : i1 to i32
      %cond3A = arith.constant 0 : i32
      %cond3A_176 = arith.cmpi ne, %convert_element_type3A, %cond3A : i32
      scf.if %cond3A_176 {
        %dma_wait3A_401 = arith.constant 0 : i32
        %dma_wait3A_402 = arith.constant 0 : i32
        %dma_wait3A_403 = arith.constant 0 : i32
        %dma_wait3A_404 = arith.constant 0 : i32
        %dma_wait3A_405 = tpu.memref_slice %arg13[%dma_wait3A_401, %dma_wait3A_403, %dma_wait3A_404] : memref<4x128x64xbf16, #tpu.memory_space<vmem>> -> memref<1x128x64xbf16, #tpu.memory_space<vmem>>
        %dma_wait3A_406 = tpu.memref_squeeze %dma_wait3A_405 : memref<1x128x64xbf16, #tpu.memory_space<vmem>> -> memref<128x64xbf16, #tpu.memory_space<vmem>>
        %dma_wait3A_407 = arith.constant 0 : i32
        %dma_wait3A_408 = tpu.memref_slice %arg11[%dma_wait3A_402, %dma_wait3A_407] : memref<4x128xi32, #tpu.memory_space<vmem>> -> memref<1x128xi32, #tpu.memory_space<vmem>>
        %dma_wait3A_409 = tpu.memref_squeeze %dma_wait3A_408 : memref<1x128xi32, #tpu.memory_space<vmem>> -> memref<128xi32, #tpu.memory_space<vmem>>
        %dma_wait3A_410 = arith.constant 0 : i32
        %dma_wait3A_411 = arith.constant 0 : i32
        %dma_wait3A_412 = tpu.memref_slice %arg7[%dma_wait3A_410, %dma_wait3A_411] : memref<10112x64xbf16, #tpu.memory_space<vmem_shared>> -> memref<10112x64xbf16, #tpu.memory_space<vmem_shared>>
        tpu.wait_indirect_dma semaphore(%arg15 : memref<!tpu.dma_semaphore, #tpu.memory_space<semaphore_mem>>) src(%dma_wait3A_406 : memref<128x64xbf16, #tpu.memory_space<vmem>>) dst(%dma_wait3A_412 : memref<10112x64xbf16, #tpu.memory_space<vmem_shared>>)
        %dma_wait3A_413 = arith.constant 1 : i32
        %dma_wait3A_414 = arith.constant 1 : i32
        %dma_wait3A_415 = arith.constant 0 : i32
        %dma_wait3A_416 = arith.constant 0 : i32
        %dma_wait3A_417 = tpu.memref_slice %arg13[%dma_wait3A_413, %dma_wait3A_415, %dma_wait3A_416] : memref<4x128x64xbf16, #tpu.memory_space<vmem>> -> memref<1x128x64xbf16, #tpu.memory_space<vmem>>
        %dma_wait3A_418 = tpu.memref_squeeze %dma_wait3A_417 : memref<1x128x64xbf16, #tpu.memory_space<vmem>> -> memref<128x64xbf16, #tpu.memory_space<vmem>>
        %dma_wait3A_419 = arith.constant 0 : i32
        %dma_wait3A_420 = tpu.memref_slice %arg11[%dma_wait3A_414, %dma_wait3A_419] : memref<4x128xi32, #tpu.memory_space<vmem>> -> memref<1x128xi32, #tpu.memory_space<vmem>>
        %dma_wait3A_421 = tpu.memref_squeeze %dma_wait3A_420 : memref<1x128xi32, #tpu.memory_space<vmem>> -> memref<128xi32, #tpu.memory_space<vmem>>
        %dma_wait3A_422 = arith.constant 0 : i32
        %dma_wait3A_423 = arith.constant 0 : i32
        %dma_wait3A_424 = tpu.memref_slice %arg7[%dma_wait3A_422, %dma_wait3A_423] : memref<10112x64xbf16, #tpu.memory_space<vmem_shared>> -> memref<10112x64xbf16, #tpu.memory_space<vmem_shared>>
        tpu.wait_indirect_dma semaphore(%arg15 : memref<!tpu.dma_semaphore, #tpu.memory_space<semaphore_mem>>) src(%dma_wait3A_418 : memref<128x64xbf16, #tpu.memory_space<vmem>>) dst(%dma_wait3A_424 : memref<10112x64xbf16, #tpu.memory_space<vmem_shared>>)
        %dma_wait3A_425 = arith.constant 2 : i32
        %dma_wait3A_426 = arith.constant 2 : i32
        %dma_wait3A_427 = arith.constant 0 : i32
        %dma_wait3A_428 = arith.constant 0 : i32
        %dma_wait3A_429 = tpu.memref_slice %arg13[%dma_wait3A_425, %dma_wait3A_427, %dma_wait3A_428] : memref<4x128x64xbf16, #tpu.memory_space<vmem>> -> memref<1x128x64xbf16, #tpu.memory_space<vmem>>
        %dma_wait3A_430 = tpu.memref_squeeze %dma_wait3A_429 : memref<1x128x64xbf16, #tpu.memory_space<vmem>> -> memref<128x64xbf16, #tpu.memory_space<vmem>>
        %dma_wait3A_431 = arith.constant 0 : i32
        %dma_wait3A_432 = tpu.memref_slice %arg11[%dma_wait3A_426, %dma_wait3A_431] : memref<4x128xi32, #tpu.memory_space<vmem>> -> memref<1x128xi32, #tpu.memory_space<vmem>>
        %dma_wait3A_433 = tpu.memref_squeeze %dma_wait3A_432 : memref<1x128xi32, #tpu.memory_space<vmem>> -> memref<128xi32, #tpu.memory_space<vmem>>
        %dma_wait3A_434 = arith.constant 0 : i32
        %dma_wait3A_435 = arith.constant 0 : i32
        %dma_wait3A_436 = tpu.memref_slice %arg7[%dma_wait3A_434, %dma_wait3A_435] : memref<10112x64xbf16, #tpu.memory_space<vmem_shared>> -> memref<10112x64xbf16, #tpu.memory_space<vmem_shared>>
        tpu.wait_indirect_dma semaphore(%arg15 : memref<!tpu.dma_semaphore, #tpu.memory_space<semaphore_mem>>) src(%dma_wait3A_430 : memref<128x64xbf16, #tpu.memory_space<vmem>>) dst(%dma_wait3A_436 : memref<10112x64xbf16, #tpu.memory_space<vmem_shared>>)
        %dma_wait3A_437 = arith.constant 3 : i32
        %dma_wait3A_438 = arith.constant 3 : i32
        %dma_wait3A_439 = arith.constant 0 : i32
        %dma_wait3A_440 = arith.constant 0 : i32
        %dma_wait3A_441 = tpu.memref_slice %arg13[%dma_wait3A_437, %dma_wait3A_439, %dma_wait3A_440] : memref<4x128x64xbf16, #tpu.memory_space<vmem>> -> memref<1x128x64xbf16, #tpu.memory_space<vmem>>
        %dma_wait3A_442 = tpu.memref_squeeze %dma_wait3A_441 : memref<1x128x64xbf16, #tpu.memory_space<vmem>> -> memref<128x64xbf16, #tpu.memory_space<vmem>>
        %dma_wait3A_443 = arith.constant 0 : i32
        %dma_wait3A_444 = tpu.memref_slice %arg11[%dma_wait3A_438, %dma_wait3A_443] : memref<4x128xi32, #tpu.memory_space<vmem>> -> memref<1x128xi32, #tpu.memory_space<vmem>>
        %dma_wait3A_445 = tpu.memref_squeeze %dma_wait3A_444 : memref<1x128xi32, #tpu.memory_space<vmem>> -> memref<128xi32, #tpu.memory_space<vmem>>
        %dma_wait3A_446 = arith.constant 0 : i32
        %dma_wait3A_447 = arith.constant 0 : i32
        %dma_wait3A_448 = tpu.memref_slice %arg7[%dma_wait3A_446, %dma_wait3A_447] : memref<10112x64xbf16, #tpu.memory_space<vmem_shared>> -> memref<10112x64xbf16, #tpu.memory_space<vmem_shared>>
        tpu.wait_indirect_dma semaphore(%arg15 : memref<!tpu.dma_semaphore, #tpu.memory_space<semaphore_mem>>) src(%dma_wait3A_442 : memref<128x64xbf16, #tpu.memory_space<vmem>>) dst(%dma_wait3A_448 : memref<10112x64xbf16, #tpu.memory_space<vmem_shared>>)
      } else {
      }
      %mul3A_177 = arith.constant 2 : i32
      %mul3A_178 = arith.muli %mul3A_177, %scan3A_126 : i32
      %add3A_179 = arith.constant 1 : i32
      %add3A_180 = arith.addi %mul3A_178, %add3A_179 : i32
      %mul3A_181 = arith.constant 4 : i32
      %mul3A_182 = arith.muli %add3A_180, %mul3A_181 : i32
      %add3A_183 = arith.addi %mul3A_4, %mul3A_182 : i32
      %add3A_184 = arith.addi %mul3A_2, %add3A_183 : i32
      %dma_start3A_185 = arith.constant 0 : i32
      %dma_start3A_186 = tpu.memref_slice %arg3[%add3A_184, %dma_start3A_185] : memref<5120x128xi32, #tpu.memory_space<hbm>> -> memref<4x128xi32, #tpu.memory_space<hbm>>
      %dma_start3A_187 = arith.constant 0 : i32
      %dma_start3A_188 = tpu.memref_slice %arg3[%add3A_184, %dma_start3A_187] : memref<5120x128xi32, #tpu.memory_space<hbm>> -> memref<4x128xi32, #tpu.memory_space<hbm>>
      tpu.enqueue_dma source(%dma_start3A_188 : memref<4x128xi32, #tpu.memory_space<hbm>>) target(%arg10 : memref<4x128xi32, #tpu.memory_space<vmem>>) target_semaphore(%arg16 : memref<!tpu.dma_semaphore, #tpu.memory_space<semaphore_mem>>)
      %dma_start3A_189 = arith.constant 0 : i32
      %dma_start3A_190 = tpu.memref_slice %arg4[%add3A_183, %dma_start3A_189] : memref<2560x128xi32, #tpu.memory_space<hbm>> -> memref<4x128xi32, #tpu.memory_space<hbm>>
      %dma_start3A_191 = arith.constant 0 : i32
      %dma_start3A_192 = tpu.memref_slice %arg4[%add3A_183, %dma_start3A_191] : memref<2560x128xi32, #tpu.memory_space<hbm>> -> memref<4x128xi32, #tpu.memory_space<hbm>>
      tpu.enqueue_dma source(%dma_start3A_192 : memref<4x128xi32, #tpu.memory_space<hbm>>) target(%arg11 : memref<4x128xi32, #tpu.memory_space<vmem>>) target_semaphore(%arg16 : memref<!tpu.dma_semaphore, #tpu.memory_space<semaphore_mem>>)
      %dma_start3A_193 = arith.constant 0 : i32
      %dma_start3A_194 = arith.constant 0 : i32
      %dma_start3A_195 = arith.constant 0 : i32
      %dma_start3A_196 = arith.constant 0 : i32
      %dma_start3A_197 = tpu.memref_slice %arg12[%dma_start3A_193, %dma_start3A_195, %dma_start3A_196] : memref<4x128x64xbf16, #tpu.memory_space<vmem>> -> memref<1x128x64xbf16, #tpu.memory_space<vmem>>
      %dma_start3A_198 = tpu.memref_squeeze %dma_start3A_197 : memref<1x128x64xbf16, #tpu.memory_space<vmem>> -> memref<128x64xbf16, #tpu.memory_space<vmem>>
      %dma_start3A_199 = arith.constant 0 : i32
      %dma_start3A_200 = tpu.memref_slice %arg9[%dma_start3A_194, %dma_start3A_199] : memref<4x128xi32, #tpu.memory_space<vmem>> -> memref<1x128xi32, #tpu.memory_space<vmem>>
      %dma_start3A_201 = tpu.memref_squeeze %dma_start3A_200 : memref<1x128xi32, #tpu.memory_space<vmem>> -> memref<128xi32, #tpu.memory_space<vmem>>
      %dma_start3A_202 = arith.constant 0 : i32
      %dma_start3A_203 = arith.constant 0 : i32
      %dma_start3A_204 = tpu.memref_slice %arg7[%dma_start3A_202, %dma_start3A_203] : memref<10112x64xbf16, #tpu.memory_space<vmem_shared>> -> memref<10112x64xbf16, #tpu.memory_space<vmem_shared>>
      tpu.enqueue_indirect_dma source(%dma_start3A_198 : memref<128x64xbf16, #tpu.memory_space<vmem>>) target(%dma_start3A_204 : memref<10112x64xbf16, #tpu.memory_space<vmem_shared>>) offsets(%dma_start3A_201 : memref<128xi32, #tpu.memory_space<vmem>>) semaphore(%arg15 : memref<!tpu.dma_semaphore, #tpu.memory_space<semaphore_mem>>) {add = true}
      %dma_start3A_205 = arith.constant 1 : i32
      %dma_start3A_206 = arith.constant 1 : i32
      %dma_start3A_207 = arith.constant 0 : i32
      %dma_start3A_208 = arith.constant 0 : i32
      %dma_start3A_209 = tpu.memref_slice %arg12[%dma_start3A_205, %dma_start3A_207, %dma_start3A_208] : memref<4x128x64xbf16, #tpu.memory_space<vmem>> -> memref<1x128x64xbf16, #tpu.memory_space<vmem>>
      %dma_start3A_210 = tpu.memref_squeeze %dma_start3A_209 : memref<1x128x64xbf16, #tpu.memory_space<vmem>> -> memref<128x64xbf16, #tpu.memory_space<vmem>>
      %dma_start3A_211 = arith.constant 0 : i32
      %dma_start3A_212 = tpu.memref_slice %arg9[%dma_start3A_206, %dma_start3A_211] : memref<4x128xi32, #tpu.memory_space<vmem>> -> memref<1x128xi32, #tpu.memory_space<vmem>>
      %dma_start3A_213 = tpu.memref_squeeze %dma_start3A_212 : memref<1x128xi32, #tpu.memory_space<vmem>> -> memref<128xi32, #tpu.memory_space<vmem>>
      %dma_start3A_214 = arith.constant 0 : i32
      %dma_start3A_215 = arith.constant 0 : i32
      %dma_start3A_216 = tpu.memref_slice %arg7[%dma_start3A_214, %dma_start3A_215] : memref<10112x64xbf16, #tpu.memory_space<vmem_shared>> -> memref<10112x64xbf16, #tpu.memory_space<vmem_shared>>
      tpu.enqueue_indirect_dma source(%dma_start3A_210 : memref<128x64xbf16, #tpu.memory_space<vmem>>) target(%dma_start3A_216 : memref<10112x64xbf16, #tpu.memory_space<vmem_shared>>) offsets(%dma_start3A_213 : memref<128xi32, #tpu.memory_space<vmem>>) semaphore(%arg15 : memref<!tpu.dma_semaphore, #tpu.memory_space<semaphore_mem>>) {add = true}
      %dma_start3A_217 = arith.constant 2 : i32
      %dma_start3A_218 = arith.constant 2 : i32
      %dma_start3A_219 = arith.constant 0 : i32
      %dma_start3A_220 = arith.constant 0 : i32
      %dma_start3A_221 = tpu.memref_slice %arg12[%dma_start3A_217, %dma_start3A_219, %dma_start3A_220] : memref<4x128x64xbf16, #tpu.memory_space<vmem>> -> memref<1x128x64xbf16, #tpu.memory_space<vmem>>
      %dma_start3A_222 = tpu.memref_squeeze %dma_start3A_221 : memref<1x128x64xbf16, #tpu.memory_space<vmem>> -> memref<128x64xbf16, #tpu.memory_space<vmem>>
      %dma_start3A_223 = arith.constant 0 : i32
      %dma_start3A_224 = tpu.memref_slice %arg9[%dma_start3A_218, %dma_start3A_223] : memref<4x128xi32, #tpu.memory_space<vmem>> -> memref<1x128xi32, #tpu.memory_space<vmem>>
      %dma_start3A_225 = tpu.memref_squeeze %dma_start3A_224 : memref<1x128xi32, #tpu.memory_space<vmem>> -> memref<128xi32, #tpu.memory_space<vmem>>
      %dma_start3A_226 = arith.constant 0 : i32
      %dma_start3A_227 = arith.constant 0 : i32
      %dma_start3A_228 = tpu.memref_slice %arg7[%dma_start3A_226, %dma_start3A_227] : memref<10112x64xbf16, #tpu.memory_space<vmem_shared>> -> memref<10112x64xbf16, #tpu.memory_space<vmem_shared>>
      tpu.enqueue_indirect_dma source(%dma_start3A_222 : memref<128x64xbf16, #tpu.memory_space<vmem>>) target(%dma_start3A_228 : memref<10112x64xbf16, #tpu.memory_space<vmem_shared>>) offsets(%dma_start3A_225 : memref<128xi32, #tpu.memory_space<vmem>>) semaphore(%arg15 : memref<!tpu.dma_semaphore, #tpu.memory_space<semaphore_mem>>) {add = true}
      %dma_start3A_229 = arith.constant 3 : i32
      %dma_start3A_230 = arith.constant 3 : i32
      %dma_start3A_231 = arith.constant 0 : i32
      %dma_start3A_232 = arith.constant 0 : i32
      %dma_start3A_233 = tpu.memref_slice %arg12[%dma_start3A_229, %dma_start3A_231, %dma_start3A_232] : memref<4x128x64xbf16, #tpu.memory_space<vmem>> -> memref<1x128x64xbf16, #tpu.memory_space<vmem>>
      %dma_start3A_234 = tpu.memref_squeeze %dma_start3A_233 : memref<1x128x64xbf16, #tpu.memory_space<vmem>> -> memref<128x64xbf16, #tpu.memory_space<vmem>>
      %dma_start3A_235 = arith.constant 0 : i32
      %dma_start3A_236 = tpu.memref_slice %arg9[%dma_start3A_230, %dma_start3A_235] : memref<4x128xi32, #tpu.memory_space<vmem>> -> memref<1x128xi32, #tpu.memory_space<vmem>>
      %dma_start3A_237 = tpu.memref_squeeze %dma_start3A_236 : memref<1x128xi32, #tpu.memory_space<vmem>> -> memref<128xi32, #tpu.memory_space<vmem>>
      %dma_start3A_238 = arith.constant 0 : i32
      %dma_start3A_239 = arith.constant 0 : i32
      %dma_start3A_240 = tpu.memref_slice %arg7[%dma_start3A_238, %dma_start3A_239] : memref<10112x64xbf16, #tpu.memory_space<vmem_shared>> -> memref<10112x64xbf16, #tpu.memory_space<vmem_shared>>
      tpu.enqueue_indirect_dma source(%dma_start3A_234 : memref<128x64xbf16, #tpu.memory_space<vmem>>) target(%dma_start3A_240 : memref<10112x64xbf16, #tpu.memory_space<vmem_shared>>) offsets(%dma_start3A_237 : memref<128xi32, #tpu.memory_space<vmem>>) semaphore(%arg15 : memref<!tpu.dma_semaphore, #tpu.memory_space<semaphore_mem>>) {add = true}
      %dma_wait3A_241 = arith.constant 0 : i32
      %dma_wait3A_242 = tpu.memref_slice %arg3[%add3A_184, %dma_wait3A_241] : memref<5120x128xi32, #tpu.memory_space<hbm>> -> memref<4x128xi32, #tpu.memory_space<hbm>>
      %dma_wait3A_243 = arith.constant 0 : i32
      %dma_wait3A_244 = tpu.memref_slice %arg3[%add3A_184, %dma_wait3A_243] : memref<5120x128xi32, #tpu.memory_space<hbm>> -> memref<4x128xi32, #tpu.memory_space<hbm>>
      tpu.wait_dma2 semaphore(%arg16 : memref<!tpu.dma_semaphore, #tpu.memory_space<semaphore_mem>>) src(%dma_wait3A_244 : memref<4x128xi32, #tpu.memory_space<hbm>>) dst(%arg10 : memref<4x128xi32, #tpu.memory_space<vmem>>)
      %dma_wait3A_245 = arith.constant 0 : i32
      %dma_wait3A_246 = tpu.memref_slice %arg4[%add3A_183, %dma_wait3A_245] : memref<2560x128xi32, #tpu.memory_space<hbm>> -> memref<4x128xi32, #tpu.memory_space<hbm>>
      %dma_wait3A_247 = arith.constant 0 : i32
      %dma_wait3A_248 = tpu.memref_slice %arg4[%add3A_183, %dma_wait3A_247] : memref<2560x128xi32, #tpu.memory_space<hbm>> -> memref<4x128xi32, #tpu.memory_space<hbm>>
      tpu.wait_dma2 semaphore(%arg16 : memref<!tpu.dma_semaphore, #tpu.memory_space<semaphore_mem>>) src(%dma_wait3A_248 : memref<4x128xi32, #tpu.memory_space<hbm>>) dst(%arg11 : memref<4x128xi32, #tpu.memory_space<vmem>>)
      %dma_start3A_249 = arith.constant 0 : i32
      %dma_start3A_250 = arith.constant 0 : i32
      %dma_start3A_251 = arith.constant 0 : i32
      %dma_start3A_252 = arith.constant 0 : i32
      %dma_start3A_253 = tpu.memref_slice %arg13[%dma_start3A_250, %dma_start3A_251, %dma_start3A_252] : memref<4x128x64xbf16, #tpu.memory_space<vmem>> -> memref<1x128x64xbf16, #tpu.memory_space<vmem>>
      %dma_start3A_254 = tpu.memref_squeeze %dma_start3A_253 : memref<1x128x64xbf16, #tpu.memory_space<vmem>> -> memref<128x64xbf16, #tpu.memory_space<vmem>>
      %dma_start3A_255 = arith.constant 0 : i32
      %dma_start3A_256 = tpu.memref_slice %arg10[%dma_start3A_249, %dma_start3A_255] : memref<4x128xi32, #tpu.memory_space<vmem>> -> memref<1x128xi32, #tpu.memory_space<vmem>>
      %dma_start3A_257 = tpu.memref_squeeze %dma_start3A_256 : memref<1x128xi32, #tpu.memory_space<vmem>> -> memref<128xi32, #tpu.memory_space<vmem>>
      %dma_start3A_258 = arith.constant 0 : i32
      %dma_start3A_259 = arith.constant 0 : i32
      %dma_start3A_260 = tpu.memref_slice %arg2[%dma_start3A_258, %dma_start3A_259] : memref<20000x64xbf16, #tpu.memory_space<hbm>> -> memref<20000x64xbf16, #tpu.memory_space<hbm>>
      tpu.enqueue_indirect_dma source(%dma_start3A_260 : memref<20000x64xbf16, #tpu.memory_space<hbm>>) target(%dma_start3A_254 : memref<128x64xbf16, #tpu.memory_space<vmem>>) offsets(%dma_start3A_257 : memref<128xi32, #tpu.memory_space<vmem>>) semaphore(%arg14 : memref<!tpu.dma_semaphore, #tpu.memory_space<semaphore_mem>>)
      %dma_start3A_261 = arith.constant 1 : i32
      %dma_start3A_262 = arith.constant 1 : i32
      %dma_start3A_263 = arith.constant 0 : i32
      %dma_start3A_264 = arith.constant 0 : i32
      %dma_start3A_265 = tpu.memref_slice %arg13[%dma_start3A_262, %dma_start3A_263, %dma_start3A_264] : memref<4x128x64xbf16, #tpu.memory_space<vmem>> -> memref<1x128x64xbf16, #tpu.memory_space<vmem>>
      %dma_start3A_266 = tpu.memref_squeeze %dma_start3A_265 : memref<1x128x64xbf16, #tpu.memory_space<vmem>> -> memref<128x64xbf16, #tpu.memory_space<vmem>>
      %dma_start3A_267 = arith.constant 0 : i32
      %dma_start3A_268 = tpu.memref_slice %arg10[%dma_start3A_261, %dma_start3A_267] : memref<4x128xi32, #tpu.memory_space<vmem>> -> memref<1x128xi32, #tpu.memory_space<vmem>>
      %dma_start3A_269 = tpu.memref_squeeze %dma_start3A_268 : memref<1x128xi32, #tpu.memory_space<vmem>> -> memref<128xi32, #tpu.memory_space<vmem>>
      %dma_start3A_270 = arith.constant 0 : i32
      %dma_start3A_271 = arith.constant 0 : i32
      %dma_start3A_272 = tpu.memref_slice %arg2[%dma_start3A_270, %dma_start3A_271] : memref<20000x64xbf16, #tpu.memory_space<hbm>> -> memref<20000x64xbf16, #tpu.memory_space<hbm>>
      tpu.enqueue_indirect_dma source(%dma_start3A_272 : memref<20000x64xbf16, #tpu.memory_space<hbm>>) target(%dma_start3A_266 : memref<128x64xbf16, #tpu.memory_space<vmem>>) offsets(%dma_start3A_269 : memref<128xi32, #tpu.memory_space<vmem>>) semaphore(%arg14 : memref<!tpu.dma_semaphore, #tpu.memory_space<semaphore_mem>>)
      %dma_start3A_273 = arith.constant 2 : i32
      %dma_start3A_274 = arith.constant 2 : i32
      %dma_start3A_275 = arith.constant 0 : i32
      %dma_start3A_276 = arith.constant 0 : i32
      %dma_start3A_277 = tpu.memref_slice %arg13[%dma_start3A_274, %dma_start3A_275, %dma_start3A_276] : memref<4x128x64xbf16, #tpu.memory_space<vmem>> -> memref<1x128x64xbf16, #tpu.memory_space<vmem>>
      %dma_start3A_278 = tpu.memref_squeeze %dma_start3A_277 : memref<1x128x64xbf16, #tpu.memory_space<vmem>> -> memref<128x64xbf16, #tpu.memory_space<vmem>>
      %dma_start3A_279 = arith.constant 0 : i32
      %dma_start3A_280 = tpu.memref_slice %arg10[%dma_start3A_273, %dma_start3A_279] : memref<4x128xi32, #tpu.memory_space<vmem>> -> memref<1x128xi32, #tpu.memory_space<vmem>>
      %dma_start3A_281 = tpu.memref_squeeze %dma_start3A_280 : memref<1x128xi32, #tpu.memory_space<vmem>> -> memref<128xi32, #tpu.memory_space<vmem>>
      %dma_start3A_282 = arith.constant 0 : i32
      %dma_start3A_283 = arith.constant 0 : i32
      %dma_start3A_284 = tpu.memref_slice %arg2[%dma_start3A_282, %dma_start3A_283] : memref<20000x64xbf16, #tpu.memory_space<hbm>> -> memref<20000x64xbf16, #tpu.memory_space<hbm>>
      tpu.enqueue_indirect_dma source(%dma_start3A_284 : memref<20000x64xbf16, #tpu.memory_space<hbm>>) target(%dma_start3A_278 : memref<128x64xbf16, #tpu.memory_space<vmem>>) offsets(%dma_start3A_281 : memref<128xi32, #tpu.memory_space<vmem>>) semaphore(%arg14 : memref<!tpu.dma_semaphore, #tpu.memory_space<semaphore_mem>>)
      %dma_start3A_285 = arith.constant 3 : i32
      %dma_start3A_286 = arith.constant 3 : i32
      %dma_start3A_287 = arith.constant 0 : i32
      %dma_start3A_288 = arith.constant 0 : i32
      %dma_start3A_289 = tpu.memref_slice %arg13[%dma_start3A_286, %dma_start3A_287, %dma_start3A_288] : memref<4x128x64xbf16, #tpu.memory_space<vmem>> -> memref<1x128x64xbf16, #tpu.memory_space<vmem>>
      %dma_start3A_290 = tpu.memref_squeeze %dma_start3A_289 : memref<1x128x64xbf16, #tpu.memory_space<vmem>> -> memref<128x64xbf16, #tpu.memory_space<vmem>>
      %dma_start3A_291 = arith.constant 0 : i32
      %dma_start3A_292 = tpu.memref_slice %arg10[%dma_start3A_285, %dma_start3A_291] : memref<4x128xi32, #tpu.memory_space<vmem>> -> memref<1x128xi32, #tpu.memory_space<vmem>>
      %dma_start3A_293 = tpu.memref_squeeze %dma_start3A_292 : memref<1x128xi32, #tpu.memory_space<vmem>> -> memref<128xi32, #tpu.memory_space<vmem>>
      %dma_start3A_294 = arith.constant 0 : i32
      %dma_start3A_295 = arith.constant 0 : i32
      %dma_start3A_296 = tpu.memref_slice %arg2[%dma_start3A_294, %dma_start3A_295] : memref<20000x64xbf16, #tpu.memory_space<hbm>> -> memref<20000x64xbf16, #tpu.memory_space<hbm>>
      tpu.enqueue_indirect_dma source(%dma_start3A_296 : memref<20000x64xbf16, #tpu.memory_space<hbm>>) target(%dma_start3A_290 : memref<128x64xbf16, #tpu.memory_space<vmem>>) offsets(%dma_start3A_293 : memref<128xi32, #tpu.memory_space<vmem>>) semaphore(%arg14 : memref<!tpu.dma_semaphore, #tpu.memory_space<semaphore_mem>>)
      %dma_wait3A_297 = arith.constant 0 : i32
      %dma_wait3A_298 = arith.constant 0 : i32
      %dma_wait3A_299 = arith.constant 0 : i32
      %dma_wait3A_300 = arith.constant 0 : i32
      %dma_wait3A_301 = tpu.memref_slice %arg13[%dma_wait3A_298, %dma_wait3A_299, %dma_wait3A_300] : memref<4x128x64xbf16, #tpu.memory_space<vmem>> -> memref<1x128x64xbf16, #tpu.memory_space<vmem>>
      %dma_wait3A_302 = tpu.memref_squeeze %dma_wait3A_301 : memref<1x128x64xbf16, #tpu.memory_space<vmem>> -> memref<128x64xbf16, #tpu.memory_space<vmem>>
      %dma_wait3A_303 = arith.constant 0 : i32
      %dma_wait3A_304 = tpu.memref_slice %arg10[%dma_wait3A_297, %dma_wait3A_303] : memref<4x128xi32, #tpu.memory_space<vmem>> -> memref<1x128xi32, #tpu.memory_space<vmem>>
      %dma_wait3A_305 = tpu.memref_squeeze %dma_wait3A_304 : memref<1x128xi32, #tpu.memory_space<vmem>> -> memref<128xi32, #tpu.memory_space<vmem>>
      %dma_wait3A_306 = arith.constant 0 : i32
      %dma_wait3A_307 = arith.constant 0 : i32
      %dma_wait3A_308 = tpu.memref_slice %arg2[%dma_wait3A_306, %dma_wait3A_307] : memref<20000x64xbf16, #tpu.memory_space<hbm>> -> memref<20000x64xbf16, #tpu.memory_space<hbm>>
      tpu.wait_indirect_dma semaphore(%arg14 : memref<!tpu.dma_semaphore, #tpu.memory_space<semaphore_mem>>) src(%dma_wait3A_308 : memref<20000x64xbf16, #tpu.memory_space<hbm>>) dst(%dma_wait3A_302 : memref<128x64xbf16, #tpu.memory_space<vmem>>)
      %dma_wait3A_309 = arith.constant 1 : i32
      %dma_wait3A_310 = arith.constant 1 : i32
      %dma_wait3A_311 = arith.constant 0 : i32
      %dma_wait3A_312 = arith.constant 0 : i32
      %dma_wait3A_313 = tpu.memref_slice %arg13[%dma_wait3A_310, %dma_wait3A_311, %dma_wait3A_312] : memref<4x128x64xbf16, #tpu.memory_space<vmem>> -> memref<1x128x64xbf16, #tpu.memory_space<vmem>>
      %dma_wait3A_314 = tpu.memref_squeeze %dma_wait3A_313 : memref<1x128x64xbf16, #tpu.memory_space<vmem>> -> memref<128x64xbf16, #tpu.memory_space<vmem>>
      %dma_wait3A_315 = arith.constant 0 : i32
      %dma_wait3A_316 = tpu.memref_slice %arg10[%dma_wait3A_309, %dma_wait3A_315] : memref<4x128xi32, #tpu.memory_space<vmem>> -> memref<1x128xi32, #tpu.memory_space<vmem>>
      %dma_wait3A_317 = tpu.memref_squeeze %dma_wait3A_316 : memref<1x128xi32, #tpu.memory_space<vmem>> -> memref<128xi32, #tpu.memory_space<vmem>>
      %dma_wait3A_318 = arith.constant 0 : i32
      %dma_wait3A_319 = arith.constant 0 : i32
      %dma_wait3A_320 = tpu.memref_slice %arg2[%dma_wait3A_318, %dma_wait3A_319] : memref<20000x64xbf16, #tpu.memory_space<hbm>> -> memref<20000x64xbf16, #tpu.memory_space<hbm>>
      tpu.wait_indirect_dma semaphore(%arg14 : memref<!tpu.dma_semaphore, #tpu.memory_space<semaphore_mem>>) src(%dma_wait3A_320 : memref<20000x64xbf16, #tpu.memory_space<hbm>>) dst(%dma_wait3A_314 : memref<128x64xbf16, #tpu.memory_space<vmem>>)
      %dma_wait3A_321 = arith.constant 2 : i32
      %dma_wait3A_322 = arith.constant 2 : i32
      %dma_wait3A_323 = arith.constant 0 : i32
      %dma_wait3A_324 = arith.constant 0 : i32
      %dma_wait3A_325 = tpu.memref_slice %arg13[%dma_wait3A_322, %dma_wait3A_323, %dma_wait3A_324] : memref<4x128x64xbf16, #tpu.memory_space<vmem>> -> memref<1x128x64xbf16, #tpu.memory_space<vmem>>
      %dma_wait3A_326 = tpu.memref_squeeze %dma_wait3A_325 : memref<1x128x64xbf16, #tpu.memory_space<vmem>> -> memref<128x64xbf16, #tpu.memory_space<vmem>>
      %dma_wait3A_327 = arith.constant 0 : i32
      %dma_wait3A_328 = tpu.memref_slice %arg10[%dma_wait3A_321, %dma_wait3A_327] : memref<4x128xi32, #tpu.memory_space<vmem>> -> memref<1x128xi32, #tpu.memory_space<vmem>>
      %dma_wait3A_329 = tpu.memref_squeeze %dma_wait3A_328 : memref<1x128xi32, #tpu.memory_space<vmem>> -> memref<128xi32, #tpu.memory_space<vmem>>
      %dma_wait3A_330 = arith.constant 0 : i32
      %dma_wait3A_331 = arith.constant 0 : i32
      %dma_wait3A_332 = tpu.memref_slice %arg2[%dma_wait3A_330, %dma_wait3A_331] : memref<20000x64xbf16, #tpu.memory_space<hbm>> -> memref<20000x64xbf16, #tpu.memory_space<hbm>>
      tpu.wait_indirect_dma semaphore(%arg14 : memref<!tpu.dma_semaphore, #tpu.memory_space<semaphore_mem>>) src(%dma_wait3A_332 : memref<20000x64xbf16, #tpu.memory_space<hbm>>) dst(%dma_wait3A_326 : memref<128x64xbf16, #tpu.memory_space<vmem>>)
      %dma_wait3A_333 = arith.constant 3 : i32
      %dma_wait3A_334 = arith.constant 3 : i32
      %dma_wait3A_335 = arith.constant 0 : i32
      %dma_wait3A_336 = arith.constant 0 : i32
      %dma_wait3A_337 = tpu.memref_slice %arg13[%dma_wait3A_334, %dma_wait3A_335, %dma_wait3A_336] : memref<4x128x64xbf16, #tpu.memory_space<vmem>> -> memref<1x128x64xbf16, #tpu.memory_space<vmem>>
      %dma_wait3A_338 = tpu.memref_squeeze %dma_wait3A_337 : memref<1x128x64xbf16, #tpu.memory_space<vmem>> -> memref<128x64xbf16, #tpu.memory_space<vmem>>
      %dma_wait3A_339 = arith.constant 0 : i32
      %dma_wait3A_340 = tpu.memref_slice %arg10[%dma_wait3A_333, %dma_wait3A_339] : memref<4x128xi32, #tpu.memory_space<vmem>> -> memref<1x128xi32, #tpu.memory_space<vmem>>
      %dma_wait3A_341 = tpu.memref_squeeze %dma_wait3A_340 : memref<1x128xi32, #tpu.memory_space<vmem>> -> memref<128xi32, #tpu.memory_space<vmem>>
      %dma_wait3A_342 = arith.constant 0 : i32
      %dma_wait3A_343 = arith.constant 0 : i32
      %dma_wait3A_344 = tpu.memref_slice %arg2[%dma_wait3A_342, %dma_wait3A_343] : memref<20000x64xbf16, #tpu.memory_space<hbm>> -> memref<20000x64xbf16, #tpu.memory_space<hbm>>
      tpu.wait_indirect_dma semaphore(%arg14 : memref<!tpu.dma_semaphore, #tpu.memory_space<semaphore_mem>>) src(%dma_wait3A_344 : memref<20000x64xbf16, #tpu.memory_space<hbm>>) dst(%dma_wait3A_338 : memref<128x64xbf16, #tpu.memory_space<vmem>>)
      %dma_wait3A_345 = arith.constant 0 : i32
      %dma_wait3A_346 = arith.constant 0 : i32
      %dma_wait3A_347 = arith.constant 0 : i32
      %dma_wait3A_348 = arith.constant 0 : i32
      %dma_wait3A_349 = tpu.memref_slice %arg12[%dma_wait3A_345, %dma_wait3A_347, %dma_wait3A_348] : memref<4x128x64xbf16, #tpu.memory_space<vmem>> -> memref<1x128x64xbf16, #tpu.memory_space<vmem>>
      %dma_wait3A_350 = tpu.memref_squeeze %dma_wait3A_349 : memref<1x128x64xbf16, #tpu.memory_space<vmem>> -> memref<128x64xbf16, #tpu.memory_space<vmem>>
      %dma_wait3A_351 = arith.constant 0 : i32
      %dma_wait3A_352 = tpu.memref_slice %arg9[%dma_wait3A_346, %dma_wait3A_351] : memref<4x128xi32, #tpu.memory_space<vmem>> -> memref<1x128xi32, #tpu.memory_space<vmem>>
      %dma_wait3A_353 = tpu.memref_squeeze %dma_wait3A_352 : memref<1x128xi32, #tpu.memory_space<vmem>> -> memref<128xi32, #tpu.memory_space<vmem>>
      %dma_wait3A_354 = arith.constant 0 : i32
      %dma_wait3A_355 = arith.constant 0 : i32
      %dma_wait3A_356 = tpu.memref_slice %arg7[%dma_wait3A_354, %dma_wait3A_355] : memref<10112x64xbf16, #tpu.memory_space<vmem_shared>> -> memref<10112x64xbf16, #tpu.memory_space<vmem_shared>>
      tpu.wait_indirect_dma semaphore(%arg15 : memref<!tpu.dma_semaphore, #tpu.memory_space<semaphore_mem>>) src(%dma_wait3A_350 : memref<128x64xbf16, #tpu.memory_space<vmem>>) dst(%dma_wait3A_356 : memref<10112x64xbf16, #tpu.memory_space<vmem_shared>>)
      %dma_wait3A_357 = arith.constant 1 : i32
      %dma_wait3A_358 = arith.constant 1 : i32
      %dma_wait3A_359 = arith.constant 0 : i32
      %dma_wait3A_360 = arith.constant 0 : i32
      %dma_wait3A_361 = tpu.memref_slice %arg12[%dma_wait3A_357, %dma_wait3A_359, %dma_wait3A_360] : memref<4x128x64xbf16, #tpu.memory_space<vmem>> -> memref<1x128x64xbf16, #tpu.memory_space<vmem>>
      %dma_wait3A_362 = tpu.memref_squeeze %dma_wait3A_361 : memref<1x128x64xbf16, #tpu.memory_space<vmem>> -> memref<128x64xbf16, #tpu.memory_space<vmem>>
      %dma_wait3A_363 = arith.constant 0 : i32
      %dma_wait3A_364 = tpu.memref_slice %arg9[%dma_wait3A_358, %dma_wait3A_363] : memref<4x128xi32, #tpu.memory_space<vmem>> -> memref<1x128xi32, #tpu.memory_space<vmem>>
      %dma_wait3A_365 = tpu.memref_squeeze %dma_wait3A_364 : memref<1x128xi32, #tpu.memory_space<vmem>> -> memref<128xi32, #tpu.memory_space<vmem>>
      %dma_wait3A_366 = arith.constant 0 : i32
      %dma_wait3A_367 = arith.constant 0 : i32
      %dma_wait3A_368 = tpu.memref_slice %arg7[%dma_wait3A_366, %dma_wait3A_367] : memref<10112x64xbf16, #tpu.memory_space<vmem_shared>> -> memref<10112x64xbf16, #tpu.memory_space<vmem_shared>>
      tpu.wait_indirect_dma semaphore(%arg15 : memref<!tpu.dma_semaphore, #tpu.memory_space<semaphore_mem>>) src(%dma_wait3A_362 : memref<128x64xbf16, #tpu.memory_space<vmem>>) dst(%dma_wait3A_368 : memref<10112x64xbf16, #tpu.memory_space<vmem_shared>>)
      %dma_wait3A_369 = arith.constant 2 : i32
      %dma_wait3A_370 = arith.constant 2 : i32
      %dma_wait3A_371 = arith.constant 0 : i32
      %dma_wait3A_372 = arith.constant 0 : i32
      %dma_wait3A_373 = tpu.memref_slice %arg12[%dma_wait3A_369, %dma_wait3A_371, %dma_wait3A_372] : memref<4x128x64xbf16, #tpu.memory_space<vmem>> -> memref<1x128x64xbf16, #tpu.memory_space<vmem>>
      %dma_wait3A_374 = tpu.memref_squeeze %dma_wait3A_373 : memref<1x128x64xbf16, #tpu.memory_space<vmem>> -> memref<128x64xbf16, #tpu.memory_space<vmem>>
      %dma_wait3A_375 = arith.constant 0 : i32
      %dma_wait3A_376 = tpu.memref_slice %arg9[%dma_wait3A_370, %dma_wait3A_375] : memref<4x128xi32, #tpu.memory_space<vmem>> -> memref<1x128xi32, #tpu.memory_space<vmem>>
      %dma_wait3A_377 = tpu.memref_squeeze %dma_wait3A_376 : memref<1x128xi32, #tpu.memory_space<vmem>> -> memref<128xi32, #tpu.memory_space<vmem>>
      %dma_wait3A_378 = arith.constant 0 : i32
      %dma_wait3A_379 = arith.constant 0 : i32
      %dma_wait3A_380 = tpu.memref_slice %arg7[%dma_wait3A_378, %dma_wait3A_379] : memref<10112x64xbf16, #tpu.memory_space<vmem_shared>> -> memref<10112x64xbf16, #tpu.memory_space<vmem_shared>>
      tpu.wait_indirect_dma semaphore(%arg15 : memref<!tpu.dma_semaphore, #tpu.memory_space<semaphore_mem>>) src(%dma_wait3A_374 : memref<128x64xbf16, #tpu.memory_space<vmem>>) dst(%dma_wait3A_380 : memref<10112x64xbf16, #tpu.memory_space<vmem_shared>>)
      %dma_wait3A_381 = arith.constant 3 : i32
      %dma_wait3A_382 = arith.constant 3 : i32
      %dma_wait3A_383 = arith.constant 0 : i32
      %dma_wait3A_384 = arith.constant 0 : i32
      %dma_wait3A_385 = tpu.memref_slice %arg12[%dma_wait3A_381, %dma_wait3A_383, %dma_wait3A_384] : memref<4x128x64xbf16, #tpu.memory_space<vmem>> -> memref<1x128x64xbf16, #tpu.memory_space<vmem>>
      %dma_wait3A_386 = tpu.memref_squeeze %dma_wait3A_385 : memref<1x128x64xbf16, #tpu.memory_space<vmem>> -> memref<128x64xbf16, #tpu.memory_space<vmem>>
      %dma_wait3A_387 = arith.constant 0 : i32
      %dma_wait3A_388 = tpu.memref_slice %arg9[%dma_wait3A_382, %dma_wait3A_387] : memref<4x128xi32, #tpu.memory_space<vmem>> -> memref<1x128xi32, #tpu.memory_space<vmem>>
      %dma_wait3A_389 = tpu.memref_squeeze %dma_wait3A_388 : memref<1x128xi32, #tpu.memory_space<vmem>> -> memref<128xi32, #tpu.memory_space<vmem>>
      %dma_wait3A_390 = arith.constant 0 : i32
      %dma_wait3A_391 = arith.constant 0 : i32
      %dma_wait3A_392 = tpu.memref_slice %arg7[%dma_wait3A_390, %dma_wait3A_391] : memref<10112x64xbf16, #tpu.memory_space<vmem_shared>> -> memref<10112x64xbf16, #tpu.memory_space<vmem_shared>>
      tpu.wait_indirect_dma semaphore(%arg15 : memref<!tpu.dma_semaphore, #tpu.memory_space<semaphore_mem>>) src(%dma_wait3A_386 : memref<128x64xbf16, #tpu.memory_space<vmem>>) dst(%dma_wait3A_392 : memref<10112x64xbf16, #tpu.memory_space<vmem_shared>>)
      %lt3A = arith.constant 19 : i32
      %lt3A_393 = arith.cmpi slt, %scan3A_126, %lt3A : i32
      %convert_element_type3A_394 = arith.extui %lt3A_393 : i1 to i32
      %cond3A_395 = arith.constant 0 : i32
      %cond3A_396 = arith.cmpi ne, %convert_element_type3A_394, %cond3A_395 : i32
      scf.if %cond3A_396 {
        %mul3A_401 = arith.constant 2 : i32
        %mul3A_402 = arith.muli %mul3A_401, %scan3A_126 : i32
        %add3A_403 = arith.constant 2 : i32
        %add3A_404 = arith.addi %mul3A_402, %add3A_403 : i32
        %mul3A_405 = arith.constant 4 : i32
        %mul3A_406 = arith.muli %add3A_404, %mul3A_405 : i32
        %add3A_407 = arith.addi %mul3A_4, %mul3A_406 : i32
        %add3A_408 = arith.addi %mul3A_2, %add3A_407 : i32
        %dma_start3A_409 = arith.constant 0 : i32
        %dma_start3A_410 = tpu.memref_slice %arg3[%add3A_408, %dma_start3A_409] : memref<5120x128xi32, #tpu.memory_space<hbm>> -> memref<4x128xi32, #tpu.memory_space<hbm>>
        %dma_start3A_411 = arith.constant 0 : i32
        %dma_start3A_412 = tpu.memref_slice %arg3[%add3A_408, %dma_start3A_411] : memref<5120x128xi32, #tpu.memory_space<hbm>> -> memref<4x128xi32, #tpu.memory_space<hbm>>
        tpu.enqueue_dma source(%dma_start3A_412 : memref<4x128xi32, #tpu.memory_space<hbm>>) target(%arg8 : memref<4x128xi32, #tpu.memory_space<vmem>>) target_semaphore(%arg16 : memref<!tpu.dma_semaphore, #tpu.memory_space<semaphore_mem>>)
        %dma_start3A_413 = arith.constant 0 : i32
        %dma_start3A_414 = tpu.memref_slice %arg4[%add3A_407, %dma_start3A_413] : memref<2560x128xi32, #tpu.memory_space<hbm>> -> memref<4x128xi32, #tpu.memory_space<hbm>>
        %dma_start3A_415 = arith.constant 0 : i32
        %dma_start3A_416 = tpu.memref_slice %arg4[%add3A_407, %dma_start3A_415] : memref<2560x128xi32, #tpu.memory_space<hbm>> -> memref<4x128xi32, #tpu.memory_space<hbm>>
        tpu.enqueue_dma source(%dma_start3A_416 : memref<4x128xi32, #tpu.memory_space<hbm>>) target(%arg9 : memref<4x128xi32, #tpu.memory_space<vmem>>) target_semaphore(%arg16 : memref<!tpu.dma_semaphore, #tpu.memory_space<semaphore_mem>>)
        %dma_start3A_417 = arith.constant 0 : i32
        %dma_start3A_418 = arith.constant 0 : i32
        %dma_start3A_419 = arith.constant 0 : i32
        %dma_start3A_420 = arith.constant 0 : i32
        %dma_start3A_421 = tpu.memref_slice %arg13[%dma_start3A_417, %dma_start3A_419, %dma_start3A_420] : memref<4x128x64xbf16, #tpu.memory_space<vmem>> -> memref<1x128x64xbf16, #tpu.memory_space<vmem>>
        %dma_start3A_422 = tpu.memref_squeeze %dma_start3A_421 : memref<1x128x64xbf16, #tpu.memory_space<vmem>> -> memref<128x64xbf16, #tpu.memory_space<vmem>>
        %dma_start3A_423 = arith.constant 0 : i32
        %dma_start3A_424 = tpu.memref_slice %arg11[%dma_start3A_418, %dma_start3A_423] : memref<4x128xi32, #tpu.memory_space<vmem>> -> memref<1x128xi32, #tpu.memory_space<vmem>>
        %dma_start3A_425 = tpu.memref_squeeze %dma_start3A_424 : memref<1x128xi32, #tpu.memory_space<vmem>> -> memref<128xi32, #tpu.memory_space<vmem>>
        %dma_start3A_426 = arith.constant 0 : i32
        %dma_start3A_427 = arith.constant 0 : i32
        %dma_start3A_428 = tpu.memref_slice %arg7[%dma_start3A_426, %dma_start3A_427] : memref<10112x64xbf16, #tpu.memory_space<vmem_shared>> -> memref<10112x64xbf16, #tpu.memory_space<vmem_shared>>
        tpu.enqueue_indirect_dma source(%dma_start3A_422 : memref<128x64xbf16, #tpu.memory_space<vmem>>) target(%dma_start3A_428 : memref<10112x64xbf16, #tpu.memory_space<vmem_shared>>) offsets(%dma_start3A_425 : memref<128xi32, #tpu.memory_space<vmem>>) semaphore(%arg15 : memref<!tpu.dma_semaphore, #tpu.memory_space<semaphore_mem>>) {add = true}
        %dma_start3A_429 = arith.constant 1 : i32
        %dma_start3A_430 = arith.constant 1 : i32
        %dma_start3A_431 = arith.constant 0 : i32
        %dma_start3A_432 = arith.constant 0 : i32
        %dma_start3A_433 = tpu.memref_slice %arg13[%dma_start3A_429, %dma_start3A_431, %dma_start3A_432] : memref<4x128x64xbf16, #tpu.memory_space<vmem>> -> memref<1x128x64xbf16, #tpu.memory_space<vmem>>
        %dma_start3A_434 = tpu.memref_squeeze %dma_start3A_433 : memref<1x128x64xbf16, #tpu.memory_space<vmem>> -> memref<128x64xbf16, #tpu.memory_space<vmem>>
        %dma_start3A_435 = arith.constant 0 : i32
        %dma_start3A_436 = tpu.memref_slice %arg11[%dma_start3A_430, %dma_start3A_435] : memref<4x128xi32, #tpu.memory_space<vmem>> -> memref<1x128xi32, #tpu.memory_space<vmem>>
        %dma_start3A_437 = tpu.memref_squeeze %dma_start3A_436 : memref<1x128xi32, #tpu.memory_space<vmem>> -> memref<128xi32, #tpu.memory_space<vmem>>
        %dma_start3A_438 = arith.constant 0 : i32
        %dma_start3A_439 = arith.constant 0 : i32
        %dma_start3A_440 = tpu.memref_slice %arg7[%dma_start3A_438, %dma_start3A_439] : memref<10112x64xbf16, #tpu.memory_space<vmem_shared>> -> memref<10112x64xbf16, #tpu.memory_space<vmem_shared>>
        tpu.enqueue_indirect_dma source(%dma_start3A_434 : memref<128x64xbf16, #tpu.memory_space<vmem>>) target(%dma_start3A_440 : memref<10112x64xbf16, #tpu.memory_space<vmem_shared>>) offsets(%dma_start3A_437 : memref<128xi32, #tpu.memory_space<vmem>>) semaphore(%arg15 : memref<!tpu.dma_semaphore, #tpu.memory_space<semaphore_mem>>) {add = true}
        %dma_start3A_441 = arith.constant 2 : i32
        %dma_start3A_442 = arith.constant 2 : i32
        %dma_start3A_443 = arith.constant 0 : i32
        %dma_start3A_444 = arith.constant 0 : i32
        %dma_start3A_445 = tpu.memref_slice %arg13[%dma_start3A_441, %dma_start3A_443, %dma_start3A_444] : memref<4x128x64xbf16, #tpu.memory_space<vmem>> -> memref<1x128x64xbf16, #tpu.memory_space<vmem>>
        %dma_start3A_446 = tpu.memref_squeeze %dma_start3A_445 : memref<1x128x64xbf16, #tpu.memory_space<vmem>> -> memref<128x64xbf16, #tpu.memory_space<vmem>>
        %dma_start3A_447 = arith.constant 0 : i32
        %dma_start3A_448 = tpu.memref_slice %arg11[%dma_start3A_442, %dma_start3A_447] : memref<4x128xi32, #tpu.memory_space<vmem>> -> memref<1x128xi32, #tpu.memory_space<vmem>>
        %dma_start3A_449 = tpu.memref_squeeze %dma_start3A_448 : memref<1x128xi32, #tpu.memory_space<vmem>> -> memref<128xi32, #tpu.memory_space<vmem>>
        %dma_start3A_450 = arith.constant 0 : i32
        %dma_start3A_451 = arith.constant 0 : i32
        %dma_start3A_452 = tpu.memref_slice %arg7[%dma_start3A_450, %dma_start3A_451] : memref<10112x64xbf16, #tpu.memory_space<vmem_shared>> -> memref<10112x64xbf16, #tpu.memory_space<vmem_shared>>
        tpu.enqueue_indirect_dma source(%dma_start3A_446 : memref<128x64xbf16, #tpu.memory_space<vmem>>) target(%dma_start3A_452 : memref<10112x64xbf16, #tpu.memory_space<vmem_shared>>) offsets(%dma_start3A_449 : memref<128xi32, #tpu.memory_space<vmem>>) semaphore(%arg15 : memref<!tpu.dma_semaphore, #tpu.memory_space<semaphore_mem>>) {add = true}
        %dma_start3A_453 = arith.constant 3 : i32
        %dma_start3A_454 = arith.constant 3 : i32
        %dma_start3A_455 = arith.constant 0 : i32
        %dma_start3A_456 = arith.constant 0 : i32
        %dma_start3A_457 = tpu.memref_slice %arg13[%dma_start3A_453, %dma_start3A_455, %dma_start3A_456] : memref<4x128x64xbf16, #tpu.memory_space<vmem>> -> memref<1x128x64xbf16, #tpu.memory_space<vmem>>
        %dma_start3A_458 = tpu.memref_squeeze %dma_start3A_457 : memref<1x128x64xbf16, #tpu.memory_space<vmem>> -> memref<128x64xbf16, #tpu.memory_space<vmem>>
        %dma_start3A_459 = arith.constant 0 : i32
        %dma_start3A_460 = tpu.memref_slice %arg11[%dma_start3A_454, %dma_start3A_459] : memref<4x128xi32, #tpu.memory_space<vmem>> -> memref<1x128xi32, #tpu.memory_space<vmem>>
        %dma_start3A_461 = tpu.memref_squeeze %dma_start3A_460 : memref<1x128xi32, #tpu.memory_space<vmem>> -> memref<128xi32, #tpu.memory_space<vmem>>
        %dma_start3A_462 = arith.constant 0 : i32
        %dma_start3A_463 = arith.constant 0 : i32
        %dma_start3A_464 = tpu.memref_slice %arg7[%dma_start3A_462, %dma_start3A_463] : memref<10112x64xbf16, #tpu.memory_space<vmem_shared>> -> memref<10112x64xbf16, #tpu.memory_space<vmem_shared>>
        tpu.enqueue_indirect_dma source(%dma_start3A_458 : memref<128x64xbf16, #tpu.memory_space<vmem>>) target(%dma_start3A_464 : memref<10112x64xbf16, #tpu.memory_space<vmem_shared>>) offsets(%dma_start3A_461 : memref<128xi32, #tpu.memory_space<vmem>>) semaphore(%arg15 : memref<!tpu.dma_semaphore, #tpu.memory_space<semaphore_mem>>) {add = true}
        %dma_wait3A_465 = arith.constant 0 : i32
        %dma_wait3A_466 = tpu.memref_slice %arg3[%add3A_408, %dma_wait3A_465] : memref<5120x128xi32, #tpu.memory_space<hbm>> -> memref<4x128xi32, #tpu.memory_space<hbm>>
        %dma_wait3A_467 = arith.constant 0 : i32
        %dma_wait3A_468 = tpu.memref_slice %arg3[%add3A_408, %dma_wait3A_467] : memref<5120x128xi32, #tpu.memory_space<hbm>> -> memref<4x128xi32, #tpu.memory_space<hbm>>
        tpu.wait_dma2 semaphore(%arg16 : memref<!tpu.dma_semaphore, #tpu.memory_space<semaphore_mem>>) src(%dma_wait3A_468 : memref<4x128xi32, #tpu.memory_space<hbm>>) dst(%arg8 : memref<4x128xi32, #tpu.memory_space<vmem>>)
        %dma_wait3A_469 = arith.constant 0 : i32
        %dma_wait3A_470 = tpu.memref_slice %arg4[%add3A_407, %dma_wait3A_469] : memref<2560x128xi32, #tpu.memory_space<hbm>> -> memref<4x128xi32, #tpu.memory_space<hbm>>
        %dma_wait3A_471 = arith.constant 0 : i32
        %dma_wait3A_472 = tpu.memref_slice %arg4[%add3A_407, %dma_wait3A_471] : memref<2560x128xi32, #tpu.memory_space<hbm>> -> memref<4x128xi32, #tpu.memory_space<hbm>>
        tpu.wait_dma2 semaphore(%arg16 : memref<!tpu.dma_semaphore, #tpu.memory_space<semaphore_mem>>) src(%dma_wait3A_472 : memref<4x128xi32, #tpu.memory_space<hbm>>) dst(%arg9 : memref<4x128xi32, #tpu.memory_space<vmem>>)
        %dma_start3A_473 = arith.constant 0 : i32
        %dma_start3A_474 = arith.constant 0 : i32
        %dma_start3A_475 = arith.constant 0 : i32
        %dma_start3A_476 = arith.constant 0 : i32
        %dma_start3A_477 = tpu.memref_slice %arg12[%dma_start3A_474, %dma_start3A_475, %dma_start3A_476] : memref<4x128x64xbf16, #tpu.memory_space<vmem>> -> memref<1x128x64xbf16, #tpu.memory_space<vmem>>
        %dma_start3A_478 = tpu.memref_squeeze %dma_start3A_477 : memref<1x128x64xbf16, #tpu.memory_space<vmem>> -> memref<128x64xbf16, #tpu.memory_space<vmem>>
        %dma_start3A_479 = arith.constant 0 : i32
        %dma_start3A_480 = tpu.memref_slice %arg8[%dma_start3A_473, %dma_start3A_479] : memref<4x128xi32, #tpu.memory_space<vmem>> -> memref<1x128xi32, #tpu.memory_space<vmem>>
        %dma_start3A_481 = tpu.memref_squeeze %dma_start3A_480 : memref<1x128xi32, #tpu.memory_space<vmem>> -> memref<128xi32, #tpu.memory_space<vmem>>
        %dma_start3A_482 = arith.constant 0 : i32
        %dma_start3A_483 = arith.constant 0 : i32
        %dma_start3A_484 = tpu.memref_slice %arg2[%dma_start3A_482, %dma_start3A_483] : memref<20000x64xbf16, #tpu.memory_space<hbm>> -> memref<20000x64xbf16, #tpu.memory_space<hbm>>
        tpu.enqueue_indirect_dma source(%dma_start3A_484 : memref<20000x64xbf16, #tpu.memory_space<hbm>>) target(%dma_start3A_478 : memref<128x64xbf16, #tpu.memory_space<vmem>>) offsets(%dma_start3A_481 : memref<128xi32, #tpu.memory_space<vmem>>) semaphore(%arg14 : memref<!tpu.dma_semaphore, #tpu.memory_space<semaphore_mem>>)
        %dma_start3A_485 = arith.constant 1 : i32
        %dma_start3A_486 = arith.constant 1 : i32
        %dma_start3A_487 = arith.constant 0 : i32
        %dma_start3A_488 = arith.constant 0 : i32
        %dma_start3A_489 = tpu.memref_slice %arg12[%dma_start3A_486, %dma_start3A_487, %dma_start3A_488] : memref<4x128x64xbf16, #tpu.memory_space<vmem>> -> memref<1x128x64xbf16, #tpu.memory_space<vmem>>
        %dma_start3A_490 = tpu.memref_squeeze %dma_start3A_489 : memref<1x128x64xbf16, #tpu.memory_space<vmem>> -> memref<128x64xbf16, #tpu.memory_space<vmem>>
        %dma_start3A_491 = arith.constant 0 : i32
        %dma_start3A_492 = tpu.memref_slice %arg8[%dma_start3A_485, %dma_start3A_491] : memref<4x128xi32, #tpu.memory_space<vmem>> -> memref<1x128xi32, #tpu.memory_space<vmem>>
        %dma_start3A_493 = tpu.memref_squeeze %dma_start3A_492 : memref<1x128xi32, #tpu.memory_space<vmem>> -> memref<128xi32, #tpu.memory_space<vmem>>
        %dma_start3A_494 = arith.constant 0 : i32
        %dma_start3A_495 = arith.constant 0 : i32
        %dma_start3A_496 = tpu.memref_slice %arg2[%dma_start3A_494, %dma_start3A_495] : memref<20000x64xbf16, #tpu.memory_space<hbm>> -> memref<20000x64xbf16, #tpu.memory_space<hbm>>
        tpu.enqueue_indirect_dma source(%dma_start3A_496 : memref<20000x64xbf16, #tpu.memory_space<hbm>>) target(%dma_start3A_490 : memref<128x64xbf16, #tpu.memory_space<vmem>>) offsets(%dma_start3A_493 : memref<128xi32, #tpu.memory_space<vmem>>) semaphore(%arg14 : memref<!tpu.dma_semaphore, #tpu.memory_space<semaphore_mem>>)
        %dma_start3A_497 = arith.constant 2 : i32
        %dma_start3A_498 = arith.constant 2 : i32
        %dma_start3A_499 = arith.constant 0 : i32
        %dma_start3A_500 = arith.constant 0 : i32
        %dma_start3A_501 = tpu.memref_slice %arg12[%dma_start3A_498, %dma_start3A_499, %dma_start3A_500] : memref<4x128x64xbf16, #tpu.memory_space<vmem>> -> memref<1x128x64xbf16, #tpu.memory_space<vmem>>
        %dma_start3A_502 = tpu.memref_squeeze %dma_start3A_501 : memref<1x128x64xbf16, #tpu.memory_space<vmem>> -> memref<128x64xbf16, #tpu.memory_space<vmem>>
        %dma_start3A_503 = arith.constant 0 : i32
        %dma_start3A_504 = tpu.memref_slice %arg8[%dma_start3A_497, %dma_start3A_503] : memref<4x128xi32, #tpu.memory_space<vmem>> -> memref<1x128xi32, #tpu.memory_space<vmem>>
        %dma_start3A_505 = tpu.memref_squeeze %dma_start3A_504 : memref<1x128xi32, #tpu.memory_space<vmem>> -> memref<128xi32, #tpu.memory_space<vmem>>
        %dma_start3A_506 = arith.constant 0 : i32
        %dma_start3A_507 = arith.constant 0 : i32
        %dma_start3A_508 = tpu.memref_slice %arg2[%dma_start3A_506, %dma_start3A_507] : memref<20000x64xbf16, #tpu.memory_space<hbm>> -> memref<20000x64xbf16, #tpu.memory_space<hbm>>
        tpu.enqueue_indirect_dma source(%dma_start3A_508 : memref<20000x64xbf16, #tpu.memory_space<hbm>>) target(%dma_start3A_502 : memref<128x64xbf16, #tpu.memory_space<vmem>>) offsets(%dma_start3A_505 : memref<128xi32, #tpu.memory_space<vmem>>) semaphore(%arg14 : memref<!tpu.dma_semaphore, #tpu.memory_space<semaphore_mem>>)
        %dma_start3A_509 = arith.constant 3 : i32
        %dma_start3A_510 = arith.constant 3 : i32
        %dma_start3A_511 = arith.constant 0 : i32
        %dma_start3A_512 = arith.constant 0 : i32
        %dma_start3A_513 = tpu.memref_slice %arg12[%dma_start3A_510, %dma_start3A_511, %dma_start3A_512] : memref<4x128x64xbf16, #tpu.memory_space<vmem>> -> memref<1x128x64xbf16, #tpu.memory_space<vmem>>
        %dma_start3A_514 = tpu.memref_squeeze %dma_start3A_513 : memref<1x128x64xbf16, #tpu.memory_space<vmem>> -> memref<128x64xbf16, #tpu.memory_space<vmem>>
        %dma_start3A_515 = arith.constant 0 : i32
        %dma_start3A_516 = tpu.memref_slice %arg8[%dma_start3A_509, %dma_start3A_515] : memref<4x128xi32, #tpu.memory_space<vmem>> -> memref<1x128xi32, #tpu.memory_space<vmem>>
        %dma_start3A_517 = tpu.memref_squeeze %dma_start3A_516 : memref<1x128xi32, #tpu.memory_space<vmem>> -> memref<128xi32, #tpu.memory_space<vmem>>
        %dma_start3A_518 = arith.constant 0 : i32
        %dma_start3A_519 = arith.constant 0 : i32
        %dma_start3A_520 = tpu.memref_slice %arg2[%dma_start3A_518, %dma_start3A_519] : memref<20000x64xbf16, #tpu.memory_space<hbm>> -> memref<20000x64xbf16, #tpu.memory_space<hbm>>
        tpu.enqueue_indirect_dma source(%dma_start3A_520 : memref<20000x64xbf16, #tpu.memory_space<hbm>>) target(%dma_start3A_514 : memref<128x64xbf16, #tpu.memory_space<vmem>>) offsets(%dma_start3A_517 : memref<128xi32, #tpu.memory_space<vmem>>) semaphore(%arg14 : memref<!tpu.dma_semaphore, #tpu.memory_space<semaphore_mem>>)
      } else {
      }
      %eq3A = arith.constant 19 : i32
      %eq3A_397 = arith.cmpi eq, %scan3A_126, %eq3A : i32
      %convert_element_type3A_398 = arith.extui %eq3A_397 : i1 to i32
      %cond3A_399 = arith.constant 0 : i32
      %cond3A_400 = arith.cmpi ne, %convert_element_type3A_398, %cond3A_399 : i32
      scf.if %cond3A_400 {
        %dma_start3A_401 = arith.constant 0 : i32
        %dma_start3A_402 = arith.constant 0 : i32
        %dma_start3A_403 = arith.constant 0 : i32
        %dma_start3A_404 = arith.constant 0 : i32
        %dma_start3A_405 = tpu.memref_slice %arg13[%dma_start3A_401, %dma_start3A_403, %dma_start3A_404] : memref<4x128x64xbf16, #tpu.memory_space<vmem>> -> memref<1x128x64xbf16, #tpu.memory_space<vmem>>
        %dma_start3A_406 = tpu.memref_squeeze %dma_start3A_405 : memref<1x128x64xbf16, #tpu.memory_space<vmem>> -> memref<128x64xbf16, #tpu.memory_space<vmem>>
        %dma_start3A_407 = arith.constant 0 : i32
        %dma_start3A_408 = tpu.memref_slice %arg11[%dma_start3A_402, %dma_start3A_407] : memref<4x128xi32, #tpu.memory_space<vmem>> -> memref<1x128xi32, #tpu.memory_space<vmem>>
        %dma_start3A_409 = tpu.memref_squeeze %dma_start3A_408 : memref<1x128xi32, #tpu.memory_space<vmem>> -> memref<128xi32, #tpu.memory_space<vmem>>
        %dma_start3A_410 = arith.constant 0 : i32
        %dma_start3A_411 = arith.constant 0 : i32
        %dma_start3A_412 = tpu.memref_slice %arg7[%dma_start3A_410, %dma_start3A_411] : memref<10112x64xbf16, #tpu.memory_space<vmem_shared>> -> memref<10112x64xbf16, #tpu.memory_space<vmem_shared>>
        tpu.enqueue_indirect_dma source(%dma_start3A_406 : memref<128x64xbf16, #tpu.memory_space<vmem>>) target(%dma_start3A_412 : memref<10112x64xbf16, #tpu.memory_space<vmem_shared>>) offsets(%dma_start3A_409 : memref<128xi32, #tpu.memory_space<vmem>>) semaphore(%arg15 : memref<!tpu.dma_semaphore, #tpu.memory_space<semaphore_mem>>) {add = true}
        %dma_start3A_413 = arith.constant 1 : i32
        %dma_start3A_414 = arith.constant 1 : i32
        %dma_start3A_415 = arith.constant 0 : i32
        %dma_start3A_416 = arith.constant 0 : i32
        %dma_start3A_417 = tpu.memref_slice %arg13[%dma_start3A_413, %dma_start3A_415, %dma_start3A_416] : memref<4x128x64xbf16, #tpu.memory_space<vmem>> -> memref<1x128x64xbf16, #tpu.memory_space<vmem>>
        %dma_start3A_418 = tpu.memref_squeeze %dma_start3A_417 : memref<1x128x64xbf16, #tpu.memory_space<vmem>> -> memref<128x64xbf16, #tpu.memory_space<vmem>>
        %dma_start3A_419 = arith.constant 0 : i32
        %dma_start3A_420 = tpu.memref_slice %arg11[%dma_start3A_414, %dma_start3A_419] : memref<4x128xi32, #tpu.memory_space<vmem>> -> memref<1x128xi32, #tpu.memory_space<vmem>>
        %dma_start3A_421 = tpu.memref_squeeze %dma_start3A_420 : memref<1x128xi32, #tpu.memory_space<vmem>> -> memref<128xi32, #tpu.memory_space<vmem>>
        %dma_start3A_422 = arith.constant 0 : i32
        %dma_start3A_423 = arith.constant 0 : i32
        %dma_start3A_424 = tpu.memref_slice %arg7[%dma_start3A_422, %dma_start3A_423] : memref<10112x64xbf16, #tpu.memory_space<vmem_shared>> -> memref<10112x64xbf16, #tpu.memory_space<vmem_shared>>
        tpu.enqueue_indirect_dma source(%dma_start3A_418 : memref<128x64xbf16, #tpu.memory_space<vmem>>) target(%dma_start3A_424 : memref<10112x64xbf16, #tpu.memory_space<vmem_shared>>) offsets(%dma_start3A_421 : memref<128xi32, #tpu.memory_space<vmem>>) semaphore(%arg15 : memref<!tpu.dma_semaphore, #tpu.memory_space<semaphore_mem>>) {add = true}
        %dma_start3A_425 = arith.constant 2 : i32
        %dma_start3A_426 = arith.constant 2 : i32
        %dma_start3A_427 = arith.constant 0 : i32
        %dma_start3A_428 = arith.constant 0 : i32
        %dma_start3A_429 = tpu.memref_slice %arg13[%dma_start3A_425, %dma_start3A_427, %dma_start3A_428] : memref<4x128x64xbf16, #tpu.memory_space<vmem>> -> memref<1x128x64xbf16, #tpu.memory_space<vmem>>
        %dma_start3A_430 = tpu.memref_squeeze %dma_start3A_429 : memref<1x128x64xbf16, #tpu.memory_space<vmem>> -> memref<128x64xbf16, #tpu.memory_space<vmem>>
        %dma_start3A_431 = arith.constant 0 : i32
        %dma_start3A_432 = tpu.memref_slice %arg11[%dma_start3A_426, %dma_start3A_431] : memref<4x128xi32, #tpu.memory_space<vmem>> -> memref<1x128xi32, #tpu.memory_space<vmem>>
        %dma_start3A_433 = tpu.memref_squeeze %dma_start3A_432 : memref<1x128xi32, #tpu.memory_space<vmem>> -> memref<128xi32, #tpu.memory_space<vmem>>
        %dma_start3A_434 = arith.constant 0 : i32
        %dma_start3A_435 = arith.constant 0 : i32
        %dma_start3A_436 = tpu.memref_slice %arg7[%dma_start3A_434, %dma_start3A_435] : memref<10112x64xbf16, #tpu.memory_space<vmem_shared>> -> memref<10112x64xbf16, #tpu.memory_space<vmem_shared>>
        tpu.enqueue_indirect_dma source(%dma_start3A_430 : memref<128x64xbf16, #tpu.memory_space<vmem>>) target(%dma_start3A_436 : memref<10112x64xbf16, #tpu.memory_space<vmem_shared>>) offsets(%dma_start3A_433 : memref<128xi32, #tpu.memory_space<vmem>>) semaphore(%arg15 : memref<!tpu.dma_semaphore, #tpu.memory_space<semaphore_mem>>) {add = true}
        %dma_start3A_437 = arith.constant 3 : i32
        %dma_start3A_438 = arith.constant 3 : i32
        %dma_start3A_439 = arith.constant 0 : i32
        %dma_start3A_440 = arith.constant 0 : i32
        %dma_start3A_441 = tpu.memref_slice %arg13[%dma_start3A_437, %dma_start3A_439, %dma_start3A_440] : memref<4x128x64xbf16, #tpu.memory_space<vmem>> -> memref<1x128x64xbf16, #tpu.memory_space<vmem>>
        %dma_start3A_442 = tpu.memref_squeeze %dma_start3A_441 : memref<1x128x64xbf16, #tpu.memory_space<vmem>> -> memref<128x64xbf16, #tpu.memory_space<vmem>>
        %dma_start3A_443 = arith.constant 0 : i32
        %dma_start3A_444 = tpu.memref_slice %arg11[%dma_start3A_438, %dma_start3A_443] : memref<4x128xi32, #tpu.memory_space<vmem>> -> memref<1x128xi32, #tpu.memory_space<vmem>>
        %dma_start3A_445 = tpu.memref_squeeze %dma_start3A_444 : memref<1x128xi32, #tpu.memory_space<vmem>> -> memref<128xi32, #tpu.memory_space<vmem>>
        %dma_start3A_446 = arith.constant 0 : i32
        %dma_start3A_447 = arith.constant 0 : i32
        %dma_start3A_448 = tpu.memref_slice %arg7[%dma_start3A_446, %dma_start3A_447] : memref<10112x64xbf16, #tpu.memory_space<vmem_shared>> -> memref<10112x64xbf16, #tpu.memory_space<vmem_shared>>
        tpu.enqueue_indirect_dma source(%dma_start3A_442 : memref<128x64xbf16, #tpu.memory_space<vmem>>) target(%dma_start3A_448 : memref<10112x64xbf16, #tpu.memory_space<vmem_shared>>) offsets(%dma_start3A_445 : memref<128xi32, #tpu.memory_space<vmem>>) semaphore(%arg15 : memref<!tpu.dma_semaphore, #tpu.memory_space<semaphore_mem>>) {add = true}
      } else {
      }
    }
    %scan3A_73 = arith.constant 20 : i32
    %dma_wait3A_74 = arith.constant 0 : i32
    %dma_wait3A_75 = arith.constant 0 : i32
    %dma_wait3A_76 = arith.constant 0 : i32
    %dma_wait3A_77 = arith.constant 0 : i32
    %dma_wait3A_78 = tpu.memref_slice %arg13[%dma_wait3A_74, %dma_wait3A_76, %dma_wait3A_77] : memref<4x128x64xbf16, #tpu.memory_space<vmem>> -> memref<1x128x64xbf16, #tpu.memory_space<vmem>>
    %dma_wait3A_79 = tpu.memref_squeeze %dma_wait3A_78 : memref<1x128x64xbf16, #tpu.memory_space<vmem>> -> memref<128x64xbf16, #tpu.memory_space<vmem>>
    %dma_wait3A_80 = arith.constant 0 : i32
    %dma_wait3A_81 = tpu.memref_slice %arg11[%dma_wait3A_75, %dma_wait3A_80] : memref<4x128xi32, #tpu.memory_space<vmem>> -> memref<1x128xi32, #tpu.memory_space<vmem>>
    %dma_wait3A_82 = tpu.memref_squeeze %dma_wait3A_81 : memref<1x128xi32, #tpu.memory_space<vmem>> -> memref<128xi32, #tpu.memory_space<vmem>>
    %dma_wait3A_83 = arith.constant 0 : i32
    %dma_wait3A_84 = arith.constant 0 : i32
    %dma_wait3A_85 = tpu.memref_slice %arg7[%dma_wait3A_83, %dma_wait3A_84] : memref<10112x64xbf16, #tpu.memory_space<vmem_shared>> -> memref<10112x64xbf16, #tpu.memory_space<vmem_shared>>
    tpu.wait_indirect_dma semaphore(%arg15 : memref<!tpu.dma_semaphore, #tpu.memory_space<semaphore_mem>>) src(%dma_wait3A_79 : memref<128x64xbf16, #tpu.memory_space<vmem>>) dst(%dma_wait3A_85 : memref<10112x64xbf16, #tpu.memory_space<vmem_shared>>)
    %dma_wait3A_86 = arith.constant 1 : i32
    %dma_wait3A_87 = arith.constant 1 : i32
    %dma_wait3A_88 = arith.constant 0 : i32
    %dma_wait3A_89 = arith.constant 0 : i32
    %dma_wait3A_90 = tpu.memref_slice %arg13[%dma_wait3A_86, %dma_wait3A_88, %dma_wait3A_89] : memref<4x128x64xbf16, #tpu.memory_space<vmem>> -> memref<1x128x64xbf16, #tpu.memory_space<vmem>>
    %dma_wait3A_91 = tpu.memref_squeeze %dma_wait3A_90 : memref<1x128x64xbf16, #tpu.memory_space<vmem>> -> memref<128x64xbf16, #tpu.memory_space<vmem>>
    %dma_wait3A_92 = arith.constant 0 : i32
    %dma_wait3A_93 = tpu.memref_slice %arg11[%dma_wait3A_87, %dma_wait3A_92] : memref<4x128xi32, #tpu.memory_space<vmem>> -> memref<1x128xi32, #tpu.memory_space<vmem>>
    %dma_wait3A_94 = tpu.memref_squeeze %dma_wait3A_93 : memref<1x128xi32, #tpu.memory_space<vmem>> -> memref<128xi32, #tpu.memory_space<vmem>>
    %dma_wait3A_95 = arith.constant 0 : i32
    %dma_wait3A_96 = arith.constant 0 : i32
    %dma_wait3A_97 = tpu.memref_slice %arg7[%dma_wait3A_95, %dma_wait3A_96] : memref<10112x64xbf16, #tpu.memory_space<vmem_shared>> -> memref<10112x64xbf16, #tpu.memory_space<vmem_shared>>
    tpu.wait_indirect_dma semaphore(%arg15 : memref<!tpu.dma_semaphore, #tpu.memory_space<semaphore_mem>>) src(%dma_wait3A_91 : memref<128x64xbf16, #tpu.memory_space<vmem>>) dst(%dma_wait3A_97 : memref<10112x64xbf16, #tpu.memory_space<vmem_shared>>)
    %dma_wait3A_98 = arith.constant 2 : i32
    %dma_wait3A_99 = arith.constant 2 : i32
    %dma_wait3A_100 = arith.constant 0 : i32
    %dma_wait3A_101 = arith.constant 0 : i32
    %dma_wait3A_102 = tpu.memref_slice %arg13[%dma_wait3A_98, %dma_wait3A_100, %dma_wait3A_101] : memref<4x128x64xbf16, #tpu.memory_space<vmem>> -> memref<1x128x64xbf16, #tpu.memory_space<vmem>>
    %dma_wait3A_103 = tpu.memref_squeeze %dma_wait3A_102 : memref<1x128x64xbf16, #tpu.memory_space<vmem>> -> memref<128x64xbf16, #tpu.memory_space<vmem>>
    %dma_wait3A_104 = arith.constant 0 : i32
    %dma_wait3A_105 = tpu.memref_slice %arg11[%dma_wait3A_99, %dma_wait3A_104] : memref<4x128xi32, #tpu.memory_space<vmem>> -> memref<1x128xi32, #tpu.memory_space<vmem>>
    %dma_wait3A_106 = tpu.memref_squeeze %dma_wait3A_105 : memref<1x128xi32, #tpu.memory_space<vmem>> -> memref<128xi32, #tpu.memory_space<vmem>>
    %dma_wait3A_107 = arith.constant 0 : i32
    %dma_wait3A_108 = arith.constant 0 : i32
    %dma_wait3A_109 = tpu.memref_slice %arg7[%dma_wait3A_107, %dma_wait3A_108] : memref<10112x64xbf16, #tpu.memory_space<vmem_shared>> -> memref<10112x64xbf16, #tpu.memory_space<vmem_shared>>
    tpu.wait_indirect_dma semaphore(%arg15 : memref<!tpu.dma_semaphore, #tpu.memory_space<semaphore_mem>>) src(%dma_wait3A_103 : memref<128x64xbf16, #tpu.memory_space<vmem>>) dst(%dma_wait3A_109 : memref<10112x64xbf16, #tpu.memory_space<vmem_shared>>)
    %dma_wait3A_110 = arith.constant 3 : i32
    %dma_wait3A_111 = arith.constant 3 : i32
    %dma_wait3A_112 = arith.constant 0 : i32
    %dma_wait3A_113 = arith.constant 0 : i32
    %dma_wait3A_114 = tpu.memref_slice %arg13[%dma_wait3A_110, %dma_wait3A_112, %dma_wait3A_113] : memref<4x128x64xbf16, #tpu.memory_space<vmem>> -> memref<1x128x64xbf16, #tpu.memory_space<vmem>>
    %dma_wait3A_115 = tpu.memref_squeeze %dma_wait3A_114 : memref<1x128x64xbf16, #tpu.memory_space<vmem>> -> memref<128x64xbf16, #tpu.memory_space<vmem>>
    %dma_wait3A_116 = arith.constant 0 : i32
    %dma_wait3A_117 = tpu.memref_slice %arg11[%dma_wait3A_111, %dma_wait3A_116] : memref<4x128xi32, #tpu.memory_space<vmem>> -> memref<1x128xi32, #tpu.memory_space<vmem>>
    %dma_wait3A_118 = tpu.memref_squeeze %dma_wait3A_117 : memref<1x128xi32, #tpu.memory_space<vmem>> -> memref<128xi32, #tpu.memory_space<vmem>>
    %dma_wait3A_119 = arith.constant 0 : i32
    %dma_wait3A_120 = arith.constant 0 : i32
    %dma_wait3A_121 = tpu.memref_slice %arg7[%dma_wait3A_119, %dma_wait3A_120] : memref<10112x64xbf16, #tpu.memory_space<vmem_shared>> -> memref<10112x64xbf16, #tpu.memory_space<vmem_shared>>
    tpu.wait_indirect_dma semaphore(%arg15 : memref<!tpu.dma_semaphore, #tpu.memory_space<semaphore_mem>>) src(%dma_wait3A_115 : memref<128x64xbf16, #tpu.memory_space<vmem>>) dst(%dma_wait3A_121 : memref<10112x64xbf16, #tpu.memory_space<vmem_shared>>)
    %barrier3A_122 = arith.constant 0 : index
    tpu.barrier barrier_id(%barrier3A_122)
    %mul3A_123 = arith.constant 10112 : i32
    %mul3A_124 = arith.muli %arg0, %mul3A_123 : i32
    %add3A_125 = arith.addi %mul3A_124, %mul3A_0 : i32
    "tpu.region"() ({
      %run_scoped3A = tpu.sem_alloc : memref<!tpu.dma_semaphore, #tpu.memory_space<semaphore_mem>>
      %dma_start3A_126 = arith.constant 0 : i32
      %dma_start3A_127 = tpu.memref_slice %arg6[%add3A_125, %dma_start3A_126] : memref<20224x64xbf16, #tpu.memory_space<hbm>> -> memref<632x64xbf16, #tpu.memory_space<hbm>>
      %dma_start3A_128 = arith.constant 0 : i32
      %dma_start3A_129 = tpu.memref_slice %arg7[%mul3A_0, %dma_start3A_128] : memref<10112x64xbf16, #tpu.memory_space<vmem_shared>> -> memref<632x64xbf16, #tpu.memory_space<vmem_shared>>
      tpu.enqueue_dma source(%dma_start3A_129 : memref<632x64xbf16, #tpu.memory_space<vmem_shared>>) target(%dma_start3A_127 : memref<632x64xbf16, #tpu.memory_space<hbm>>) target_semaphore(%run_scoped3A : memref<!tpu.dma_semaphore, #tpu.memory_space<semaphore_mem>>)
      %dma_wait3A_130 = arith.constant 0 : i32
      %dma_wait3A_131 = tpu.memref_slice %arg6[%add3A_125, %dma_wait3A_130] : memref<20224x64xbf16, #tpu.memory_space<hbm>> -> memref<632x64xbf16, #tpu.memory_space<hbm>>
      %dma_wait3A_132 = arith.constant 0 : i32
      %dma_wait3A_133 = tpu.memref_slice %arg7[%mul3A_0, %dma_wait3A_132] : memref<10112x64xbf16, #tpu.memory_space<vmem_shared>> -> memref<632x64xbf16, #tpu.memory_space<vmem_shared>>
      tpu.wait_dma2 semaphore(%run_scoped3A : memref<!tpu.dma_semaphore, #tpu.memory_space<semaphore_mem>>) src(%dma_wait3A_133 : memref<632x64xbf16, #tpu.memory_space<vmem_shared>>) dst(%dma_wait3A_131 : memref<632x64xbf16, #tpu.memory_space<hbm>>)
      tpu.yield
    }) : () -> ()
    return
  }
}

module attributes {stable_mosaic.version = 14 : i64} {
  func.func @_tc_pre_body(%arg0: i32, %arg1: memref<1000x128xf32, #tpu.memory_space<vmem>>, %arg2: memref<128x128xf32, #tpu.memory_space<vmem>>, %arg3: memref<2x1000x32xf32, #tpu.memory_space<vmem>>, %arg4: memref<16x128xf32, #tpu.memory_space<vmem>>, %arg5: memref<256x128xf32, #tpu.memory_space<vmem>>, %arg6: memref<1x128xf32, #tpu.memory_space<vmem>>, %arg7: memref<1x128xf32, #tpu.memory_space<vmem>>, %arg8: memref<2x1000x64xbf16, #tpu.memory_space<vmem>>, %arg9: memref<1000x128xf32, #tpu.memory_space<vmem>>, %arg10: memref<1000x128xf32, #tpu.memory_space<vmem>>, %arg11: memref<1000x128xf32, #tpu.memory_space<vmem>>) attributes {dimension_semantics = [#tpu.dimension_semantics<arbitrary>], iteration_bounds = array<i64: 10>, scalar_prefetch = 0 : i64, scratch_operands = 0 : i64, tpu.core_type = #tpu.core_type<tc>, window_params = [{transform_indices = @transform_0, window_bounds = array<i64: 1000, 128>}, {pipeline_mode = #tpu.pipeline_mode<synchronous>, transform_indices = @transform_1, window_bounds = array<i64: 128, 128>}, {transform_indices = @transform_2, window_bounds = array<i64: 2, 1000, 32>}, {pipeline_mode = #tpu.pipeline_mode<synchronous>, transform_indices = @transform_3, window_bounds = array<i64: 16, 128>}, {pipeline_mode = #tpu.pipeline_mode<synchronous>, transform_indices = @transform_4, window_bounds = array<i64: 256, 128>}, {pipeline_mode = #tpu.pipeline_mode<synchronous>, transform_indices = @transform_5, window_bounds = array<i64: 1, 128>}, {pipeline_mode = #tpu.pipeline_mode<synchronous>, transform_indices = @transform_6, window_bounds = array<i64: 1, 128>}, {transform_indices = @transform_7, window_bounds = array<i64: 2, 1000, 64>}, {transform_indices = @transform_8, window_bounds = array<i64: 1000, 128>}, {transform_indices = @transform_9, window_bounds = array<i64: 1000, 128>}, {transform_indices = @transform_10, window_bounds = array<i64: 1000, 128>}]} {
    %get3A = arith.constant 0 : index
    %get3A_0 = arith.constant 0 : index
    %get3A_1 = arith.constant 0 : index
    %get3A_2 = vector.load %arg3[%get3A, %get3A_0, %get3A_1] : memref<2x1000x32xf32, #tpu.memory_space<vmem>>, vector<1x1000x32xf32>
    %get3A_3 = vector.shape_cast %get3A_2 : vector<1x1000x32xf32> to vector<1000x32xf32>
    %get3A_4 = arith.constant 1 : index
    %get3A_5 = arith.constant 0 : index
    %get3A_6 = arith.constant 0 : index
    %get3A_7 = vector.load %arg3[%get3A_4, %get3A_5, %get3A_6] : memref<2x1000x32xf32, #tpu.memory_space<vmem>>, vector<1x1000x32xf32>
    %get3A_8 = vector.shape_cast %get3A_7 : vector<1x1000x32xf32> to vector<1000x32xf32>
    %add3A = arith.addf %get3A_3, %get3A_8 : vector<1000x32xf32>
    %slice3A = vector.extract_strided_slice %add3A {offsets = [0, 16], sizes = [1000, 1], strides = [1, 1]} : vector<1000x32xf32> to vector<1000x1xf32>
    %add3A_9 = arith.constant 1.000000e+00 : f32
    %add3A_10 = vector.broadcast %add3A_9 : f32 to vector<1000x1xf32>
    %add3A_11 = arith.addf %slice3A, %add3A_10 : vector<1000x1xf32>
    %rsqrt3A = math.rsqrt %add3A_11 : vector<1000x1xf32>
    %get3A_12 = arith.constant 0 : index
    %get3A_13 = arith.constant 0 : index
    %get3A_14 = vector.load %arg1[%get3A_12, %get3A_13] : memref<1000x128xf32, #tpu.memory_space<vmem>>, vector<1000x128xf32>
    %get3A_15 = arith.constant 0 : index
    %get3A_16 = arith.constant 0 : index
    %get3A_17 = vector.load %arg2[%get3A_15, %get3A_16] : memref<128x128xf32, #tpu.memory_space<vmem>>, vector<128x128xf32>
    %dot_general3A = arith.constant dense<0.000000e+00> : vector<1000x128xf32>
    %dot_general3A_18 = tpu.matmul %get3A_14, %get3A_17, %dot_general3A {dimension_numbers = #tpu.dot_dimension_numbers<[1], [0], [0], [1], [0, 0, 1, 1], [], []>, transpose_lhs_hint = false} : vector<1000x128xf32>, vector<128x128xf32>, vector<1000x128xf32> -> vector<1000x128xf32>
    %mul3A = vector.broadcast %rsqrt3A : vector<1000x1xf32> to vector<1000x128xf32>
    %mul3A_19 = arith.mulf %dot_general3A_18, %mul3A : vector<1000x128xf32>
    %convert_element_type3A = arith.truncf %mul3A_19 : vector<1000x128xf32> to vector<1000x128xbf16>
    %slice3A_20 = vector.extract_strided_slice %convert_element_type3A {offsets = [0, 0], sizes = [1000, 64], strides = [1, 1]} : vector<1000x128xbf16> to vector<1000x64xbf16>
    %swap3A = arith.constant 0 : index
    %swap3A_21 = arith.constant 0 : index
    %swap3A_22 = arith.constant 0 : index
    %swap3A_23 = vector.load %arg8[%swap3A, %swap3A_21, %swap3A_22] : memref<2x1000x64xbf16, #tpu.memory_space<vmem>>, vector<1x1000x64xbf16>
    %swap3A_24 = vector.shape_cast %swap3A_23 : vector<1x1000x64xbf16> to vector<1000x64xbf16>
    %swap3A_25 = vector.shape_cast %slice3A_20 : vector<1000x64xbf16> to vector<1x1000x64xbf16>
    tpu.vector_store %arg8[%swap3A, %swap3A_21, %swap3A_22], %swap3A_25 {strides = array<i32>} : memref<2x1000x64xbf16, #tpu.memory_space<vmem>>, vector<1x1000x64xbf16>,
    %slice3A_26 = vector.extract_strided_slice %convert_element_type3A {offsets = [0, 64], sizes = [1000, 64], strides = [1, 1]} : vector<1000x128xbf16> to vector<1000x64xbf16>
    %swap3A_27 = arith.constant 1 : index
    %swap3A_28 = arith.constant 0 : index
    %swap3A_29 = arith.constant 0 : index
    %swap3A_30 = vector.load %arg8[%swap3A_27, %swap3A_28, %swap3A_29] : memref<2x1000x64xbf16, #tpu.memory_space<vmem>>, vector<1x1000x64xbf16>
    %swap3A_31 = vector.shape_cast %swap3A_30 : vector<1x1000x64xbf16> to vector<1000x64xbf16>
    %swap3A_32 = vector.shape_cast %slice3A_26 : vector<1000x64xbf16> to vector<1x1000x64xbf16>
    tpu.vector_store %arg8[%swap3A_27, %swap3A_28, %swap3A_29], %swap3A_32 {strides = array<i32>} : memref<2x1000x64xbf16, #tpu.memory_space<vmem>>, vector<1x1000x64xbf16>,
    %swap3A_33 = arith.constant 0 : index
    %swap3A_34 = arith.constant 0 : index
    %swap3A_35 = vector.load %arg9[%swap3A_33, %swap3A_34] : memref<1000x128xf32, #tpu.memory_space<vmem>>, vector<1000x128xf32>
    tpu.vector_store %arg9[%swap3A_33, %swap3A_34], %mul3A_19 {strides = array<i32>} : memref<1000x128xf32, #tpu.memory_space<vmem>>, vector<1000x128xf32>,
    %broadcast_in_dim3A = vector.shape_cast %rsqrt3A : vector<1000x1xf32> to vector<1000x1xf32>
    %broadcast_in_dim3A_36 = vector.broadcast %broadcast_in_dim3A : vector<1000x1xf32> to vector<1000x128xf32>
    %swap3A_37 = arith.constant 0 : index
    %swap3A_38 = arith.constant 0 : index
    %swap3A_39 = vector.load %arg10[%swap3A_37, %swap3A_38] : memref<1000x128xf32, #tpu.memory_space<vmem>>, vector<1000x128xf32>
    tpu.vector_store %arg10[%swap3A_37, %swap3A_38], %broadcast_in_dim3A_36 {strides = array<i32>} : memref<1000x128xf32, #tpu.memory_space<vmem>>, vector<1000x128xf32>,
    %get3A_40 = arith.constant 0 : index
    %get3A_41 = arith.constant 0 : index
    %get3A_42 = vector.load %arg5[%get3A_40, %get3A_41] : memref<256x128xf32, #tpu.memory_space<vmem>>, vector<256x128xf32>
    %slice3A_43 = vector.extract_strided_slice %get3A_42 {offsets = [128, 0], sizes = [128, 128], strides = [1, 1]} : vector<256x128xf32> to vector<128x128xf32>
    %get3A_44 = arith.constant 0 : index
    %get3A_45 = arith.constant 0 : index
    %get3A_46 = vector.load %arg4[%get3A_44, %get3A_45] : memref<16x128xf32, #tpu.memory_space<vmem>>, vector<16x128xf32>
    %dot_general3A_47 = arith.constant dense<0.000000e+00> : vector<16x128xf32>
    %dot_general3A_48 = tpu.matmul %get3A_46, %slice3A_43, %dot_general3A_47 {dimension_numbers = #tpu.dot_dimension_numbers<[1], [0], [0], [1], [0, 0, 1, 1], [], []>, transpose_lhs_hint = false} : vector<16x128xf32>, vector<128x128xf32>, vector<16x128xf32> -> vector<16x128xf32>
    %get3A_49 = arith.constant 0 : index
    %get3A_50 = arith.constant 0 : index
    %get3A_51 = vector.load %arg6[%get3A_49, %get3A_50] : memref<1x128xf32, #tpu.memory_space<vmem>>, vector<1x128xf32>
    %dot_general3A_52 = arith.constant dense<0.000000e+00> : vector<1x128xf32>
    %dot_general3A_53 = tpu.matmul %get3A_51, %slice3A_43, %dot_general3A_52 {dimension_numbers = #tpu.dot_dimension_numbers<[1], [0], [0], [1], [0, 0, 1, 1], [], []>, transpose_lhs_hint = false} : vector<1x128xf32>, vector<128x128xf32>, vector<1x128xf32> -> vector<1x128xf32>
    %get3A_54 = arith.constant 0 : index
    %get3A_55 = arith.constant 0 : index
    %get3A_56 = vector.load %arg7[%get3A_54, %get3A_55] : memref<1x128xf32, #tpu.memory_space<vmem>>, vector<1x128xf32>
    %add3A_57 = arith.addf %dot_general3A_53, %get3A_56 : vector<1x128xf32>
    %reduce_sum3A = arith.constant dense<0.000000e+00> : vector<128xf32>
    %reduce_sum3A_58 = vector.multi_reduction <add>, %dot_general3A_48, %reduce_sum3A [0] : vector<16x128xf32> to vector<128xf32>
    %broadcast_in_dim3A_59 = vector.shape_cast %reduce_sum3A_58 : vector<128xf32> to vector<1x128xf32>
    %slice3A_60 = vector.extract_strided_slice %add3A {offsets = [0, 0], sizes = [1000, 16], strides = [1, 1]} : vector<1000x32xf32> to vector<1000x16xf32>
    %dot_general3A_61 = arith.constant dense<0.000000e+00> : vector<1000x128xf32>
    %dot_general3A_62 = tpu.matmul %slice3A_60, %dot_general3A_48, %dot_general3A_61 {dimension_numbers = #tpu.dot_dimension_numbers<[1], [0], [0], [1], [0, 0, 1, 1], [], []>, transpose_lhs_hint = false} : vector<1000x16xf32>, vector<16x128xf32>, vector<1000x128xf32> -> vector<1000x128xf32>
    %mul3A_63 = vector.broadcast %add3A_11 : vector<1000x1xf32> to vector<1000x128xf32>
    %mul3A_64 = vector.broadcast %add3A_57 : vector<1x128xf32> to vector<1000x128xf32>
    %mul3A_65 = arith.mulf %mul3A_63, %mul3A_64 : vector<1000x128xf32>
    %add3A_66 = arith.addf %dot_general3A_62, %mul3A_65 : vector<1000x128xf32>
    %add3A_67 = vector.broadcast %broadcast_in_dim3A_59 : vector<1x128xf32> to vector<1000x128xf32>
    %add3A_68 = arith.addf %add3A_66, %add3A_67 : vector<1000x128xf32>
    %swap3A_69 = arith.constant 0 : index
    %swap3A_70 = arith.constant 0 : index
    %swap3A_71 = vector.load %arg11[%swap3A_69, %swap3A_70] : memref<1000x128xf32, #tpu.memory_space<vmem>>, vector<1000x128xf32>
    tpu.vector_store %arg11[%swap3A_69, %swap3A_70], %add3A_68 {strides = array<i32>} : memref<1000x128xf32, #tpu.memory_space<vmem>>, vector<1000x128xf32>,
    return
  }
  func.func @transform_0(%arg0: i32) -> (i32, i32) {
    %c0_i32 = arith.constant 0 : i32
    %c0_i32_0 = arith.constant 0 : i32
    return %arg0, %c0_i32 : i32, i32
  }
  func.func @transform_1(%arg0: i32) -> (i32, i32) {
    %c0_i32 = arith.constant 0 : i32
    %c0_i32_0 = arith.constant 0 : i32
    %c0_i32_1 = arith.constant 0 : i32
    return %c0_i32, %c0_i32_0 : i32, i32
  }
  func.func @transform_2(%arg0: i32) -> (i32, i32, i32) {
    %c0_i32 = arith.constant 0 : i32
    %c0_i32_0 = arith.constant 0 : i32
    %c0_i32_1 = arith.constant 0 : i32
    return %c0_i32, %arg0, %c0_i32_0 : i32, i32, i32
  }
  func.func @transform_3(%arg0: i32) -> (i32, i32) {
    %c0_i32 = arith.constant 0 : i32
    %c0_i32_0 = arith.constant 0 : i32
    %c0_i32_1 = arith.constant 0 : i32
    return %c0_i32, %c0_i32_0 : i32, i32
  }
  func.func @transform_4(%arg0: i32) -> (i32, i32) {
    %c0_i32 = arith.constant 0 : i32
    %c0_i32_0 = arith.constant 0 : i32
    %c0_i32_1 = arith.constant 0 : i32
    return %c0_i32, %c0_i32_0 : i32, i32
  }
  func.func @transform_5(%arg0: i32) -> (i32, i32) {
    %c0_i32 = arith.constant 0 : i32
    %c0_i32_0 = arith.constant 0 : i32
    %c0_i32_1 = arith.constant 0 : i32
    return %c0_i32, %c0_i32_0 : i32, i32
  }
  func.func @transform_6(%arg0: i32) -> (i32, i32) {
    %c0_i32 = arith.constant 0 : i32
    %c0_i32_0 = arith.constant 0 : i32
    %c0_i32_1 = arith.constant 0 : i32
    return %c0_i32, %c0_i32_0 : i32, i32
  }
  func.func @transform_7(%arg0: i32) -> (i32, i32, i32) {
    %c0_i32 = arith.constant 0 : i32
    %c0_i32_0 = arith.constant 0 : i32
    %c0_i32_1 = arith.constant 0 : i32
    return %c0_i32, %arg0, %c0_i32_0 : i32, i32, i32
  }
  func.func @transform_8(%arg0: i32) -> (i32, i32) {
    %c0_i32 = arith.constant 0 : i32
    %c0_i32_0 = arith.constant 0 : i32
    return %arg0, %c0_i32 : i32, i32
  }
  func.func @transform_9(%arg0: i32) -> (i32, i32) {
    %c0_i32 = arith.constant 0 : i32
    %c0_i32_0 = arith.constant 0 : i32
    return %arg0, %c0_i32 : i32, i32
  }
  func.func @transform_10(%arg0: i32) -> (i32, i32) {
    %c0_i32 = arith.constant 0 : i32
    %c0_i32_0 = arith.constant 0 : i32
    return %arg0, %c0_i32 : i32, i32
  }
}

module attributes {stable_mosaic.version = 14 : i64} {
  func.func @_tc_mid_body(%arg0: i32, %arg1: memref<2x1000x64xbf16, #tpu.memory_space<vmem>>, %arg2: memref<1000x128xf32, #tpu.memory_space<vmem>>, %arg3: memref<1000x128xf32, #tpu.memory_space<vmem>>, %arg4: memref<256x128xf32, #tpu.memory_space<vmem>>, %arg5: memref<1x128xf32, #tpu.memory_space<vmem>>, %arg6: memref<2x1000x64xbf16, #tpu.memory_space<vmem>>, %arg7: memref<1000x128xf32, #tpu.memory_space<vmem>>) attributes {dimension_semantics = [#tpu.dimension_semantics<arbitrary>], iteration_bounds = array<i64: 10>, scalar_prefetch = 0 : i64, scratch_operands = 0 : i64, tpu.core_type = #tpu.core_type<tc>, window_params = [{transform_indices = @transform_0, window_bounds = array<i64: 2, 1000, 64>}, {transform_indices = @transform_1, window_bounds = array<i64: 1000, 128>}, {transform_indices = @transform_2, window_bounds = array<i64: 1000, 128>}, {pipeline_mode = #tpu.pipeline_mode<synchronous>, transform_indices = @transform_3, window_bounds = array<i64: 256, 128>}, {pipeline_mode = #tpu.pipeline_mode<synchronous>, transform_indices = @transform_4, window_bounds = array<i64: 1, 128>}, {transform_indices = @transform_5, window_bounds = array<i64: 2, 1000, 64>}, {transform_indices = @transform_6, window_bounds = array<i64: 1000, 128>}]} {
    %get3A = arith.constant 0 : index
    %get3A_0 = arith.constant 0 : index
    %get3A_1 = arith.constant 0 : index
    %get3A_2 = vector.load %arg1[%get3A, %get3A_0, %get3A_1] : memref<2x1000x64xbf16, #tpu.memory_space<vmem>>, vector<1x1000x64xbf16>
    %get3A_3 = vector.shape_cast %get3A_2 : vector<1x1000x64xbf16> to vector<1000x64xbf16>
    %get3A_4 = arith.constant 1 : index
    %get3A_5 = arith.constant 0 : index
    %get3A_6 = arith.constant 0 : index
    %get3A_7 = vector.load %arg1[%get3A_4, %get3A_5, %get3A_6] : memref<2x1000x64xbf16, #tpu.memory_space<vmem>>, vector<1x1000x64xbf16>
    %get3A_8 = vector.shape_cast %get3A_7 : vector<1x1000x64xbf16> to vector<1000x64xbf16>
    %concatenate3A = tpu.concatenate %get3A_3, %get3A_8 in 1 : vector<1000x64xbf16>, vector<1000x64xbf16> -> vector<1000x128xbf16>
    %convert_element_type3A = arith.extf %concatenate3A : vector<1000x128xbf16> to vector<1000x128xf32>
    %get3A_9 = arith.constant 0 : index
    %get3A_10 = arith.constant 0 : index
    %get3A_11 = vector.load %arg3[%get3A_9, %get3A_10] : memref<1000x128xf32, #tpu.memory_space<vmem>>, vector<1000x128xf32>
    %get3A_12 = arith.constant 0 : index
    %get3A_13 = arith.constant 0 : index
    %get3A_14 = vector.load %arg2[%get3A_12, %get3A_13] : memref<1000x128xf32, #tpu.memory_space<vmem>>, vector<1000x128xf32>
    %add3A = arith.addf %convert_element_type3A, %get3A_14 : vector<1000x128xf32>
    %mul3A = arith.mulf %get3A_11, %add3A : vector<1000x128xf32>
    %get3A_15 = arith.constant 0 : index
    %get3A_16 = arith.constant 0 : index
    %get3A_17 = vector.load %arg5[%get3A_15, %get3A_16] : memref<1x128xf32, #tpu.memory_space<vmem>>, vector<1x128xf32>
    %add3A_18 = vector.broadcast %get3A_17 : vector<1x128xf32> to vector<1000x128xf32>
    %add3A_19 = arith.addf %mul3A, %add3A_18 : vector<1000x128xf32>
    %max3A = arith.constant 0.000000e+00 : f32
    %max3A_20 = vector.broadcast %max3A : f32 to vector<1000x128xf32>
    %max3A_21 = arith.maximumf %add3A_19, %max3A_20 : vector<1000x128xf32>
    %get3A_22 = arith.constant 0 : index
    %get3A_23 = arith.constant 0 : index
    %get3A_24 = vector.load %arg4[%get3A_22, %get3A_23] : memref<256x128xf32, #tpu.memory_space<vmem>>, vector<256x128xf32>
    %slice3A = vector.extract_strided_slice %get3A_24 {offsets = [0, 0], sizes = [128, 128], strides = [1, 1]} : vector<256x128xf32> to vector<128x128xf32>
    %dot_general3A = arith.constant dense<0.000000e+00> : vector<1000x128xf32>
    %dot_general3A_25 = tpu.matmul %max3A_21, %slice3A, %dot_general3A {dimension_numbers = #tpu.dot_dimension_numbers<[1], [0], [0], [1], [0, 0, 1, 1], [], []>, transpose_lhs_hint = false} : vector<1000x128xf32>, vector<128x128xf32>, vector<1000x128xf32> -> vector<1000x128xf32>
    %convert_element_type3A_26 = arith.truncf %dot_general3A_25 : vector<1000x128xf32> to vector<1000x128xbf16>
    %slice3A_27 = vector.extract_strided_slice %convert_element_type3A_26 {offsets = [0, 0], sizes = [1000, 64], strides = [1, 1]} : vector<1000x128xbf16> to vector<1000x64xbf16>
    %swap3A = arith.constant 0 : index
    %swap3A_28 = arith.constant 0 : index
    %swap3A_29 = arith.constant 0 : index
    %swap3A_30 = vector.load %arg6[%swap3A, %swap3A_28, %swap3A_29] : memref<2x1000x64xbf16, #tpu.memory_space<vmem>>, vector<1x1000x64xbf16>
    %swap3A_31 = vector.shape_cast %swap3A_30 : vector<1x1000x64xbf16> to vector<1000x64xbf16>
    %swap3A_32 = vector.shape_cast %slice3A_27 : vector<1000x64xbf16> to vector<1x1000x64xbf16>
    tpu.vector_store %arg6[%swap3A, %swap3A_28, %swap3A_29], %swap3A_32 {strides = array<i32>} : memref<2x1000x64xbf16, #tpu.memory_space<vmem>>, vector<1x1000x64xbf16>,
    %slice3A_33 = vector.extract_strided_slice %convert_element_type3A_26 {offsets = [0, 64], sizes = [1000, 64], strides = [1, 1]} : vector<1000x128xbf16> to vector<1000x64xbf16>
    %swap3A_34 = arith.constant 1 : index
    %swap3A_35 = arith.constant 0 : index
    %swap3A_36 = arith.constant 0 : index
    %swap3A_37 = vector.load %arg6[%swap3A_34, %swap3A_35, %swap3A_36] : memref<2x1000x64xbf16, #tpu.memory_space<vmem>>, vector<1x1000x64xbf16>
    %swap3A_38 = vector.shape_cast %swap3A_37 : vector<1x1000x64xbf16> to vector<1000x64xbf16>
    %swap3A_39 = vector.shape_cast %slice3A_33 : vector<1000x64xbf16> to vector<1x1000x64xbf16>
    tpu.vector_store %arg6[%swap3A_34, %swap3A_35, %swap3A_36], %swap3A_39 {strides = array<i32>} : memref<2x1000x64xbf16, #tpu.memory_space<vmem>>, vector<1x1000x64xbf16>,
    %swap3A_40 = arith.constant 0 : index
    %swap3A_41 = arith.constant 0 : index
    %swap3A_42 = vector.load %arg7[%swap3A_40, %swap3A_41] : memref<1000x128xf32, #tpu.memory_space<vmem>>, vector<1000x128xf32>
    tpu.vector_store %arg7[%swap3A_40, %swap3A_41], %dot_general3A_25 {strides = array<i32>} : memref<1000x128xf32, #tpu.memory_space<vmem>>, vector<1000x128xf32>,
    return
  }
  func.func @transform_0(%arg0: i32) -> (i32, i32, i32) {
    %c0_i32 = arith.constant 0 : i32
    %c0_i32_0 = arith.constant 0 : i32
    %c0_i32_1 = arith.constant 0 : i32
    return %c0_i32, %arg0, %c0_i32_0 : i32, i32, i32
  }
  func.func @transform_1(%arg0: i32) -> (i32, i32) {
    %c0_i32 = arith.constant 0 : i32
    %c0_i32_0 = arith.constant 0 : i32
    return %arg0, %c0_i32 : i32, i32
  }
  func.func @transform_2(%arg0: i32) -> (i32, i32) {
    %c0_i32 = arith.constant 0 : i32
    %c0_i32_0 = arith.constant 0 : i32
    return %arg0, %c0_i32 : i32, i32
  }
  func.func @transform_3(%arg0: i32) -> (i32, i32) {
    %c0_i32 = arith.constant 0 : i32
    %c0_i32_0 = arith.constant 0 : i32
    %c0_i32_1 = arith.constant 0 : i32
    return %c0_i32, %c0_i32_0 : i32, i32
  }
  func.func @transform_4(%arg0: i32) -> (i32, i32) {
    %c0_i32 = arith.constant 0 : i32
    %c0_i32_0 = arith.constant 0 : i32
    %c0_i32_1 = arith.constant 0 : i32
    return %c0_i32, %c0_i32_0 : i32, i32
  }
  func.func @transform_5(%arg0: i32) -> (i32, i32, i32) {
    %c0_i32 = arith.constant 0 : i32
    %c0_i32_0 = arith.constant 0 : i32
    %c0_i32_1 = arith.constant 0 : i32
    return %c0_i32, %arg0, %c0_i32_0 : i32, i32, i32
  }
  func.func @transform_6(%arg0: i32) -> (i32, i32) {
    %c0_i32 = arith.constant 0 : i32
    %c0_i32_0 = arith.constant 0 : i32
    return %arg0, %c0_i32 : i32, i32
  }
}

module attributes {stable_mosaic.version = 14 : i64} {
  func.func @_tc_post_body(%arg0: i32, %arg1: memref<2x1000x64xbf16, #tpu.memory_space<vmem>>, %arg2: memref<1000x128xf32, #tpu.memory_space<vmem>>, %arg3: memref<1000x128xf32, #tpu.memory_space<vmem>>, %arg4: memref<1x1x1000xi32, #tpu.memory_space<vmem>>, %arg5: memref<128x128xf32, #tpu.memory_space<vmem>>, %arg6: memref<1x128xf32, #tpu.memory_space<vmem>>, %arg7: memref<16x128xf32, #tpu.memory_space<vmem>>, %arg8: memref<16x128xf32, #tpu.memory_space<vmem>>, %arg9: memref<16x128xf32, #tpu.memory_space<vmem>>) attributes {dimension_semantics = [#tpu.dimension_semantics<arbitrary>], iteration_bounds = array<i64: 10>, scalar_prefetch = 0 : i64, scratch_operands = 2 : i64, tpu.core_type = #tpu.core_type<tc>, window_params = [{transform_indices = @transform_0, window_bounds = array<i64: 2, 1000, 64>}, {transform_indices = @transform_1, window_bounds = array<i64: 1000, 128>}, {transform_indices = @transform_2, window_bounds = array<i64: 1000, 128>}, {transform_indices = @transform_3, window_bounds = array<i64: 1, 1, 1000>}, {pipeline_mode = #tpu.pipeline_mode<synchronous>, transform_indices = @transform_4, window_bounds = array<i64: 128, 128>}, {pipeline_mode = #tpu.pipeline_mode<synchronous>, transform_indices = @transform_5, window_bounds = array<i64: 1, 128>}, {pipeline_mode = #tpu.pipeline_mode<synchronous>, transform_indices = @transform_6, window_bounds = array<i64: 16, 128>}]} {
    %get3A = arith.constant 0 : index
    %get3A_0 = arith.constant 0 : index
    %get3A_1 = arith.constant 0 : index
    %get3A_2 = vector.load %arg1[%get3A, %get3A_0, %get3A_1] : memref<2x1000x64xbf16, #tpu.memory_space<vmem>>, vector<1x1000x64xbf16>
    %get3A_3 = vector.shape_cast %get3A_2 : vector<1x1000x64xbf16> to vector<1000x64xbf16>
    %get3A_4 = arith.constant 1 : index
    %get3A_5 = arith.constant 0 : index
    %get3A_6 = arith.constant 0 : index
    %get3A_7 = vector.load %arg1[%get3A_4, %get3A_5, %get3A_6] : memref<2x1000x64xbf16, #tpu.memory_space<vmem>>, vector<1x1000x64xbf16>
    %get3A_8 = vector.shape_cast %get3A_7 : vector<1x1000x64xbf16> to vector<1000x64xbf16>
    %concatenate3A = tpu.concatenate %get3A_3, %get3A_8 in 1 : vector<1000x64xbf16>, vector<1000x64xbf16> -> vector<1000x128xbf16>
    %convert_element_type3A = arith.extf %concatenate3A : vector<1000x128xbf16> to vector<1000x128xf32>
    %get3A_9 = arith.constant 0 : index
    %get3A_10 = arith.constant 0 : index
    %get3A_11 = vector.load %arg2[%get3A_9, %get3A_10] : memref<1000x128xf32, #tpu.memory_space<vmem>>, vector<1000x128xf32>
    %add3A = arith.addf %convert_element_type3A, %get3A_11 : vector<1000x128xf32>
    %get3A_12 = arith.constant 0 : index
    %get3A_13 = arith.constant 0 : index
    %get3A_14 = vector.load %arg3[%get3A_12, %get3A_13] : memref<1000x128xf32, #tpu.memory_space<vmem>>, vector<1000x128xf32>
    %add3A_15 = arith.addf %add3A, %get3A_14 : vector<1000x128xf32>
    %max3A = arith.constant 0.000000e+00 : f32
    %max3A_16 = vector.broadcast %max3A : f32 to vector<1000x128xf32>
    %max3A_17 = arith.maximumf %add3A_15, %max3A_16 : vector<1000x128xf32>
    %iota3A = tpu.iota {dimensions = array<i32: 0>} : vector<16x1000xi32>
    %get3A_18 = arith.constant 0 : index
    %get3A_19 = arith.constant 0 : index
    %get3A_20 = arith.constant 0 : index
    %get3A_21 = vector.load %arg4[%get3A_18, %get3A_19, %get3A_20] : memref<1x1x1000xi32, #tpu.memory_space<vmem>>, vector<1x1x1000xi32>
    %get3A_22 = vector.shape_cast %get3A_21 : vector<1x1x1000xi32> to vector<1x1000xi32>
    %eq3A = vector.broadcast %get3A_22 : vector<1x1000xi32> to vector<16x1000xi32>
    %eq3A_23 = arith.cmpi eq, %iota3A, %eq3A : vector<16x1000xi32>
    %convert_element_type3A_24 = arith.extui %eq3A_23 : vector<16x1000xi1> to vector<16x1000xi32>
    %convert_element_type3A_25 = arith.sitofp %convert_element_type3A_24 : vector<16x1000xi32> to vector<16x1000xf32>
    %eq3A_26 = arith.constant 0 : i32
    %eq3A_27 = arith.cmpi eq, %arg0, %eq3A_26 : i32
    %convert_element_type3A_28 = arith.extui %eq3A_27 : i1 to i32
    %cond3A = arith.constant 0 : i32
    %cond3A_29 = arith.cmpi ne, %convert_element_type3A_28, %cond3A : i32
    scf.if %cond3A_29 {
      %broadcast_in_dim3A_69 = arith.constant 0.000000e+00 : f32
      %broadcast_in_dim3A_70 = vector.broadcast %broadcast_in_dim3A_69 : f32 to vector<16x128xf32>
      %swap3A_71 = arith.constant 0 : index
      %swap3A_72 = arith.constant 0 : index
      %swap3A_73 = vector.load %arg8[%swap3A_71, %swap3A_72] : memref<16x128xf32, #tpu.memory_space<vmem>>, vector<16x128xf32>
      tpu.vector_store %arg8[%swap3A_71, %swap3A_72], %broadcast_in_dim3A_70 {strides = array<i32>} : memref<16x128xf32, #tpu.memory_space<vmem>>, vector<16x128xf32>,
      %broadcast_in_dim3A_74 = arith.constant 0.000000e+00 : f32
      %broadcast_in_dim3A_75 = vector.broadcast %broadcast_in_dim3A_74 : f32 to vector<16x128xf32>
      %swap3A_76 = arith.constant 0 : index
      %swap3A_77 = arith.constant 0 : index
      %swap3A_78 = vector.load %arg9[%swap3A_76, %swap3A_77] : memref<16x128xf32, #tpu.memory_space<vmem>>, vector<16x128xf32>
      tpu.vector_store %arg9[%swap3A_76, %swap3A_77], %broadcast_in_dim3A_75 {strides = array<i32>} : memref<16x128xf32, #tpu.memory_space<vmem>>, vector<16x128xf32>,
    } else {
    }
    %get3A_30 = arith.constant 0 : index
    %get3A_31 = arith.constant 0 : index
    %get3A_32 = vector.load %arg8[%get3A_30, %get3A_31] : memref<16x128xf32, #tpu.memory_space<vmem>>, vector<16x128xf32>
    %dot_general3A = arith.constant dense<0.000000e+00> : vector<16x128xf32>
    %dot_general3A_33 = tpu.matmul %convert_element_type3A_25, %max3A_17, %dot_general3A {dimension_numbers = #tpu.dot_dimension_numbers<[1], [0], [0], [1], [0, 0, 1, 1], [], []>, transpose_lhs_hint = false} : vector<16x1000xf32>, vector<1000x128xf32>, vector<16x128xf32> -> vector<16x128xf32>
    %add3A_34 = arith.addf %get3A_32, %dot_general3A_33 : vector<16x128xf32>
    %swap3A = arith.constant 0 : index
    %swap3A_35 = arith.constant 0 : index
    %swap3A_36 = vector.load %arg8[%swap3A, %swap3A_35] : memref<16x128xf32, #tpu.memory_space<vmem>>, vector<16x128xf32>
    tpu.vector_store %arg8[%swap3A, %swap3A_35], %add3A_34 {strides = array<i32>} : memref<16x128xf32, #tpu.memory_space<vmem>>, vector<16x128xf32>,
    %get3A_37 = arith.constant 0 : index
    %get3A_38 = arith.constant 0 : index
    %get3A_39 = vector.load %arg9[%get3A_37, %get3A_38] : memref<16x128xf32, #tpu.memory_space<vmem>>, vector<16x128xf32>
    %reduce_sum3A = arith.constant dense<0.000000e+00> : vector<16xf32>
    %reduce_sum3A_40 = vector.multi_reduction <add>, %convert_element_type3A_25, %reduce_sum3A [1] : vector<16x1000xf32> to vector<16xf32>
    %broadcast_in_dim3A = vector.shape_cast %reduce_sum3A_40 : vector<16xf32> to vector<16x1xf32>
    %broadcast_in_dim3A_41 = vector.shape_cast %broadcast_in_dim3A : vector<16x1xf32> to vector<16x1xf32>
    %broadcast_in_dim3A_42 = vector.broadcast %broadcast_in_dim3A_41 : vector<16x1xf32> to vector<16x128xf32>
    %add3A_43 = arith.addf %get3A_39, %broadcast_in_dim3A_42 : vector<16x128xf32>
    %swap3A_44 = arith.constant 0 : index
    %swap3A_45 = arith.constant 0 : index
    %swap3A_46 = vector.load %arg9[%swap3A_44, %swap3A_45] : memref<16x128xf32, #tpu.memory_space<vmem>>, vector<16x128xf32>
    tpu.vector_store %arg9[%swap3A_44, %swap3A_45], %add3A_43 {strides = array<i32>} : memref<16x128xf32, #tpu.memory_space<vmem>>, vector<16x128xf32>,
    %get3A_47 = arith.constant 0 : index
    %get3A_48 = arith.constant 0 : index
    %get3A_49 = vector.load %arg8[%get3A_47, %get3A_48] : memref<16x128xf32, #tpu.memory_space<vmem>>, vector<16x128xf32>
    %get3A_50 = arith.constant 0 : index
    %get3A_51 = arith.constant 0 : index
    %get3A_52 = vector.load %arg9[%get3A_50, %get3A_51] : memref<16x128xf32, #tpu.memory_space<vmem>>, vector<16x128xf32>
    %max3A_53 = arith.constant 1.000000e+00 : f32
    %max3A_54 = vector.broadcast %max3A_53 : f32 to vector<16x128xf32>
    %max3A_55 = arith.maximumf %get3A_52, %max3A_54 : vector<16x128xf32>
    %div3A = arith.divf %get3A_49, %max3A_55 : vector<16x128xf32>
    %get3A_56 = arith.constant 0 : index
    %get3A_57 = arith.constant 0 : index
    %get3A_58 = vector.load %arg5[%get3A_56, %get3A_57] : memref<128x128xf32, #tpu.memory_space<vmem>>, vector<128x128xf32>
    %dot_general3A_59 = arith.constant dense<0.000000e+00> : vector<16x128xf32>
    %dot_general3A_60 = tpu.matmul %div3A, %get3A_58, %dot_general3A_59 {dimension_numbers = #tpu.dot_dimension_numbers<[1], [0], [0], [1], [0, 0, 1, 1], [], []>, transpose_lhs_hint = false} : vector<16x128xf32>, vector<128x128xf32>, vector<16x128xf32> -> vector<16x128xf32>
    %get3A_61 = arith.constant 0 : index
    %get3A_62 = arith.constant 0 : index
    %get3A_63 = vector.load %arg6[%get3A_61, %get3A_62] : memref<1x128xf32, #tpu.memory_space<vmem>>, vector<1x128xf32>
    %add3A_64 = vector.broadcast %get3A_63 : vector<1x128xf32> to vector<16x128xf32>
    %add3A_65 = arith.addf %dot_general3A_60, %add3A_64 : vector<16x128xf32>
    %swap3A_66 = arith.constant 0 : index
    %swap3A_67 = arith.constant 0 : index
    %swap3A_68 = vector.load %arg7[%swap3A_66, %swap3A_67] : memref<16x128xf32, #tpu.memory_space<vmem>>, vector<16x128xf32>
    tpu.vector_store %arg7[%swap3A_66, %swap3A_67], %add3A_65 {strides = array<i32>} : memref<16x128xf32, #tpu.memory_space<vmem>>, vector<16x128xf32>,
    return
  }
  func.func @transform_0(%arg0: i32) -> (i32, i32, i32) {
    %c0_i32 = arith.constant 0 : i32
    %c0_i32_0 = arith.constant 0 : i32
    %c0_i32_1 = arith.constant 0 : i32
    return %c0_i32, %arg0, %c0_i32_0 : i32, i32, i32
  }
  func.func @transform_1(%arg0: i32) -> (i32, i32) {
    %c0_i32 = arith.constant 0 : i32
    %c0_i32_0 = arith.constant 0 : i32
    return %arg0, %c0_i32 : i32, i32
  }
  func.func @transform_2(%arg0: i32) -> (i32, i32) {
    %c0_i32 = arith.constant 0 : i32
    %c0_i32_0 = arith.constant 0 : i32
    return %arg0, %c0_i32 : i32, i32
  }
  func.func @transform_3(%arg0: i32) -> (i32, i32, i32) {
    %c0_i32 = arith.constant 0 : i32
    %c0_i32_0 = arith.constant 0 : i32
    %c0_i32_1 = arith.constant 0 : i32
    return %arg0, %c0_i32, %c0_i32_0 : i32, i32, i32
  }
  func.func @transform_4(%arg0: i32) -> (i32, i32) {
    %c0_i32 = arith.constant 0 : i32
    %c0_i32_0 = arith.constant 0 : i32
    %c0_i32_1 = arith.constant 0 : i32
    return %c0_i32, %c0_i32_0 : i32, i32
  }
  func.func @transform_5(%arg0: i32) -> (i32, i32) {
    %c0_i32 = arith.constant 0 : i32
    %c0_i32_0 = arith.constant 0 : i32
    %c0_i32_1 = arith.constant 0 : i32
    return %c0_i32, %c0_i32_0 : i32, i32
  }
  func.func @transform_6(%arg0: i32) -> (i32, i32) {
    %c0_i32 = arith.constant 0 : i32
    %c0_i32_0 = arith.constant 0 : i32
    %c0_i32_1 = arith.constant 0 : i32
    return %c0_i32, %c0_i32_0 : i32, i32
  }
}

</mosaic_0001>

<sc_bundles>
// kernel: kernel.11.cloned.1.call-start
scs
__scs_entry_jumppad:
0x0: {  	(pc) =	sbr.rel $0x88, $3  }
0x1: {  	(tag) =	ssettag $0x0;
	lr =	simm.s32 $0x1  }
0x2: {  	[smem:$0x3F95] =	sst lr;
	_ =	strace $0xD0000000  }
0x3: {  	_ = 	snop  }
0x4: {  	_ = 	snop  }
0x5: {  	_ = 	snop  }
0x6: {  	_ = 	snop  }
0x7: {  	_ = 	snop  }
__scs_overlays_trampoline_lowered:
0x8: {  	[smem:$0x3FA4] =	sst s0  }
0x9: {  	[smem:$0x3FA5] =	sst s1  }
0xa: {  	[smem:$0x3FA6] =	sst s2  }
0xb: {  	[smem:$0x3FA7] =	sst s3  }
0xc: {  	[smem:$0x3FA8] =	sst s4  }
0xd: {  	[smem:$0x3FA9] =	sst s5  }
0xe: {  	[smem:$0x3FAA] =	sst s6  }
0xf: {  	[smem:$0x3FAB] =	sst s7  }
0x10: {  	[smem:$0x3FAC] =	sst s8  }
0x11: {  	[smem:$0x3FAD] =	sst s9;
	s0 =	simm.s32 @!p0 $0x0  }
0x12: {  	s1 =	sld [smem:$0x3F93];
	s0 =	simm.s32 @p0 $0x1  }
0x13: {  	[smem:$0x3FAE] =	sst s0;
	s0 =	simm.s32 @!p1 $0x0  }
0x14: {  	s2 =	sld [smem:$0x3F92];
	s0 =	simm.s32 @p1 $0x1  }
0x15: {  	[smem:$0x3FAF] =	sst s0;
	s0 =	simm.s32 @!p2 $0x0  }
0x16: {  	s3 =	sld [smem:$0x3FDB];
	s0 =	simm.s32 @p2 $0x1  }
0x17: {  	s4 =	simm.s32 $0x1BF5;
	[smem:$0x3FB1] =	sst s0  }
0x18: {  	s0 =	sld [smem:$0x3F94];
	_ =	swait.ge [sflag:s4], $0x0  }
0x19: {  	s7 =	sld [smem:$0x3F95]  }
0x1a: {  	s8 =	sadd.s32 $0xFFFFE003, lr  }
0x1b: {  	s9 =	sadd.s32 $0xFFFFFEF7, lr;
	s5 =	simm.s32 $0xFFFFFFFF;
	p2 =	slt.u32 s8, $0xFFFFF086  }
0x1c: {  	p1 =	slt.u32 s9, $0xF7A;
	s5 =	simm.s32 @!p2 $0x0  }
0x1d: {  	s5 =	simm.s32 @p1 $0x1;
	p0 =	seq.s32 s7, s2  }
0x1e: {  	s7 =	smul.u32 @!p0 $0xF7A, s2;
	p2 =	seq.s32 @!p0 s5, $0x0  }
0x1f: {  	s9 =	smul.u32 $0xF7A, s1;
	s8 =	simm.s32 @!p0 $0x1BF5;
	p2 =	por !p2, p0  }
0x20: {  	[sflag:s8] =	ssyncset.s32 @!p0 $0xFFFFF086;
	s6 =	sadd.s32 @!p0 s3, s7;
	s7 =	simm.s32 @!p0 $0x108  }
0x21: {  	s3 =	sadd.s32 s3, s9;
	s6 =	sadd.s32 @!p0 $0x88, s6;
	s7 =	simm.s32 @p2 $0x1082  }
0x22: {  	[simem:s7], [sflag:s8] =	dma.local @!p0 [hbm:s6], $0xF7A  }
0x23: {  	s9 =	sor.u32 $0xD0000000, s2;
	s6 =	simm.s32 $0x108;
	_ =	swait.ge @!p0 [sflag:s8], $0x0  }
0x24: {  	s3 =	sadd.s32 $0x88, s3;
	s6 =	simm.s32 @!p1 $0x1082;
	[sflag:s4] =	ssyncset.s32 $0xFFFFF086  }
0x25: {  	[simem:s6], [sflag:s4] =	dma.local [hbm:s3], $0xF7A  }
0x26: {  	[smem:$0x3F95] =	sst s1;
	(tag) =	ssettag s2;
	_ =	strace s9  }
0x27: {  	s1 =	sld [smem:$0x3FA5]  }
0x28: {  	s2 =	sld [smem:$0x3FA6]  }
0x29: {  	s4 =	sld [smem:$0x3FA8]  }
0x2a: {  	p0 =	seq.s32 s5, $0x0;
	s5 =	sld [smem:$0x3FA9]  }
0x2b: {  	s6 =	sld [smem:$0x3FAA]  }
0x2c: {  	s7 =	sld [smem:$0x3FAB]  }
0x2d: {  	s3 =	simm.s32 $0x108;
	s8 =	sld [smem:$0x3FAC]  }
0x2e: {  	s3 =	simm.s32 @!p0 $0x1082;
	s9 =	sld [smem:$0x3FAD]  }
0x2f: {  	lr =	sadd.s32 s0, s3;
	s0 =	sld [smem:$0x3FA4]  }
0x30: {  	s3 =	sld [smem:$0x3FA7]  }
0x31: {  	[smem:$0x3FB0] =	sst s10  }
0x32: {  	s10 =	sld [smem:$0x3FAE];
	_ =	sdelay $0x3  }
0x33: {  	p0 =	seq.s32 s10, $0x1;
	s10 =	sld [smem:$0x3FB0];
	_ =	sdelay $0x3  }
0x34: {  	[smem:$0x3FB0] =	sst s10  }
0x35: {  	s10 =	sld [smem:$0x3FAF];
	_ =	sdelay $0x3  }
0x36: {  	p1 =	seq.s32 s10, $0x1;
	s10 =	sld [smem:$0x3FB0];
	_ =	sdelay $0x3  }
0x37: {  	[smem:$0x3FB0] =	sst s10  }
0x38: {  	s10 =	sld [smem:$0x3FB1]  }
0x39: {  	_ = 	snop;
	(pc) =	sbr.ind lr, $3  }
0x3a: {  	_ = 	snop  }
0x3b: {  	_ = 	snop  }
0x3c: {  	p2 =	seq.s32 s10, $0x1;
	s10 =	sld [smem:$0x3FB0]  }
0x3d: {  	_ =	shalt  }
0x3e: {  	_ =	shalt  }
0x3f: {  	_ =	shalt  }
0x40: {  	_ =	shalt  }
0x41: {  	_ =	shalt  }
0x42: {  	_ =	shalt  }
0x43: {  	_ =	shalt  }
0x44: {  	_ =	shalt  }
0x45: {  	_ =	shalt  }
0x46: {  	_ =	shalt  }
0x47: {  	_ =	shalt  }
0x48: {  	_ =	shalt  }
0x49: {  	_ =	shalt  }
0x4a: {  	_ =	shalt  }
0x4b: {  	_ =	shalt  }
0x4c: {  	_ =	shalt  }
0x4d: {  	_ =	shalt  }
0x4e: {  	_ =	shalt  }
0x4f: {  	_ =	shalt  }
0x50: {  	_ =	shalt  }
0x51: {  	_ =	shalt  }
0x52: {  	_ =	shalt  }
0x53: {  	_ =	shalt  }
0x54: {  	_ =	shalt  }
0x55: {  	_ =	shalt  }
0x56: {  	_ =	shalt  }
0x57: {  	_ =	shalt  }
0x58: {  	_ =	shalt  }
0x59: {  	_ =	shalt  }
0x5a: {  	_ =	shalt  }
0x5b: {  	_ =	shalt  }
0x5c: {  	_ =	shalt  }
0x5d: {  	_ =	shalt  }
0x5e: {  	_ =	shalt  }
0x5f: {  	_ =	shalt  }
0x60: {  	_ =	shalt  }
0x61: {  	_ =	shalt  }
0x62: {  	_ =	shalt  }
0x63: {  	_ =	shalt  }
0x64: {  	_ =	shalt  }
0x65: {  	_ =	shalt  }
0x66: {  	_ =	shalt  }
0x67: {  	_ =	shalt  }
0x68: {  	_ =	shalt  }
0x69: {  	_ =	shalt  }
0x6a: {  	_ =	shalt  }
0x6b: {  	_ =	shalt  }
0x6c: {  	_ =	shalt  }
0x6d: {  	_ =	shalt  }
0x6e: {  	_ =	shalt  }
0x6f: {  	_ =	shalt  }
0x70: {  	_ =	shalt  }
0x71: {  	_ =	shalt  }
0x72: {  	_ =	shalt  }
0x73: {  	_ =	shalt  }
0x74: {  	_ =	shalt  }
0x75: {  	_ =	shalt  }
0x76: {  	_ =	shalt  }
0x77: {  	_ =	shalt  }
0x78: {  	_ =	shalt  }
0x79: {  	_ =	shalt  }
0x7a: {  	_ =	shalt  }
0x7b: {  	_ =	shalt  }
0x7c: {  	_ =	shalt  }
0x7d: {  	_ =	shalt  }
0x7e: {  	_ =	shalt  }
0x7f: {  	_ =	shalt  }
0x80: {  	_ =	shalt  }
0x81: {  	_ =	shalt  }
0x82: {  	_ =	shalt  }
0x83: {  	_ =	shalt  }
0x84: {  	_ =	shalt  }
0x85: {  	_ =	shalt  }
0x86: {  	_ =	shalt  }
0x87: {  	_ =	shalt  }
.Lfunc_end0:
.L_simem_size_0:
called_computation.1_lowered:
.L_overlay_start_0:
0x88: {  	s2 =	sld [smem:$0x3FD9]  }
0x89: {  	s3 =	sld [smem:$0x3FFE];
	_ =	sdelay $0x1  }
0x8a: {  	s1 =	srdreg.scid  }
0x8b: {  	s0 =	sand.u32 $0x1, s1  }
0x8c: {  	s16 =	sshll.u32 s0, $0xA;
	s2 =	sadd.s32 s3, s2  }
0x8d: {  	s2 =	sadd.s32 s2, s16  }
0x8e: {  	[smem:$0x3FBC] =	sst s2  }
0x8f: {  	_ = 	snop  }
0x90: {  	(tm) =	ssettm $0x1  }
0x91: {  	s17 =	sld [smem:$0x3FFB];
	_ =	sdelay $0x3  }
0x92: {  	_ =	strace s17  }
0x93: {  	s2 =	sld [smem:$0x3FFC];
	_ =	sdelay $0x3  }
0x94: {  	_ =	strace s2  }
0x95: {  	s2 =	sld [smem:$0x3FFD];
	_ =	sdelay $0x3  }
0x96: {  	_ =	strace s2  }
0x97: {  	_ =	strace $0x8FFFFFFF  }
0x98: {  	s18 =	sld [smem:$0x3FDB];
	_ =	sdelay $0x1  }
0x99: {  	s19 =	simm.s32 $_scs_section_size  }
0x9a: {  	s4 =	simm.s32 $_size__tile_overlayer_lowered;
	s5 =	simm.s32 $_tile_overlayer_lowered  }
0x9b: {  	s22 =	simm.s32 $0x1BFF;
	s21 =	sshll.u32 s5, $0x1;
	s2 =	sadd.s32 s19, s18  }
0x9c: {  	s6 =	simm.s32 $0x0;
	s20 =	sshll.u32 s4, $0x1;
	s4 =	sadd.s32 s21, s2  }
0x9d: {  	[timem:s6], [sflag:s22] =	dma.local [hbm:s4], s20  }
0x9e: {  	_ =	swait.ge [sflag:s22], s20  }
0x9f: {  	s3 =	ssub.s32 $0x0, s20;
	[sflag:s22] =	ssyncset.done $0x0  }
0xa0: {  	[sflag:s22] =	ssyncadd.s32 s3;
	_ =	sdelay $0x1  }
0xa1: {  	s23 =	simm.s32 $0x1B8B  }
0xa2: {  	_ =	swait.ge [sflag:s23], $0x1  }
0xa3: {  	[sflag:s23] =	ssyncset.done $0x0  }
0xa4: {  	s25 =	simm.s32 $0x1B8E;
	s24 =	sld [smem:$0x3FFE];
	[sflag:s23] =	ssyncadd.s32 $0xFFFFFFFF  }
0xa5: {  	s26 =	simm.s32 $execute0_lowered;
	[smem:$0x3FD2] =	sst s25  }
0xa6: {  	s4 =	sshll.u32 s26, $0x1;
	_ =	strace $0x80000049;
	[dreg:$0x1] =	wrdreg $0xFFFFFFFF  }
0xa7: {  	s28 =	simm.s32 $_size_execute0_lowered;
	s2 =	sadd.s32 s2, s4;
	[dreg:$0x0] =	wrdreg $0x0  }
0xa8: {  	s4 =	sshll.u32 s28, $0x1;
	[dreg:$0x2] =	wrdreg s2  }
0xa9: {  	[dreg:$0x3] =	wrdreg s4  }
0xaa: {  	[dreg:$0x4] =	wrdreg $0xC0  }
0xab: {  	_ =	task [dreg:s6], $0x5FFFF  }
0xac: {  	[dreg:$0x1] =	wrdreg $0xFFFFFFFF  }
0xad: {  	[dreg:$0x0] =	wrdreg $0x60  }
0xae: {  	[dreg:$0x2] =	wrdreg s24  }
0xaf: {  	[dreg:$0x3] =	wrdreg $0x0  }
0xb0: {  	[dreg:$0x4] =	wrdreg $0x9  }
0xb1: {  	_ =	task.clear_ibuf [dreg:s6], $0x5FFFF;
	_ =	strace $0x90000049  }
0xb2: {  	s29 =	simm.s32 $0x9;
	_ =	strace $0x8000004B  }
0xb3: {  	_ =	swait.ge [sflag:s29], $0x1  }
0xb4: {  	[sflag:s29] =	ssyncadd.s32 $0xFFFFFFFF  }
0xb5: {  	_ =	strace $0x9000004B  }
0xb6: {  	_ =	sfence  }
0xb7: {  	s30 =	sld [smem:$0x0];
	_ =	sdelay $0x2  }
0xb8: {  	s31 =	sshll.u32 s1, $0xD;
	s1 =	sshrl.u32 s1, $0x2  }
0xb9: {  	s3 =	sand.u32 $0x4000, s31;
	s1 =	sadd.s32 s1, s30  }
0xba: {  	s0 =	sor.u32 s3, s0;
	s1 =	sshll.u32 s1, $0x11  }
0xbb: {  	s0 =	sor.u32 s1, s0  }
0xbc: {  	s0 =	sadd.s32 $0x8F2B, s0  }
0xbd: {  	[sflag:s0] =	ssyncadd.remote.s32 $0x1  }
0xbe: {  	_ =	sfence.sel $0xFFFF  }
0xbf: {  	[dreg:$0x0] =	wrdreg $0xFFFFFFFF;
	(pc) =	sbr.abs _section_cstart, $3  }
0xc0: {  	[dreg:$0x1] =	wrdreg $0xFFFFFFFF  }
0xc1: {  	_ =	task.clear_ibuf [dreg:s6], $0x2FFFF;
	_ =	strace $0x9FFFFFFF  }
0xc2: {  	(tm) =	ssettm $0x7FFFFFFF  }
0xc3: {  	_ =	shalt  }
tec
execute0_lowered:
.L_overlay_start_1:
0x0: {  	(tag) =	ssettag $0x1  }
0x1: {  	s0 =	srdreg.scid;
	s1 =	rddreg [dreg:$0x0]  }
0x2: {  	s9 =	stileid.u32;
	s2 =	rddreg [dreg:$0x1]  }
0x3: {  	s3 =	simm.s32 $0x0;
	s15 =	simm.s32 $0x4F00;
	s16 =	simm.s32 $0x5100  }
0x4: {  	s17 =	simm.s32 $0x3;
	s18 =	simm.s32 $0x80;
	s19 =	simm.s32 $0x5700  }
0x5: {  	s28 =	simm.s32 $0x5300;
	s29 =	simm.s32 $0x5500;
	s5 =	smul.u32 $0xA0, s9  }
0x6: {  	s13 =	simm.s32 $0xC700;
	s14 =	simm.s32 $0x2;
	s6 =	smul.u32 $0xA00, s9  }
0x7: {  	s20 =	simm.s32 $0x5580;
	s0 =	sand.u32 $0x1, s0;
	s21 =	smul.u32 $0x9E0, s9  }
0x8: {  	[smem:$0x7FF] =	sst s3;
	s22 =	smul.u32 $0x13C00, s9;
	s10 =	sadd.s32 $0xCA200, s1  }
0x9: {  	s25 =	sshll.u32 s9, $0x6;
	s9 =	simm.s32 $0x5400;
	s4 =	smul.u32 $0xA00, s0  }
0xa: {  	_ =	strace $0x8000004A;
	s8 =	smul.u32 $0x9E00, s0;
	s0 =	ssub.s32 $0x2, s0  }
0xb: {  	[dreg:$0x3] =	wrdreg s10;
	s30 =	sor.u32 $0x1C04, s25;
	s25 =	simm.s32 $0x8700  }
0xc: {  	s10 =	simm.s32 $0xB700;
	s6 =	sadd.s32 s6, s1;
	s23 =	sshrl.u32 s0, $0x1  }
0xd: {  	s24 =	sshrl.u32 s22, $0x2;
	s22 =	simm.s32 $0x5600;
	[dreg:$0x4] =	wrdreg s30  }
0xe: {  	s4 =	sadd.s32 s5, s4;
	s5 =	sadd.s32 s21, s8;
	s0 =	ssub.s32 s0, s23  }
0xf: {  	s8 =	sadd.s32 $0xC0200, s6;
	s21 =	simm.s32 $0x6700;
	s23 =	simm.s32 $0x7700  }
0x10: {  	s6 =	simm.s32 $0x5480;
	s7 =	sshll.u32 s4, $0x4;
	s4 =	sadd.s32 $0x28E00, s1  }
0x11: {  	s0 =	smax.u32 s0, $0x1;
	s7 =	sadd.s32 s7, s1;
	s1 =	sadd.s32 s5, s1  }
0x12: {  	s5 =	sadd.s32 s24, s2;
	[dreg:$0x7] =	wrdreg s0;
	s0 =	simm.s32 $0x9700  }
.Ltmp0:
0x13: {  	s24 =	simm.s32 $0x5680;
	s26 =	sadd.s32 $0xCAC00, s7;
	(pc) =	sbr.rel .LBB2_1-.Ltmp0, $4  }
0x14: {  	s1 =	sadd.s32 $0x3C800, s1;
	s11 =	sadd.s32 $0xCAC80, s7;
	[dreg:$0x5] =	wrdreg s26  }
0x15: {  	s12 =	sadd.s32 $0xCAC40, s7;
	s31 =	sshrl.u32 s5, $0x3;
	[dreg:$0x6] =	wrdreg s1  }
0x16: {  	s5 =	simm.s32 $0x5380;
	s1 =	simm.s32 $0x0;
	[dreg:$0x8] =	wrdreg s31  }
0x17: {  	s7 =	simm.s32 $0xA700;
	s26 =	simm.s32 $0x1;
	[dreg:$0x9] =	wrdreg s1  }
.LBB2_4:
0x18: {  	[spmem:s2] =	stream.indirect.scatter.add.bf16 [tilespmem:s0], [sflag:$0x2], $0x20, s29, s18, $0xb8;
	[tilespmem:$0xD700] =	vst v63  }
0x19: {  	_ = 	snop  }
0x1a: {  	[spmem:s2] =	stream.indirect.scatter.add.bf16 [tilespmem:s7], [sflag:$0x2], $0x20, s20, s18, $0xb8;
	[tilespmem:$0xD700] =	vst v63  }
0x1b: {  	_ = 	snop  }
0x1c: {  	[spmem:s2] =	stream.indirect.scatter.add.bf16 [tilespmem:s10], [sflag:$0x2], $0x20, s22, s18, $0xb8;
	[tilespmem:$0xD700] =	vst v63  }
0x1d: {  	_ = 	snop  }
0x1e: {  	[spmem:s2] =	stream.indirect.scatter.add.bf16 [tilespmem:s13], [sflag:$0x2], $0x20, s24, s18, $0xb8;
	[tilespmem:$0xD700] =	vst v63  }
0x1f: {  	_ =	swait.ge [sflag:s14], $0x1000  }
0x20: {  	[sflag:s14] =	ssyncset.done $0x0  }
0x21: {  	[sflag:s14] =	ssyncadd.s32 $0xFFFFF000  }
0x22: {  	_ =	swait.ge [sflag:s14], $0x1000  }
0x23: {  	[sflag:s14] =	ssyncset.done $0x0  }
0x24: {  	[sflag:s14] =	ssyncadd.s32 $0xFFFFF000  }
0x25: {  	_ =	swait.ge [sflag:s14], $0x1000  }
0x26: {  	[sflag:s14] =	ssyncset.done $0x0  }
0x27: {  	[sflag:s14] =	ssyncadd.s32 $0xFFFFF000  }
0x28: {  	_ =	swait.ge [sflag:s14], $0x1000  }
0x29: {  	[sflag:s14] =	ssyncset.done $0x0  }
0x2a: {  	[sflag:s14] =	ssyncadd.s32 $0xFFFFF000  }
0x2b: {  	[bflag:$0x0] =	sbarrier.arrive $0xFFFF  }
0x2c: {  	s5 =	rddreg [dreg:$0x4]  }
0x2d: {  	s1 =	rddreg [dreg:$0x6]  }
0x2e: {  	s31 =	rddreg [dreg:$0x8]  }
0x2f: {  	[hbm:s1], [sflag:s5] =	dma.local [spmem:s31], $0x9E0  }
0x30: {  	s1 =	simm.s32 $0x4  }
0x31: {  	_ =	swait.ge [sflag:s1], $0x9E0  }
0x32: {  	s30 =	rddreg [dreg:$0x9]  }
0x33: {  	[sflag:s1] =	ssyncset.done $0x0;
	s1 =	rddreg [dreg:$0x7];
	s30 =	sadd.s32 $0x1, s30  }
0x34: {  	p0 =	sne.s32 s30, s1  }
.Ltmp1:
0x35: {  	_ = 	snop;
	(pc) =	sbr.rel @!p0 .LBB2_5-.Ltmp1, $3  }
0x36: {  	_ =	sdelay $0x1  }
0x37: {  	[dreg:$0x9] =	wrdreg s30;
	s1 =	simm.s32 $0x4  }
0x38: {  	s30 =	smov.u32 s5;
	s5 =	simm.s32 $0x5380;
	[sflag:s1] =	ssyncadd.s32 $0xFFFFF620  }
.LBB2_1:
0x39: {  	s1 =	rddreg [dreg:$0x3]  }
0x3a: {  	[spmem:s31], [sflag:s30] =	dma.local [hbm:s1], $0x9E0  }
0x3b: {  	s31 =	simm.s32 $0x4  }
0x3c: {  	_ =	swait.ge [sflag:s31], $0x9E0  }
0x3d: {  	[sflag:s31] =	ssyncset.done $0x0  }
0x3e: {  	[sflag:s31] =	ssyncadd.s32 $0xFFFFF620  }
0x3f: {  	[bflag:$0x0] =	sbarrier.arrive $0xFFFF  }
0x40: {  	s31 =	rddreg [dreg:$0x5]  }
0x41: {  	[tilespmem:s15], [sflag:$0x3] =	stream.linear.gather [hbm4b:s31+s3], $0x200, $0x38;
	[tilespmem:$0xD700] =	vst v63  }
0x42: {  	_ = 	snop  }
0x43: {  	[tilespmem:s16], [sflag:$0x3] =	stream.linear.gather [hbm4b:s8+s3], $0x200, $0x38;
	[tilespmem:$0xD700] =	vst v63  }
0x44: {  	_ =	swait.ge [sflag:s17], $0x200  }
0x45: {  	[sflag:s17] =	ssyncset.done $0x0  }
0x46: {  	[sflag:s17] =	ssyncadd.s32 $0xFFFFFE00  }
0x47: {  	_ =	swait.ge [sflag:s17], $0x200  }
0x48: {  	[sflag:s17] =	ssyncset.done $0x0  }
0x49: {  	[sflag:s17] =	ssyncadd.s32 $0xFFFFFE00  }
0x4a: {  	[tilespmem:s19], [sflag:$0x1] =	stream.indirect.gather [hbm4b:s4+s18], $0x20, s15, s18, $0xb8;
	[tilespmem:$0xD700] =	vst v63  }
0x4b: {  	s31 =	simm.s32 $0x4F80  }
0x4c: {  	[tilespmem:s21], [sflag:$0x1] =	stream.indirect.gather [hbm4b:s4+s18], $0x20, s31, s18, $0xb8;
	[tilespmem:$0xD700] =	vst v63  }
0x4d: {  	s31 =	simm.s32 $0x5000  }
0x4e: {  	[tilespmem:s23], [sflag:$0x1] =	stream.indirect.gather [hbm4b:s4+s18], $0x20, s31, s18, $0xb8;
	[tilespmem:$0xD700] =	vst v63  }
0x4f: {  	s30 =	simm.s32 $0x0;
	s31 =	simm.s32 $0x5080  }
0x50: {  	[tilespmem:s25], [sflag:$0x1] =	stream.indirect.gather [hbm4b:s4+s18], $0x20, s31, s18, $0xb8;
	[tilespmem:$0xD700] =	vst v63  }
.LBB2_2:
0x51: {  	_ =	swait.ge [sflag:s26], $0x1000  }
0x52: {  	[sflag:s26] =	ssyncset.done $0x0  }
0x53: {  	[sflag:s26] =	ssyncadd.s32 $0xFFFFF000  }
0x54: {  	_ =	swait.ge [sflag:s26], $0x1000  }
0x55: {  	[sflag:s26] =	ssyncset.done $0x0  }
0x56: {  	[sflag:s26] =	ssyncadd.s32 $0xFFFFF000  }
0x57: {  	_ =	swait.ge [sflag:s26], $0x1000  }
0x58: {  	[sflag:s26] =	ssyncset.done $0x0  }
0x59: {  	[sflag:s26] =	ssyncadd.s32 $0xFFFFF000  }
0x5a: {  	_ =	swait.ge [sflag:s26], $0x1000  }
0x5b: {  	p0 =	seq.s32 s30, $0x0;
	[sflag:s26] =	ssyncset.done $0x0  }
0x5c: {  	s31 =	simm.s32 @!p0 $0x2;
	[sflag:s26] =	ssyncadd.s32 $0xFFFFF000  }
0x5d: {  	_ =	swait.ge @!p0 [sflag:s31], $0x1000  }
0x5e: {  	[sflag:s31] =	ssyncset.done @!p0 $0x0  }
0x5f: {  	[sflag:s31] =	ssyncadd.s32 @!p0 $0xFFFFF000  }
0x60: {  	_ =	swait.ge @!p0 [sflag:s31], $0x1000  }
0x61: {  	[sflag:s31] =	ssyncset.done @!p0 $0x0  }
0x62: {  	[sflag:s31] =	ssyncadd.s32 @!p0 $0xFFFFF000  }
0x63: {  	_ =	swait.ge @!p0 [sflag:s31], $0x1000  }
0x64: {  	[sflag:s31] =	ssyncset.done @!p0 $0x0  }
0x65: {  	[sflag:s31] =	ssyncadd.s32 @!p0 $0xFFFFF000  }
0x66: {  	_ =	swait.ge @!p0 [sflag:s31], $0x1000  }
0x67: {  	[sflag:s31] =	ssyncset.done @!p0 $0x0  }
0x68: {  	[sflag:s31] =	ssyncadd.s32 @!p0 $0xFFFFF000;
	s31 =	sadd.s32 s30, s12  }
0x69: {  	[tilespmem:s28], [sflag:$0x3] =	stream.linear.gather [hbm4b:s31+s3], $0x200, $0x38;
	[tilespmem:$0xD700] =	vst v63  }
0x6a: {  	s31 =	sadd.s32 s30, s8  }
0x6b: {  	s1 =	sadd.s32 $0x40, s31  }
0x6c: {  	[tilespmem:s29], [sflag:$0x3] =	stream.linear.gather [hbm4b:s1+s3], $0x200, $0x38;
	[tilespmem:$0xD700] =	vst v63  }
0x6d: {  	_ = 	snop  }
0x6e: {  	[spmem:s2] =	stream.indirect.scatter.add.bf16 [tilespmem:s19], [sflag:$0x2], $0x20, s16, s18, $0xb8;
	[tilespmem:$0xD700] =	vst v63  }
0x6f: {  	s1 =	simm.s32 $0x5180  }
0x70: {  	[spmem:s2] =	stream.indirect.scatter.add.bf16 [tilespmem:s21], [sflag:$0x2], $0x20, s1, s18, $0xb8;
	[tilespmem:$0xD700] =	vst v63  }
0x71: {  	s1 =	simm.s32 $0x5200  }
0x72: {  	[spmem:s2] =	stream.indirect.scatter.add.bf16 [tilespmem:s23], [sflag:$0x2], $0x20, s1, s18, $0xb8;
	[tilespmem:$0xD700] =	vst v63  }
0x73: {  	s1 =	simm.s32 $0x5280  }
0x74: {  	[spmem:s2] =	stream.indirect.scatter.add.bf16 [tilespmem:s25], [sflag:$0x2], $0x20, s1, s18, $0xb8;
	[tilespmem:$0xD700] =	vst v63  }
0x75: {  	_ =	swait.ge [sflag:s17], $0x200  }
0x76: {  	[sflag:s17] =	ssyncset.done $0x0  }
0x77: {  	[sflag:s17] =	ssyncadd.s32 $0xFFFFFE00  }
0x78: {  	_ =	swait.ge [sflag:s17], $0x200  }
0x79: {  	[sflag:s17] =	ssyncset.done $0x0  }
0x7a: {  	[sflag:s17] =	ssyncadd.s32 $0xFFFFFE00  }
0x7b: {  	[tilespmem:s0], [sflag:$0x1] =	stream.indirect.gather [hbm4b:s4+s18], $0x20, s28, s18, $0xb8;
	[tilespmem:$0xD700] =	vst v63  }
0x7c: {  	_ = 	snop  }
0x7d: {  	[tilespmem:s7], [sflag:$0x1] =	stream.indirect.gather [hbm4b:s4+s18], $0x20, s5, s18, $0xb8;
	[tilespmem:$0xD700] =	vst v63  }
0x7e: {  	_ = 	snop  }
0x7f: {  	[tilespmem:s10], [sflag:$0x1] =	stream.indirect.gather [hbm4b:s4+s18], $0x20, s9, s18, $0xb8;
	[tilespmem:$0xD700] =	vst v63  }
0x80: {  	_ = 	snop  }
0x81: {  	[tilespmem:s13], [sflag:$0x1] =	stream.indirect.gather [hbm4b:s4+s18], $0x20, s6, s18, $0xb8;
	[tilespmem:$0xD700] =	vst v63  }
0x82: {  	_ =	swait.ge [sflag:s26], $0x1000  }
0x83: {  	[sflag:s26] =	ssyncset.done $0x0  }
0x84: {  	[sflag:s26] =	ssyncadd.s32 $0xFFFFF000  }
0x85: {  	_ =	swait.ge [sflag:s26], $0x1000  }
0x86: {  	[sflag:s26] =	ssyncset.done $0x0  }
0x87: {  	[sflag:s26] =	ssyncadd.s32 $0xFFFFF000  }
0x88: {  	_ =	swait.ge [sflag:s26], $0x1000  }
0x89: {  	[sflag:s26] =	ssyncset.done $0x0  }
0x8a: {  	[sflag:s26] =	ssyncadd.s32 $0xFFFFF000  }
0x8b: {  	_ =	swait.ge [sflag:s26], $0x1000  }
0x8c: {  	[sflag:s26] =	ssyncset.done $0x0  }
0x8d: {  	[sflag:s26] =	ssyncadd.s32 $0xFFFFF000  }
0x8e: {  	_ =	swait.ge [sflag:s14], $0x1000  }
0x8f: {  	[sflag:s14] =	ssyncset.done $0x0  }
0x90: {  	[sflag:s14] =	ssyncadd.s32 $0xFFFFF000  }
0x91: {  	_ =	swait.ge [sflag:s14], $0x1000  }
0x92: {  	[sflag:s14] =	ssyncset.done $0x0  }
0x93: {  	[sflag:s14] =	ssyncadd.s32 $0xFFFFF000  }
0x94: {  	p0 =	seq.s32 s30, $0x980;
	_ =	swait.ge [sflag:s14], $0x1000  }
.Ltmp2:
0x95: {  	[sflag:s14] =	ssyncset.done $0x0;
	(pc) =	sbr.rel @p0 .LBB2_4-.Ltmp2, $4  }
0x96: {  	[sflag:s14] =	ssyncadd.s32 $0xFFFFF000  }
0x97: {  	_ =	swait.ge [sflag:s14], $0x1000  }
0x98: {  	[sflag:s14] =	ssyncset.done $0x0  }
0x99: {  	[sflag:s14] =	ssyncadd.s32 $0xFFFFF000  }
0x9a: {  	s1 =	sadd.s32 s30, s11  }
0x9b: {  	[tilespmem:s15], [sflag:$0x3] =	stream.linear.gather [hbm4b:s1+s3], $0x200, $0x38;
	[tilespmem:$0xD700] =	vst v63  }
0x9c: {  	s31 =	sadd.s32 $0x80, s31  }
0x9d: {  	[tilespmem:s16], [sflag:$0x3] =	stream.linear.gather [hbm4b:s31+s3], $0x200, $0x38;
	[tilespmem:$0xD700] =	vst v63  }
0x9e: {  	_ = 	snop  }
0x9f: {  	[spmem:s2] =	stream.indirect.scatter.add.bf16 [tilespmem:s0], [sflag:$0x2], $0x20, s29, s18, $0xb8;
	[tilespmem:$0xD700] =	vst v63  }
0xa0: {  	_ = 	snop  }
0xa1: {  	[spmem:s2] =	stream.indirect.scatter.add.bf16 [tilespmem:s7], [sflag:$0x2], $0x20, s20, s18, $0xb8;
	[tilespmem:$0xD700] =	vst v63  }
0xa2: {  	_ = 	snop  }
0xa3: {  	[spmem:s2] =	stream.indirect.scatter.add.bf16 [tilespmem:s10], [sflag:$0x2], $0x20, s22, s18, $0xb8;
	[tilespmem:$0xD700] =	vst v63  }
0xa4: {  	_ = 	snop  }
0xa5: {  	[spmem:s2] =	stream.indirect.scatter.add.bf16 [tilespmem:s13], [sflag:$0x2], $0x20, s24, s18, $0xb8;
	[tilespmem:$0xD700] =	vst v63  }
0xa6: {  	_ =	swait.ge [sflag:s17], $0x200  }
0xa7: {  	[sflag:s17] =	ssyncset.done $0x0  }
0xa8: {  	[sflag:s17] =	ssyncadd.s32 $0xFFFFFE00  }
0xa9: {  	_ =	swait.ge [sflag:s17], $0x200  }
0xaa: {  	[sflag:s17] =	ssyncset.done $0x0  }
0xab: {  	[sflag:s17] =	ssyncadd.s32 $0xFFFFFE00  }
0xac: {  	[tilespmem:s19], [sflag:$0x1] =	stream.indirect.gather [hbm4b:s4+s18], $0x20, s15, s18, $0xb8;
	[tilespmem:$0xD700] =	vst v63  }
0xad: {  	s31 =	simm.s32 $0x4F80  }
0xae: {  	[tilespmem:s21], [sflag:$0x1] =	stream.indirect.gather [hbm4b:s4+s18], $0x20, s31, s18, $0xb8;
	[tilespmem:$0xD700] =	vst v63  }
.Ltmp3:
0xaf: {  	_ = 	snop;
	(pc) =	sbr.rel .LBB2_2-.Ltmp3, $4  }
0xb0: {  	s31 =	simm.s32 $0x5000  }
0xb1: {  	[tilespmem:s23], [sflag:$0x1] =	stream.indirect.gather [hbm4b:s4+s18], $0x20, s31, s18, $0xb8;
	[tilespmem:$0xD700] =	vst v63  }
0xb2: {  	s30 =	sadd.s32 $0x80, s30;
	s31 =	simm.s32 $0x5080  }
0xb3: {  	[tilespmem:s25], [sflag:$0x1] =	stream.indirect.gather [hbm4b:s4+s18], $0x20, s31, s18, $0xb8;
	[tilespmem:$0xD700] =	vst v63  }
.LBB2_5:
0xb4: {  	_ =	sfence.sel $0x180000  }
0xb5: {  	[bflag:$0x0] =	sbarrier.arrive $0xFFFF  }
0xb6: {  	_ =	strace $0x9000004A  }
0xb7: {  	s0 =	stileid.u32;
	[bflag:$0x2] =	sbarrier.arrive $0xFFFF  }
0xb8: {  	p0 =	sne.s32 s0, $0x0;
	s0 =	rddreg [dreg:$0x2]  }
0xb9: {  	s0 =	sadd.s32 @!p0 $0x100000, s0  }
0xba: {  	[sflag:s0] =	ssyncadd.tile.s32 @!p0 $0x1;
	_ =	shalt  }
.Lfunc_end2:
_tile_overlayer_lowered:
.L_overlay_start_2:
0xbb: {  	(tag) =	ssettag $0x2  }
0xbc: {  	s0 =	rddreg [dreg:$0x0];
	s2 =	stileid.u32  }
0xbd: {  	s1 =	rddreg [dreg:$0x1];
	p0 =	sne.s32 s2, $0x0  }
0xbe: {  	s3 =	rddreg [dreg:$0x2];
	[bflag:$0x3] =	sbarrier.arrive $0xFFFF;
	s2 =	simm.s32 @!p0 $0x1C04  }
0xbf: {  	[timem:s3], [sflag:s2] =	dma.local @!p0 [hbm:s0], s1  }
0xc0: {  	s0 =	simm.s32 @!p0 $0x4  }
0xc1: {  	_ =	swait.ge @!p0 [sflag:s0], s1  }
0xc2: {  	s1 =	ssub.s32 @!p0 $0x0, s1;
	[sflag:s0] =	ssyncset.done @!p0 $0x0  }
0xc3: {  	[sflag:s0] =	ssyncadd.s32 @!p0 s1  }
0xc4: {  	[bflag:$0x3] =	sbarrier.arrive $0xFFFF  }
0xc5: {  	_ =	shalt  }

// kernel: kernel.14.cloned.1.call-start
scs
__scs_entry_jumppad:
0x0: {  	(pc) =	sbr.rel $0x88, $3  }
0x1: {  	(tag) =	ssettag $0x0;
	lr =	simm.s32 $0x1  }
0x2: {  	[smem:$0x3F95] =	sst lr;
	_ =	strace $0xD0000000  }
0x3: {  	_ = 	snop  }
0x4: {  	_ = 	snop  }
0x5: {  	_ = 	snop  }
0x6: {  	_ = 	snop  }
0x7: {  	_ = 	snop  }
__scs_overlays_trampoline_lowered:
0x8: {  	[smem:$0x3FA4] =	sst s0  }
0x9: {  	[smem:$0x3FA5] =	sst s1  }
0xa: {  	[smem:$0x3FA6] =	sst s2  }
0xb: {  	[smem:$0x3FA7] =	sst s3  }
0xc: {  	[smem:$0x3FA8] =	sst s4  }
0xd: {  	[smem:$0x3FA9] =	sst s5  }
0xe: {  	[smem:$0x3FAA] =	sst s6  }
0xf: {  	[smem:$0x3FAB] =	sst s7  }
0x10: {  	[smem:$0x3FAC] =	sst s8  }
0x11: {  	[smem:$0x3FAD] =	sst s9;
	s0 =	simm.s32 @!p0 $0x0  }
0x12: {  	s1 =	sld [smem:$0x3F93];
	s0 =	simm.s32 @p0 $0x1  }
0x13: {  	[smem:$0x3FAE] =	sst s0;
	s0 =	simm.s32 @!p1 $0x0  }
0x14: {  	s2 =	sld [smem:$0x3F92];
	s0 =	simm.s32 @p1 $0x1  }
0x15: {  	[smem:$0x3FAF] =	sst s0;
	s0 =	simm.s32 @!p2 $0x0  }
0x16: {  	s3 =	sld [smem:$0x3FDB];
	s0 =	simm.s32 @p2 $0x1  }
0x17: {  	s4 =	simm.s32 $0x1BF5;
	[smem:$0x3FB1] =	sst s0  }
0x18: {  	s0 =	sld [smem:$0x3F94];
	_ =	swait.ge [sflag:s4], $0x0  }
0x19: {  	s7 =	sld [smem:$0x3F95]  }
0x1a: {  	s8 =	sadd.s32 $0xFFFFE003, lr  }
0x1b: {  	s9 =	sadd.s32 $0xFFFFFEF7, lr;
	s5 =	simm.s32 $0xFFFFFFFF;
	p2 =	slt.u32 s8, $0xFFFFF086  }
0x1c: {  	p1 =	slt.u32 s9, $0xF7A;
	s5 =	simm.s32 @!p2 $0x0  }
0x1d: {  	s5 =	simm.s32 @p1 $0x1;
	p0 =	seq.s32 s7, s2  }
0x1e: {  	s7 =	smul.u32 @!p0 $0xF7A, s2;
	p2 =	seq.s32 @!p0 s5, $0x0  }
0x1f: {  	s9 =	smul.u32 $0xF7A, s1;
	s8 =	simm.s32 @!p0 $0x1BF5;
	p2 =	por !p2, p0  }
0x20: {  	[sflag:s8] =	ssyncset.s32 @!p0 $0xFFFFF086;
	s6 =	sadd.s32 @!p0 s3, s7;
	s7 =	simm.s32 @!p0 $0x108  }
0x21: {  	s3 =	sadd.s32 s3, s9;
	s6 =	sadd.s32 @!p0 $0x88, s6;
	s7 =	simm.s32 @p2 $0x1082  }
0x22: {  	[simem:s7], [sflag:s8] =	dma.local @!p0 [hbm:s6], $0xF7A  }
0x23: {  	s9 =	sor.u32 $0xD0000000, s2;
	s6 =	simm.s32 $0x108;
	_ =	swait.ge @!p0 [sflag:s8], $0x0  }
0x24: {  	s3 =	sadd.s32 $0x88, s3;
	s6 =	simm.s32 @!p1 $0x1082;
	[sflag:s4] =	ssyncset.s32 $0xFFFFF086  }
0x25: {  	[simem:s6], [sflag:s4] =	dma.local [hbm:s3], $0xF7A  }
0x26: {  	[smem:$0x3F95] =	sst s1;
	(tag) =	ssettag s2;
	_ =	strace s9  }
0x27: {  	s1 =	sld [smem:$0x3FA5]  }
0x28: {  	s2 =	sld [smem:$0x3FA6]  }
0x29: {  	s4 =	sld [smem:$0x3FA8]  }
0x2a: {  	p0 =	seq.s32 s5, $0x0;
	s5 =	sld [smem:$0x3FA9]  }
0x2b: {  	s6 =	sld [smem:$0x3FAA]  }
0x2c: {  	s7 =	sld [smem:$0x3FAB]  }
0x2d: {  	s3 =	simm.s32 $0x108;
	s8 =	sld [smem:$0x3FAC]  }
0x2e: {  	s3 =	simm.s32 @!p0 $0x1082;
	s9 =	sld [smem:$0x3FAD]  }
0x2f: {  	lr =	sadd.s32 s0, s3;
	s0 =	sld [smem:$0x3FA4]  }
0x30: {  	s3 =	sld [smem:$0x3FA7]  }
0x31: {  	[smem:$0x3FB0] =	sst s10  }
0x32: {  	s10 =	sld [smem:$0x3FAE];
	_ =	sdelay $0x3  }
0x33: {  	p0 =	seq.s32 s10, $0x1;
	s10 =	sld [smem:$0x3FB0];
	_ =	sdelay $0x3  }
0x34: {  	[smem:$0x3FB0] =	sst s10  }
0x35: {  	s10 =	sld [smem:$0x3FAF];
	_ =	sdelay $0x3  }
0x36: {  	p1 =	seq.s32 s10, $0x1;
	s10 =	sld [smem:$0x3FB0];
	_ =	sdelay $0x3  }
0x37: {  	[smem:$0x3FB0] =	sst s10  }
0x38: {  	s10 =	sld [smem:$0x3FB1]  }
0x39: {  	_ = 	snop;
	(pc) =	sbr.ind lr, $3  }
0x3a: {  	_ = 	snop  }
0x3b: {  	_ = 	snop  }
0x3c: {  	p2 =	seq.s32 s10, $0x1;
	s10 =	sld [smem:$0x3FB0]  }
0x3d: {  	_ =	shalt  }
0x3e: {  	_ =	shalt  }
0x3f: {  	_ =	shalt  }
0x40: {  	_ =	shalt  }
0x41: {  	_ =	shalt  }
0x42: {  	_ =	shalt  }
0x43: {  	_ =	shalt  }
0x44: {  	_ =	shalt  }
0x45: {  	_ =	shalt  }
0x46: {  	_ =	shalt  }
0x47: {  	_ =	shalt  }
0x48: {  	_ =	shalt  }
0x49: {  	_ =	shalt  }
0x4a: {  	_ =	shalt  }
0x4b: {  	_ =	shalt  }
0x4c: {  	_ =	shalt  }
0x4d: {  	_ =	shalt  }
0x4e: {  	_ =	shalt  }
0x4f: {  	_ =	shalt  }
0x50: {  	_ =	shalt  }
0x51: {  	_ =	shalt  }
0x52: {  	_ =	shalt  }
0x53: {  	_ =	shalt  }
0x54: {  	_ =	shalt  }
0x55: {  	_ =	shalt  }
0x56: {  	_ =	shalt  }
0x57: {  	_ =	shalt  }
0x58: {  	_ =	shalt  }
0x59: {  	_ =	shalt  }
0x5a: {  	_ =	shalt  }
0x5b: {  	_ =	shalt  }
0x5c: {  	_ =	shalt  }
0x5d: {  	_ =	shalt  }
0x5e: {  	_ =	shalt  }
0x5f: {  	_ =	shalt  }
0x60: {  	_ =	shalt  }
0x61: {  	_ =	shalt  }
0x62: {  	_ =	shalt  }
0x63: {  	_ =	shalt  }
0x64: {  	_ =	shalt  }
0x65: {  	_ =	shalt  }
0x66: {  	_ =	shalt  }
0x67: {  	_ =	shalt  }
0x68: {  	_ =	shalt  }
0x69: {  	_ =	shalt  }
0x6a: {  	_ =	shalt  }
0x6b: {  	_ =	shalt  }
0x6c: {  	_ =	shalt  }
0x6d: {  	_ =	shalt  }
0x6e: {  	_ =	shalt  }
0x6f: {  	_ =	shalt  }
0x70: {  	_ =	shalt  }
0x71: {  	_ =	shalt  }
0x72: {  	_ =	shalt  }
0x73: {  	_ =	shalt  }
0x74: {  	_ =	shalt  }
0x75: {  	_ =	shalt  }
0x76: {  	_ =	shalt  }
0x77: {  	_ =	shalt  }
0x78: {  	_ =	shalt  }
0x79: {  	_ =	shalt  }
0x7a: {  	_ =	shalt  }
0x7b: {  	_ =	shalt  }
0x7c: {  	_ =	shalt  }
0x7d: {  	_ =	shalt  }
0x7e: {  	_ =	shalt  }
0x7f: {  	_ =	shalt  }
0x80: {  	_ =	shalt  }
0x81: {  	_ =	shalt  }
0x82: {  	_ =	shalt  }
0x83: {  	_ =	shalt  }
0x84: {  	_ =	shalt  }
0x85: {  	_ =	shalt  }
0x86: {  	_ =	shalt  }
0x87: {  	_ =	shalt  }
.Lfunc_end0:
.L_simem_size_0:
called_computation.2_lowered:
.L_overlay_start_0:
0x88: {  	s2 =	sld [smem:$0x3FD9]  }
0x89: {  	s3 =	sld [smem:$0x3FFE];
	_ =	sdelay $0x1  }
0x8a: {  	s1 =	srdreg.scid  }
0x8b: {  	s0 =	sand.u32 $0x1, s1  }
0x8c: {  	s16 =	sshll.u32 s0, $0xA;
	s2 =	sadd.s32 s3, s2  }
0x8d: {  	s2 =	sadd.s32 s2, s16  }
0x8e: {  	[smem:$0x3FBC] =	sst s2  }
0x8f: {  	_ = 	snop  }
0x90: {  	(tm) =	ssettm $0x1  }
0x91: {  	s17 =	sld [smem:$0x3FFB];
	_ =	sdelay $0x3  }
0x92: {  	_ =	strace s17  }
0x93: {  	s2 =	sld [smem:$0x3FFC];
	_ =	sdelay $0x3  }
0x94: {  	_ =	strace s2  }
0x95: {  	s2 =	sld [smem:$0x3FFD];
	_ =	sdelay $0x3  }
0x96: {  	_ =	strace s2  }
0x97: {  	_ =	strace $0x8FFFFFFF  }
0x98: {  	s18 =	sld [smem:$0x3FDB];
	_ =	sdelay $0x1  }
0x99: {  	s19 =	simm.s32 $_scs_section_size  }
0x9a: {  	s4 =	simm.s32 $_size__tile_overlayer_lowered;
	s5 =	simm.s32 $_tile_overlayer_lowered  }
0x9b: {  	s22 =	simm.s32 $0x1BFF;
	s21 =	sshll.u32 s5, $0x1;
	s2 =	sadd.s32 s19, s18  }
0x9c: {  	s6 =	simm.s32 $0x0;
	s20 =	sshll.u32 s4, $0x1;
	s4 =	sadd.s32 s21, s2  }
0x9d: {  	[timem:s6], [sflag:s22] =	dma.local [hbm:s4], s20  }
0x9e: {  	_ =	swait.ge [sflag:s22], s20  }
0x9f: {  	s3 =	ssub.s32 $0x0, s20;
	[sflag:s22] =	ssyncset.done $0x0  }
0xa0: {  	[sflag:s22] =	ssyncadd.s32 s3;
	_ =	sdelay $0x1  }
0xa1: {  	s23 =	simm.s32 $0x1B8B  }
0xa2: {  	_ =	swait.ge [sflag:s23], $0x1  }
0xa3: {  	[sflag:s23] =	ssyncset.done $0x0  }
0xa4: {  	s25 =	simm.s32 $0x1B8E;
	s24 =	sld [smem:$0x3FFE];
	[sflag:s23] =	ssyncadd.s32 $0xFFFFFFFF  }
0xa5: {  	s26 =	simm.s32 $execute0_lowered;
	[smem:$0x3FD2] =	sst s25  }
0xa6: {  	s4 =	sshll.u32 s26, $0x1;
	_ =	strace $0x8000004C;
	[dreg:$0x1] =	wrdreg $0xFFFFFFFF  }
0xa7: {  	s28 =	simm.s32 $_size_execute0_lowered;
	s2 =	sadd.s32 s2, s4;
	[dreg:$0x0] =	wrdreg $0x0  }
0xa8: {  	s4 =	sshll.u32 s28, $0x1;
	[dreg:$0x2] =	wrdreg s2  }
0xa9: {  	[dreg:$0x3] =	wrdreg s4  }
0xaa: {  	[dreg:$0x4] =	wrdreg $0xC0  }
0xab: {  	_ =	task [dreg:s6], $0x5FFFF  }
0xac: {  	[dreg:$0x1] =	wrdreg $0xFFFFFFFF  }
0xad: {  	[dreg:$0x0] =	wrdreg $0x60  }
0xae: {  	[dreg:$0x2] =	wrdreg s24  }
0xaf: {  	[dreg:$0x3] =	wrdreg $0x0  }
0xb0: {  	[dreg:$0x4] =	wrdreg $0x9  }
0xb1: {  	_ =	task.clear_ibuf [dreg:s6], $0x5FFFF;
	_ =	strace $0x9000004C  }
0xb2: {  	s29 =	simm.s32 $0x9;
	_ =	strace $0x8000004E  }
0xb3: {  	_ =	swait.ge [sflag:s29], $0x1  }
0xb4: {  	[sflag:s29] =	ssyncadd.s32 $0xFFFFFFFF  }
0xb5: {  	_ =	strace $0x9000004E  }
0xb6: {  	_ =	sfence  }
0xb7: {  	s30 =	sld [smem:$0x0];
	_ =	sdelay $0x2  }
0xb8: {  	s31 =	sshll.u32 s1, $0xD;
	s1 =	sshrl.u32 s1, $0x2  }
0xb9: {  	s3 =	sand.u32 $0x4000, s31;
	s1 =	sadd.s32 s1, s30  }
0xba: {  	s0 =	sor.u32 s3, s0;
	s1 =	sshll.u32 s1, $0x11  }
0xbb: {  	s0 =	sor.u32 s1, s0  }
0xbc: {  	s0 =	sadd.s32 $0x8F2B, s0  }
0xbd: {  	[sflag:s0] =	ssyncadd.remote.s32 $0x1  }
0xbe: {  	_ =	sfence.sel $0xFFFF  }
0xbf: {  	[dreg:$0x0] =	wrdreg $0xFFFFFFFF;
	(pc) =	sbr.abs _section_cstart, $3  }
0xc0: {  	[dreg:$0x1] =	wrdreg $0xFFFFFFFF  }
0xc1: {  	_ =	task.clear_ibuf [dreg:s6], $0x2FFFF;
	_ =	strace $0x9FFFFFFF  }
0xc2: {  	(tm) =	ssettm $0x7FFFFFFF  }
0xc3: {  	_ =	shalt  }
tec
execute0_lowered:
.L_overlay_start_1:
0x0: {  	(tag) =	ssettag $0x1  }
0x1: {  	s0 =	srdreg.scid;
	s1 =	rddreg [dreg:$0x0]  }
0x2: {  	s9 =	stileid.u32;
	s2 =	rddreg [dreg:$0x1]  }
0x3: {  	s3 =	simm.s32 $0x0;
	s15 =	simm.s32 $0x4F00;
	s16 =	simm.s32 $0x5100  }
0x4: {  	s17 =	simm.s32 $0x3;
	s18 =	simm.s32 $0x80;
	s19 =	simm.s32 $0x5700  }
0x5: {  	s28 =	simm.s32 $0x5300;
	s29 =	simm.s32 $0x5500;
	s5 =	smul.u32 $0xA0, s9  }
0x6: {  	s13 =	simm.s32 $0xC700;
	s14 =	simm.s32 $0x2;
	s6 =	smul.u32 $0xA00, s9  }
0x7: {  	s20 =	simm.s32 $0x5580;
	s0 =	sand.u32 $0x1, s0;
	s21 =	smul.u32 $0x9E0, s9  }
0x8: {  	[smem:$0x7FF] =	sst s3;
	s22 =	smul.u32 $0x13C00, s9;
	s10 =	sadd.s32 $0xCA200, s1  }
0x9: {  	s25 =	sshll.u32 s9, $0x6;
	s9 =	simm.s32 $0x5400;
	s4 =	smul.u32 $0xA00, s0  }
0xa: {  	_ =	strace $0x8000004D;
	s8 =	smul.u32 $0x9E00, s0;
	s0 =	ssub.s32 $0x2, s0  }
0xb: {  	[dreg:$0x3] =	wrdreg s10;
	s30 =	sor.u32 $0x1C04, s25;
	s25 =	simm.s32 $0x8700  }
0xc: {  	s10 =	simm.s32 $0xB700;
	s6 =	sadd.s32 s6, s1;
	s23 =	sshrl.u32 s0, $0x1  }
0xd: {  	s24 =	sshrl.u32 s22, $0x2;
	s22 =	simm.s32 $0x5600;
	[dreg:$0x4] =	wrdreg s30  }
0xe: {  	s4 =	sadd.s32 s5, s4;
	s5 =	sadd.s32 s21, s8;
	s0 =	ssub.s32 s0, s23  }
0xf: {  	s8 =	sadd.s32 $0xC0200, s6;
	s21 =	simm.s32 $0x6700;
	s23 =	simm.s32 $0x7700  }
0x10: {  	s6 =	simm.s32 $0x5480;
	s7 =	sshll.u32 s4, $0x4;
	s4 =	sadd.s32 $0x1C00, s1  }
0x11: {  	s0 =	smax.u32 s0, $0x1;
	s7 =	sadd.s32 s7, s1;
	s1 =	sadd.s32 s5, s1  }
0x12: {  	s5 =	sadd.s32 s24, s2;
	[dreg:$0x7] =	wrdreg s0;
	s0 =	simm.s32 $0x9700  }
.Ltmp0:
0x13: {  	s24 =	simm.s32 $0x5680;
	s26 =	sadd.s32 $0xCAC00, s7;
	(pc) =	sbr.rel .LBB2_1-.Ltmp0, $4  }
0x14: {  	s1 =	sadd.s32 $0x15600, s1;
	s11 =	sadd.s32 $0xCAC80, s7;
	[dreg:$0x5] =	wrdreg s26  }
0x15: {  	s12 =	sadd.s32 $0xCAC40, s7;
	s31 =	sshrl.u32 s5, $0x3;
	[dreg:$0x6] =	wrdreg s1  }
0x16: {  	s5 =	simm.s32 $0x5380;
	s1 =	simm.s32 $0x0;
	[dreg:$0x8] =	wrdreg s31  }
0x17: {  	s7 =	simm.s32 $0xA700;
	s26 =	simm.s32 $0x1;
	[dreg:$0x9] =	wrdreg s1  }
.LBB2_4:
0x18: {  	[spmem:s2] =	stream.indirect.scatter.add.bf16 [tilespmem:s0], [sflag:$0x2], $0x20, s29, s18, $0xb8;
	[tilespmem:$0xD700] =	vst v63  }
0x19: {  	_ = 	snop  }
0x1a: {  	[spmem:s2] =	stream.indirect.scatter.add.bf16 [tilespmem:s7], [sflag:$0x2], $0x20, s20, s18, $0xb8;
	[tilespmem:$0xD700] =	vst v63  }
0x1b: {  	_ = 	snop  }
0x1c: {  	[spmem:s2] =	stream.indirect.scatter.add.bf16 [tilespmem:s10], [sflag:$0x2], $0x20, s22, s18, $0xb8;
	[tilespmem:$0xD700] =	vst v63  }
0x1d: {  	_ = 	snop  }
0x1e: {  	[spmem:s2] =	stream.indirect.scatter.add.bf16 [tilespmem:s13], [sflag:$0x2], $0x20, s24, s18, $0xb8;
	[tilespmem:$0xD700] =	vst v63  }
0x1f: {  	_ =	swait.ge [sflag:s14], $0x1000  }
0x20: {  	[sflag:s14] =	ssyncset.done $0x0  }
0x21: {  	[sflag:s14] =	ssyncadd.s32 $0xFFFFF000  }
0x22: {  	_ =	swait.ge [sflag:s14], $0x1000  }
0x23: {  	[sflag:s14] =	ssyncset.done $0x0  }
0x24: {  	[sflag:s14] =	ssyncadd.s32 $0xFFFFF000  }
0x25: {  	_ =	swait.ge [sflag:s14], $0x1000  }
0x26: {  	[sflag:s14] =	ssyncset.done $0x0  }
0x27: {  	[sflag:s14] =	ssyncadd.s32 $0xFFFFF000  }
0x28: {  	_ =	swait.ge [sflag:s14], $0x1000  }
0x29: {  	[sflag:s14] =	ssyncset.done $0x0  }
0x2a: {  	[sflag:s14] =	ssyncadd.s32 $0xFFFFF000  }
0x2b: {  	[bflag:$0x0] =	sbarrier.arrive $0xFFFF  }
0x2c: {  	s5 =	rddreg [dreg:$0x4]  }
0x2d: {  	s1 =	rddreg [dreg:$0x6]  }
0x2e: {  	s31 =	rddreg [dreg:$0x8]  }
0x2f: {  	[hbm:s1], [sflag:s5] =	dma.local [spmem:s31], $0x9E0  }
0x30: {  	s1 =	simm.s32 $0x4  }
0x31: {  	_ =	swait.ge [sflag:s1], $0x9E0  }
0x32: {  	s30 =	rddreg [dreg:$0x9]  }
0x33: {  	[sflag:s1] =	ssyncset.done $0x0;
	s1 =	rddreg [dreg:$0x7];
	s30 =	sadd.s32 $0x1, s30  }
0x34: {  	p0 =	sne.s32 s30, s1  }
.Ltmp1:
0x35: {  	_ = 	snop;
	(pc) =	sbr.rel @!p0 .LBB2_5-.Ltmp1, $3  }
0x36: {  	_ =	sdelay $0x1  }
0x37: {  	[dreg:$0x9] =	wrdreg s30;
	s1 =	simm.s32 $0x4  }
0x38: {  	s30 =	smov.u32 s5;
	s5 =	simm.s32 $0x5380;
	[sflag:s1] =	ssyncadd.s32 $0xFFFFF620  }
.LBB2_1:
0x39: {  	s1 =	rddreg [dreg:$0x3]  }
0x3a: {  	[spmem:s31], [sflag:s30] =	dma.local [hbm:s1], $0x9E0  }
0x3b: {  	s31 =	simm.s32 $0x4  }
0x3c: {  	_ =	swait.ge [sflag:s31], $0x9E0  }
0x3d: {  	[sflag:s31] =	ssyncset.done $0x0  }
0x3e: {  	[sflag:s31] =	ssyncadd.s32 $0xFFFFF620  }
0x3f: {  	[bflag:$0x0] =	sbarrier.arrive $0xFFFF  }
0x40: {  	s31 =	rddreg [dreg:$0x5]  }
0x41: {  	[tilespmem:s15], [sflag:$0x3] =	stream.linear.gather [hbm4b:s31+s3], $0x200, $0x38;
	[tilespmem:$0xD700] =	vst v63  }
0x42: {  	_ = 	snop  }
0x43: {  	[tilespmem:s16], [sflag:$0x3] =	stream.linear.gather [hbm4b:s8+s3], $0x200, $0x38;
	[tilespmem:$0xD700] =	vst v63  }
0x44: {  	_ =	swait.ge [sflag:s17], $0x200  }
0x45: {  	[sflag:s17] =	ssyncset.done $0x0  }
0x46: {  	[sflag:s17] =	ssyncadd.s32 $0xFFFFFE00  }
0x47: {  	_ =	swait.ge [sflag:s17], $0x200  }
0x48: {  	[sflag:s17] =	ssyncset.done $0x0  }
0x49: {  	[sflag:s17] =	ssyncadd.s32 $0xFFFFFE00  }
0x4a: {  	[tilespmem:s19], [sflag:$0x1] =	stream.indirect.gather [hbm4b:s4+s18], $0x20, s15, s18, $0xb8;
	[tilespmem:$0xD700] =	vst v63  }
0x4b: {  	s31 =	simm.s32 $0x4F80  }
0x4c: {  	[tilespmem:s21], [sflag:$0x1] =	stream.indirect.gather [hbm4b:s4+s18], $0x20, s31, s18, $0xb8;
	[tilespmem:$0xD700] =	vst v63  }
0x4d: {  	s31 =	simm.s32 $0x5000  }
0x4e: {  	[tilespmem:s23], [sflag:$0x1] =	stream.indirect.gather [hbm4b:s4+s18], $0x20, s31, s18, $0xb8;
	[tilespmem:$0xD700] =	vst v63  }
0x4f: {  	s30 =	simm.s32 $0x0;
	s31 =	simm.s32 $0x5080  }
0x50: {  	[tilespmem:s25], [sflag:$0x1] =	stream.indirect.gather [hbm4b:s4+s18], $0x20, s31, s18, $0xb8;
	[tilespmem:$0xD700] =	vst v63  }
.LBB2_2:
0x51: {  	_ =	swait.ge [sflag:s26], $0x1000  }
0x52: {  	[sflag:s26] =	ssyncset.done $0x0  }
0x53: {  	[sflag:s26] =	ssyncadd.s32 $0xFFFFF000  }
0x54: {  	_ =	swait.ge [sflag:s26], $0x1000  }
0x55: {  	[sflag:s26] =	ssyncset.done $0x0  }
0x56: {  	[sflag:s26] =	ssyncadd.s32 $0xFFFFF000  }
0x57: {  	_ =	swait.ge [sflag:s26], $0x1000  }
0x58: {  	[sflag:s26] =	ssyncset.done $0x0  }
0x59: {  	[sflag:s26] =	ssyncadd.s32 $0xFFFFF000  }
0x5a: {  	_ =	swait.ge [sflag:s26], $0x1000  }
0x5b: {  	p0 =	seq.s32 s30, $0x0;
	[sflag:s26] =	ssyncset.done $0x0  }
0x5c: {  	s31 =	simm.s32 @!p0 $0x2;
	[sflag:s26] =	ssyncadd.s32 $0xFFFFF000  }
0x5d: {  	_ =	swait.ge @!p0 [sflag:s31], $0x1000  }
0x5e: {  	[sflag:s31] =	ssyncset.done @!p0 $0x0  }
0x5f: {  	[sflag:s31] =	ssyncadd.s32 @!p0 $0xFFFFF000  }
0x60: {  	_ =	swait.ge @!p0 [sflag:s31], $0x1000  }
0x61: {  	[sflag:s31] =	ssyncset.done @!p0 $0x0  }
0x62: {  	[sflag:s31] =	ssyncadd.s32 @!p0 $0xFFFFF000  }
0x63: {  	_ =	swait.ge @!p0 [sflag:s31], $0x1000  }
0x64: {  	[sflag:s31] =	ssyncset.done @!p0 $0x0  }
0x65: {  	[sflag:s31] =	ssyncadd.s32 @!p0 $0xFFFFF000  }
0x66: {  	_ =	swait.ge @!p0 [sflag:s31], $0x1000  }
0x67: {  	[sflag:s31] =	ssyncset.done @!p0 $0x0  }
0x68: {  	[sflag:s31] =	ssyncadd.s32 @!p0 $0xFFFFF000;
	s31 =	sadd.s32 s30, s12  }
0x69: {  	[tilespmem:s28], [sflag:$0x3] =	stream.linear.gather [hbm4b:s31+s3], $0x200, $0x38;
	[tilespmem:$0xD700] =	vst v63  }
0x6a: {  	s31 =	sadd.s32 s30, s8  }
0x6b: {  	s1 =	sadd.s32 $0x40, s31  }
0x6c: {  	[tilespmem:s29], [sflag:$0x3] =	stream.linear.gather [hbm4b:s1+s3], $0x200, $0x38;
	[tilespmem:$0xD700] =	vst v63  }
0x6d: {  	_ = 	snop  }
0x6e: {  	[spmem:s2] =	stream.indirect.scatter.add.bf16 [tilespmem:s19], [sflag:$0x2], $0x20, s16, s18, $0xb8;
	[tilespmem:$0xD700] =	vst v63  }
0x6f: {  	s1 =	simm.s32 $0x5180  }
0x70: {  	[spmem:s2] =	stream.indirect.scatter.add.bf16 [tilespmem:s21], [sflag:$0x2], $0x20, s1, s18, $0xb8;
	[tilespmem:$0xD700] =	vst v63  }
0x71: {  	s1 =	simm.s32 $0x5200  }
0x72: {  	[spmem:s2] =	stream.indirect.scatter.add.bf16 [tilespmem:s23], [sflag:$0x2], $0x20, s1, s18, $0xb8;
	[tilespmem:$0xD700] =	vst v63  }
0x73: {  	s1 =	simm.s32 $0x5280  }
0x74: {  	[spmem:s2] =	stream.indirect.scatter.add.bf16 [tilespmem:s25], [sflag:$0x2], $0x20, s1, s18, $0xb8;
	[tilespmem:$0xD700] =	vst v63  }
0x75: {  	_ =	swait.ge [sflag:s17], $0x200  }
0x76: {  	[sflag:s17] =	ssyncset.done $0x0  }
0x77: {  	[sflag:s17] =	ssyncadd.s32 $0xFFFFFE00  }
0x78: {  	_ =	swait.ge [sflag:s17], $0x200  }
0x79: {  	[sflag:s17] =	ssyncset.done $0x0  }
0x7a: {  	[sflag:s17] =	ssyncadd.s32 $0xFFFFFE00  }
0x7b: {  	[tilespmem:s0], [sflag:$0x1] =	stream.indirect.gather [hbm4b:s4+s18], $0x20, s28, s18, $0xb8;
	[tilespmem:$0xD700] =	vst v63  }
0x7c: {  	_ = 	snop  }
0x7d: {  	[tilespmem:s7], [sflag:$0x1] =	stream.indirect.gather [hbm4b:s4+s18], $0x20, s5, s18, $0xb8;
	[tilespmem:$0xD700] =	vst v63  }
0x7e: {  	_ = 	snop  }
0x7f: {  	[tilespmem:s10], [sflag:$0x1] =	stream.indirect.gather [hbm4b:s4+s18], $0x20, s9, s18, $0xb8;
	[tilespmem:$0xD700] =	vst v63  }
0x80: {  	_ = 	snop  }
0x81: {  	[tilespmem:s13], [sflag:$0x1] =	stream.indirect.gather [hbm4b:s4+s18], $0x20, s6, s18, $0xb8;
	[tilespmem:$0xD700] =	vst v63  }
0x82: {  	_ =	swait.ge [sflag:s26], $0x1000  }
0x83: {  	[sflag:s26] =	ssyncset.done $0x0  }
0x84: {  	[sflag:s26] =	ssyncadd.s32 $0xFFFFF000  }
0x85: {  	_ =	swait.ge [sflag:s26], $0x1000  }
0x86: {  	[sflag:s26] =	ssyncset.done $0x0  }
0x87: {  	[sflag:s26] =	ssyncadd.s32 $0xFFFFF000  }
0x88: {  	_ =	swait.ge [sflag:s26], $0x1000  }
0x89: {  	[sflag:s26] =	ssyncset.done $0x0  }
0x8a: {  	[sflag:s26] =	ssyncadd.s32 $0xFFFFF000  }
0x8b: {  	_ =	swait.ge [sflag:s26], $0x1000  }
0x8c: {  	[sflag:s26] =	ssyncset.done $0x0  }
0x8d: {  	[sflag:s26] =	ssyncadd.s32 $0xFFFFF000  }
0x8e: {  	_ =	swait.ge [sflag:s14], $0x1000  }
0x8f: {  	[sflag:s14] =	ssyncset.done $0x0  }
0x90: {  	[sflag:s14] =	ssyncadd.s32 $0xFFFFF000  }
0x91: {  	_ =	swait.ge [sflag:s14], $0x1000  }
0x92: {  	[sflag:s14] =	ssyncset.done $0x0  }
0x93: {  	[sflag:s14] =	ssyncadd.s32 $0xFFFFF000  }
0x94: {  	p0 =	seq.s32 s30, $0x980;
	_ =	swait.ge [sflag:s14], $0x1000  }
.Ltmp2:
0x95: {  	[sflag:s14] =	ssyncset.done $0x0;
	(pc) =	sbr.rel @p0 .LBB2_4-.Ltmp2, $4  }
0x96: {  	[sflag:s14] =	ssyncadd.s32 $0xFFFFF000  }
0x97: {  	_ =	swait.ge [sflag:s14], $0x1000  }
0x98: {  	[sflag:s14] =	ssyncset.done $0x0  }
0x99: {  	[sflag:s14] =	ssyncadd.s32 $0xFFFFF000  }
0x9a: {  	s1 =	sadd.s32 s30, s11  }
0x9b: {  	[tilespmem:s15], [sflag:$0x3] =	stream.linear.gather [hbm4b:s1+s3], $0x200, $0x38;
	[tilespmem:$0xD700] =	vst v63  }
0x9c: {  	s31 =	sadd.s32 $0x80, s31  }
0x9d: {  	[tilespmem:s16], [sflag:$0x3] =	stream.linear.gather [hbm4b:s31+s3], $0x200, $0x38;
	[tilespmem:$0xD700] =	vst v63  }
0x9e: {  	_ = 	snop  }
0x9f: {  	[spmem:s2] =	stream.indirect.scatter.add.bf16 [tilespmem:s0], [sflag:$0x2], $0x20, s29, s18, $0xb8;
	[tilespmem:$0xD700] =	vst v63  }
0xa0: {  	_ = 	snop  }
0xa1: {  	[spmem:s2] =	stream.indirect.scatter.add.bf16 [tilespmem:s7], [sflag:$0x2], $0x20, s20, s18, $0xb8;
	[tilespmem:$0xD700] =	vst v63  }
0xa2: {  	_ = 	snop  }
0xa3: {  	[spmem:s2] =	stream.indirect.scatter.add.bf16 [tilespmem:s10], [sflag:$0x2], $0x20, s22, s18, $0xb8;
	[tilespmem:$0xD700] =	vst v63  }
0xa4: {  	_ = 	snop  }
0xa5: {  	[spmem:s2] =	stream.indirect.scatter.add.bf16 [tilespmem:s13], [sflag:$0x2], $0x20, s24, s18, $0xb8;
	[tilespmem:$0xD700] =	vst v63  }
0xa6: {  	_ =	swait.ge [sflag:s17], $0x200  }
0xa7: {  	[sflag:s17] =	ssyncset.done $0x0  }
0xa8: {  	[sflag:s17] =	ssyncadd.s32 $0xFFFFFE00  }
0xa9: {  	_ =	swait.ge [sflag:s17], $0x200  }
0xaa: {  	[sflag:s17] =	ssyncset.done $0x0  }
0xab: {  	[sflag:s17] =	ssyncadd.s32 $0xFFFFFE00  }
0xac: {  	[tilespmem:s19], [sflag:$0x1] =	stream.indirect.gather [hbm4b:s4+s18], $0x20, s15, s18, $0xb8;
	[tilespmem:$0xD700] =	vst v63  }
0xad: {  	s31 =	simm.s32 $0x4F80  }
0xae: {  	[tilespmem:s21], [sflag:$0x1] =	stream.indirect.gather [hbm4b:s4+s18], $0x20, s31, s18, $0xb8;
	[tilespmem:$0xD700] =	vst v63  }
.Ltmp3:
0xaf: {  	_ = 	snop;
	(pc) =	sbr.rel .LBB2_2-.Ltmp3, $4  }
0xb0: {  	s31 =	simm.s32 $0x5000  }
0xb1: {  	[tilespmem:s23], [sflag:$0x1] =	stream.indirect.gather [hbm4b:s4+s18], $0x20, s31, s18, $0xb8;
	[tilespmem:$0xD700] =	vst v63  }
0xb2: {  	s30 =	sadd.s32 $0x80, s30;
	s31 =	simm.s32 $0x5080  }
0xb3: {  	[tilespmem:s25], [sflag:$0x1] =	stream.indirect.gather [hbm4b:s4+s18], $0x20, s31, s18, $0xb8;
	[tilespmem:$0xD700] =	vst v63  }
.LBB2_5:
0xb4: {  	_ =	sfence.sel $0x180000  }
0xb5: {  	[bflag:$0x0] =	sbarrier.arrive $0xFFFF  }
0xb6: {  	_ =	strace $0x9000004D  }
0xb7: {  	s0 =	stileid.u32;
	[bflag:$0x2] =	sbarrier.arrive $0xFFFF  }
0xb8: {  	p0 =	sne.s32 s0, $0x0;
	s0 =	rddreg [dreg:$0x2]  }
0xb9: {  	s0 =	sadd.s32 @!p0 $0x100000, s0  }
0xba: {  	[sflag:s0] =	ssyncadd.tile.s32 @!p0 $0x1;
	_ =	shalt  }
.Lfunc_end2:
_tile_overlayer_lowered:
.L_overlay_start_2:
0xbb: {  	(tag) =	ssettag $0x2  }
0xbc: {  	s0 =	rddreg [dreg:$0x0];
	s2 =	stileid.u32  }
0xbd: {  	s1 =	rddreg [dreg:$0x1];
	p0 =	sne.s32 s2, $0x0  }
0xbe: {  	s3 =	rddreg [dreg:$0x2];
	[bflag:$0x3] =	sbarrier.arrive $0xFFFF;
	s2 =	simm.s32 @!p0 $0x1C04  }
0xbf: {  	[timem:s3], [sflag:s2] =	dma.local @!p0 [hbm:s0], s1  }
0xc0: {  	s0 =	simm.s32 @!p0 $0x4  }
0xc1: {  	_ =	swait.ge @!p0 [sflag:s0], s1  }
0xc2: {  	s1 =	ssub.s32 @!p0 $0x0, s1;
	[sflag:s0] =	ssyncset.done @!p0 $0x0  }
0xc3: {  	[sflag:s0] =	ssyncadd.s32 @!p0 s1  }
0xc4: {  	[bflag:$0x3] =	sbarrier.arrive $0xFFFF  }
0xc5: {  	_ =	shalt  }

// kernel: kernel.8.cloned.1.call-start
scs
__scs_entry_jumppad:
0x0: {  	(pc) =	sbr.rel $0x88, $3  }
0x1: {  	(tag) =	ssettag $0x0;
	lr =	simm.s32 $0x1  }
0x2: {  	[smem:$0x3F95] =	sst lr;
	_ =	strace $0xD0000000  }
0x3: {  	_ = 	snop  }
0x4: {  	_ = 	snop  }
0x5: {  	_ = 	snop  }
0x6: {  	_ = 	snop  }
0x7: {  	_ = 	snop  }
__scs_overlays_trampoline_lowered:
0x8: {  	[smem:$0x3FA4] =	sst s0  }
0x9: {  	[smem:$0x3FA5] =	sst s1  }
0xa: {  	[smem:$0x3FA6] =	sst s2  }
0xb: {  	[smem:$0x3FA7] =	sst s3  }
0xc: {  	[smem:$0x3FA8] =	sst s4  }
0xd: {  	[smem:$0x3FA9] =	sst s5  }
0xe: {  	[smem:$0x3FAA] =	sst s6  }
0xf: {  	[smem:$0x3FAB] =	sst s7  }
0x10: {  	[smem:$0x3FAC] =	sst s8  }
0x11: {  	[smem:$0x3FAD] =	sst s9;
	s0 =	simm.s32 @!p0 $0x0  }
0x12: {  	s1 =	sld [smem:$0x3F93];
	s0 =	simm.s32 @p0 $0x1  }
0x13: {  	[smem:$0x3FAE] =	sst s0;
	s0 =	simm.s32 @!p1 $0x0  }
0x14: {  	s2 =	sld [smem:$0x3F92];
	s0 =	simm.s32 @p1 $0x1  }
0x15: {  	[smem:$0x3FAF] =	sst s0;
	s0 =	simm.s32 @!p2 $0x0  }
0x16: {  	s3 =	sld [smem:$0x3FDB];
	s0 =	simm.s32 @p2 $0x1  }
0x17: {  	s4 =	simm.s32 $0x1BF5;
	[smem:$0x3FB1] =	sst s0  }
0x18: {  	s0 =	sld [smem:$0x3F94];
	_ =	swait.ge [sflag:s4], $0x0  }
0x19: {  	s7 =	sld [smem:$0x3F95]  }
0x1a: {  	s8 =	sadd.s32 $0xFFFFE003, lr  }
0x1b: {  	s9 =	sadd.s32 $0xFFFFFEF7, lr;
	s5 =	simm.s32 $0xFFFFFFFF;
	p2 =	slt.u32 s8, $0xFFFFF086  }
0x1c: {  	p1 =	slt.u32 s9, $0xF7A;
	s5 =	simm.s32 @!p2 $0x0  }
0x1d: {  	s5 =	simm.s32 @p1 $0x1;
	p0 =	seq.s32 s7, s2  }
0x1e: {  	s7 =	smul.u32 @!p0 $0xF7A, s2;
	p2 =	seq.s32 @!p0 s5, $0x0  }
0x1f: {  	s9 =	smul.u32 $0xF7A, s1;
	s8 =	simm.s32 @!p0 $0x1BF5;
	p2 =	por !p2, p0  }
0x20: {  	[sflag:s8] =	ssyncset.s32 @!p0 $0xFFFFF086;
	s6 =	sadd.s32 @!p0 s3, s7;
	s7 =	simm.s32 @!p0 $0x108  }
0x21: {  	s3 =	sadd.s32 s3, s9;
	s6 =	sadd.s32 @!p0 $0x88, s6;
	s7 =	simm.s32 @p2 $0x1082  }
0x22: {  	[simem:s7], [sflag:s8] =	dma.local @!p0 [hbm:s6], $0xF7A  }
0x23: {  	s9 =	sor.u32 $0xD0000000, s2;
	s6 =	simm.s32 $0x108;
	_ =	swait.ge @!p0 [sflag:s8], $0x0  }
0x24: {  	s3 =	sadd.s32 $0x88, s3;
	s6 =	simm.s32 @!p1 $0x1082;
	[sflag:s4] =	ssyncset.s32 $0xFFFFF086  }
0x25: {  	[simem:s6], [sflag:s4] =	dma.local [hbm:s3], $0xF7A  }
0x26: {  	[smem:$0x3F95] =	sst s1;
	(tag) =	ssettag s2;
	_ =	strace s9  }
0x27: {  	s1 =	sld [smem:$0x3FA5]  }
0x28: {  	s2 =	sld [smem:$0x3FA6]  }
0x29: {  	s4 =	sld [smem:$0x3FA8]  }
0x2a: {  	p0 =	seq.s32 s5, $0x0;
	s5 =	sld [smem:$0x3FA9]  }
0x2b: {  	s6 =	sld [smem:$0x3FAA]  }
0x2c: {  	s7 =	sld [smem:$0x3FAB]  }
0x2d: {  	s3 =	simm.s32 $0x108;
	s8 =	sld [smem:$0x3FAC]  }
0x2e: {  	s3 =	simm.s32 @!p0 $0x1082;
	s9 =	sld [smem:$0x3FAD]  }
0x2f: {  	lr =	sadd.s32 s0, s3;
	s0 =	sld [smem:$0x3FA4]  }
0x30: {  	s3 =	sld [smem:$0x3FA7]  }
0x31: {  	[smem:$0x3FB0] =	sst s10  }
0x32: {  	s10 =	sld [smem:$0x3FAE];
	_ =	sdelay $0x3  }
0x33: {  	p0 =	seq.s32 s10, $0x1;
	s10 =	sld [smem:$0x3FB0];
	_ =	sdelay $0x3  }
0x34: {  	[smem:$0x3FB0] =	sst s10  }
0x35: {  	s10 =	sld [smem:$0x3FAF];
	_ =	sdelay $0x3  }
0x36: {  	p1 =	seq.s32 s10, $0x1;
	s10 =	sld [smem:$0x3FB0];
	_ =	sdelay $0x3  }
0x37: {  	[smem:$0x3FB0] =	sst s10  }
0x38: {  	s10 =	sld [smem:$0x3FB1]  }
0x39: {  	_ = 	snop;
	(pc) =	sbr.ind lr, $3  }
0x3a: {  	_ = 	snop  }
0x3b: {  	_ = 	snop  }
0x3c: {  	p2 =	seq.s32 s10, $0x1;
	s10 =	sld [smem:$0x3FB0]  }
0x3d: {  	_ =	shalt  }
0x3e: {  	_ =	shalt  }
0x3f: {  	_ =	shalt  }
0x40: {  	_ =	shalt  }
0x41: {  	_ =	shalt  }
0x42: {  	_ =	shalt  }
0x43: {  	_ =	shalt  }
0x44: {  	_ =	shalt  }
0x45: {  	_ =	shalt  }
0x46: {  	_ =	shalt  }
0x47: {  	_ =	shalt  }
0x48: {  	_ =	shalt  }
0x49: {  	_ =	shalt  }
0x4a: {  	_ =	shalt  }
0x4b: {  	_ =	shalt  }
0x4c: {  	_ =	shalt  }
0x4d: {  	_ =	shalt  }
0x4e: {  	_ =	shalt  }
0x4f: {  	_ =	shalt  }
0x50: {  	_ =	shalt  }
0x51: {  	_ =	shalt  }
0x52: {  	_ =	shalt  }
0x53: {  	_ =	shalt  }
0x54: {  	_ =	shalt  }
0x55: {  	_ =	shalt  }
0x56: {  	_ =	shalt  }
0x57: {  	_ =	shalt  }
0x58: {  	_ =	shalt  }
0x59: {  	_ =	shalt  }
0x5a: {  	_ =	shalt  }
0x5b: {  	_ =	shalt  }
0x5c: {  	_ =	shalt  }
0x5d: {  	_ =	shalt  }
0x5e: {  	_ =	shalt  }
0x5f: {  	_ =	shalt  }
0x60: {  	_ =	shalt  }
0x61: {  	_ =	shalt  }
0x62: {  	_ =	shalt  }
0x63: {  	_ =	shalt  }
0x64: {  	_ =	shalt  }
0x65: {  	_ =	shalt  }
0x66: {  	_ =	shalt  }
0x67: {  	_ =	shalt  }
0x68: {  	_ =	shalt  }
0x69: {  	_ =	shalt  }
0x6a: {  	_ =	shalt  }
0x6b: {  	_ =	shalt  }
0x6c: {  	_ =	shalt  }
0x6d: {  	_ =	shalt  }
0x6e: {  	_ =	shalt  }
0x6f: {  	_ =	shalt  }
0x70: {  	_ =	shalt  }
0x71: {  	_ =	shalt  }
0x72: {  	_ =	shalt  }
0x73: {  	_ =	shalt  }
0x74: {  	_ =	shalt  }
0x75: {  	_ =	shalt  }
0x76: {  	_ =	shalt  }
0x77: {  	_ =	shalt  }
0x78: {  	_ =	shalt  }
0x79: {  	_ =	shalt  }
0x7a: {  	_ =	shalt  }
0x7b: {  	_ =	shalt  }
0x7c: {  	_ =	shalt  }
0x7d: {  	_ =	shalt  }
0x7e: {  	_ =	shalt  }
0x7f: {  	_ =	shalt  }
0x80: {  	_ =	shalt  }
0x81: {  	_ =	shalt  }
0x82: {  	_ =	shalt  }
0x83: {  	_ =	shalt  }
0x84: {  	_ =	shalt  }
0x85: {  	_ =	shalt  }
0x86: {  	_ =	shalt  }
0x87: {  	_ =	shalt  }
.Lfunc_end0:
.L_simem_size_0:
called_computation_lowered:
.L_overlay_start_0:
0x88: {  	s2 =	sld [smem:$0x3FD9]  }
0x89: {  	s3 =	sld [smem:$0x3FFE];
	_ =	sdelay $0x1  }
0x8a: {  	s1 =	srdreg.scid  }
0x8b: {  	s0 =	sand.u32 $0x1, s1  }
0x8c: {  	s16 =	sshll.u32 s0, $0xA;
	s2 =	sadd.s32 s3, s2  }
0x8d: {  	s2 =	sadd.s32 s2, s16  }
0x8e: {  	[smem:$0x3FBC] =	sst s2  }
0x8f: {  	_ = 	snop  }
0x90: {  	(tm) =	ssettm $0x1  }
0x91: {  	s17 =	sld [smem:$0x3FFB];
	_ =	sdelay $0x3  }
0x92: {  	_ =	strace s17  }
0x93: {  	s2 =	sld [smem:$0x3FFC];
	_ =	sdelay $0x3  }
0x94: {  	_ =	strace s2  }
0x95: {  	s2 =	sld [smem:$0x3FFD];
	_ =	sdelay $0x3  }
0x96: {  	_ =	strace s2  }
0x97: {  	_ =	strace $0x8FFFFFFF  }
0x98: {  	s18 =	sld [smem:$0x3FDB];
	_ =	sdelay $0x1  }
0x99: {  	s19 =	simm.s32 $_scs_section_size  }
0x9a: {  	s4 =	simm.s32 $_size__tile_overlayer_lowered;
	s5 =	simm.s32 $_tile_overlayer_lowered  }
0x9b: {  	s22 =	simm.s32 $0x1BFF;
	s21 =	sshll.u32 s5, $0x1;
	s2 =	sadd.s32 s19, s18  }
0x9c: {  	s6 =	simm.s32 $0x0;
	s20 =	sshll.u32 s4, $0x1;
	s4 =	sadd.s32 s21, s2  }
0x9d: {  	[timem:s6], [sflag:s22] =	dma.local [hbm:s4], s20  }
0x9e: {  	_ =	swait.ge [sflag:s22], s20  }
0x9f: {  	s3 =	ssub.s32 $0x0, s20;
	[sflag:s22] =	ssyncset.done $0x0  }
0xa0: {  	[sflag:s22] =	ssyncadd.s32 s3;
	_ =	sdelay $0x1  }
0xa1: {  	s23 =	simm.s32 $0x1B8B  }
0xa2: {  	_ =	swait.ge [sflag:s23], $0x1  }
0xa3: {  	[sflag:s23] =	ssyncset.done $0x0  }
0xa4: {  	s25 =	simm.s32 $0x1B8E;
	s24 =	sld [smem:$0x3FFE];
	[sflag:s23] =	ssyncadd.s32 $0xFFFFFFFF  }
0xa5: {  	s26 =	simm.s32 $execute0_lowered;
	[smem:$0x3FD2] =	sst s25  }
0xa6: {  	s4 =	sshll.u32 s26, $0x1;
	_ =	strace $0x80000046;
	[dreg:$0x1] =	wrdreg $0xFFFFFFFF  }
0xa7: {  	s28 =	simm.s32 $_size_execute0_lowered;
	s2 =	sadd.s32 s2, s4;
	[dreg:$0x0] =	wrdreg $0x0  }
0xa8: {  	s4 =	sshll.u32 s28, $0x1;
	[dreg:$0x2] =	wrdreg s2  }
0xa9: {  	[dreg:$0x3] =	wrdreg s4  }
0xaa: {  	[dreg:$0x4] =	wrdreg $0xC0  }
0xab: {  	_ =	task [dreg:s6], $0x5FFFF  }
0xac: {  	[dreg:$0x1] =	wrdreg $0xFFFFFFFF  }
0xad: {  	[dreg:$0x0] =	wrdreg $0x60  }
0xae: {  	[dreg:$0x2] =	wrdreg s24  }
0xaf: {  	[dreg:$0x3] =	wrdreg $0x0  }
0xb0: {  	[dreg:$0x4] =	wrdreg $0x9  }
0xb1: {  	_ =	task.clear_ibuf [dreg:s6], $0x5FFFF;
	_ =	strace $0x90000046  }
0xb2: {  	s29 =	simm.s32 $0x9;
	_ =	strace $0x80000048  }
0xb3: {  	_ =	swait.ge [sflag:s29], $0x1  }
0xb4: {  	[sflag:s29] =	ssyncadd.s32 $0xFFFFFFFF  }
0xb5: {  	_ =	strace $0x90000048  }
0xb6: {  	_ =	sfence  }
0xb7: {  	s30 =	sld [smem:$0x0];
	_ =	sdelay $0x2  }
0xb8: {  	s31 =	sshll.u32 s1, $0xD;
	s1 =	sshrl.u32 s1, $0x2  }
0xb9: {  	s3 =	sand.u32 $0x4000, s31;
	s1 =	sadd.s32 s1, s30  }
0xba: {  	s0 =	sor.u32 s3, s0;
	s1 =	sshll.u32 s1, $0x11  }
0xbb: {  	s0 =	sor.u32 s1, s0  }
0xbc: {  	s0 =	sadd.s32 $0x8F2B, s0  }
0xbd: {  	[sflag:s0] =	ssyncadd.remote.s32 $0x1  }
0xbe: {  	_ =	sfence.sel $0xFFFF  }
0xbf: {  	[dreg:$0x0] =	wrdreg $0xFFFFFFFF;
	(pc) =	sbr.abs _section_cstart, $3  }
0xc0: {  	[dreg:$0x1] =	wrdreg $0xFFFFFFFF  }
0xc1: {  	_ =	task.clear_ibuf [dreg:s6], $0x2FFFF;
	_ =	strace $0x9FFFFFFF  }
0xc2: {  	(tm) =	ssettm $0x7FFFFFFF  }
0xc3: {  	_ =	shalt  }
tec
execute0_lowered:
.L_overlay_start_1:
0x0: {  	(tag) =	ssettag $0x1  }
0x1: {  	s0 =	srdreg.scid;
	s4 =	rddreg [dreg:$0x0]  }
0x2: {  	s9 =	stileid.u32;
	s2 =	rddreg [dreg:$0x1];
	s3 =	simm.s32 $0x0  }
0x3: {  	s23 =	simm.s32 $0x4F80;
	s24 =	simm.s32 $0x5000;
	s25 =	simm.s32 $0x5080  }
0x4: {  	s26 =	simm.s32 $0x5100;
	s28 =	simm.s32 $0x5480;
	s1 =	smul.u32 $0x50000, s9  }
0x5: {  	s29 =	simm.s32 $0x5500;
	s30 =	simm.s32 $0x5580;
	s6 =	smul.u32 $0x2800, s9  }
0x6: {  	s31 =	simm.s32 $0x5600;
	s0 =	sand.u32 $0x1, s0;
	s10 =	smul.u32 $0x9E0, s9  }
0x7: {  	[smem:$0x7FF] =	sst s3;
	s13 =	smul.u32 $0x13C00, s9;
	s14 =	sadd.s32 $0xABC00, s4  }
0x8: {  	s5 =	smul.u32 $0x28000, s0;
	_ =	strace $0x80000047;
	[dreg:$0x9] =	wrdreg s14  }
0x9: {  	s17 =	sshll.u32 s9, $0x6;
	s7 =	smul.u32 $0x1400, s0;
	[dreg:$0x5] =	wrdreg s23  }
0xa: {  	s11 =	smul.u32 $0x9E00, s0;
	s0 =	ssub.s32 $0x2, s0;
	[dreg:$0x6] =	wrdreg s24  }
0xb: {  	s19 =	sor.u32 $0x1C02, s17;
	s14 =	simm.s32 $0x80;
	[dreg:$0x7] =	wrdreg s25  }
0xc: {  	s17 =	simm.s32 $0x8700;
	[dreg:$0x8] =	wrdreg s26;
	s23 =	simm.s32 $0x5280  }
0xd: {  	s24 =	simm.s32 $0xC700;
	s25 =	simm.s32 $0x5380;
	s26 =	simm.s32 $0x5400  }
0xe: {  	s15 =	sshrl.u32 s0, $0x1;
	s16 =	sshrl.u32 s13, $0x2;
	s13 =	simm.s32 $0x5300  }
0xf: {  	s1 =	sadd.s32 s5, s1;
	s8 =	sadd.s32 s7, s6;
	s12 =	sadd.s32 s10, s11  }
0x10: {  	s0 =	ssub.s32 s0, s15;
	s18 =	sadd.s32 s16, s2;
	s6 =	smov.u32 s19  }
0x11: {  	s10 =	simm.s32 $0x2;
	s11 =	simm.s32 $0x5700;
	s15 =	simm.s32 $0x6700  }
0x12: {  	s16 =	simm.s32 $0x7700;
	s19 =	simm.s32 $0x5180;
	s1 =	sshrl.u32 s1, $0x3  }
0x13: {  	s5 =	sshrl.u32 s8, $0x3;
	s0 =	smax.u32 s0, $0x1;
	s1 =	sadd.s32 s1, s4  }
0x14: {  	s8 =	sadd.s32 s5, s4;
	s4 =	sadd.s32 s12, s4;
	[dreg:$0xb] =	wrdreg s0  }
0x15: {  	s12 =	simm.s32 $0x4F00;
	s0 =	simm.s32 $0x1;
	s4 =	sadd.s32 $0xAC600, s4  }
0x16: {  	s20 =	sadd.s32 $0xA6C00, s8;
	s21 =	sadd.s32 $0xA1C00, s8;
	[dreg:$0xa] =	wrdreg s4  }
0x17: {  	s22 =	sadd.s32 $0x1C00, s1;
	s8 =	sshrl.u32 s18, $0x3;
	[dreg:$0x3] =	wrdreg s20  }
0x18: {  	s18 =	simm.s32 $0x9700;
	s1 =	simm.s32 $0x5680;
	[dreg:$0x4] =	wrdreg s21  }
0x19: {  	[dreg:$0xc] =	wrdreg s22;
	s20 =	simm.s32 $0xA700;
	s21 =	simm.s32 $0x5200  }
0x1a: {  	s22 =	simm.s32 $0xB700;
	s4 =	simm.s32 $0x0;
	[dreg:$0xd] =	wrdreg s8  }
.LBB2_1:
0x1b: {  	s5 =	rddreg [dreg:$0x9]  }
0x1c: {  	[spmem:s8], [sflag:s6] =	dma.local [hbm:s5], $0x9E0  }
0x1d: {  	_ =	swait.ge [sflag:s10], $0x9E0  }
0x1e: {  	[sflag:s10] =	ssyncset.done $0x0  }
0x1f: {  	[sflag:s10] =	ssyncadd.s32 $0xFFFFF620  }
0x20: {  	[bflag:$0x0] =	sbarrier.arrive $0xFFFF  }
0x21: {  	s5 =	rddreg [dreg:$0xc]  }
0x22: {  	[tilespmem:s11], [sflag:$0x2] =	stream.linear.gather [hbm4b:s5+s3], $0x8000, $0x38;
	[tilespmem:$0xD700] =	vst v63  }
0x23: {  	_ =	swait.ge [sflag:s10], $0x8000  }
0x24: {  	s8 =	rddreg [dreg:$0x4];
	[sflag:s10] =	ssyncset.done $0x0  }
0x25: {  	s7 =	smov.u32 s6;
	[sflag:s10] =	ssyncadd.s32 $0xFFFF8000;
	s6 =	sadd.s32 $0x0, s8  }
0x26: {  	[tilespmem:s12], [sflag:$0x2] =	stream.linear.gather [hbm4b:s6+s3], $0x400, $0x38;
	[tilespmem:$0xD700] =	vst v63  }
0x27: {  	_ =	swait.ge [sflag:s10], $0x400  }
0x28: {  	s9 =	rddreg [dreg:$0x3];
	[sflag:s10] =	ssyncset.done $0x0  }
0x29: {  	[sflag:s10] =	ssyncadd.s32 $0xFFFFFC00;
	s6 =	sadd.s32 $0x0, s9  }
0x2a: {  	[tilespmem:s13], [sflag:$0x2] =	stream.linear.gather [hbm4b:s6+s3], $0x400, $0x38;
	[tilespmem:$0xD700] =	vst v63  }
0x2b: {  	_ =	swait.ge [sflag:s10], $0x400  }
0x2c: {  	[sflag:s10] =	ssyncset.done $0x0  }
0x2d: {  	[sflag:s10] =	ssyncadd.s32 $0xFFFFFC00  }
0x2e: {  	[spmem:s2] =	stream.indirect.scatter.add.f32 [tilespmem:s11], [sflag:$0x1], $0x20, s12, s14, $0xb8;
	[tilespmem:$0xD700] =	vst v63  }
0x2f: {  	s8 =	rddreg [dreg:$0x5]  }
0x30: {  	[spmem:s2] =	stream.indirect.scatter.add.f32 [tilespmem:s15], [sflag:$0x1], $0x20, s8, s14, $0xb8;
	[tilespmem:$0xD700] =	vst v63  }
0x31: {  	s9 =	rddreg [dreg:$0x6]  }
0x32: {  	[spmem:s2] =	stream.indirect.scatter.add.f32 [tilespmem:s16], [sflag:$0x1], $0x20, s9, s14, $0xb8;
	[tilespmem:$0xD700] =	vst v63  }
0x33: {  	s6 =	rddreg [dreg:$0x7]  }
0x34: {  	[spmem:s2] =	stream.indirect.scatter.add.f32 [tilespmem:s17], [sflag:$0x1], $0x20, s6, s14, $0xb8;
	[tilespmem:$0xD700] =	vst v63  }
0x35: {  	s9 =	rddreg [dreg:$0x8]  }
0x36: {  	[spmem:s2] =	stream.indirect.scatter.add.f32 [tilespmem:s18], [sflag:$0x1], $0x20, s9, s14, $0xb8;
	[tilespmem:$0xD700] =	vst v63  }
0x37: {  	_ = 	snop  }
0x38: {  	[spmem:s2] =	stream.indirect.scatter.add.f32 [tilespmem:s20], [sflag:$0x1], $0x20, s19, s14, $0xb8;
	[tilespmem:$0xD700] =	vst v63  }
0x39: {  	_ = 	snop  }
0x3a: {  	[spmem:s2] =	stream.indirect.scatter.add.f32 [tilespmem:s22], [sflag:$0x1], $0x20, s21, s14, $0xb8;
	[tilespmem:$0xD700] =	vst v63  }
0x3b: {  	_ = 	snop  }
0x3c: {  	[spmem:s2] =	stream.indirect.scatter.add.f32 [tilespmem:s24], [sflag:$0x1], $0x20, s23, s14, $0xb8;
	[tilespmem:$0xD700] =	vst v63  }
0x3d: {  	_ = 	snop  }
0x3e: {  	[spmem:s2] =	stream.indirect.scatter.add.f32 [tilespmem:s11], [sflag:$0x1], $0x20, s13, s14, $0xb8;
	[tilespmem:$0xD700] =	vst v63  }
0x3f: {  	_ = 	snop  }
0x40: {  	[spmem:s2] =	stream.indirect.scatter.add.f32 [tilespmem:s15], [sflag:$0x1], $0x20, s25, s14, $0xb8;
	[tilespmem:$0xD700] =	vst v63  }
0x41: {  	_ = 	snop  }
0x42: {  	[spmem:s2] =	stream.indirect.scatter.add.f32 [tilespmem:s16], [sflag:$0x1], $0x20, s26, s14, $0xb8;
	[tilespmem:$0xD700] =	vst v63  }
0x43: {  	_ = 	snop  }
0x44: {  	[spmem:s2] =	stream.indirect.scatter.add.f32 [tilespmem:s17], [sflag:$0x1], $0x20, s28, s14, $0xb8;
	[tilespmem:$0xD700] =	vst v63  }
0x45: {  	_ = 	snop  }
0x46: {  	[spmem:s2] =	stream.indirect.scatter.add.f32 [tilespmem:s18], [sflag:$0x1], $0x20, s29, s14, $0xb8;
	[tilespmem:$0xD700] =	vst v63  }
0x47: {  	_ = 	snop  }
0x48: {  	[spmem:s2] =	stream.indirect.scatter.add.f32 [tilespmem:s20], [sflag:$0x1], $0x20, s30, s14, $0xb8;
	[tilespmem:$0xD700] =	vst v63  }
0x49: {  	_ = 	snop  }
0x4a: {  	[spmem:s2] =	stream.indirect.scatter.add.f32 [tilespmem:s22], [sflag:$0x1], $0x20, s31, s14, $0xb8;
	[tilespmem:$0xD700] =	vst v63  }
0x4b: {  	_ = 	snop  }
0x4c: {  	[spmem:s2] =	stream.indirect.scatter.add.f32 [tilespmem:s24], [sflag:$0x1], $0x20, s1, s14, $0xb8;
	[tilespmem:$0xD700] =	vst v63  }
0x4d: {  	_ =	swait.ge [sflag:s0], $0x1000  }
0x4e: {  	[sflag:s0] =	ssyncset.done $0x0  }
0x4f: {  	[sflag:s0] =	ssyncadd.s32 $0xFFFFF000  }
0x50: {  	_ =	swait.ge [sflag:s0], $0x1000  }
0x51: {  	[sflag:s0] =	ssyncset.done $0x0  }
0x52: {  	[sflag:s0] =	ssyncadd.s32 $0xFFFFF000  }
0x53: {  	_ =	swait.ge [sflag:s0], $0x1000  }
0x54: {  	[sflag:s0] =	ssyncset.done $0x0  }
0x55: {  	[sflag:s0] =	ssyncadd.s32 $0xFFFFF000  }
0x56: {  	_ =	swait.ge [sflag:s0], $0x1000  }
0x57: {  	[sflag:s0] =	ssyncset.done $0x0  }
0x58: {  	[sflag:s0] =	ssyncadd.s32 $0xFFFFF000  }
0x59: {  	_ =	swait.ge [sflag:s0], $0x1000  }
0x5a: {  	[sflag:s0] =	ssyncset.done $0x0  }
0x5b: {  	[sflag:s0] =	ssyncadd.s32 $0xFFFFF000  }
0x5c: {  	_ =	swait.ge [sflag:s0], $0x1000  }
0x5d: {  	[sflag:s0] =	ssyncset.done $0x0  }
0x5e: {  	[sflag:s0] =	ssyncadd.s32 $0xFFFFF000  }
0x5f: {  	_ =	swait.ge [sflag:s0], $0x1000  }
0x60: {  	[sflag:s0] =	ssyncset.done $0x0  }
0x61: {  	[sflag:s0] =	ssyncadd.s32 $0xFFFFF000  }
0x62: {  	_ =	swait.ge [sflag:s0], $0x1000  }
0x63: {  	[sflag:s0] =	ssyncset.done $0x0  }
0x64: {  	[sflag:s0] =	ssyncadd.s32 $0xFFFFF000  }
0x65: {  	_ =	swait.ge [sflag:s0], $0x1000  }
0x66: {  	[sflag:s0] =	ssyncset.done $0x0  }
0x67: {  	[sflag:s0] =	ssyncadd.s32 $0xFFFFF000  }
0x68: {  	_ =	swait.ge [sflag:s0], $0x1000  }
0x69: {  	[sflag:s0] =	ssyncset.done $0x0  }
0x6a: {  	[sflag:s0] =	ssyncadd.s32 $0xFFFFF000  }
0x6b: {  	_ =	swait.ge [sflag:s0], $0x1000  }
0x6c: {  	[sflag:s0] =	ssyncset.done $0x0  }
0x6d: {  	[sflag:s0] =	ssyncadd.s32 $0xFFFFF000  }
0x6e: {  	_ =	swait.ge [sflag:s0], $0x1000  }
0x6f: {  	[sflag:s0] =	ssyncset.done $0x0  }
0x70: {  	[sflag:s0] =	ssyncadd.s32 $0xFFFFF000  }
0x71: {  	_ =	swait.ge [sflag:s0], $0x1000  }
0x72: {  	[sflag:s0] =	ssyncset.done $0x0  }
0x73: {  	[sflag:s0] =	ssyncadd.s32 $0xFFFFF000  }
0x74: {  	_ =	swait.ge [sflag:s0], $0x1000  }
0x75: {  	[sflag:s0] =	ssyncset.done $0x0  }
0x76: {  	[sflag:s0] =	ssyncadd.s32 $0xFFFFF000  }
0x77: {  	_ =	swait.ge [sflag:s0], $0x1000  }
0x78: {  	[sflag:s0] =	ssyncset.done $0x0  }
0x79: {  	[sflag:s0] =	ssyncadd.s32 $0xFFFFF000  }
0x7a: {  	_ =	swait.ge [sflag:s0], $0x1000  }
0x7b: {  	s8 =	smov.u32 s5;
	s6 =	simm.s32 $0x80;
	[sflag:s0] =	ssyncset.done $0x0  }
.LBB2_2:
0x7c: {  	[sflag:s0] =	ssyncadd.s32 $0xFFFFF000;
	s8 =	sadd.s32 $0x1000, s8  }
0x7d: {  	[tilespmem:s11], [sflag:$0x2] =	stream.linear.gather [hbm4b:s8+s3], $0x8000, $0x38;
	[tilespmem:$0xD700] =	vst v63  }
0x7e: {  	_ =	swait.ge [sflag:s10], $0x8000  }
0x7f: {  	s5 =	smov.u32 s6;
	s9 =	rddreg [dreg:$0x4];
	[sflag:s10] =	ssyncset.done $0x0  }
0x80: {  	[sflag:s10] =	ssyncadd.s32 $0xFFFF8000;
	s9 =	sadd.s32 s5, s9  }
0x81: {  	[tilespmem:s12], [sflag:$0x2] =	stream.linear.gather [hbm4b:s9+s3], $0x400, $0x38;
	[tilespmem:$0xD700] =	vst v63  }
0x82: {  	_ =	swait.ge [sflag:s10], $0x400  }
0x83: {  	s9 =	rddreg [dreg:$0x3];
	[sflag:s10] =	ssyncset.done $0x0  }
0x84: {  	[sflag:s10] =	ssyncadd.s32 $0xFFFFFC00;
	s5 =	sadd.s32 s5, s9  }
0x85: {  	[tilespmem:s13], [sflag:$0x2] =	stream.linear.gather [hbm4b:s5+s3], $0x400, $0x38;
	[tilespmem:$0xD700] =	vst v63  }
0x86: {  	_ =	swait.ge [sflag:s10], $0x400  }
0x87: {  	[sflag:s10] =	ssyncset.done $0x0  }
0x88: {  	[sflag:s10] =	ssyncadd.s32 $0xFFFFFC00  }
0x89: {  	[spmem:s2] =	stream.indirect.scatter.add.f32 [tilespmem:s11], [sflag:$0x1], $0x20, s12, s14, $0xb8;
	[tilespmem:$0xD700] =	vst v63  }
0x8a: {  	s5 =	rddreg [dreg:$0x5]  }
0x8b: {  	[spmem:s2] =	stream.indirect.scatter.add.f32 [tilespmem:s15], [sflag:$0x1], $0x20, s5, s14, $0xb8;
	[tilespmem:$0xD700] =	vst v63  }
0x8c: {  	s9 =	rddreg [dreg:$0x6]  }
0x8d: {  	[spmem:s2] =	stream.indirect.scatter.add.f32 [tilespmem:s16], [sflag:$0x1], $0x20, s9, s14, $0xb8;
	[tilespmem:$0xD700] =	vst v63  }
0x8e: {  	s5 =	rddreg [dreg:$0x7]  }
0x8f: {  	[spmem:s2] =	stream.indirect.scatter.add.f32 [tilespmem:s17], [sflag:$0x1], $0x20, s5, s14, $0xb8;
	[tilespmem:$0xD700] =	vst v63  }
0x90: {  	s9 =	rddreg [dreg:$0x8]  }
0x91: {  	[spmem:s2] =	stream.indirect.scatter.add.f32 [tilespmem:s18], [sflag:$0x1], $0x20, s9, s14, $0xb8;
	[tilespmem:$0xD700] =	vst v63  }
0x92: {  	_ = 	snop  }
0x93: {  	[spmem:s2] =	stream.indirect.scatter.add.f32 [tilespmem:s20], [sflag:$0x1], $0x20, s19, s14, $0xb8;
	[tilespmem:$0xD700] =	vst v63  }
0x94: {  	_ = 	snop  }
0x95: {  	[spmem:s2] =	stream.indirect.scatter.add.f32 [tilespmem:s22], [sflag:$0x1], $0x20, s21, s14, $0xb8;
	[tilespmem:$0xD700] =	vst v63  }
0x96: {  	_ = 	snop  }
0x97: {  	[spmem:s2] =	stream.indirect.scatter.add.f32 [tilespmem:s24], [sflag:$0x1], $0x20, s23, s14, $0xb8;
	[tilespmem:$0xD700] =	vst v63  }
0x98: {  	_ = 	snop  }
0x99: {  	[spmem:s2] =	stream.indirect.scatter.add.f32 [tilespmem:s11], [sflag:$0x1], $0x20, s13, s14, $0xb8;
	[tilespmem:$0xD700] =	vst v63  }
0x9a: {  	_ = 	snop  }
0x9b: {  	[spmem:s2] =	stream.indirect.scatter.add.f32 [tilespmem:s15], [sflag:$0x1], $0x20, s25, s14, $0xb8;
	[tilespmem:$0xD700] =	vst v63  }
0x9c: {  	_ = 	snop  }
0x9d: {  	[spmem:s2] =	stream.indirect.scatter.add.f32 [tilespmem:s16], [sflag:$0x1], $0x20, s26, s14, $0xb8;
	[tilespmem:$0xD700] =	vst v63  }
0x9e: {  	_ = 	snop  }
0x9f: {  	[spmem:s2] =	stream.indirect.scatter.add.f32 [tilespmem:s17], [sflag:$0x1], $0x20, s28, s14, $0xb8;
	[tilespmem:$0xD700] =	vst v63  }
0xa0: {  	_ = 	snop  }
0xa1: {  	[spmem:s2] =	stream.indirect.scatter.add.f32 [tilespmem:s18], [sflag:$0x1], $0x20, s29, s14, $0xb8;
	[tilespmem:$0xD700] =	vst v63  }
0xa2: {  	_ = 	snop  }
0xa3: {  	[spmem:s2] =	stream.indirect.scatter.add.f32 [tilespmem:s20], [sflag:$0x1], $0x20, s30, s14, $0xb8;
	[tilespmem:$0xD700] =	vst v63  }
0xa4: {  	_ = 	snop  }
0xa5: {  	[spmem:s2] =	stream.indirect.scatter.add.f32 [tilespmem:s22], [sflag:$0x1], $0x20, s31, s14, $0xb8;
	[tilespmem:$0xD700] =	vst v63  }
0xa6: {  	_ = 	snop  }
0xa7: {  	[spmem:s2] =	stream.indirect.scatter.add.f32 [tilespmem:s24], [sflag:$0x1], $0x20, s1, s14, $0xb8;
	[tilespmem:$0xD700] =	vst v63  }
0xa8: {  	_ =	swait.ge [sflag:s0], $0x1000  }
0xa9: {  	[sflag:s0] =	ssyncset.done $0x0  }
0xaa: {  	[sflag:s0] =	ssyncadd.s32 $0xFFFFF000  }
0xab: {  	_ =	swait.ge [sflag:s0], $0x1000  }
0xac: {  	[sflag:s0] =	ssyncset.done $0x0  }
0xad: {  	[sflag:s0] =	ssyncadd.s32 $0xFFFFF000  }
0xae: {  	_ =	swait.ge [sflag:s0], $0x1000  }
0xaf: {  	[sflag:s0] =	ssyncset.done $0x0  }
0xb0: {  	[sflag:s0] =	ssyncadd.s32 $0xFFFFF000  }
0xb1: {  	_ =	swait.ge [sflag:s0], $0x1000  }
0xb2: {  	[sflag:s0] =	ssyncset.done $0x0  }
0xb3: {  	[sflag:s0] =	ssyncadd.s32 $0xFFFFF000  }
0xb4: {  	_ =	swait.ge [sflag:s0], $0x1000  }
0xb5: {  	[sflag:s0] =	ssyncset.done $0x0  }
0xb6: {  	[sflag:s0] =	ssyncadd.s32 $0xFFFFF000  }
0xb7: {  	_ =	swait.ge [sflag:s0], $0x1000  }
0xb8: {  	[sflag:s0] =	ssyncset.done $0x0  }
0xb9: {  	[sflag:s0] =	ssyncadd.s32 $0xFFFFF000  }
0xba: {  	_ =	swait.ge [sflag:s0], $0x1000  }
0xbb: {  	[sflag:s0] =	ssyncset.done $0x0  }
0xbc: {  	[sflag:s0] =	ssyncadd.s32 $0xFFFFF000  }
0xbd: {  	_ =	swait.ge [sflag:s0], $0x1000  }
0xbe: {  	[sflag:s0] =	ssyncset.done $0x0  }
0xbf: {  	[sflag:s0] =	ssyncadd.s32 $0xFFFFF000  }
0xc0: {  	_ =	swait.ge [sflag:s0], $0x1000  }
0xc1: {  	[sflag:s0] =	ssyncset.done $0x0  }
0xc2: {  	[sflag:s0] =	ssyncadd.s32 $0xFFFFF000  }
0xc3: {  	_ =	swait.ge [sflag:s0], $0x1000  }
0xc4: {  	[sflag:s0] =	ssyncset.done $0x0  }
0xc5: {  	[sflag:s0] =	ssyncadd.s32 $0xFFFFF000  }
0xc6: {  	_ =	swait.ge [sflag:s0], $0x1000  }
0xc7: {  	[sflag:s0] =	ssyncset.done $0x0  }
0xc8: {  	[sflag:s0] =	ssyncadd.s32 $0xFFFFF000  }
0xc9: {  	_ =	swait.ge [sflag:s0], $0x1000  }
0xca: {  	[sflag:s0] =	ssyncset.done $0x0  }
0xcb: {  	[sflag:s0] =	ssyncadd.s32 $0xFFFFF000  }
0xcc: {  	_ =	swait.ge [sflag:s0], $0x1000  }
0xcd: {  	[sflag:s0] =	ssyncset.done $0x0  }
0xce: {  	[sflag:s0] =	ssyncadd.s32 $0xFFFFF000  }
0xcf: {  	_ =	swait.ge [sflag:s0], $0x1000  }
0xd0: {  	[sflag:s0] =	ssyncset.done $0x0  }
0xd1: {  	p0 =	sne.s32 s6, $0x200;
	[sflag:s0] =	ssyncadd.s32 $0xFFFFF000  }
.Ltmp0:
0xd2: {  	_ =	swait.ge [sflag:s0], $0x1000;
	(pc) =	sbr.rel @p0 .LBB2_2-.Ltmp0, $4  }
0xd3: {  	[sflag:s0] =	ssyncset.done $0x0  }
0xd4: {  	[sflag:s0] =	ssyncadd.s32 $0xFFFFF000  }
0xd5: {  	_ =	swait.ge [sflag:s0], $0x1000  }
0xd6: {  	s6 =	sadd.s32 $0x80, s6;
	[sflag:s0] =	ssyncset.done $0x0  }
0xd7: {  	[sflag:s0] =	ssyncadd.s32 $0xFFFFF000  }
0xd8: {  	[bflag:$0x0] =	sbarrier.arrive $0xFFFF  }
0xd9: {  	s5 =	rddreg [dreg:$0xa]  }
0xda: {  	s8 =	rddreg [dreg:$0xd]  }
0xdb: {  	[hbm:s5], [sflag:s7] =	dma.local [spmem:s8], $0x9E0  }
0xdc: {  	_ =	swait.ge [sflag:s10], $0x9E0  }
0xdd: {  	s4 =	sadd.s32 $0x1, s4;
	s9 =	rddreg [dreg:$0xb]  }
0xde: {  	p0 =	sne.s32 s4, s9  }
.Ltmp1:
0xdf: {  	_ = 	snop;
	(pc) =	sbr.rel @p0 .LBB2_1-.Ltmp1, $3  }
0xe0: {  	_ =	sdelay $0x1  }
0xe1: {  	[sflag:s10] =	ssyncset.done $0x0  }
0xe2: {  	s6 =	smov.u32 s7;
	[sflag:s10] =	ssyncadd.s32 $0xFFFFF620  }
0xe3: {  	_ =	sfence.sel $0x180000  }
0xe4: {  	[bflag:$0x0] =	sbarrier.arrive $0xFFFF  }
0xe5: {  	_ =	strace $0x90000047  }
0xe6: {  	s0 =	stileid.u32;
	[bflag:$0x2] =	sbarrier.arrive $0xFFFF  }
0xe7: {  	p0 =	sne.s32 s0, $0x0;
	s0 =	rddreg [dreg:$0x2]  }
0xe8: {  	s0 =	sadd.s32 @!p0 $0x100000, s0  }
0xe9: {  	[sflag:s0] =	ssyncadd.tile.s32 @!p0 $0x1;
	_ =	shalt  }
.Lfunc_end2:
_tile_overlayer_lowered:
.L_overlay_start_2:
0xea: {  	(tag) =	ssettag $0x2  }
0xeb: {  	s0 =	rddreg [dreg:$0x0];
	s2 =	stileid.u32  }
0xec: {  	s1 =	rddreg [dreg:$0x1];
	p0 =	sne.s32 s2, $0x0  }
0xed: {  	s3 =	rddreg [dreg:$0x2];
	[bflag:$0x3] =	sbarrier.arrive $0xFFFF;
	s2 =	simm.s32 @!p0 $0x1C02  }
0xee: {  	[timem:s3], [sflag:s2] =	dma.local @!p0 [hbm:s0], s1  }
0xef: {  	s0 =	simm.s32 @!p0 $0x2  }
0xf0: {  	_ =	swait.ge @!p0 [sflag:s0], s1  }
0xf1: {  	s1 =	ssub.s32 @!p0 $0x0, s1;
	[sflag:s0] =	ssyncset.done @!p0 $0x0  }
0xf2: {  	[sflag:s0] =	ssyncadd.s32 @!p0 s1  }
0xf3: {  	[bflag:$0x3] =	sbarrier.arrive $0xFFFF  }
0xf4: {  	_ =	shalt  }

</sc_bundles>
